<compile_context>
chip_gen: v7x
topology: tpu7x:2x2x1
jax: 0.10.2.dev20260603
libtpu: 0.0.44.dev20260713+nightly
codegen_flags: <defaults>
</compile_context>

<pallas_src>
import jax
import jax.numpy as jnp
from jax import lax
from jax.experimental import pallas as pl
from jax.experimental.pallas import tpu as pltpu
from jax.experimental.pallas import tpu_sc as plsc

_VOCAB = 1000000
_SEQ = 200
_D = 64
_BATCH = 4096

_NC = 2
_NS = 16
_NW = _NC * _NS

_BPW = _BATCH // _NW
_NBUF = 2
_NOUTER = _SEQ // _NBUF
_LANES = 16
_PAIR_W = 2 * _D
_KG = _BPW // _LANES

_NBUF_TR = 4
_NBUF_G = 2
_SEQ_PIPE = _SEQ - _SEQ % _NBUF_G
_BLK = 128
_NFULL = _VOCAB // _BLK
_BPW_TR = _NFULL // _NW
_TR_EXTRA = _NFULL - _BPW_TR * _NW


def _tr_transpose_block(ibuf, obuf, iota, half, qbit, n_r0):
    @plsc.parallel_loop(0, _D, 1, unroll=4)
    def do_t(t):
        dvec = ((iota + t) & (_LANES - 1)) + (t & ~(_LANES - 1))
        colv = qbit + dvec
        for r0 in range(0, n_r0 * 8, 8):
            vals = plsc.load_gather(ibuf, [dvec, iota + 2 * r0])
            plsc.store_scatter(obuf, [half + r0, colv], vals)


def _tr_body(tabT_hbm, tailp_hbm, tab2_hbm, ibufs, obufs, isems, osems):
    wid = lax.axis_index("s") * _NC + lax.axis_index("c")
    b0 = wid * _BPW_TR
    iota = lax.iota(jnp.int32, _LANES)
    half = lax.shift_right_logical(iota, 1)
    qbit = (iota & 1) * _D

    def in_slice(g):
        off = pl.multiple_of((b0 + g) * _BLK, _BLK)
        return tabT_hbm.at[:, pl.ds(off, _BLK)]

    def fire_in(g, b):
        pltpu.async_copy(in_slice(g), ibufs[b], isems[b])

    def wait_in(g, b):
        pltpu.make_async_copy(in_slice(g), ibufs[b], isems[b]).wait()

    def out_slice(g):
        return tab2_hbm.at[pl.ds((b0 + g) * (_BLK // 2), _BLK // 2)]

    for b in range(_NBUF_TR):
        fire_in(b, b)

    def outer(o, carry):
        for b in range(_NBUF_TR):
            g = o * _NBUF_TR + b
            wait_in(g, b)

            @pl.when(o > 0)
            def _():
                pltpu.make_async_copy(obufs[b], out_slice(g), osems[b]).wait()

            _tr_transpose_block(ibufs[b], obufs[b], iota, half, qbit,
                                _BLK // _LANES)
            pltpu.async_copy(obufs[b], out_slice(g), osems[b])

            @pl.when(g + _NBUF_TR < _BPW_TR)
            def _():
                fire_in(g + _NBUF_TR, b)

        return carry

    lax.fori_loop(0, _BPW_TR // _NBUF_TR, outer, 0)
    for b in range(_NBUF_TR):
        g = _BPW_TR - _NBUF_TR + b
        pltpu.make_async_copy(obufs[b], out_slice(g), osems[b]).wait()

    @pl.when(wid < _TR_EXTRA)
    def _():
        blk = _BPW_TR * _NW + wid
        pltpu.sync_copy(tabT_hbm.at[:, pl.ds(blk * _BLK, _BLK)], ibufs[0])
        _tr_transpose_block(ibufs[0], obufs[0], iota, half, qbit,
                            _BLK // _LANES)
        pltpu.sync_copy(obufs[0],
                        tab2_hbm.at[pl.ds(blk * (_BLK // 2), _BLK // 2)])

    @pl.when(wid == _TR_EXTRA)
    def _():
        pltpu.sync_copy(tailp_hbm.at[pl.ds(_D // 2, _D // 2)],
                        tab2_hbm.at[pl.ds((_VOCAB - _D) // 2, _D // 2)])


def _tr_kernel(tabT_hbm, tailp_hbm, tab2_hbm, *refs):
    n = _NBUF_TR
    _tr_body(tabT_hbm, tailp_hbm, tab2_hbm, list(refs[0:n]),
             list(refs[n:2 * n]), list(refs[2 * n:3 * n]),
             list(refs[3 * n:4 * n]))


def _gather_body(tab2_hbm, idxT_hbm, pe_hbm, outT_hbm,
                 idx_all, pe_v, ihs, gbufs, tbufs, gsems, osems):
    wid = lax.axis_index("s") * _NC + lax.axis_index("c")
    b0 = wid * _BPW

    pltpu.sync_copy(idxT_hbm.at[:, pl.ds(b0, _BPW)], idx_all)
    pltpu.sync_copy(pe_hbm, pe_v)

    def fire_gather(s, b):
        for k in range(_KG):
            sl = pl.ds(k * _LANES, _LANES)
            ihs[b][sl] = lax.shift_right_logical(idx_all[s, sl], 1)
        pltpu.async_copy(tab2_hbm.at[ihs[b]], gbufs[b], gsems[b])

    def wait_gather(b):
        pltpu.make_async_copy(tab2_hbm.at[ihs[b]], gbufs[b], gsems[b]).wait()

    def out_slice(s):
        return outT_hbm.at[s, :, pl.ds(b0, _BPW)]

    def transpose_add(s, b):
        gbuf, tbuf = gbufs[b], tbufs[b]
        iota = lax.iota(jnp.int32, _LANES)
        colbase = []
        for k in range(_KG):
            sl = pl.ds(k * _LANES, _LANES)
            colbase.append((idx_all[s, sl] & 1) * _D)

        @plsc.parallel_loop(0, _D, 1, unroll=4)
        def do_t(t):
            dvec = ((iota + t) & (_LANES - 1)) + (t & ~(_LANES - 1))
            pe_vec = plsc.load_gather(pe_v, [s * _D + dvec])
            for k in range(_KG):
                rows_k = iota + (k * _LANES)
                vals = plsc.load_gather(gbuf, [rows_k, colbase[k] + dvec])
                plsc.store_scatter(tbuf, [dvec, rows_k], vals + pe_vec)

    for b in range(_NBUF_G):
        fire_gather(b, b)

    def outer(o, carry):
        for b in range(_NBUF_G):
            s = o * _NBUF_G + b
            wait_gather(b)

            @pl.when(o > 0)
            def _():
                pltpu.make_async_copy(tbufs[b], out_slice(s),
                                      osems[b]).wait()

            transpose_add(s, b)
            pltpu.async_copy(tbufs[b], out_slice(s), osems[b])

            @pl.when(s + _NBUF_G < _SEQ_PIPE)
            def _():
                fire_gather(s + _NBUF_G, b)

        return carry

    lax.fori_loop(0, _SEQ_PIPE // _NBUF_G, outer, 0)

    for b in range(_NBUF_G):
        s = _SEQ_PIPE - _NBUF_G + b
        pltpu.make_async_copy(tbufs[b], out_slice(s), osems[b]).wait()

    for s in range(_SEQ_PIPE, _SEQ):
        b = s - _SEQ_PIPE
        fire_gather(s, b)
        wait_gather(b)
        transpose_add(s, b)
        pltpu.sync_copy(tbufs[b], out_slice(s))


def _gather_kernel(tab2_hbm, idxT_hbm, pe_hbm, outT_hbm,
                   idx_all, pe_v, *refs):
    n = _NBUF_G
    _gather_body(tab2_hbm, idxT_hbm, pe_hbm, outT_hbm, idx_all, pe_v,
                 list(refs[0:n]), list(refs[n:2 * n]),
                 list(refs[2 * n:3 * n]), list(refs[3 * n:4 * n]),
                 list(refs[4 * n:5 * n]))


@jax.jit
def _sc_embed(tabT, tailp, idxT, pe_flat):
    mesh = plsc.VectorSubcoreMesh(core_axis_name="c", subcore_axis_name="s")
    tab2 = pl.kernel(
        _tr_kernel,
        out_type=jax.ShapeDtypeStruct((_VOCAB // 2, _PAIR_W), jnp.float32),
        mesh=mesh,
        scratch_types=(
            [pltpu.VMEM((_D, _BLK), jnp.float32) for _ in range(_NBUF_TR)]
            + [pltpu.VMEM((_BLK // 2, _PAIR_W), jnp.float32)
               for _ in range(_NBUF_TR)]
            + [pltpu.SemaphoreType.DMA for _ in range(2 * _NBUF_TR)]
        ),
        compiler_params=pltpu.CompilerParams(needs_layout_passes=False),
    )(tabT, tailp)
    return pl.kernel(
        _gather_kernel,
        out_type=jax.ShapeDtypeStruct((_SEQ, _D, _BATCH), jnp.float32),
        mesh=mesh,
        scratch_types=(
            [pltpu.VMEM((_SEQ, _BPW), jnp.int32),
             pltpu.VMEM((_SEQ * _D,), jnp.float32)]
            + [pltpu.VMEM((_BPW,), jnp.int32) for _ in range(_NBUF_G)]
            + [pltpu.VMEM((_BPW, _PAIR_W), jnp.float32)
               for _ in range(_NBUF_G)]
            + [pltpu.VMEM((_D, _BPW), jnp.float32) for _ in range(_NBUF_G)]
            + [pltpu.SemaphoreType.DMA for _ in range(2 * _NBUF_G)]
        ),
        compiler_params=pltpu.CompilerParams(needs_layout_passes=False),
    )(tab2, idxT, pe_flat)


def kernel(indices, table, pos_enc):
    tabT = table.T
    tailp = table[-2 * _D:].reshape(_D, _PAIR_W)
    idxT = indices.T.astype(jnp.int32)
    pe_flat = pos_enc.reshape(-1)
    outT = _sc_embed(tabT, tailp, idxT, pe_flat)
    return outT.transpose(2, 0, 1)

# --- scband reference (transcript-rebuilt; emitter-appended) ---
"""Pipeline reference for scband-transformer-1657857377037 (READ-ONLY COPY).

The authoritative reference and input builder live on the scoring server;
editing this copy changes nothing except your own understanding.
"""

import jax, jax.numpy as jnp
import numpy as np

VOCAB = 1000000
SEQ_LEN = 200
D_MODEL = 64
BATCH = 4096

def _positional_encoding(seq_len, d_model):
    k = np.arange(seq_len, dtype=np.float32)[:, None]
    j = np.arange(d_model, dtype=np.float32)[None, :]
    angle = k / np.power(10000.0, 2.0 * j / d_model)
    pe = np.where((np.arange(d_model)[None, :] % 2) == 0, np.sin(angle), np.cos(angle))
    return jnp.asarray(pe, dtype=jnp.float32)

def setup_inputs(seed: int = 0) -> dict:
    key = jax.random.key(seed)
    k1, k2 = jax.random.split(key)
    indices = jax.random.randint(k1, (BATCH, SEQ_LEN), 0, VOCAB, dtype=jnp.int64 if jax.config.read('jax_enable_x64') else jnp.int32)
    table = jax.random.normal(k2, (VOCAB, D_MODEL), dtype=jnp.float32) * 0.02
    pos_enc = _positional_encoding(SEQ_LEN, D_MODEL)
    return {"indices": indices, "table": table, "pos_enc": pos_enc}

def reference(indices, table, pos_enc):
    # Embedding lookup (gather) + additive positional encoding
    emb = jnp.take(table, indices, axis=0)            # [B, S, d_model]
    out = emb + pos_enc[None, :, :]                   # broadcast over batch
    return out

if __name__ == "__main__":
    import jax
    _d = setup_inputs()
    print(jax.jit(kernel)(*tuple(_d.values())))

</pallas_src>

<mosaic_0001>
#map = affine_map<(d0, d1) -> (0, 0)>
module attributes {stable_mosaic.version = 14 : i64} {
  func.func @_tr_kernel(%arg0: i32, %arg1: i32, %arg2: memref<64x1000000xf32, #tpu.memory_space<hbm>>, %arg3: memref<64x128xf32, #tpu.memory_space<hbm>>, %arg4: memref<500000x128xf32, #tpu.memory_space<hbm>>, %arg5: memref<64x128xf32, #tpu.memory_space<vmem>>, %arg6: memref<64x128xf32, #tpu.memory_space<vmem>>, %arg7: memref<64x128xf32, #tpu.memory_space<vmem>>, %arg8: memref<64x128xf32, #tpu.memory_space<vmem>>, %arg9: memref<64x128xf32, #tpu.memory_space<vmem>>, %arg10: memref<64x128xf32, #tpu.memory_space<vmem>>, %arg11: memref<64x128xf32, #tpu.memory_space<vmem>>, %arg12: memref<64x128xf32, #tpu.memory_space<vmem>>, %arg13: memref<!tpu.dma_semaphore, #tpu.memory_space<semaphore_mem>>, %arg14: memref<!tpu.dma_semaphore, #tpu.memory_space<semaphore_mem>>, %arg15: memref<!tpu.dma_semaphore, #tpu.memory_space<semaphore_mem>>, %arg16: memref<!tpu.dma_semaphore, #tpu.memory_space<semaphore_mem>>, %arg17: memref<!tpu.dma_semaphore, #tpu.memory_space<semaphore_mem>>, %arg18: memref<!tpu.dma_semaphore, #tpu.memory_space<semaphore_mem>>, %arg19: memref<!tpu.dma_semaphore, #tpu.memory_space<semaphore_mem>>, %arg20: memref<!tpu.dma_semaphore, #tpu.memory_space<semaphore_mem>>) attributes {dimension_semantics = [#tpu.dimension_semantics<core_parallel>, #tpu.dimension_semantics<subcore_parallel>], iteration_bounds = array<i64: 2, 16>, scalar_prefetch = 0 : i64, scratch_operands = 16 : i64, tpu.core_type = #tpu.core_type<sc_vector_subcore>, window_params = [{transform_indices = #map}, {transform_indices = #map}, {transform_indices = #map}]} {
    %mul3A = arith.constant 2 : i32
    %mul3A_0 = arith.muli %arg1, %mul3A : i32
    %add3A = arith.addi %mul3A_0, %arg0 : i32
    %mul3A_1 = arith.constant 244 : i32
    %mul3A_2 = arith.muli %add3A, %mul3A_1 : i32
    %iota3A = tpu.iota {dimensions = array<i32: 0>} : vector<16xi32>
    %shift_right_logical3A = arith.constant 1 : i32
    %shift_right_logical3A_3 = vector.broadcast %shift_right_logical3A : i32 to vector<16xi32>
    %shift_right_logical3A_4 = arith.shrui %iota3A, %shift_right_logical3A_3 : vector<16xi32>
    %and3A = arith.constant 1 : i32
    %and3A_5 = vector.broadcast %and3A : i32 to vector<16xi32>
    %and3A_6 = arith.andi %iota3A, %and3A_5 : vector<16xi32>
    %mul3A_7 = arith.constant 64 : i32
    %mul3A_8 = vector.broadcast %mul3A_7 : i32 to vector<16xi32>
    %mul3A_9 = arith.muli %and3A_6, %mul3A_8 : vector<16xi32>
    %add3A_10 = arith.constant 0 : i32
    %add3A_11 = arith.addi %mul3A_2, %add3A_10 : i32
    %mul3A_12 = arith.constant 128 : i32
    %mul3A_13 = arith.muli %add3A_11, %mul3A_12 : i32
    %multiple_of3A = tpu.assume_multiple %mul3A_13, 128 : i32
    %dma_start3A = arith.constant 0 : i32
    %dma_start3A_14 = tpu.memref_slice %arg2[%dma_start3A, %multiple_of3A] : memref<64x1000000xf32, #tpu.memory_space<hbm>> -> memref<64x128xf32, #tpu.memory_space<hbm>>
    %dma_start3A_15 = arith.constant 0 : i32
    %dma_start3A_16 = tpu.memref_slice %arg2[%dma_start3A_15, %multiple_of3A] : memref<64x1000000xf32, #tpu.memory_space<hbm>> -> memref<64x128xf32, #tpu.memory_space<hbm>>
    tpu.enqueue_dma source(%dma_start3A_16 : memref<64x128xf32, #tpu.memory_space<hbm>>) target(%arg5 : memref<64x128xf32, #tpu.memory_space<vmem>>) target_semaphore(%arg13 : memref<!tpu.dma_semaphore, #tpu.memory_space<semaphore_mem>>)
    %add3A_17 = arith.constant 1 : i32
    %add3A_18 = arith.addi %mul3A_2, %add3A_17 : i32
    %mul3A_19 = arith.constant 128 : i32
    %mul3A_20 = arith.muli %add3A_18, %mul3A_19 : i32
    %multiple_of3A_21 = tpu.assume_multiple %mul3A_20, 128 : i32
    %dma_start3A_22 = arith.constant 0 : i32
    %dma_start3A_23 = tpu.memref_slice %arg2[%dma_start3A_22, %multiple_of3A_21] : memref<64x1000000xf32, #tpu.memory_space<hbm>> -> memref<64x128xf32, #tpu.memory_space<hbm>>
    %dma_start3A_24 = arith.constant 0 : i32
    %dma_start3A_25 = tpu.memref_slice %arg2[%dma_start3A_24, %multiple_of3A_21] : memref<64x1000000xf32, #tpu.memory_space<hbm>> -> memref<64x128xf32, #tpu.memory_space<hbm>>
    tpu.enqueue_dma source(%dma_start3A_25 : memref<64x128xf32, #tpu.memory_space<hbm>>) target(%arg6 : memref<64x128xf32, #tpu.memory_space<vmem>>) target_semaphore(%arg14 : memref<!tpu.dma_semaphore, #tpu.memory_space<semaphore_mem>>)
    %add3A_26 = arith.constant 2 : i32
    %add3A_27 = arith.addi %mul3A_2, %add3A_26 : i32
    %mul3A_28 = arith.constant 128 : i32
    %mul3A_29 = arith.muli %add3A_27, %mul3A_28 : i32
    %multiple_of3A_30 = tpu.assume_multiple %mul3A_29, 128 : i32
    %dma_start3A_31 = arith.constant 0 : i32
    %dma_start3A_32 = tpu.memref_slice %arg2[%dma_start3A_31, %multiple_of3A_30] : memref<64x1000000xf32, #tpu.memory_space<hbm>> -> memref<64x128xf32, #tpu.memory_space<hbm>>
    %dma_start3A_33 = arith.constant 0 : i32
    %dma_start3A_34 = tpu.memref_slice %arg2[%dma_start3A_33, %multiple_of3A_30] : memref<64x1000000xf32, #tpu.memory_space<hbm>> -> memref<64x128xf32, #tpu.memory_space<hbm>>
    tpu.enqueue_dma source(%dma_start3A_34 : memref<64x128xf32, #tpu.memory_space<hbm>>) target(%arg7 : memref<64x128xf32, #tpu.memory_space<vmem>>) target_semaphore(%arg15 : memref<!tpu.dma_semaphore, #tpu.memory_space<semaphore_mem>>)
    %add3A_35 = arith.constant 3 : i32
    %add3A_36 = arith.addi %mul3A_2, %add3A_35 : i32
    %mul3A_37 = arith.constant 128 : i32
    %mul3A_38 = arith.muli %add3A_36, %mul3A_37 : i32
    %multiple_of3A_39 = tpu.assume_multiple %mul3A_38, 128 : i32
    %dma_start3A_40 = arith.constant 0 : i32
    %dma_start3A_41 = tpu.memref_slice %arg2[%dma_start3A_40, %multiple_of3A_39] : memref<64x1000000xf32, #tpu.memory_space<hbm>> -> memref<64x128xf32, #tpu.memory_space<hbm>>
    %dma_start3A_42 = arith.constant 0 : i32
    %dma_start3A_43 = tpu.memref_slice %arg2[%dma_start3A_42, %multiple_of3A_39] : memref<64x1000000xf32, #tpu.memory_space<hbm>> -> memref<64x128xf32, #tpu.memory_space<hbm>>
    tpu.enqueue_dma source(%dma_start3A_43 : memref<64x128xf32, #tpu.memory_space<hbm>>) target(%arg8 : memref<64x128xf32, #tpu.memory_space<vmem>>) target_semaphore(%arg16 : memref<!tpu.dma_semaphore, #tpu.memory_space<semaphore_mem>>)
    %scan3A = arith.constant 0 : i32
    %scan3A_44 = arith.constant 0 : i32
    %scan3A_45 = arith.constant 61 : i32
    %scan3A_46 = arith.addi %scan3A_44, %scan3A_45 : i32
    %scan3A_47 = arith.constant 1 : i32
    scf.for %scan3A_86 = %scan3A_44 to %scan3A_46 step %scan3A_47  : i32 {
      %mul3A_87 = arith.constant 4 : i32
      %mul3A_88 = arith.muli %scan3A_86, %mul3A_87 : i32
      %add3A_89 = arith.constant 0 : i32
      %add3A_90 = arith.addi %mul3A_88, %add3A_89 : i32
      %add3A_91 = arith.addi %mul3A_2, %add3A_90 : i32
      %mul3A_92 = arith.constant 128 : i32
      %mul3A_93 = arith.muli %add3A_91, %mul3A_92 : i32
      %multiple_of3A_94 = tpu.assume_multiple %mul3A_93, 128 : i32
      %dma_wait3A_95 = arith.constant 0 : i32
      %dma_wait3A_96 = tpu.memref_slice %arg2[%dma_wait3A_95, %multiple_of3A_94] : memref<64x1000000xf32, #tpu.memory_space<hbm>> -> memref<64x128xf32, #tpu.memory_space<hbm>>
      %dma_wait3A_97 = arith.constant 0 : i32
      %dma_wait3A_98 = tpu.memref_slice %arg2[%dma_wait3A_97, %multiple_of3A_94] : memref<64x1000000xf32, #tpu.memory_space<hbm>> -> memref<64x128xf32, #tpu.memory_space<hbm>>
      tpu.wait_dma2 semaphore(%arg13 : memref<!tpu.dma_semaphore, #tpu.memory_space<semaphore_mem>>) src(%dma_wait3A_98 : memref<64x128xf32, #tpu.memory_space<hbm>>) dst(%arg5 : memref<64x128xf32, #tpu.memory_space<vmem>>)
      %gt3A = arith.constant 0 : i32
      %gt3A_99 = arith.cmpi sgt, %scan3A_86, %gt3A : i32
      %convert_element_type3A_100 = arith.extui %gt3A_99 : i1 to i32
      %cond3A_101 = arith.constant 0 : i32
      %cond3A_102 = arith.cmpi ne, %convert_element_type3A_100, %cond3A_101 : i32
      scf.if %cond3A_102 {
        %add3A_221 = arith.addi %mul3A_2, %add3A_90 : i32
        %mul3A_222 = arith.constant 64 : i32
        %mul3A_223 = arith.muli %add3A_221, %mul3A_222 : i32
        %dma_wait3A_224 = arith.constant 0 : i32
        %dma_wait3A_225 = tpu.memref_slice %arg4[%mul3A_223, %dma_wait3A_224] : memref<500000x128xf32, #tpu.memory_space<hbm>> -> memref<64x128xf32, #tpu.memory_space<hbm>>
        %dma_wait3A_226 = arith.constant 0 : i32
        %dma_wait3A_227 = tpu.memref_slice %arg4[%mul3A_223, %dma_wait3A_226] : memref<500000x128xf32, #tpu.memory_space<hbm>> -> memref<64x128xf32, #tpu.memory_space<hbm>>
        tpu.wait_dma2 semaphore(%arg17 : memref<!tpu.dma_semaphore, #tpu.memory_space<semaphore_mem>>) src(%arg9 : memref<64x128xf32, #tpu.memory_space<vmem>>) dst(%dma_wait3A_227 : memref<64x128xf32, #tpu.memory_space<hbm>>)
      } else {
      }
      %parallel_loop3A = arith.constant 0 : i32
      %parallel_loop3A_103 = arith.constant 64 : i32
      %parallel_loop3A_104 = arith.constant 1 : i32
      scf.for %parallel_loop3A_221 = %parallel_loop3A to %parallel_loop3A_103 step %parallel_loop3A_104  : i32 {
        %parallel_loop3A_222 = vector.broadcast %parallel_loop3A_221 : i32 to vector<16xi32>
        %parallel_loop3A_223 = arith.addi %iota3A, %parallel_loop3A_222 : vector<16xi32>
        %parallel_loop3A_224 = arith.constant 15 : i32
        %parallel_loop3A_225 = vector.broadcast %parallel_loop3A_224 : i32 to vector<16xi32>
        %parallel_loop3A_226 = arith.andi %parallel_loop3A_223, %parallel_loop3A_225 : vector<16xi32>
        %parallel_loop3A_227 = arith.constant -16 : i32
        %parallel_loop3A_228 = arith.andi %parallel_loop3A_221, %parallel_loop3A_227 : i32
        %parallel_loop3A_229 = vector.broadcast %parallel_loop3A_228 : i32 to vector<16xi32>
        %parallel_loop3A_230 = arith.addi %parallel_loop3A_226, %parallel_loop3A_229 : vector<16xi32>
        %parallel_loop3A_231 = arith.addi %mul3A_9, %parallel_loop3A_230 : vector<16xi32>
        %parallel_loop3A_232 = arith.constant 0 : i32
        %parallel_loop3A_233 = vector.broadcast %parallel_loop3A_232 : i32 to vector<16xi32>
        %parallel_loop3A_234 = arith.addi %iota3A, %parallel_loop3A_233 : vector<16xi32>
        %parallel_loop3A_235 = tpu.vector_load_idx %arg5[%parallel_loop3A_230, %parallel_loop3A_234] : memref<64x128xf32, #tpu.memory_space<vmem>>[vector<16xi32>, vector<16xi32>], vector<16xf32>,
        %parallel_loop3A_236 = arith.constant 0 : i32
        %parallel_loop3A_237 = vector.broadcast %parallel_loop3A_236 : i32 to vector<16xi32>
        %parallel_loop3A_238 = arith.addi %shift_right_logical3A_4, %parallel_loop3A_237 : vector<16xi32>
        tpu.vector_store_idx %arg9[%parallel_loop3A_238, %parallel_loop3A_231], %parallel_loop3A_235 : memref<64x128xf32, #tpu.memory_space<vmem>>[vector<16xi32>, vector<16xi32>], vector<16xf32>,
        %parallel_loop3A_239 = arith.constant 16 : i32
        %parallel_loop3A_240 = vector.broadcast %parallel_loop3A_239 : i32 to vector<16xi32>
        %parallel_loop3A_241 = arith.addi %iota3A, %parallel_loop3A_240 : vector<16xi32>
        %parallel_loop3A_242 = tpu.vector_load_idx %arg5[%parallel_loop3A_230, %parallel_loop3A_241] : memref<64x128xf32, #tpu.memory_space<vmem>>[vector<16xi32>, vector<16xi32>], vector<16xf32>,
        %parallel_loop3A_243 = arith.constant 8 : i32
        %parallel_loop3A_244 = vector.broadcast %parallel_loop3A_243 : i32 to vector<16xi32>
        %parallel_loop3A_245 = arith.addi %shift_right_logical3A_4, %parallel_loop3A_244 : vector<16xi32>
        tpu.vector_store_idx %arg9[%parallel_loop3A_245, %parallel_loop3A_231], %parallel_loop3A_242 : memref<64x128xf32, #tpu.memory_space<vmem>>[vector<16xi32>, vector<16xi32>], vector<16xf32>,
        %parallel_loop3A_246 = arith.constant 32 : i32
        %parallel_loop3A_247 = vector.broadcast %parallel_loop3A_246 : i32 to vector<16xi32>
        %parallel_loop3A_248 = arith.addi %iota3A, %parallel_loop3A_247 : vector<16xi32>
        %parallel_loop3A_249 = tpu.vector_load_idx %arg5[%parallel_loop3A_230, %parallel_loop3A_248] : memref<64x128xf32, #tpu.memory_space<vmem>>[vector<16xi32>, vector<16xi32>], vector<16xf32>,
        %parallel_loop3A_250 = arith.constant 16 : i32
        %parallel_loop3A_251 = vector.broadcast %parallel_loop3A_250 : i32 to vector<16xi32>
        %parallel_loop3A_252 = arith.addi %shift_right_logical3A_4, %parallel_loop3A_251 : vector<16xi32>
        tpu.vector_store_idx %arg9[%parallel_loop3A_252, %parallel_loop3A_231], %parallel_loop3A_249 : memref<64x128xf32, #tpu.memory_space<vmem>>[vector<16xi32>, vector<16xi32>], vector<16xf32>,
        %parallel_loop3A_253 = arith.constant 48 : i32
        %parallel_loop3A_254 = vector.broadcast %parallel_loop3A_253 : i32 to vector<16xi32>
        %parallel_loop3A_255 = arith.addi %iota3A, %parallel_loop3A_254 : vector<16xi32>
        %parallel_loop3A_256 = tpu.vector_load_idx %arg5[%parallel_loop3A_230, %parallel_loop3A_255] : memref<64x128xf32, #tpu.memory_space<vmem>>[vector<16xi32>, vector<16xi32>], vector<16xf32>,
        %parallel_loop3A_257 = arith.constant 24 : i32
        %parallel_loop3A_258 = vector.broadcast %parallel_loop3A_257 : i32 to vector<16xi32>
        %parallel_loop3A_259 = arith.addi %shift_right_logical3A_4, %parallel_loop3A_258 : vector<16xi32>
        tpu.vector_store_idx %arg9[%parallel_loop3A_259, %parallel_loop3A_231], %parallel_loop3A_256 : memref<64x128xf32, #tpu.memory_space<vmem>>[vector<16xi32>, vector<16xi32>], vector<16xf32>,
        %parallel_loop3A_260 = arith.constant 64 : i32
        %parallel_loop3A_261 = vector.broadcast %parallel_loop3A_260 : i32 to vector<16xi32>
        %parallel_loop3A_262 = arith.addi %iota3A, %parallel_loop3A_261 : vector<16xi32>
        %parallel_loop3A_263 = tpu.vector_load_idx %arg5[%parallel_loop3A_230, %parallel_loop3A_262] : memref<64x128xf32, #tpu.memory_space<vmem>>[vector<16xi32>, vector<16xi32>], vector<16xf32>,
        %parallel_loop3A_264 = arith.constant 32 : i32
        %parallel_loop3A_265 = vector.broadcast %parallel_loop3A_264 : i32 to vector<16xi32>
        %parallel_loop3A_266 = arith.addi %shift_right_logical3A_4, %parallel_loop3A_265 : vector<16xi32>
        tpu.vector_store_idx %arg9[%parallel_loop3A_266, %parallel_loop3A_231], %parallel_loop3A_263 : memref<64x128xf32, #tpu.memory_space<vmem>>[vector<16xi32>, vector<16xi32>], vector<16xf32>,
        %parallel_loop3A_267 = arith.constant 80 : i32
        %parallel_loop3A_268 = vector.broadcast %parallel_loop3A_267 : i32 to vector<16xi32>
        %parallel_loop3A_269 = arith.addi %iota3A, %parallel_loop3A_268 : vector<16xi32>
        %parallel_loop3A_270 = tpu.vector_load_idx %arg5[%parallel_loop3A_230, %parallel_loop3A_269] : memref<64x128xf32, #tpu.memory_space<vmem>>[vector<16xi32>, vector<16xi32>], vector<16xf32>,
        %parallel_loop3A_271 = arith.constant 40 : i32
        %parallel_loop3A_272 = vector.broadcast %parallel_loop3A_271 : i32 to vector<16xi32>
        %parallel_loop3A_273 = arith.addi %shift_right_logical3A_4, %parallel_loop3A_272 : vector<16xi32>
        tpu.vector_store_idx %arg9[%parallel_loop3A_273, %parallel_loop3A_231], %parallel_loop3A_270 : memref<64x128xf32, #tpu.memory_space<vmem>>[vector<16xi32>, vector<16xi32>], vector<16xf32>,
        %parallel_loop3A_274 = arith.constant 96 : i32
        %parallel_loop3A_275 = vector.broadcast %parallel_loop3A_274 : i32 to vector<16xi32>
        %parallel_loop3A_276 = arith.addi %iota3A, %parallel_loop3A_275 : vector<16xi32>
        %parallel_loop3A_277 = tpu.vector_load_idx %arg5[%parallel_loop3A_230, %parallel_loop3A_276] : memref<64x128xf32, #tpu.memory_space<vmem>>[vector<16xi32>, vector<16xi32>], vector<16xf32>,
        %parallel_loop3A_278 = arith.constant 48 : i32
        %parallel_loop3A_279 = vector.broadcast %parallel_loop3A_278 : i32 to vector<16xi32>
        %parallel_loop3A_280 = arith.addi %shift_right_logical3A_4, %parallel_loop3A_279 : vector<16xi32>
        tpu.vector_store_idx %arg9[%parallel_loop3A_280, %parallel_loop3A_231], %parallel_loop3A_277 : memref<64x128xf32, #tpu.memory_space<vmem>>[vector<16xi32>, vector<16xi32>], vector<16xf32>,
        %parallel_loop3A_281 = arith.constant 112 : i32
        %parallel_loop3A_282 = vector.broadcast %parallel_loop3A_281 : i32 to vector<16xi32>
        %parallel_loop3A_283 = arith.addi %iota3A, %parallel_loop3A_282 : vector<16xi32>
        %parallel_loop3A_284 = tpu.vector_load_idx %arg5[%parallel_loop3A_230, %parallel_loop3A_283] : memref<64x128xf32, #tpu.memory_space<vmem>>[vector<16xi32>, vector<16xi32>], vector<16xf32>,
        %parallel_loop3A_285 = arith.constant 56 : i32
        %parallel_loop3A_286 = vector.broadcast %parallel_loop3A_285 : i32 to vector<16xi32>
        %parallel_loop3A_287 = arith.addi %shift_right_logical3A_4, %parallel_loop3A_286 : vector<16xi32>
        tpu.vector_store_idx %arg9[%parallel_loop3A_287, %parallel_loop3A_231], %parallel_loop3A_284 : memref<64x128xf32, #tpu.memory_space<vmem>>[vector<16xi32>, vector<16xi32>], vector<16xf32>,
      } {sc.loop_unroll_factor = 4 : i64, sc.parallel_access}
      %add3A_105 = arith.addi %mul3A_2, %add3A_90 : i32
      %mul3A_106 = arith.constant 64 : i32
      %mul3A_107 = arith.muli %add3A_105, %mul3A_106 : i32
      %dma_start3A_108 = arith.constant 0 : i32
      %dma_start3A_109 = tpu.memref_slice %arg4[%mul3A_107, %dma_start3A_108] : memref<500000x128xf32, #tpu.memory_space<hbm>> -> memref<64x128xf32, #tpu.memory_space<hbm>>
      %dma_start3A_110 = arith.constant 0 : i32
      %dma_start3A_111 = tpu.memref_slice %arg4[%mul3A_107, %dma_start3A_110] : memref<500000x128xf32, #tpu.memory_space<hbm>> -> memref<64x128xf32, #tpu.memory_space<hbm>>
      tpu.enqueue_dma source(%arg9 : memref<64x128xf32, #tpu.memory_space<vmem>>) target(%dma_start3A_111 : memref<64x128xf32, #tpu.memory_space<hbm>>) target_semaphore(%arg17 : memref<!tpu.dma_semaphore, #tpu.memory_space<semaphore_mem>>)
      %add3A_112 = arith.constant 4 : i32
      %add3A_113 = arith.addi %add3A_90, %add3A_112 : i32
      %lt3A_114 = arith.constant 244 : i32
      %lt3A_115 = arith.cmpi slt, %add3A_113, %lt3A_114 : i32
      %convert_element_type3A_116 = arith.extui %lt3A_115 : i1 to i32
      %cond3A_117 = arith.constant 0 : i32
      %cond3A_118 = arith.cmpi ne, %convert_element_type3A_116, %cond3A_117 : i32
      scf.if %cond3A_118 {
        %add3A_221 = arith.constant 4 : i32
        %add3A_222 = arith.addi %add3A_90, %add3A_221 : i32
        %add3A_223 = arith.addi %mul3A_2, %add3A_222 : i32
        %mul3A_224 = arith.constant 128 : i32
        %mul3A_225 = arith.muli %add3A_223, %mul3A_224 : i32
        %multiple_of3A_226 = tpu.assume_multiple %mul3A_225, 128 : i32
        %dma_start3A_227 = arith.constant 0 : i32
        %dma_start3A_228 = tpu.memref_slice %arg2[%dma_start3A_227, %multiple_of3A_226] : memref<64x1000000xf32, #tpu.memory_space<hbm>> -> memref<64x128xf32, #tpu.memory_space<hbm>>
        %dma_start3A_229 = arith.constant 0 : i32
        %dma_start3A_230 = tpu.memref_slice %arg2[%dma_start3A_229, %multiple_of3A_226] : memref<64x1000000xf32, #tpu.memory_space<hbm>> -> memref<64x128xf32, #tpu.memory_space<hbm>>
        tpu.enqueue_dma source(%dma_start3A_230 : memref<64x128xf32, #tpu.memory_space<hbm>>) target(%arg5 : memref<64x128xf32, #tpu.memory_space<vmem>>) target_semaphore(%arg13 : memref<!tpu.dma_semaphore, #tpu.memory_space<semaphore_mem>>)
      } else {
      }
      %mul3A_119 = arith.constant 4 : i32
      %mul3A_120 = arith.muli %scan3A_86, %mul3A_119 : i32
      %add3A_121 = arith.constant 1 : i32
      %add3A_122 = arith.addi %mul3A_120, %add3A_121 : i32
      %add3A_123 = arith.addi %mul3A_2, %add3A_122 : i32
      %mul3A_124 = arith.constant 128 : i32
      %mul3A_125 = arith.muli %add3A_123, %mul3A_124 : i32
      %multiple_of3A_126 = tpu.assume_multiple %mul3A_125, 128 : i32
      %dma_wait3A_127 = arith.constant 0 : i32
      %dma_wait3A_128 = tpu.memref_slice %arg2[%dma_wait3A_127, %multiple_of3A_126] : memref<64x1000000xf32, #tpu.memory_space<hbm>> -> memref<64x128xf32, #tpu.memory_space<hbm>>
      %dma_wait3A_129 = arith.constant 0 : i32
      %dma_wait3A_130 = tpu.memref_slice %arg2[%dma_wait3A_129, %multiple_of3A_126] : memref<64x1000000xf32, #tpu.memory_space<hbm>> -> memref<64x128xf32, #tpu.memory_space<hbm>>
      tpu.wait_dma2 semaphore(%arg14 : memref<!tpu.dma_semaphore, #tpu.memory_space<semaphore_mem>>) src(%dma_wait3A_130 : memref<64x128xf32, #tpu.memory_space<hbm>>) dst(%arg6 : memref<64x128xf32, #tpu.memory_space<vmem>>)
      %gt3A_131 = arith.constant 0 : i32
      %gt3A_132 = arith.cmpi sgt, %scan3A_86, %gt3A_131 : i32
      %convert_element_type3A_133 = arith.extui %gt3A_132 : i1 to i32
      %cond3A_134 = arith.constant 0 : i32
      %cond3A_135 = arith.cmpi ne, %convert_element_type3A_133, %cond3A_134 : i32
      scf.if %cond3A_135 {
        %add3A_221 = arith.addi %mul3A_2, %add3A_122 : i32
        %mul3A_222 = arith.constant 64 : i32
        %mul3A_223 = arith.muli %add3A_221, %mul3A_222 : i32
        %dma_wait3A_224 = arith.constant 0 : i32
        %dma_wait3A_225 = tpu.memref_slice %arg4[%mul3A_223, %dma_wait3A_224] : memref<500000x128xf32, #tpu.memory_space<hbm>> -> memref<64x128xf32, #tpu.memory_space<hbm>>
        %dma_wait3A_226 = arith.constant 0 : i32
        %dma_wait3A_227 = tpu.memref_slice %arg4[%mul3A_223, %dma_wait3A_226] : memref<500000x128xf32, #tpu.memory_space<hbm>> -> memref<64x128xf32, #tpu.memory_space<hbm>>
        tpu.wait_dma2 semaphore(%arg18 : memref<!tpu.dma_semaphore, #tpu.memory_space<semaphore_mem>>) src(%arg10 : memref<64x128xf32, #tpu.memory_space<vmem>>) dst(%dma_wait3A_227 : memref<64x128xf32, #tpu.memory_space<hbm>>)
      } else {
      }
      %parallel_loop3A_136 = arith.constant 0 : i32
      %parallel_loop3A_137 = arith.constant 64 : i32
      %parallel_loop3A_138 = arith.constant 1 : i32
      scf.for %parallel_loop3A_221 = %parallel_loop3A_136 to %parallel_loop3A_137 step %parallel_loop3A_138  : i32 {
        %parallel_loop3A_222 = vector.broadcast %parallel_loop3A_221 : i32 to vector<16xi32>
        %parallel_loop3A_223 = arith.addi %iota3A, %parallel_loop3A_222 : vector<16xi32>
        %parallel_loop3A_224 = arith.constant 15 : i32
        %parallel_loop3A_225 = vector.broadcast %parallel_loop3A_224 : i32 to vector<16xi32>
        %parallel_loop3A_226 = arith.andi %parallel_loop3A_223, %parallel_loop3A_225 : vector<16xi32>
        %parallel_loop3A_227 = arith.constant -16 : i32
        %parallel_loop3A_228 = arith.andi %parallel_loop3A_221, %parallel_loop3A_227 : i32
        %parallel_loop3A_229 = vector.broadcast %parallel_loop3A_228 : i32 to vector<16xi32>
        %parallel_loop3A_230 = arith.addi %parallel_loop3A_226, %parallel_loop3A_229 : vector<16xi32>
        %parallel_loop3A_231 = arith.addi %mul3A_9, %parallel_loop3A_230 : vector<16xi32>
        %parallel_loop3A_232 = arith.constant 0 : i32
        %parallel_loop3A_233 = vector.broadcast %parallel_loop3A_232 : i32 to vector<16xi32>
        %parallel_loop3A_234 = arith.addi %iota3A, %parallel_loop3A_233 : vector<16xi32>
        %parallel_loop3A_235 = tpu.vector_load_idx %arg6[%parallel_loop3A_230, %parallel_loop3A_234] : memref<64x128xf32, #tpu.memory_space<vmem>>[vector<16xi32>, vector<16xi32>], vector<16xf32>,
        %parallel_loop3A_236 = arith.constant 0 : i32
        %parallel_loop3A_237 = vector.broadcast %parallel_loop3A_236 : i32 to vector<16xi32>
        %parallel_loop3A_238 = arith.addi %shift_right_logical3A_4, %parallel_loop3A_237 : vector<16xi32>
        tpu.vector_store_idx %arg10[%parallel_loop3A_238, %parallel_loop3A_231], %parallel_loop3A_235 : memref<64x128xf32, #tpu.memory_space<vmem>>[vector<16xi32>, vector<16xi32>], vector<16xf32>,
        %parallel_loop3A_239 = arith.constant 16 : i32
        %parallel_loop3A_240 = vector.broadcast %parallel_loop3A_239 : i32 to vector<16xi32>
        %parallel_loop3A_241 = arith.addi %iota3A, %parallel_loop3A_240 : vector<16xi32>
        %parallel_loop3A_242 = tpu.vector_load_idx %arg6[%parallel_loop3A_230, %parallel_loop3A_241] : memref<64x128xf32, #tpu.memory_space<vmem>>[vector<16xi32>, vector<16xi32>], vector<16xf32>,
        %parallel_loop3A_243 = arith.constant 8 : i32
        %parallel_loop3A_244 = vector.broadcast %parallel_loop3A_243 : i32 to vector<16xi32>
        %parallel_loop3A_245 = arith.addi %shift_right_logical3A_4, %parallel_loop3A_244 : vector<16xi32>
        tpu.vector_store_idx %arg10[%parallel_loop3A_245, %parallel_loop3A_231], %parallel_loop3A_242 : memref<64x128xf32, #tpu.memory_space<vmem>>[vector<16xi32>, vector<16xi32>], vector<16xf32>,
        %parallel_loop3A_246 = arith.constant 32 : i32
        %parallel_loop3A_247 = vector.broadcast %parallel_loop3A_246 : i32 to vector<16xi32>
        %parallel_loop3A_248 = arith.addi %iota3A, %parallel_loop3A_247 : vector<16xi32>
        %parallel_loop3A_249 = tpu.vector_load_idx %arg6[%parallel_loop3A_230, %parallel_loop3A_248] : memref<64x128xf32, #tpu.memory_space<vmem>>[vector<16xi32>, vector<16xi32>], vector<16xf32>,
        %parallel_loop3A_250 = arith.constant 16 : i32
        %parallel_loop3A_251 = vector.broadcast %parallel_loop3A_250 : i32 to vector<16xi32>
        %parallel_loop3A_252 = arith.addi %shift_right_logical3A_4, %parallel_loop3A_251 : vector<16xi32>
        tpu.vector_store_idx %arg10[%parallel_loop3A_252, %parallel_loop3A_231], %parallel_loop3A_249 : memref<64x128xf32, #tpu.memory_space<vmem>>[vector<16xi32>, vector<16xi32>], vector<16xf32>,
        %parallel_loop3A_253 = arith.constant 48 : i32
        %parallel_loop3A_254 = vector.broadcast %parallel_loop3A_253 : i32 to vector<16xi32>
        %parallel_loop3A_255 = arith.addi %iota3A, %parallel_loop3A_254 : vector<16xi32>
        %parallel_loop3A_256 = tpu.vector_load_idx %arg6[%parallel_loop3A_230, %parallel_loop3A_255] : memref<64x128xf32, #tpu.memory_space<vmem>>[vector<16xi32>, vector<16xi32>], vector<16xf32>,
        %parallel_loop3A_257 = arith.constant 24 : i32
        %parallel_loop3A_258 = vector.broadcast %parallel_loop3A_257 : i32 to vector<16xi32>
        %parallel_loop3A_259 = arith.addi %shift_right_logical3A_4, %parallel_loop3A_258 : vector<16xi32>
        tpu.vector_store_idx %arg10[%parallel_loop3A_259, %parallel_loop3A_231], %parallel_loop3A_256 : memref<64x128xf32, #tpu.memory_space<vmem>>[vector<16xi32>, vector<16xi32>], vector<16xf32>,
        %parallel_loop3A_260 = arith.constant 64 : i32
        %parallel_loop3A_261 = vector.broadcast %parallel_loop3A_260 : i32 to vector<16xi32>
        %parallel_loop3A_262 = arith.addi %iota3A, %parallel_loop3A_261 : vector<16xi32>
        %parallel_loop3A_263 = tpu.vector_load_idx %arg6[%parallel_loop3A_230, %parallel_loop3A_262] : memref<64x128xf32, #tpu.memory_space<vmem>>[vector<16xi32>, vector<16xi32>], vector<16xf32>,
        %parallel_loop3A_264 = arith.constant 32 : i32
        %parallel_loop3A_265 = vector.broadcast %parallel_loop3A_264 : i32 to vector<16xi32>
        %parallel_loop3A_266 = arith.addi %shift_right_logical3A_4, %parallel_loop3A_265 : vector<16xi32>
        tpu.vector_store_idx %arg10[%parallel_loop3A_266, %parallel_loop3A_231], %parallel_loop3A_263 : memref<64x128xf32, #tpu.memory_space<vmem>>[vector<16xi32>, vector<16xi32>], vector<16xf32>,
        %parallel_loop3A_267 = arith.constant 80 : i32
        %parallel_loop3A_268 = vector.broadcast %parallel_loop3A_267 : i32 to vector<16xi32>
        %parallel_loop3A_269 = arith.addi %iota3A, %parallel_loop3A_268 : vector<16xi32>
        %parallel_loop3A_270 = tpu.vector_load_idx %arg6[%parallel_loop3A_230, %parallel_loop3A_269] : memref<64x128xf32, #tpu.memory_space<vmem>>[vector<16xi32>, vector<16xi32>], vector<16xf32>,
        %parallel_loop3A_271 = arith.constant 40 : i32
        %parallel_loop3A_272 = vector.broadcast %parallel_loop3A_271 : i32 to vector<16xi32>
        %parallel_loop3A_273 = arith.addi %shift_right_logical3A_4, %parallel_loop3A_272 : vector<16xi32>
        tpu.vector_store_idx %arg10[%parallel_loop3A_273, %parallel_loop3A_231], %parallel_loop3A_270 : memref<64x128xf32, #tpu.memory_space<vmem>>[vector<16xi32>, vector<16xi32>], vector<16xf32>,
        %parallel_loop3A_274 = arith.constant 96 : i32
        %parallel_loop3A_275 = vector.broadcast %parallel_loop3A_274 : i32 to vector<16xi32>
        %parallel_loop3A_276 = arith.addi %iota3A, %parallel_loop3A_275 : vector<16xi32>
        %parallel_loop3A_277 = tpu.vector_load_idx %arg6[%parallel_loop3A_230, %parallel_loop3A_276] : memref<64x128xf32, #tpu.memory_space<vmem>>[vector<16xi32>, vector<16xi32>], vector<16xf32>,
        %parallel_loop3A_278 = arith.constant 48 : i32
        %parallel_loop3A_279 = vector.broadcast %parallel_loop3A_278 : i32 to vector<16xi32>
        %parallel_loop3A_280 = arith.addi %shift_right_logical3A_4, %parallel_loop3A_279 : vector<16xi32>
        tpu.vector_store_idx %arg10[%parallel_loop3A_280, %parallel_loop3A_231], %parallel_loop3A_277 : memref<64x128xf32, #tpu.memory_space<vmem>>[vector<16xi32>, vector<16xi32>], vector<16xf32>,
        %parallel_loop3A_281 = arith.constant 112 : i32
        %parallel_loop3A_282 = vector.broadcast %parallel_loop3A_281 : i32 to vector<16xi32>
        %parallel_loop3A_283 = arith.addi %iota3A, %parallel_loop3A_282 : vector<16xi32>
        %parallel_loop3A_284 = tpu.vector_load_idx %arg6[%parallel_loop3A_230, %parallel_loop3A_283] : memref<64x128xf32, #tpu.memory_space<vmem>>[vector<16xi32>, vector<16xi32>], vector<16xf32>,
        %parallel_loop3A_285 = arith.constant 56 : i32
        %parallel_loop3A_286 = vector.broadcast %parallel_loop3A_285 : i32 to vector<16xi32>
        %parallel_loop3A_287 = arith.addi %shift_right_logical3A_4, %parallel_loop3A_286 : vector<16xi32>
        tpu.vector_store_idx %arg10[%parallel_loop3A_287, %parallel_loop3A_231], %parallel_loop3A_284 : memref<64x128xf32, #tpu.memory_space<vmem>>[vector<16xi32>, vector<16xi32>], vector<16xf32>,
      } {sc.loop_unroll_factor = 4 : i64, sc.parallel_access}
      %add3A_139 = arith.addi %mul3A_2, %add3A_122 : i32
      %mul3A_140 = arith.constant 64 : i32
      %mul3A_141 = arith.muli %add3A_139, %mul3A_140 : i32
      %dma_start3A_142 = arith.constant 0 : i32
      %dma_start3A_143 = tpu.memref_slice %arg4[%mul3A_141, %dma_start3A_142] : memref<500000x128xf32, #tpu.memory_space<hbm>> -> memref<64x128xf32, #tpu.memory_space<hbm>>
      %dma_start3A_144 = arith.constant 0 : i32
      %dma_start3A_145 = tpu.memref_slice %arg4[%mul3A_141, %dma_start3A_144] : memref<500000x128xf32, #tpu.memory_space<hbm>> -> memref<64x128xf32, #tpu.memory_space<hbm>>
      tpu.enqueue_dma source(%arg10 : memref<64x128xf32, #tpu.memory_space<vmem>>) target(%dma_start3A_145 : memref<64x128xf32, #tpu.memory_space<hbm>>) target_semaphore(%arg18 : memref<!tpu.dma_semaphore, #tpu.memory_space<semaphore_mem>>)
      %add3A_146 = arith.constant 4 : i32
      %add3A_147 = arith.addi %add3A_122, %add3A_146 : i32
      %lt3A_148 = arith.constant 244 : i32
      %lt3A_149 = arith.cmpi slt, %add3A_147, %lt3A_148 : i32
      %convert_element_type3A_150 = arith.extui %lt3A_149 : i1 to i32
      %cond3A_151 = arith.constant 0 : i32
      %cond3A_152 = arith.cmpi ne, %convert_element_type3A_150, %cond3A_151 : i32
      scf.if %cond3A_152 {
        %add3A_221 = arith.constant 4 : i32
        %add3A_222 = arith.addi %add3A_122, %add3A_221 : i32
        %add3A_223 = arith.addi %mul3A_2, %add3A_222 : i32
        %mul3A_224 = arith.constant 128 : i32
        %mul3A_225 = arith.muli %add3A_223, %mul3A_224 : i32
        %multiple_of3A_226 = tpu.assume_multiple %mul3A_225, 128 : i32
        %dma_start3A_227 = arith.constant 0 : i32
        %dma_start3A_228 = tpu.memref_slice %arg2[%dma_start3A_227, %multiple_of3A_226] : memref<64x1000000xf32, #tpu.memory_space<hbm>> -> memref<64x128xf32, #tpu.memory_space<hbm>>
        %dma_start3A_229 = arith.constant 0 : i32
        %dma_start3A_230 = tpu.memref_slice %arg2[%dma_start3A_229, %multiple_of3A_226] : memref<64x1000000xf32, #tpu.memory_space<hbm>> -> memref<64x128xf32, #tpu.memory_space<hbm>>
        tpu.enqueue_dma source(%dma_start3A_230 : memref<64x128xf32, #tpu.memory_space<hbm>>) target(%arg6 : memref<64x128xf32, #tpu.memory_space<vmem>>) target_semaphore(%arg14 : memref<!tpu.dma_semaphore, #tpu.memory_space<semaphore_mem>>)
      } else {
      }
      %mul3A_153 = arith.constant 4 : i32
      %mul3A_154 = arith.muli %scan3A_86, %mul3A_153 : i32
      %add3A_155 = arith.constant 2 : i32
      %add3A_156 = arith.addi %mul3A_154, %add3A_155 : i32
      %add3A_157 = arith.addi %mul3A_2, %add3A_156 : i32
      %mul3A_158 = arith.constant 128 : i32
      %mul3A_159 = arith.muli %add3A_157, %mul3A_158 : i32
      %multiple_of3A_160 = tpu.assume_multiple %mul3A_159, 128 : i32
      %dma_wait3A_161 = arith.constant 0 : i32
      %dma_wait3A_162 = tpu.memref_slice %arg2[%dma_wait3A_161, %multiple_of3A_160] : memref<64x1000000xf32, #tpu.memory_space<hbm>> -> memref<64x128xf32, #tpu.memory_space<hbm>>
      %dma_wait3A_163 = arith.constant 0 : i32
      %dma_wait3A_164 = tpu.memref_slice %arg2[%dma_wait3A_163, %multiple_of3A_160] : memref<64x1000000xf32, #tpu.memory_space<hbm>> -> memref<64x128xf32, #tpu.memory_space<hbm>>
      tpu.wait_dma2 semaphore(%arg15 : memref<!tpu.dma_semaphore, #tpu.memory_space<semaphore_mem>>) src(%dma_wait3A_164 : memref<64x128xf32, #tpu.memory_space<hbm>>) dst(%arg7 : memref<64x128xf32, #tpu.memory_space<vmem>>)
      %gt3A_165 = arith.constant 0 : i32
      %gt3A_166 = arith.cmpi sgt, %scan3A_86, %gt3A_165 : i32
      %convert_element_type3A_167 = arith.extui %gt3A_166 : i1 to i32
      %cond3A_168 = arith.constant 0 : i32
      %cond3A_169 = arith.cmpi ne, %convert_element_type3A_167, %cond3A_168 : i32
      scf.if %cond3A_169 {
        %add3A_221 = arith.addi %mul3A_2, %add3A_156 : i32
        %mul3A_222 = arith.constant 64 : i32
        %mul3A_223 = arith.muli %add3A_221, %mul3A_222 : i32
        %dma_wait3A_224 = arith.constant 0 : i32
        %dma_wait3A_225 = tpu.memref_slice %arg4[%mul3A_223, %dma_wait3A_224] : memref<500000x128xf32, #tpu.memory_space<hbm>> -> memref<64x128xf32, #tpu.memory_space<hbm>>
        %dma_wait3A_226 = arith.constant 0 : i32
        %dma_wait3A_227 = tpu.memref_slice %arg4[%mul3A_223, %dma_wait3A_226] : memref<500000x128xf32, #tpu.memory_space<hbm>> -> memref<64x128xf32, #tpu.memory_space<hbm>>
        tpu.wait_dma2 semaphore(%arg19 : memref<!tpu.dma_semaphore, #tpu.memory_space<semaphore_mem>>) src(%arg11 : memref<64x128xf32, #tpu.memory_space<vmem>>) dst(%dma_wait3A_227 : memref<64x128xf32, #tpu.memory_space<hbm>>)
      } else {
      }
      %parallel_loop3A_170 = arith.constant 0 : i32
      %parallel_loop3A_171 = arith.constant 64 : i32
      %parallel_loop3A_172 = arith.constant 1 : i32
      scf.for %parallel_loop3A_221 = %parallel_loop3A_170 to %parallel_loop3A_171 step %parallel_loop3A_172  : i32 {
        %parallel_loop3A_222 = vector.broadcast %parallel_loop3A_221 : i32 to vector<16xi32>
        %parallel_loop3A_223 = arith.addi %iota3A, %parallel_loop3A_222 : vector<16xi32>
        %parallel_loop3A_224 = arith.constant 15 : i32
        %parallel_loop3A_225 = vector.broadcast %parallel_loop3A_224 : i32 to vector<16xi32>
        %parallel_loop3A_226 = arith.andi %parallel_loop3A_223, %parallel_loop3A_225 : vector<16xi32>
        %parallel_loop3A_227 = arith.constant -16 : i32
        %parallel_loop3A_228 = arith.andi %parallel_loop3A_221, %parallel_loop3A_227 : i32
        %parallel_loop3A_229 = vector.broadcast %parallel_loop3A_228 : i32 to vector<16xi32>
        %parallel_loop3A_230 = arith.addi %parallel_loop3A_226, %parallel_loop3A_229 : vector<16xi32>
        %parallel_loop3A_231 = arith.addi %mul3A_9, %parallel_loop3A_230 : vector<16xi32>
        %parallel_loop3A_232 = arith.constant 0 : i32
        %parallel_loop3A_233 = vector.broadcast %parallel_loop3A_232 : i32 to vector<16xi32>
        %parallel_loop3A_234 = arith.addi %iota3A, %parallel_loop3A_233 : vector<16xi32>
        %parallel_loop3A_235 = tpu.vector_load_idx %arg7[%parallel_loop3A_230, %parallel_loop3A_234] : memref<64x128xf32, #tpu.memory_space<vmem>>[vector<16xi32>, vector<16xi32>], vector<16xf32>,
        %parallel_loop3A_236 = arith.constant 0 : i32
        %parallel_loop3A_237 = vector.broadcast %parallel_loop3A_236 : i32 to vector<16xi32>
        %parallel_loop3A_238 = arith.addi %shift_right_logical3A_4, %parallel_loop3A_237 : vector<16xi32>
        tpu.vector_store_idx %arg11[%parallel_loop3A_238, %parallel_loop3A_231], %parallel_loop3A_235 : memref<64x128xf32, #tpu.memory_space<vmem>>[vector<16xi32>, vector<16xi32>], vector<16xf32>,
        %parallel_loop3A_239 = arith.constant 16 : i32
        %parallel_loop3A_240 = vector.broadcast %parallel_loop3A_239 : i32 to vector<16xi32>
        %parallel_loop3A_241 = arith.addi %iota3A, %parallel_loop3A_240 : vector<16xi32>
        %parallel_loop3A_242 = tpu.vector_load_idx %arg7[%parallel_loop3A_230, %parallel_loop3A_241] : memref<64x128xf32, #tpu.memory_space<vmem>>[vector<16xi32>, vector<16xi32>], vector<16xf32>,
        %parallel_loop3A_243 = arith.constant 8 : i32
        %parallel_loop3A_244 = vector.broadcast %parallel_loop3A_243 : i32 to vector<16xi32>
        %parallel_loop3A_245 = arith.addi %shift_right_logical3A_4, %parallel_loop3A_244 : vector<16xi32>
        tpu.vector_store_idx %arg11[%parallel_loop3A_245, %parallel_loop3A_231], %parallel_loop3A_242 : memref<64x128xf32, #tpu.memory_space<vmem>>[vector<16xi32>, vector<16xi32>], vector<16xf32>,
        %parallel_loop3A_246 = arith.constant 32 : i32
        %parallel_loop3A_247 = vector.broadcast %parallel_loop3A_246 : i32 to vector<16xi32>
        %parallel_loop3A_248 = arith.addi %iota3A, %parallel_loop3A_247 : vector<16xi32>
        %parallel_loop3A_249 = tpu.vector_load_idx %arg7[%parallel_loop3A_230, %parallel_loop3A_248] : memref<64x128xf32, #tpu.memory_space<vmem>>[vector<16xi32>, vector<16xi32>], vector<16xf32>,
        %parallel_loop3A_250 = arith.constant 16 : i32
        %parallel_loop3A_251 = vector.broadcast %parallel_loop3A_250 : i32 to vector<16xi32>
        %parallel_loop3A_252 = arith.addi %shift_right_logical3A_4, %parallel_loop3A_251 : vector<16xi32>
        tpu.vector_store_idx %arg11[%parallel_loop3A_252, %parallel_loop3A_231], %parallel_loop3A_249 : memref<64x128xf32, #tpu.memory_space<vmem>>[vector<16xi32>, vector<16xi32>], vector<16xf32>,
        %parallel_loop3A_253 = arith.constant 48 : i32
        %parallel_loop3A_254 = vector.broadcast %parallel_loop3A_253 : i32 to vector<16xi32>
        %parallel_loop3A_255 = arith.addi %iota3A, %parallel_loop3A_254 : vector<16xi32>
        %parallel_loop3A_256 = tpu.vector_load_idx %arg7[%parallel_loop3A_230, %parallel_loop3A_255] : memref<64x128xf32, #tpu.memory_space<vmem>>[vector<16xi32>, vector<16xi32>], vector<16xf32>,
        %parallel_loop3A_257 = arith.constant 24 : i32
        %parallel_loop3A_258 = vector.broadcast %parallel_loop3A_257 : i32 to vector<16xi32>
        %parallel_loop3A_259 = arith.addi %shift_right_logical3A_4, %parallel_loop3A_258 : vector<16xi32>
        tpu.vector_store_idx %arg11[%parallel_loop3A_259, %parallel_loop3A_231], %parallel_loop3A_256 : memref<64x128xf32, #tpu.memory_space<vmem>>[vector<16xi32>, vector<16xi32>], vector<16xf32>,
        %parallel_loop3A_260 = arith.constant 64 : i32
        %parallel_loop3A_261 = vector.broadcast %parallel_loop3A_260 : i32 to vector<16xi32>
        %parallel_loop3A_262 = arith.addi %iota3A, %parallel_loop3A_261 : vector<16xi32>
        %parallel_loop3A_263 = tpu.vector_load_idx %arg7[%parallel_loop3A_230, %parallel_loop3A_262] : memref<64x128xf32, #tpu.memory_space<vmem>>[vector<16xi32>, vector<16xi32>], vector<16xf32>,
        %parallel_loop3A_264 = arith.constant 32 : i32
        %parallel_loop3A_265 = vector.broadcast %parallel_loop3A_264 : i32 to vector<16xi32>
        %parallel_loop3A_266 = arith.addi %shift_right_logical3A_4, %parallel_loop3A_265 : vector<16xi32>
        tpu.vector_store_idx %arg11[%parallel_loop3A_266, %parallel_loop3A_231], %parallel_loop3A_263 : memref<64x128xf32, #tpu.memory_space<vmem>>[vector<16xi32>, vector<16xi32>], vector<16xf32>,
        %parallel_loop3A_267 = arith.constant 80 : i32
        %parallel_loop3A_268 = vector.broadcast %parallel_loop3A_267 : i32 to vector<16xi32>
        %parallel_loop3A_269 = arith.addi %iota3A, %parallel_loop3A_268 : vector<16xi32>
        %parallel_loop3A_270 = tpu.vector_load_idx %arg7[%parallel_loop3A_230, %parallel_loop3A_269] : memref<64x128xf32, #tpu.memory_space<vmem>>[vector<16xi32>, vector<16xi32>], vector<16xf32>,
        %parallel_loop3A_271 = arith.constant 40 : i32
        %parallel_loop3A_272 = vector.broadcast %parallel_loop3A_271 : i32 to vector<16xi32>
        %parallel_loop3A_273 = arith.addi %shift_right_logical3A_4, %parallel_loop3A_272 : vector<16xi32>
        tpu.vector_store_idx %arg11[%parallel_loop3A_273, %parallel_loop3A_231], %parallel_loop3A_270 : memref<64x128xf32, #tpu.memory_space<vmem>>[vector<16xi32>, vector<16xi32>], vector<16xf32>,
        %parallel_loop3A_274 = arith.constant 96 : i32
        %parallel_loop3A_275 = vector.broadcast %parallel_loop3A_274 : i32 to vector<16xi32>
        %parallel_loop3A_276 = arith.addi %iota3A, %parallel_loop3A_275 : vector<16xi32>
        %parallel_loop3A_277 = tpu.vector_load_idx %arg7[%parallel_loop3A_230, %parallel_loop3A_276] : memref<64x128xf32, #tpu.memory_space<vmem>>[vector<16xi32>, vector<16xi32>], vector<16xf32>,
        %parallel_loop3A_278 = arith.constant 48 : i32
        %parallel_loop3A_279 = vector.broadcast %parallel_loop3A_278 : i32 to vector<16xi32>
        %parallel_loop3A_280 = arith.addi %shift_right_logical3A_4, %parallel_loop3A_279 : vector<16xi32>
        tpu.vector_store_idx %arg11[%parallel_loop3A_280, %parallel_loop3A_231], %parallel_loop3A_277 : memref<64x128xf32, #tpu.memory_space<vmem>>[vector<16xi32>, vector<16xi32>], vector<16xf32>,
        %parallel_loop3A_281 = arith.constant 112 : i32
        %parallel_loop3A_282 = vector.broadcast %parallel_loop3A_281 : i32 to vector<16xi32>
        %parallel_loop3A_283 = arith.addi %iota3A, %parallel_loop3A_282 : vector<16xi32>
        %parallel_loop3A_284 = tpu.vector_load_idx %arg7[%parallel_loop3A_230, %parallel_loop3A_283] : memref<64x128xf32, #tpu.memory_space<vmem>>[vector<16xi32>, vector<16xi32>], vector<16xf32>,
        %parallel_loop3A_285 = arith.constant 56 : i32
        %parallel_loop3A_286 = vector.broadcast %parallel_loop3A_285 : i32 to vector<16xi32>
        %parallel_loop3A_287 = arith.addi %shift_right_logical3A_4, %parallel_loop3A_286 : vector<16xi32>
        tpu.vector_store_idx %arg11[%parallel_loop3A_287, %parallel_loop3A_231], %parallel_loop3A_284 : memref<64x128xf32, #tpu.memory_space<vmem>>[vector<16xi32>, vector<16xi32>], vector<16xf32>,
      } {sc.loop_unroll_factor = 4 : i64, sc.parallel_access}
      %add3A_173 = arith.addi %mul3A_2, %add3A_156 : i32
      %mul3A_174 = arith.constant 64 : i32
      %mul3A_175 = arith.muli %add3A_173, %mul3A_174 : i32
      %dma_start3A_176 = arith.constant 0 : i32
      %dma_start3A_177 = tpu.memref_slice %arg4[%mul3A_175, %dma_start3A_176] : memref<500000x128xf32, #tpu.memory_space<hbm>> -> memref<64x128xf32, #tpu.memory_space<hbm>>
      %dma_start3A_178 = arith.constant 0 : i32
      %dma_start3A_179 = tpu.memref_slice %arg4[%mul3A_175, %dma_start3A_178] : memref<500000x128xf32, #tpu.memory_space<hbm>> -> memref<64x128xf32, #tpu.memory_space<hbm>>
      tpu.enqueue_dma source(%arg11 : memref<64x128xf32, #tpu.memory_space<vmem>>) target(%dma_start3A_179 : memref<64x128xf32, #tpu.memory_space<hbm>>) target_semaphore(%arg19 : memref<!tpu.dma_semaphore, #tpu.memory_space<semaphore_mem>>)
      %add3A_180 = arith.constant 4 : i32
      %add3A_181 = arith.addi %add3A_156, %add3A_180 : i32
      %lt3A_182 = arith.constant 244 : i32
      %lt3A_183 = arith.cmpi slt, %add3A_181, %lt3A_182 : i32
      %convert_element_type3A_184 = arith.extui %lt3A_183 : i1 to i32
      %cond3A_185 = arith.constant 0 : i32
      %cond3A_186 = arith.cmpi ne, %convert_element_type3A_184, %cond3A_185 : i32
      scf.if %cond3A_186 {
        %add3A_221 = arith.constant 4 : i32
        %add3A_222 = arith.addi %add3A_156, %add3A_221 : i32
        %add3A_223 = arith.addi %mul3A_2, %add3A_222 : i32
        %mul3A_224 = arith.constant 128 : i32
        %mul3A_225 = arith.muli %add3A_223, %mul3A_224 : i32
        %multiple_of3A_226 = tpu.assume_multiple %mul3A_225, 128 : i32
        %dma_start3A_227 = arith.constant 0 : i32
        %dma_start3A_228 = tpu.memref_slice %arg2[%dma_start3A_227, %multiple_of3A_226] : memref<64x1000000xf32, #tpu.memory_space<hbm>> -> memref<64x128xf32, #tpu.memory_space<hbm>>
        %dma_start3A_229 = arith.constant 0 : i32
        %dma_start3A_230 = tpu.memref_slice %arg2[%dma_start3A_229, %multiple_of3A_226] : memref<64x1000000xf32, #tpu.memory_space<hbm>> -> memref<64x128xf32, #tpu.memory_space<hbm>>
        tpu.enqueue_dma source(%dma_start3A_230 : memref<64x128xf32, #tpu.memory_space<hbm>>) target(%arg7 : memref<64x128xf32, #tpu.memory_space<vmem>>) target_semaphore(%arg15 : memref<!tpu.dma_semaphore, #tpu.memory_space<semaphore_mem>>)
      } else {
      }
      %mul3A_187 = arith.constant 4 : i32
      %mul3A_188 = arith.muli %scan3A_86, %mul3A_187 : i32
      %add3A_189 = arith.constant 3 : i32
      %add3A_190 = arith.addi %mul3A_188, %add3A_189 : i32
      %add3A_191 = arith.addi %mul3A_2, %add3A_190 : i32
      %mul3A_192 = arith.constant 128 : i32
      %mul3A_193 = arith.muli %add3A_191, %mul3A_192 : i32
      %multiple_of3A_194 = tpu.assume_multiple %mul3A_193, 128 : i32
      %dma_wait3A_195 = arith.constant 0 : i32
      %dma_wait3A_196 = tpu.memref_slice %arg2[%dma_wait3A_195, %multiple_of3A_194] : memref<64x1000000xf32, #tpu.memory_space<hbm>> -> memref<64x128xf32, #tpu.memory_space<hbm>>
      %dma_wait3A_197 = arith.constant 0 : i32
      %dma_wait3A_198 = tpu.memref_slice %arg2[%dma_wait3A_197, %multiple_of3A_194] : memref<64x1000000xf32, #tpu.memory_space<hbm>> -> memref<64x128xf32, #tpu.memory_space<hbm>>
      tpu.wait_dma2 semaphore(%arg16 : memref<!tpu.dma_semaphore, #tpu.memory_space<semaphore_mem>>) src(%dma_wait3A_198 : memref<64x128xf32, #tpu.memory_space<hbm>>) dst(%arg8 : memref<64x128xf32, #tpu.memory_space<vmem>>)
      %gt3A_199 = arith.constant 0 : i32
      %gt3A_200 = arith.cmpi sgt, %scan3A_86, %gt3A_199 : i32
      %convert_element_type3A_201 = arith.extui %gt3A_200 : i1 to i32
      %cond3A_202 = arith.constant 0 : i32
      %cond3A_203 = arith.cmpi ne, %convert_element_type3A_201, %cond3A_202 : i32
      scf.if %cond3A_203 {
        %add3A_221 = arith.addi %mul3A_2, %add3A_190 : i32
        %mul3A_222 = arith.constant 64 : i32
        %mul3A_223 = arith.muli %add3A_221, %mul3A_222 : i32
        %dma_wait3A_224 = arith.constant 0 : i32
        %dma_wait3A_225 = tpu.memref_slice %arg4[%mul3A_223, %dma_wait3A_224] : memref<500000x128xf32, #tpu.memory_space<hbm>> -> memref<64x128xf32, #tpu.memory_space<hbm>>
        %dma_wait3A_226 = arith.constant 0 : i32
        %dma_wait3A_227 = tpu.memref_slice %arg4[%mul3A_223, %dma_wait3A_226] : memref<500000x128xf32, #tpu.memory_space<hbm>> -> memref<64x128xf32, #tpu.memory_space<hbm>>
        tpu.wait_dma2 semaphore(%arg20 : memref<!tpu.dma_semaphore, #tpu.memory_space<semaphore_mem>>) src(%arg12 : memref<64x128xf32, #tpu.memory_space<vmem>>) dst(%dma_wait3A_227 : memref<64x128xf32, #tpu.memory_space<hbm>>)
      } else {
      }
      %parallel_loop3A_204 = arith.constant 0 : i32
      %parallel_loop3A_205 = arith.constant 64 : i32
      %parallel_loop3A_206 = arith.constant 1 : i32
      scf.for %parallel_loop3A_221 = %parallel_loop3A_204 to %parallel_loop3A_205 step %parallel_loop3A_206  : i32 {
        %parallel_loop3A_222 = vector.broadcast %parallel_loop3A_221 : i32 to vector<16xi32>
        %parallel_loop3A_223 = arith.addi %iota3A, %parallel_loop3A_222 : vector<16xi32>
        %parallel_loop3A_224 = arith.constant 15 : i32
        %parallel_loop3A_225 = vector.broadcast %parallel_loop3A_224 : i32 to vector<16xi32>
        %parallel_loop3A_226 = arith.andi %parallel_loop3A_223, %parallel_loop3A_225 : vector<16xi32>
        %parallel_loop3A_227 = arith.constant -16 : i32
        %parallel_loop3A_228 = arith.andi %parallel_loop3A_221, %parallel_loop3A_227 : i32
        %parallel_loop3A_229 = vector.broadcast %parallel_loop3A_228 : i32 to vector<16xi32>
        %parallel_loop3A_230 = arith.addi %parallel_loop3A_226, %parallel_loop3A_229 : vector<16xi32>
        %parallel_loop3A_231 = arith.addi %mul3A_9, %parallel_loop3A_230 : vector<16xi32>
        %parallel_loop3A_232 = arith.constant 0 : i32
        %parallel_loop3A_233 = vector.broadcast %parallel_loop3A_232 : i32 to vector<16xi32>
        %parallel_loop3A_234 = arith.addi %iota3A, %parallel_loop3A_233 : vector<16xi32>
        %parallel_loop3A_235 = tpu.vector_load_idx %arg8[%parallel_loop3A_230, %parallel_loop3A_234] : memref<64x128xf32, #tpu.memory_space<vmem>>[vector<16xi32>, vector<16xi32>], vector<16xf32>,
        %parallel_loop3A_236 = arith.constant 0 : i32
        %parallel_loop3A_237 = vector.broadcast %parallel_loop3A_236 : i32 to vector<16xi32>
        %parallel_loop3A_238 = arith.addi %shift_right_logical3A_4, %parallel_loop3A_237 : vector<16xi32>
        tpu.vector_store_idx %arg12[%parallel_loop3A_238, %parallel_loop3A_231], %parallel_loop3A_235 : memref<64x128xf32, #tpu.memory_space<vmem>>[vector<16xi32>, vector<16xi32>], vector<16xf32>,
        %parallel_loop3A_239 = arith.constant 16 : i32
        %parallel_loop3A_240 = vector.broadcast %parallel_loop3A_239 : i32 to vector<16xi32>
        %parallel_loop3A_241 = arith.addi %iota3A, %parallel_loop3A_240 : vector<16xi32>
        %parallel_loop3A_242 = tpu.vector_load_idx %arg8[%parallel_loop3A_230, %parallel_loop3A_241] : memref<64x128xf32, #tpu.memory_space<vmem>>[vector<16xi32>, vector<16xi32>], vector<16xf32>,
        %parallel_loop3A_243 = arith.constant 8 : i32
        %parallel_loop3A_244 = vector.broadcast %parallel_loop3A_243 : i32 to vector<16xi32>
        %parallel_loop3A_245 = arith.addi %shift_right_logical3A_4, %parallel_loop3A_244 : vector<16xi32>
        tpu.vector_store_idx %arg12[%parallel_loop3A_245, %parallel_loop3A_231], %parallel_loop3A_242 : memref<64x128xf32, #tpu.memory_space<vmem>>[vector<16xi32>, vector<16xi32>], vector<16xf32>,
        %parallel_loop3A_246 = arith.constant 32 : i32
        %parallel_loop3A_247 = vector.broadcast %parallel_loop3A_246 : i32 to vector<16xi32>
        %parallel_loop3A_248 = arith.addi %iota3A, %parallel_loop3A_247 : vector<16xi32>
        %parallel_loop3A_249 = tpu.vector_load_idx %arg8[%parallel_loop3A_230, %parallel_loop3A_248] : memref<64x128xf32, #tpu.memory_space<vmem>>[vector<16xi32>, vector<16xi32>], vector<16xf32>,
        %parallel_loop3A_250 = arith.constant 16 : i32
        %parallel_loop3A_251 = vector.broadcast %parallel_loop3A_250 : i32 to vector<16xi32>
        %parallel_loop3A_252 = arith.addi %shift_right_logical3A_4, %parallel_loop3A_251 : vector<16xi32>
        tpu.vector_store_idx %arg12[%parallel_loop3A_252, %parallel_loop3A_231], %parallel_loop3A_249 : memref<64x128xf32, #tpu.memory_space<vmem>>[vector<16xi32>, vector<16xi32>], vector<16xf32>,
        %parallel_loop3A_253 = arith.constant 48 : i32
        %parallel_loop3A_254 = vector.broadcast %parallel_loop3A_253 : i32 to vector<16xi32>
        %parallel_loop3A_255 = arith.addi %iota3A, %parallel_loop3A_254 : vector<16xi32>
        %parallel_loop3A_256 = tpu.vector_load_idx %arg8[%parallel_loop3A_230, %parallel_loop3A_255] : memref<64x128xf32, #tpu.memory_space<vmem>>[vector<16xi32>, vector<16xi32>], vector<16xf32>,
        %parallel_loop3A_257 = arith.constant 24 : i32
        %parallel_loop3A_258 = vector.broadcast %parallel_loop3A_257 : i32 to vector<16xi32>
        %parallel_loop3A_259 = arith.addi %shift_right_logical3A_4, %parallel_loop3A_258 : vector<16xi32>
        tpu.vector_store_idx %arg12[%parallel_loop3A_259, %parallel_loop3A_231], %parallel_loop3A_256 : memref<64x128xf32, #tpu.memory_space<vmem>>[vector<16xi32>, vector<16xi32>], vector<16xf32>,
        %parallel_loop3A_260 = arith.constant 64 : i32
        %parallel_loop3A_261 = vector.broadcast %parallel_loop3A_260 : i32 to vector<16xi32>
        %parallel_loop3A_262 = arith.addi %iota3A, %parallel_loop3A_261 : vector<16xi32>
        %parallel_loop3A_263 = tpu.vector_load_idx %arg8[%parallel_loop3A_230, %parallel_loop3A_262] : memref<64x128xf32, #tpu.memory_space<vmem>>[vector<16xi32>, vector<16xi32>], vector<16xf32>,
        %parallel_loop3A_264 = arith.constant 32 : i32
        %parallel_loop3A_265 = vector.broadcast %parallel_loop3A_264 : i32 to vector<16xi32>
        %parallel_loop3A_266 = arith.addi %shift_right_logical3A_4, %parallel_loop3A_265 : vector<16xi32>
        tpu.vector_store_idx %arg12[%parallel_loop3A_266, %parallel_loop3A_231], %parallel_loop3A_263 : memref<64x128xf32, #tpu.memory_space<vmem>>[vector<16xi32>, vector<16xi32>], vector<16xf32>,
        %parallel_loop3A_267 = arith.constant 80 : i32
        %parallel_loop3A_268 = vector.broadcast %parallel_loop3A_267 : i32 to vector<16xi32>
        %parallel_loop3A_269 = arith.addi %iota3A, %parallel_loop3A_268 : vector<16xi32>
        %parallel_loop3A_270 = tpu.vector_load_idx %arg8[%parallel_loop3A_230, %parallel_loop3A_269] : memref<64x128xf32, #tpu.memory_space<vmem>>[vector<16xi32>, vector<16xi32>], vector<16xf32>,
        %parallel_loop3A_271 = arith.constant 40 : i32
        %parallel_loop3A_272 = vector.broadcast %parallel_loop3A_271 : i32 to vector<16xi32>
        %parallel_loop3A_273 = arith.addi %shift_right_logical3A_4, %parallel_loop3A_272 : vector<16xi32>
        tpu.vector_store_idx %arg12[%parallel_loop3A_273, %parallel_loop3A_231], %parallel_loop3A_270 : memref<64x128xf32, #tpu.memory_space<vmem>>[vector<16xi32>, vector<16xi32>], vector<16xf32>,
        %parallel_loop3A_274 = arith.constant 96 : i32
        %parallel_loop3A_275 = vector.broadcast %parallel_loop3A_274 : i32 to vector<16xi32>
        %parallel_loop3A_276 = arith.addi %iota3A, %parallel_loop3A_275 : vector<16xi32>
        %parallel_loop3A_277 = tpu.vector_load_idx %arg8[%parallel_loop3A_230, %parallel_loop3A_276] : memref<64x128xf32, #tpu.memory_space<vmem>>[vector<16xi32>, vector<16xi32>], vector<16xf32>,
        %parallel_loop3A_278 = arith.constant 48 : i32
        %parallel_loop3A_279 = vector.broadcast %parallel_loop3A_278 : i32 to vector<16xi32>
        %parallel_loop3A_280 = arith.addi %shift_right_logical3A_4, %parallel_loop3A_279 : vector<16xi32>
        tpu.vector_store_idx %arg12[%parallel_loop3A_280, %parallel_loop3A_231], %parallel_loop3A_277 : memref<64x128xf32, #tpu.memory_space<vmem>>[vector<16xi32>, vector<16xi32>], vector<16xf32>,
        %parallel_loop3A_281 = arith.constant 112 : i32
        %parallel_loop3A_282 = vector.broadcast %parallel_loop3A_281 : i32 to vector<16xi32>
        %parallel_loop3A_283 = arith.addi %iota3A, %parallel_loop3A_282 : vector<16xi32>
        %parallel_loop3A_284 = tpu.vector_load_idx %arg8[%parallel_loop3A_230, %parallel_loop3A_283] : memref<64x128xf32, #tpu.memory_space<vmem>>[vector<16xi32>, vector<16xi32>], vector<16xf32>,
        %parallel_loop3A_285 = arith.constant 56 : i32
        %parallel_loop3A_286 = vector.broadcast %parallel_loop3A_285 : i32 to vector<16xi32>
        %parallel_loop3A_287 = arith.addi %shift_right_logical3A_4, %parallel_loop3A_286 : vector<16xi32>
        tpu.vector_store_idx %arg12[%parallel_loop3A_287, %parallel_loop3A_231], %parallel_loop3A_284 : memref<64x128xf32, #tpu.memory_space<vmem>>[vector<16xi32>, vector<16xi32>], vector<16xf32>,
      } {sc.loop_unroll_factor = 4 : i64, sc.parallel_access}
      %add3A_207 = arith.addi %mul3A_2, %add3A_190 : i32
      %mul3A_208 = arith.constant 64 : i32
      %mul3A_209 = arith.muli %add3A_207, %mul3A_208 : i32
      %dma_start3A_210 = arith.constant 0 : i32
      %dma_start3A_211 = tpu.memref_slice %arg4[%mul3A_209, %dma_start3A_210] : memref<500000x128xf32, #tpu.memory_space<hbm>> -> memref<64x128xf32, #tpu.memory_space<hbm>>
      %dma_start3A_212 = arith.constant 0 : i32
      %dma_start3A_213 = tpu.memref_slice %arg4[%mul3A_209, %dma_start3A_212] : memref<500000x128xf32, #tpu.memory_space<hbm>> -> memref<64x128xf32, #tpu.memory_space<hbm>>
      tpu.enqueue_dma source(%arg12 : memref<64x128xf32, #tpu.memory_space<vmem>>) target(%dma_start3A_213 : memref<64x128xf32, #tpu.memory_space<hbm>>) target_semaphore(%arg20 : memref<!tpu.dma_semaphore, #tpu.memory_space<semaphore_mem>>)
      %add3A_214 = arith.constant 4 : i32
      %add3A_215 = arith.addi %add3A_190, %add3A_214 : i32
      %lt3A_216 = arith.constant 244 : i32
      %lt3A_217 = arith.cmpi slt, %add3A_215, %lt3A_216 : i32
      %convert_element_type3A_218 = arith.extui %lt3A_217 : i1 to i32
      %cond3A_219 = arith.constant 0 : i32
      %cond3A_220 = arith.cmpi ne, %convert_element_type3A_218, %cond3A_219 : i32
      scf.if %cond3A_220 {
        %add3A_221 = arith.constant 4 : i32
        %add3A_222 = arith.addi %add3A_190, %add3A_221 : i32
        %add3A_223 = arith.addi %mul3A_2, %add3A_222 : i32
        %mul3A_224 = arith.constant 128 : i32
        %mul3A_225 = arith.muli %add3A_223, %mul3A_224 : i32
        %multiple_of3A_226 = tpu.assume_multiple %mul3A_225, 128 : i32
        %dma_start3A_227 = arith.constant 0 : i32
        %dma_start3A_228 = tpu.memref_slice %arg2[%dma_start3A_227, %multiple_of3A_226] : memref<64x1000000xf32, #tpu.memory_space<hbm>> -> memref<64x128xf32, #tpu.memory_space<hbm>>
        %dma_start3A_229 = arith.constant 0 : i32
        %dma_start3A_230 = tpu.memref_slice %arg2[%dma_start3A_229, %multiple_of3A_226] : memref<64x1000000xf32, #tpu.memory_space<hbm>> -> memref<64x128xf32, #tpu.memory_space<hbm>>
        tpu.enqueue_dma source(%dma_start3A_230 : memref<64x128xf32, #tpu.memory_space<hbm>>) target(%arg8 : memref<64x128xf32, #tpu.memory_space<vmem>>) target_semaphore(%arg16 : memref<!tpu.dma_semaphore, #tpu.memory_space<semaphore_mem>>)
      } else {
      }
    }
    %scan3A_48 = arith.constant 61 : i32
    %add3A_49 = arith.constant 240 : i32
    %add3A_50 = arith.addi %mul3A_2, %add3A_49 : i32
    %mul3A_51 = arith.constant 64 : i32
    %mul3A_52 = arith.muli %add3A_50, %mul3A_51 : i32
    %dma_wait3A = arith.constant 0 : i32
    %dma_wait3A_53 = tpu.memref_slice %arg4[%mul3A_52, %dma_wait3A] : memref<500000x128xf32, #tpu.memory_space<hbm>> -> memref<64x128xf32, #tpu.memory_space<hbm>>
    %dma_wait3A_54 = arith.constant 0 : i32
    %dma_wait3A_55 = tpu.memref_slice %arg4[%mul3A_52, %dma_wait3A_54] : memref<500000x128xf32, #tpu.memory_space<hbm>> -> memref<64x128xf32, #tpu.memory_space<hbm>>
    tpu.wait_dma2 semaphore(%arg17 : memref<!tpu.dma_semaphore, #tpu.memory_space<semaphore_mem>>) src(%arg9 : memref<64x128xf32, #tpu.memory_space<vmem>>) dst(%dma_wait3A_55 : memref<64x128xf32, #tpu.memory_space<hbm>>)
    %add3A_56 = arith.constant 241 : i32
    %add3A_57 = arith.addi %mul3A_2, %add3A_56 : i32
    %mul3A_58 = arith.constant 64 : i32
    %mul3A_59 = arith.muli %add3A_57, %mul3A_58 : i32
    %dma_wait3A_60 = arith.constant 0 : i32
    %dma_wait3A_61 = tpu.memref_slice %arg4[%mul3A_59, %dma_wait3A_60] : memref<500000x128xf32, #tpu.memory_space<hbm>> -> memref<64x128xf32, #tpu.memory_space<hbm>>
    %dma_wait3A_62 = arith.constant 0 : i32
    %dma_wait3A_63 = tpu.memref_slice %arg4[%mul3A_59, %dma_wait3A_62] : memref<500000x128xf32, #tpu.memory_space<hbm>> -> memref<64x128xf32, #tpu.memory_space<hbm>>
    tpu.wait_dma2 semaphore(%arg18 : memref<!tpu.dma_semaphore, #tpu.memory_space<semaphore_mem>>) src(%arg10 : memref<64x128xf32, #tpu.memory_space<vmem>>) dst(%dma_wait3A_63 : memref<64x128xf32, #tpu.memory_space<hbm>>)
    %add3A_64 = arith.constant 242 : i32
    %add3A_65 = arith.addi %mul3A_2, %add3A_64 : i32
    %mul3A_66 = arith.constant 64 : i32
    %mul3A_67 = arith.muli %add3A_65, %mul3A_66 : i32
    %dma_wait3A_68 = arith.constant 0 : i32
    %dma_wait3A_69 = tpu.memref_slice %arg4[%mul3A_67, %dma_wait3A_68] : memref<500000x128xf32, #tpu.memory_space<hbm>> -> memref<64x128xf32, #tpu.memory_space<hbm>>
    %dma_wait3A_70 = arith.constant 0 : i32
    %dma_wait3A_71 = tpu.memref_slice %arg4[%mul3A_67, %dma_wait3A_70] : memref<500000x128xf32, #tpu.memory_space<hbm>> -> memref<64x128xf32, #tpu.memory_space<hbm>>
    tpu.wait_dma2 semaphore(%arg19 : memref<!tpu.dma_semaphore, #tpu.memory_space<semaphore_mem>>) src(%arg11 : memref<64x128xf32, #tpu.memory_space<vmem>>) dst(%dma_wait3A_71 : memref<64x128xf32, #tpu.memory_space<hbm>>)
    %add3A_72 = arith.constant 243 : i32
    %add3A_73 = arith.addi %mul3A_2, %add3A_72 : i32
    %mul3A_74 = arith.constant 64 : i32
    %mul3A_75 = arith.muli %add3A_73, %mul3A_74 : i32
    %dma_wait3A_76 = arith.constant 0 : i32
    %dma_wait3A_77 = tpu.memref_slice %arg4[%mul3A_75, %dma_wait3A_76] : memref<500000x128xf32, #tpu.memory_space<hbm>> -> memref<64x128xf32, #tpu.memory_space<hbm>>
    %dma_wait3A_78 = arith.constant 0 : i32
    %dma_wait3A_79 = tpu.memref_slice %arg4[%mul3A_75, %dma_wait3A_78] : memref<500000x128xf32, #tpu.memory_space<hbm>> -> memref<64x128xf32, #tpu.memory_space<hbm>>
    tpu.wait_dma2 semaphore(%arg20 : memref<!tpu.dma_semaphore, #tpu.memory_space<semaphore_mem>>) src(%arg12 : memref<64x128xf32, #tpu.memory_space<vmem>>) dst(%dma_wait3A_79 : memref<64x128xf32, #tpu.memory_space<hbm>>)
    %lt3A = arith.constant 4 : i32
    %lt3A_80 = arith.cmpi slt, %add3A, %lt3A : i32
    %convert_element_type3A = arith.extui %lt3A_80 : i1 to i32
    %cond3A = arith.constant 0 : i32
    %cond3A_81 = arith.cmpi ne, %convert_element_type3A, %cond3A : i32
    scf.if %cond3A_81 {
      %add3A_86 = arith.constant 7808 : i32
      %add3A_87 = arith.addi %add3A_86, %add3A : i32
      %mul3A_88 = arith.constant 128 : i32
      %mul3A_89 = arith.muli %add3A_87, %mul3A_88 : i32
      "tpu.region"() ({
        %run_scoped3A = tpu.sem_alloc : memref<!tpu.dma_semaphore, #tpu.memory_space<semaphore_mem>>
        %dma_start3A_94 = arith.constant 0 : i32
        %dma_start3A_95 = tpu.memref_slice %arg2[%dma_start3A_94, %mul3A_89] : memref<64x1000000xf32, #tpu.memory_space<hbm>> -> memref<64x128xf32, #tpu.memory_space<hbm>>
        %dma_start3A_96 = arith.constant 0 : i32
        %dma_start3A_97 = tpu.memref_slice %arg2[%dma_start3A_96, %mul3A_89] : memref<64x1000000xf32, #tpu.memory_space<hbm>> -> memref<64x128xf32, #tpu.memory_space<hbm>>
        tpu.enqueue_dma source(%dma_start3A_97 : memref<64x128xf32, #tpu.memory_space<hbm>>) target(%arg5 : memref<64x128xf32, #tpu.memory_space<vmem>>) target_semaphore(%run_scoped3A : memref<!tpu.dma_semaphore, #tpu.memory_space<semaphore_mem>>)
        %dma_wait3A_98 = arith.constant 0 : i32
        %dma_wait3A_99 = tpu.memref_slice %arg2[%dma_wait3A_98, %mul3A_89] : memref<64x1000000xf32, #tpu.memory_space<hbm>> -> memref<64x128xf32, #tpu.memory_space<hbm>>
        %dma_wait3A_100 = arith.constant 0 : i32
        %dma_wait3A_101 = tpu.memref_slice %arg2[%dma_wait3A_100, %mul3A_89] : memref<64x1000000xf32, #tpu.memory_space<hbm>> -> memref<64x128xf32, #tpu.memory_space<hbm>>
        tpu.wait_dma2 semaphore(%run_scoped3A : memref<!tpu.dma_semaphore, #tpu.memory_space<semaphore_mem>>) src(%dma_wait3A_101 : memref<64x128xf32, #tpu.memory_space<hbm>>) dst(%arg5 : memref<64x128xf32, #tpu.memory_space<vmem>>)
        tpu.yield
      }) : () -> ()
      %parallel_loop3A = arith.constant 0 : i32
      %parallel_loop3A_90 = arith.constant 64 : i32
      %parallel_loop3A_91 = arith.constant 1 : i32
      scf.for %parallel_loop3A_94 = %parallel_loop3A to %parallel_loop3A_90 step %parallel_loop3A_91  : i32 {
        %parallel_loop3A_95 = vector.broadcast %parallel_loop3A_94 : i32 to vector<16xi32>
        %parallel_loop3A_96 = arith.addi %iota3A, %parallel_loop3A_95 : vector<16xi32>
        %parallel_loop3A_97 = arith.constant 15 : i32
        %parallel_loop3A_98 = vector.broadcast %parallel_loop3A_97 : i32 to vector<16xi32>
        %parallel_loop3A_99 = arith.andi %parallel_loop3A_96, %parallel_loop3A_98 : vector<16xi32>
        %parallel_loop3A_100 = arith.constant -16 : i32
        %parallel_loop3A_101 = arith.andi %parallel_loop3A_94, %parallel_loop3A_100 : i32
        %parallel_loop3A_102 = vector.broadcast %parallel_loop3A_101 : i32 to vector<16xi32>
        %parallel_loop3A_103 = arith.addi %parallel_loop3A_99, %parallel_loop3A_102 : vector<16xi32>
        %parallel_loop3A_104 = arith.addi %mul3A_9, %parallel_loop3A_103 : vector<16xi32>
        %parallel_loop3A_105 = arith.constant 0 : i32
        %parallel_loop3A_106 = vector.broadcast %parallel_loop3A_105 : i32 to vector<16xi32>
        %parallel_loop3A_107 = arith.addi %iota3A, %parallel_loop3A_106 : vector<16xi32>
        %parallel_loop3A_108 = tpu.vector_load_idx %arg5[%parallel_loop3A_103, %parallel_loop3A_107] : memref<64x128xf32, #tpu.memory_space<vmem>>[vector<16xi32>, vector<16xi32>], vector<16xf32>,
        %parallel_loop3A_109 = arith.constant 0 : i32
        %parallel_loop3A_110 = vector.broadcast %parallel_loop3A_109 : i32 to vector<16xi32>
        %parallel_loop3A_111 = arith.addi %shift_right_logical3A_4, %parallel_loop3A_110 : vector<16xi32>
        tpu.vector_store_idx %arg9[%parallel_loop3A_111, %parallel_loop3A_104], %parallel_loop3A_108 : memref<64x128xf32, #tpu.memory_space<vmem>>[vector<16xi32>, vector<16xi32>], vector<16xf32>,
        %parallel_loop3A_112 = arith.constant 16 : i32
        %parallel_loop3A_113 = vector.broadcast %parallel_loop3A_112 : i32 to vector<16xi32>
        %parallel_loop3A_114 = arith.addi %iota3A, %parallel_loop3A_113 : vector<16xi32>
        %parallel_loop3A_115 = tpu.vector_load_idx %arg5[%parallel_loop3A_103, %parallel_loop3A_114] : memref<64x128xf32, #tpu.memory_space<vmem>>[vector<16xi32>, vector<16xi32>], vector<16xf32>,
        %parallel_loop3A_116 = arith.constant 8 : i32
        %parallel_loop3A_117 = vector.broadcast %parallel_loop3A_116 : i32 to vector<16xi32>
        %parallel_loop3A_118 = arith.addi %shift_right_logical3A_4, %parallel_loop3A_117 : vector<16xi32>
        tpu.vector_store_idx %arg9[%parallel_loop3A_118, %parallel_loop3A_104], %parallel_loop3A_115 : memref<64x128xf32, #tpu.memory_space<vmem>>[vector<16xi32>, vector<16xi32>], vector<16xf32>,
        %parallel_loop3A_119 = arith.constant 32 : i32
        %parallel_loop3A_120 = vector.broadcast %parallel_loop3A_119 : i32 to vector<16xi32>
        %parallel_loop3A_121 = arith.addi %iota3A, %parallel_loop3A_120 : vector<16xi32>
        %parallel_loop3A_122 = tpu.vector_load_idx %arg5[%parallel_loop3A_103, %parallel_loop3A_121] : memref<64x128xf32, #tpu.memory_space<vmem>>[vector<16xi32>, vector<16xi32>], vector<16xf32>,
        %parallel_loop3A_123 = arith.constant 16 : i32
        %parallel_loop3A_124 = vector.broadcast %parallel_loop3A_123 : i32 to vector<16xi32>
        %parallel_loop3A_125 = arith.addi %shift_right_logical3A_4, %parallel_loop3A_124 : vector<16xi32>
        tpu.vector_store_idx %arg9[%parallel_loop3A_125, %parallel_loop3A_104], %parallel_loop3A_122 : memref<64x128xf32, #tpu.memory_space<vmem>>[vector<16xi32>, vector<16xi32>], vector<16xf32>,
        %parallel_loop3A_126 = arith.constant 48 : i32
        %parallel_loop3A_127 = vector.broadcast %parallel_loop3A_126 : i32 to vector<16xi32>
        %parallel_loop3A_128 = arith.addi %iota3A, %parallel_loop3A_127 : vector<16xi32>
        %parallel_loop3A_129 = tpu.vector_load_idx %arg5[%parallel_loop3A_103, %parallel_loop3A_128] : memref<64x128xf32, #tpu.memory_space<vmem>>[vector<16xi32>, vector<16xi32>], vector<16xf32>,
        %parallel_loop3A_130 = arith.constant 24 : i32
        %parallel_loop3A_131 = vector.broadcast %parallel_loop3A_130 : i32 to vector<16xi32>
        %parallel_loop3A_132 = arith.addi %shift_right_logical3A_4, %parallel_loop3A_131 : vector<16xi32>
        tpu.vector_store_idx %arg9[%parallel_loop3A_132, %parallel_loop3A_104], %parallel_loop3A_129 : memref<64x128xf32, #tpu.memory_space<vmem>>[vector<16xi32>, vector<16xi32>], vector<16xf32>,
        %parallel_loop3A_133 = arith.constant 64 : i32
        %parallel_loop3A_134 = vector.broadcast %parallel_loop3A_133 : i32 to vector<16xi32>
        %parallel_loop3A_135 = arith.addi %iota3A, %parallel_loop3A_134 : vector<16xi32>
        %parallel_loop3A_136 = tpu.vector_load_idx %arg5[%parallel_loop3A_103, %parallel_loop3A_135] : memref<64x128xf32, #tpu.memory_space<vmem>>[vector<16xi32>, vector<16xi32>], vector<16xf32>,
        %parallel_loop3A_137 = arith.constant 32 : i32
        %parallel_loop3A_138 = vector.broadcast %parallel_loop3A_137 : i32 to vector<16xi32>
        %parallel_loop3A_139 = arith.addi %shift_right_logical3A_4, %parallel_loop3A_138 : vector<16xi32>
        tpu.vector_store_idx %arg9[%parallel_loop3A_139, %parallel_loop3A_104], %parallel_loop3A_136 : memref<64x128xf32, #tpu.memory_space<vmem>>[vector<16xi32>, vector<16xi32>], vector<16xf32>,
        %parallel_loop3A_140 = arith.constant 80 : i32
        %parallel_loop3A_141 = vector.broadcast %parallel_loop3A_140 : i32 to vector<16xi32>
        %parallel_loop3A_142 = arith.addi %iota3A, %parallel_loop3A_141 : vector<16xi32>
        %parallel_loop3A_143 = tpu.vector_load_idx %arg5[%parallel_loop3A_103, %parallel_loop3A_142] : memref<64x128xf32, #tpu.memory_space<vmem>>[vector<16xi32>, vector<16xi32>], vector<16xf32>,
        %parallel_loop3A_144 = arith.constant 40 : i32
        %parallel_loop3A_145 = vector.broadcast %parallel_loop3A_144 : i32 to vector<16xi32>
        %parallel_loop3A_146 = arith.addi %shift_right_logical3A_4, %parallel_loop3A_145 : vector<16xi32>
        tpu.vector_store_idx %arg9[%parallel_loop3A_146, %parallel_loop3A_104], %parallel_loop3A_143 : memref<64x128xf32, #tpu.memory_space<vmem>>[vector<16xi32>, vector<16xi32>], vector<16xf32>,
        %parallel_loop3A_147 = arith.constant 96 : i32
        %parallel_loop3A_148 = vector.broadcast %parallel_loop3A_147 : i32 to vector<16xi32>
        %parallel_loop3A_149 = arith.addi %iota3A, %parallel_loop3A_148 : vector<16xi32>
        %parallel_loop3A_150 = tpu.vector_load_idx %arg5[%parallel_loop3A_103, %parallel_loop3A_149] : memref<64x128xf32, #tpu.memory_space<vmem>>[vector<16xi32>, vector<16xi32>], vector<16xf32>,
        %parallel_loop3A_151 = arith.constant 48 : i32
        %parallel_loop3A_152 = vector.broadcast %parallel_loop3A_151 : i32 to vector<16xi32>
        %parallel_loop3A_153 = arith.addi %shift_right_logical3A_4, %parallel_loop3A_152 : vector<16xi32>
        tpu.vector_store_idx %arg9[%parallel_loop3A_153, %parallel_loop3A_104], %parallel_loop3A_150 : memref<64x128xf32, #tpu.memory_space<vmem>>[vector<16xi32>, vector<16xi32>], vector<16xf32>,
        %parallel_loop3A_154 = arith.constant 112 : i32
        %parallel_loop3A_155 = vector.broadcast %parallel_loop3A_154 : i32 to vector<16xi32>
        %parallel_loop3A_156 = arith.addi %iota3A, %parallel_loop3A_155 : vector<16xi32>
        %parallel_loop3A_157 = tpu.vector_load_idx %arg5[%parallel_loop3A_103, %parallel_loop3A_156] : memref<64x128xf32, #tpu.memory_space<vmem>>[vector<16xi32>, vector<16xi32>], vector<16xf32>,
        %parallel_loop3A_158 = arith.constant 56 : i32
        %parallel_loop3A_159 = vector.broadcast %parallel_loop3A_158 : i32 to vector<16xi32>
        %parallel_loop3A_160 = arith.addi %shift_right_logical3A_4, %parallel_loop3A_159 : vector<16xi32>
        tpu.vector_store_idx %arg9[%parallel_loop3A_160, %parallel_loop3A_104], %parallel_loop3A_157 : memref<64x128xf32, #tpu.memory_space<vmem>>[vector<16xi32>, vector<16xi32>], vector<16xf32>,
      } {sc.loop_unroll_factor = 4 : i64, sc.parallel_access}
      %mul3A_92 = arith.constant 64 : i32
      %mul3A_93 = arith.muli %add3A_87, %mul3A_92 : i32
      "tpu.region"() ({
        %run_scoped3A = tpu.sem_alloc : memref<!tpu.dma_semaphore, #tpu.memory_space<semaphore_mem>>
        %dma_start3A_94 = arith.constant 0 : i32
        %dma_start3A_95 = tpu.memref_slice %arg4[%mul3A_93, %dma_start3A_94] : memref<500000x128xf32, #tpu.memory_space<hbm>> -> memref<64x128xf32, #tpu.memory_space<hbm>>
        %dma_start3A_96 = arith.constant 0 : i32
        %dma_start3A_97 = tpu.memref_slice %arg4[%mul3A_93, %dma_start3A_96] : memref<500000x128xf32, #tpu.memory_space<hbm>> -> memref<64x128xf32, #tpu.memory_space<hbm>>
        tpu.enqueue_dma source(%arg9 : memref<64x128xf32, #tpu.memory_space<vmem>>) target(%dma_start3A_97 : memref<64x128xf32, #tpu.memory_space<hbm>>) target_semaphore(%run_scoped3A : memref<!tpu.dma_semaphore, #tpu.memory_space<semaphore_mem>>)
        %dma_wait3A_98 = arith.constant 0 : i32
        %dma_wait3A_99 = tpu.memref_slice %arg4[%mul3A_93, %dma_wait3A_98] : memref<500000x128xf32, #tpu.memory_space<hbm>> -> memref<64x128xf32, #tpu.memory_space<hbm>>
        %dma_wait3A_100 = arith.constant 0 : i32
        %dma_wait3A_101 = tpu.memref_slice %arg4[%mul3A_93, %dma_wait3A_100] : memref<500000x128xf32, #tpu.memory_space<hbm>> -> memref<64x128xf32, #tpu.memory_space<hbm>>
        tpu.wait_dma2 semaphore(%run_scoped3A : memref<!tpu.dma_semaphore, #tpu.memory_space<semaphore_mem>>) src(%arg9 : memref<64x128xf32, #tpu.memory_space<vmem>>) dst(%dma_wait3A_101 : memref<64x128xf32, #tpu.memory_space<hbm>>)
        tpu.yield
      }) : () -> ()
    } else {
    }
    %eq3A = arith.constant 4 : i32
    %eq3A_82 = arith.cmpi eq, %add3A, %eq3A : i32
    %convert_element_type3A_83 = arith.extui %eq3A_82 : i1 to i32
    %cond3A_84 = arith.constant 0 : i32
    %cond3A_85 = arith.cmpi ne, %convert_element_type3A_83, %cond3A_84 : i32
    scf.if %cond3A_85 {
      "tpu.region"() ({
        %run_scoped3A = tpu.sem_alloc : memref<!tpu.dma_semaphore, #tpu.memory_space<semaphore_mem>>
        %dma_start3A_86 = arith.constant 499968 : i32
        %dma_start3A_87 = arith.constant 0 : i32
        %dma_start3A_88 = tpu.memref_slice %arg4[%dma_start3A_86, %dma_start3A_87] : memref<500000x128xf32, #tpu.memory_space<hbm>> -> memref<32x128xf32, #tpu.memory_space<hbm>>
        %dma_start3A_89 = arith.constant 32 : i32
        %dma_start3A_90 = arith.constant 0 : i32
        %dma_start3A_91 = tpu.memref_slice %arg3[%dma_start3A_89, %dma_start3A_90] : memref<64x128xf32, #tpu.memory_space<hbm>> -> memref<32x128xf32, #tpu.memory_space<hbm>>
        tpu.enqueue_dma source(%dma_start3A_91 : memref<32x128xf32, #tpu.memory_space<hbm>>) target(%dma_start3A_88 : memref<32x128xf32, #tpu.memory_space<hbm>>) target_semaphore(%run_scoped3A : memref<!tpu.dma_semaphore, #tpu.memory_space<semaphore_mem>>)
        %dma_wait3A_92 = arith.constant 499968 : i32
        %dma_wait3A_93 = arith.constant 0 : i32
        %dma_wait3A_94 = tpu.memref_slice %arg4[%dma_wait3A_92, %dma_wait3A_93] : memref<500000x128xf32, #tpu.memory_space<hbm>> -> memref<32x128xf32, #tpu.memory_space<hbm>>
        %dma_wait3A_95 = arith.constant 32 : i32
        %dma_wait3A_96 = arith.constant 0 : i32
        %dma_wait3A_97 = tpu.memref_slice %arg3[%dma_wait3A_95, %dma_wait3A_96] : memref<64x128xf32, #tpu.memory_space<hbm>> -> memref<32x128xf32, #tpu.memory_space<hbm>>
        tpu.wait_dma2 semaphore(%run_scoped3A : memref<!tpu.dma_semaphore, #tpu.memory_space<semaphore_mem>>) src(%dma_wait3A_97 : memref<32x128xf32, #tpu.memory_space<hbm>>) dst(%dma_wait3A_94 : memref<32x128xf32, #tpu.memory_space<hbm>>)
        tpu.yield
      }) : () -> ()
    } else {
    }
    return
  }
}

#map = affine_map<(d0, d1) -> (0, 0)>
#map1 = affine_map<(d0, d1) -> (0)>
#map2 = affine_map<(d0, d1) -> (0, 0, 0)>
module attributes {stable_mosaic.version = 14 : i64} {
  func.func @_gather_kernel(%arg0: i32, %arg1: i32, %arg2: memref<500000x128xf32, #tpu.memory_space<hbm>>, %arg3: memref<200x4096xi32, #tpu.memory_space<hbm>>, %arg4: memref<12800xf32, #tpu.memory_space<hbm>>, %arg5: memref<200x64x4096xf32, #tpu.memory_space<hbm>>, %arg6: memref<200x128xi32, #tpu.memory_space<vmem>>, %arg7: memref<12800xf32, #tpu.memory_space<vmem>>, %arg8: memref<128xi32, #tpu.memory_space<vmem>>, %arg9: memref<128xi32, #tpu.memory_space<vmem>>, %arg10: memref<128x128xf32, #tpu.memory_space<vmem>>, %arg11: memref<128x128xf32, #tpu.memory_space<vmem>>, %arg12: memref<64x128xf32, #tpu.memory_space<vmem>>, %arg13: memref<64x128xf32, #tpu.memory_space<vmem>>, %arg14: memref<!tpu.dma_semaphore, #tpu.memory_space<semaphore_mem>>, %arg15: memref<!tpu.dma_semaphore, #tpu.memory_space<semaphore_mem>>, %arg16: memref<!tpu.dma_semaphore, #tpu.memory_space<semaphore_mem>>, %arg17: memref<!tpu.dma_semaphore, #tpu.memory_space<semaphore_mem>>) attributes {dimension_semantics = [#tpu.dimension_semantics<core_parallel>, #tpu.dimension_semantics<subcore_parallel>], iteration_bounds = array<i64: 2, 16>, scalar_prefetch = 0 : i64, scratch_operands = 12 : i64, tpu.core_type = #tpu.core_type<sc_vector_subcore>, window_params = [{transform_indices = #map}, {transform_indices = #map}, {transform_indices = #map1}, {transform_indices = #map2}]} {
    %mul3A = arith.constant 2 : i32
    %mul3A_0 = arith.muli %arg1, %mul3A : i32
    %add3A = arith.addi %mul3A_0, %arg0 : i32
    %mul3A_1 = arith.constant 128 : i32
    %mul3A_2 = arith.muli %add3A, %mul3A_1 : i32
    "tpu.region"() ({
      %run_scoped3A = tpu.sem_alloc : memref<!tpu.dma_semaphore, #tpu.memory_space<semaphore_mem>>
      %dma_start3A_167 = arith.constant 0 : i32
      %dma_start3A_168 = tpu.memref_slice %arg3[%dma_start3A_167, %mul3A_2] : memref<200x4096xi32, #tpu.memory_space<hbm>> -> memref<200x128xi32, #tpu.memory_space<hbm>>
      %dma_start3A_169 = arith.constant 0 : i32
      %dma_start3A_170 = tpu.memref_slice %arg3[%dma_start3A_169, %mul3A_2] : memref<200x4096xi32, #tpu.memory_space<hbm>> -> memref<200x128xi32, #tpu.memory_space<hbm>>
      tpu.enqueue_dma source(%dma_start3A_170 : memref<200x128xi32, #tpu.memory_space<hbm>>) target(%arg6 : memref<200x128xi32, #tpu.memory_space<vmem>>) target_semaphore(%run_scoped3A : memref<!tpu.dma_semaphore, #tpu.memory_space<semaphore_mem>>)
      %dma_wait3A_171 = arith.constant 0 : i32
      %dma_wait3A_172 = tpu.memref_slice %arg3[%dma_wait3A_171, %mul3A_2] : memref<200x4096xi32, #tpu.memory_space<hbm>> -> memref<200x128xi32, #tpu.memory_space<hbm>>
      %dma_wait3A_173 = arith.constant 0 : i32
      %dma_wait3A_174 = tpu.memref_slice %arg3[%dma_wait3A_173, %mul3A_2] : memref<200x4096xi32, #tpu.memory_space<hbm>> -> memref<200x128xi32, #tpu.memory_space<hbm>>
      tpu.wait_dma2 semaphore(%run_scoped3A : memref<!tpu.dma_semaphore, #tpu.memory_space<semaphore_mem>>) src(%dma_wait3A_174 : memref<200x128xi32, #tpu.memory_space<hbm>>) dst(%arg6 : memref<200x128xi32, #tpu.memory_space<vmem>>)
      tpu.yield
    }) : () -> ()
    "tpu.region"() ({
      %run_scoped3A = tpu.sem_alloc : memref<!tpu.dma_semaphore, #tpu.memory_space<semaphore_mem>>
      tpu.enqueue_dma source(%arg4 : memref<12800xf32, #tpu.memory_space<hbm>>) target(%arg7 : memref<12800xf32, #tpu.memory_space<vmem>>) target_semaphore(%run_scoped3A : memref<!tpu.dma_semaphore, #tpu.memory_space<semaphore_mem>>)
      tpu.wait_dma2 semaphore(%run_scoped3A : memref<!tpu.dma_semaphore, #tpu.memory_space<semaphore_mem>>) src(%arg4 : memref<12800xf32, #tpu.memory_space<hbm>>) dst(%arg7 : memref<12800xf32, #tpu.memory_space<vmem>>)
      tpu.yield
    }) : () -> ()
    %get3A = arith.constant 0 : i32
    %get3A_3 = arith.index_cast %get3A : i32 to index
    %get3A_4 = arith.constant 0 : index
    %get3A_5 = tpu.vector_load %arg6[%get3A_3, %get3A_4] {strides = array<i32>} : memref<200x128xi32, #tpu.memory_space<vmem>>, vector<16xi32>,
    %shift_right_logical3A = arith.constant 1 : i32
    %shift_right_logical3A_6 = vector.broadcast %shift_right_logical3A : i32 to vector<16xi32>
    %shift_right_logical3A_7 = arith.shrui %get3A_5, %shift_right_logical3A_6 : vector<16xi32>
    %swap3A = arith.constant 0 : index
    %swap3A_8 = tpu.vector_load %arg8[%swap3A] {strides = array<i32>} : memref<128xi32, #tpu.memory_space<vmem>>, vector<16xi32>,
    tpu.vector_store %arg8[%swap3A], %shift_right_logical3A_7 {strides = array<i32>} : memref<128xi32, #tpu.memory_space<vmem>>, vector<16xi32>,
    %get3A_9 = arith.constant 0 : i32
    %get3A_10 = arith.index_cast %get3A_9 : i32 to index
    %get3A_11 = arith.constant 16 : index
    %get3A_12 = tpu.vector_load %arg6[%get3A_10, %get3A_11] {strides = array<i32>} : memref<200x128xi32, #tpu.memory_space<vmem>>, vector<16xi32>,
    %shift_right_logical3A_13 = arith.constant 1 : i32
    %shift_right_logical3A_14 = vector.broadcast %shift_right_logical3A_13 : i32 to vector<16xi32>
    %shift_right_logical3A_15 = arith.shrui %get3A_12, %shift_right_logical3A_14 : vector<16xi32>
    %swap3A_16 = arith.constant 16 : index
    %swap3A_17 = tpu.vector_load %arg8[%swap3A_16] {strides = array<i32>} : memref<128xi32, #tpu.memory_space<vmem>>, vector<16xi32>,
    tpu.vector_store %arg8[%swap3A_16], %shift_right_logical3A_15 {strides = array<i32>} : memref<128xi32, #tpu.memory_space<vmem>>, vector<16xi32>,
    %get3A_18 = arith.constant 0 : i32
    %get3A_19 = arith.index_cast %get3A_18 : i32 to index
    %get3A_20 = arith.constant 32 : index
    %get3A_21 = tpu.vector_load %arg6[%get3A_19, %get3A_20] {strides = array<i32>} : memref<200x128xi32, #tpu.memory_space<vmem>>, vector<16xi32>,
    %shift_right_logical3A_22 = arith.constant 1 : i32
    %shift_right_logical3A_23 = vector.broadcast %shift_right_logical3A_22 : i32 to vector<16xi32>
    %shift_right_logical3A_24 = arith.shrui %get3A_21, %shift_right_logical3A_23 : vector<16xi32>
    %swap3A_25 = arith.constant 32 : index
    %swap3A_26 = tpu.vector_load %arg8[%swap3A_25] {strides = array<i32>} : memref<128xi32, #tpu.memory_space<vmem>>, vector<16xi32>,
    tpu.vector_store %arg8[%swap3A_25], %shift_right_logical3A_24 {strides = array<i32>} : memref<128xi32, #tpu.memory_space<vmem>>, vector<16xi32>,
    %get3A_27 = arith.constant 0 : i32
    %get3A_28 = arith.index_cast %get3A_27 : i32 to index
    %get3A_29 = arith.constant 48 : index
    %get3A_30 = tpu.vector_load %arg6[%get3A_28, %get3A_29] {strides = array<i32>} : memref<200x128xi32, #tpu.memory_space<vmem>>, vector<16xi32>,
    %shift_right_logical3A_31 = arith.constant 1 : i32
    %shift_right_logical3A_32 = vector.broadcast %shift_right_logical3A_31 : i32 to vector<16xi32>
    %shift_right_logical3A_33 = arith.shrui %get3A_30, %shift_right_logical3A_32 : vector<16xi32>
    %swap3A_34 = arith.constant 48 : index
    %swap3A_35 = tpu.vector_load %arg8[%swap3A_34] {strides = array<i32>} : memref<128xi32, #tpu.memory_space<vmem>>, vector<16xi32>,
    tpu.vector_store %arg8[%swap3A_34], %shift_right_logical3A_33 {strides = array<i32>} : memref<128xi32, #tpu.memory_space<vmem>>, vector<16xi32>,
    %get3A_36 = arith.constant 0 : i32
    %get3A_37 = arith.index_cast %get3A_36 : i32 to index
    %get3A_38 = arith.constant 64 : index
    %get3A_39 = tpu.vector_load %arg6[%get3A_37, %get3A_38] {strides = array<i32>} : memref<200x128xi32, #tpu.memory_space<vmem>>, vector<16xi32>,
    %shift_right_logical3A_40 = arith.constant 1 : i32
    %shift_right_logical3A_41 = vector.broadcast %shift_right_logical3A_40 : i32 to vector<16xi32>
    %shift_right_logical3A_42 = arith.shrui %get3A_39, %shift_right_logical3A_41 : vector<16xi32>
    %swap3A_43 = arith.constant 64 : index
    %swap3A_44 = tpu.vector_load %arg8[%swap3A_43] {strides = array<i32>} : memref<128xi32, #tpu.memory_space<vmem>>, vector<16xi32>,
    tpu.vector_store %arg8[%swap3A_43], %shift_right_logical3A_42 {strides = array<i32>} : memref<128xi32, #tpu.memory_space<vmem>>, vector<16xi32>,
    %get3A_45 = arith.constant 0 : i32
    %get3A_46 = arith.index_cast %get3A_45 : i32 to index
    %get3A_47 = arith.constant 80 : index
    %get3A_48 = tpu.vector_load %arg6[%get3A_46, %get3A_47] {strides = array<i32>} : memref<200x128xi32, #tpu.memory_space<vmem>>, vector<16xi32>,
    %shift_right_logical3A_49 = arith.constant 1 : i32
    %shift_right_logical3A_50 = vector.broadcast %shift_right_logical3A_49 : i32 to vector<16xi32>
    %shift_right_logical3A_51 = arith.shrui %get3A_48, %shift_right_logical3A_50 : vector<16xi32>
    %swap3A_52 = arith.constant 80 : index
    %swap3A_53 = tpu.vector_load %arg8[%swap3A_52] {strides = array<i32>} : memref<128xi32, #tpu.memory_space<vmem>>, vector<16xi32>,
    tpu.vector_store %arg8[%swap3A_52], %shift_right_logical3A_51 {strides = array<i32>} : memref<128xi32, #tpu.memory_space<vmem>>, vector<16xi32>,
    %get3A_54 = arith.constant 0 : i32
    %get3A_55 = arith.index_cast %get3A_54 : i32 to index
    %get3A_56 = arith.constant 96 : index
    %get3A_57 = tpu.vector_load %arg6[%get3A_55, %get3A_56] {strides = array<i32>} : memref<200x128xi32, #tpu.memory_space<vmem>>, vector<16xi32>,
    %shift_right_logical3A_58 = arith.constant 1 : i32
    %shift_right_logical3A_59 = vector.broadcast %shift_right_logical3A_58 : i32 to vector<16xi32>
    %shift_right_logical3A_60 = arith.shrui %get3A_57, %shift_right_logical3A_59 : vector<16xi32>
    %swap3A_61 = arith.constant 96 : index
    %swap3A_62 = tpu.vector_load %arg8[%swap3A_61] {strides = array<i32>} : memref<128xi32, #tpu.memory_space<vmem>>, vector<16xi32>,
    tpu.vector_store %arg8[%swap3A_61], %shift_right_logical3A_60 {strides = array<i32>} : memref<128xi32, #tpu.memory_space<vmem>>, vector<16xi32>,
    %get3A_63 = arith.constant 0 : i32
    %get3A_64 = arith.index_cast %get3A_63 : i32 to index
    %get3A_65 = arith.constant 112 : index
    %get3A_66 = tpu.vector_load %arg6[%get3A_64, %get3A_65] {strides = array<i32>} : memref<200x128xi32, #tpu.memory_space<vmem>>, vector<16xi32>,
    %shift_right_logical3A_67 = arith.constant 1 : i32
    %shift_right_logical3A_68 = vector.broadcast %shift_right_logical3A_67 : i32 to vector<16xi32>
    %shift_right_logical3A_69 = arith.shrui %get3A_66, %shift_right_logical3A_68 : vector<16xi32>
    %swap3A_70 = arith.constant 112 : index
    %swap3A_71 = tpu.vector_load %arg8[%swap3A_70] {strides = array<i32>} : memref<128xi32, #tpu.memory_space<vmem>>, vector<16xi32>,
    tpu.vector_store %arg8[%swap3A_70], %shift_right_logical3A_69 {strides = array<i32>} : memref<128xi32, #tpu.memory_space<vmem>>, vector<16xi32>,
    %dma_start3A = arith.constant 0 : i32
    %dma_start3A_72 = arith.constant 0 : i32
    %dma_start3A_73 = tpu.memref_slice %arg2[%dma_start3A, %dma_start3A_72] : memref<500000x128xf32, #tpu.memory_space<hbm>> -> memref<500000x128xf32, #tpu.memory_space<hbm>>
    tpu.enqueue_indirect_dma source(%dma_start3A_73 : memref<500000x128xf32, #tpu.memory_space<hbm>>) target(%arg10 : memref<128x128xf32, #tpu.memory_space<vmem>>) offsets(%arg8 : memref<128xi32, #tpu.memory_space<vmem>>) semaphore(%arg14 : memref<!tpu.dma_semaphore, #tpu.memory_space<semaphore_mem>>)
    %get3A_74 = arith.constant 1 : i32
    %get3A_75 = arith.index_cast %get3A_74 : i32 to index
    %get3A_76 = arith.constant 0 : index
    %get3A_77 = tpu.vector_load %arg6[%get3A_75, %get3A_76] {strides = array<i32>} : memref<200x128xi32, #tpu.memory_space<vmem>>, vector<16xi32>,
    %shift_right_logical3A_78 = arith.constant 1 : i32
    %shift_right_logical3A_79 = vector.broadcast %shift_right_logical3A_78 : i32 to vector<16xi32>
    %shift_right_logical3A_80 = arith.shrui %get3A_77, %shift_right_logical3A_79 : vector<16xi32>
    %swap3A_81 = arith.constant 0 : index
    %swap3A_82 = tpu.vector_load %arg9[%swap3A_81] {strides = array<i32>} : memref<128xi32, #tpu.memory_space<vmem>>, vector<16xi32>,
    tpu.vector_store %arg9[%swap3A_81], %shift_right_logical3A_80 {strides = array<i32>} : memref<128xi32, #tpu.memory_space<vmem>>, vector<16xi32>,
    %get3A_83 = arith.constant 1 : i32
    %get3A_84 = arith.index_cast %get3A_83 : i32 to index
    %get3A_85 = arith.constant 16 : index
    %get3A_86 = tpu.vector_load %arg6[%get3A_84, %get3A_85] {strides = array<i32>} : memref<200x128xi32, #tpu.memory_space<vmem>>, vector<16xi32>,
    %shift_right_logical3A_87 = arith.constant 1 : i32
    %shift_right_logical3A_88 = vector.broadcast %shift_right_logical3A_87 : i32 to vector<16xi32>
    %shift_right_logical3A_89 = arith.shrui %get3A_86, %shift_right_logical3A_88 : vector<16xi32>
    %swap3A_90 = arith.constant 16 : index
    %swap3A_91 = tpu.vector_load %arg9[%swap3A_90] {strides = array<i32>} : memref<128xi32, #tpu.memory_space<vmem>>, vector<16xi32>,
    tpu.vector_store %arg9[%swap3A_90], %shift_right_logical3A_89 {strides = array<i32>} : memref<128xi32, #tpu.memory_space<vmem>>, vector<16xi32>,
    %get3A_92 = arith.constant 1 : i32
    %get3A_93 = arith.index_cast %get3A_92 : i32 to index
    %get3A_94 = arith.constant 32 : index
    %get3A_95 = tpu.vector_load %arg6[%get3A_93, %get3A_94] {strides = array<i32>} : memref<200x128xi32, #tpu.memory_space<vmem>>, vector<16xi32>,
    %shift_right_logical3A_96 = arith.constant 1 : i32
    %shift_right_logical3A_97 = vector.broadcast %shift_right_logical3A_96 : i32 to vector<16xi32>
    %shift_right_logical3A_98 = arith.shrui %get3A_95, %shift_right_logical3A_97 : vector<16xi32>
    %swap3A_99 = arith.constant 32 : index
    %swap3A_100 = tpu.vector_load %arg9[%swap3A_99] {strides = array<i32>} : memref<128xi32, #tpu.memory_space<vmem>>, vector<16xi32>,
    tpu.vector_store %arg9[%swap3A_99], %shift_right_logical3A_98 {strides = array<i32>} : memref<128xi32, #tpu.memory_space<vmem>>, vector<16xi32>,
    %get3A_101 = arith.constant 1 : i32
    %get3A_102 = arith.index_cast %get3A_101 : i32 to index
    %get3A_103 = arith.constant 48 : index
    %get3A_104 = tpu.vector_load %arg6[%get3A_102, %get3A_103] {strides = array<i32>} : memref<200x128xi32, #tpu.memory_space<vmem>>, vector<16xi32>,
    %shift_right_logical3A_105 = arith.constant 1 : i32
    %shift_right_logical3A_106 = vector.broadcast %shift_right_logical3A_105 : i32 to vector<16xi32>
    %shift_right_logical3A_107 = arith.shrui %get3A_104, %shift_right_logical3A_106 : vector<16xi32>
    %swap3A_108 = arith.constant 48 : index
    %swap3A_109 = tpu.vector_load %arg9[%swap3A_108] {strides = array<i32>} : memref<128xi32, #tpu.memory_space<vmem>>, vector<16xi32>,
    tpu.vector_store %arg9[%swap3A_108], %shift_right_logical3A_107 {strides = array<i32>} : memref<128xi32, #tpu.memory_space<vmem>>, vector<16xi32>,
    %get3A_110 = arith.constant 1 : i32
    %get3A_111 = arith.index_cast %get3A_110 : i32 to index
    %get3A_112 = arith.constant 64 : index
    %get3A_113 = tpu.vector_load %arg6[%get3A_111, %get3A_112] {strides = array<i32>} : memref<200x128xi32, #tpu.memory_space<vmem>>, vector<16xi32>,
    %shift_right_logical3A_114 = arith.constant 1 : i32
    %shift_right_logical3A_115 = vector.broadcast %shift_right_logical3A_114 : i32 to vector<16xi32>
    %shift_right_logical3A_116 = arith.shrui %get3A_113, %shift_right_logical3A_115 : vector<16xi32>
    %swap3A_117 = arith.constant 64 : index
    %swap3A_118 = tpu.vector_load %arg9[%swap3A_117] {strides = array<i32>} : memref<128xi32, #tpu.memory_space<vmem>>, vector<16xi32>,
    tpu.vector_store %arg9[%swap3A_117], %shift_right_logical3A_116 {strides = array<i32>} : memref<128xi32, #tpu.memory_space<vmem>>, vector<16xi32>,
    %get3A_119 = arith.constant 1 : i32
    %get3A_120 = arith.index_cast %get3A_119 : i32 to index
    %get3A_121 = arith.constant 80 : index
    %get3A_122 = tpu.vector_load %arg6[%get3A_120, %get3A_121] {strides = array<i32>} : memref<200x128xi32, #tpu.memory_space<vmem>>, vector<16xi32>,
    %shift_right_logical3A_123 = arith.constant 1 : i32
    %shift_right_logical3A_124 = vector.broadcast %shift_right_logical3A_123 : i32 to vector<16xi32>
    %shift_right_logical3A_125 = arith.shrui %get3A_122, %shift_right_logical3A_124 : vector<16xi32>
    %swap3A_126 = arith.constant 80 : index
    %swap3A_127 = tpu.vector_load %arg9[%swap3A_126] {strides = array<i32>} : memref<128xi32, #tpu.memory_space<vmem>>, vector<16xi32>,
    tpu.vector_store %arg9[%swap3A_126], %shift_right_logical3A_125 {strides = array<i32>} : memref<128xi32, #tpu.memory_space<vmem>>, vector<16xi32>,
    %get3A_128 = arith.constant 1 : i32
    %get3A_129 = arith.index_cast %get3A_128 : i32 to index
    %get3A_130 = arith.constant 96 : index
    %get3A_131 = tpu.vector_load %arg6[%get3A_129, %get3A_130] {strides = array<i32>} : memref<200x128xi32, #tpu.memory_space<vmem>>, vector<16xi32>,
    %shift_right_logical3A_132 = arith.constant 1 : i32
    %shift_right_logical3A_133 = vector.broadcast %shift_right_logical3A_132 : i32 to vector<16xi32>
    %shift_right_logical3A_134 = arith.shrui %get3A_131, %shift_right_logical3A_133 : vector<16xi32>
    %swap3A_135 = arith.constant 96 : index
    %swap3A_136 = tpu.vector_load %arg9[%swap3A_135] {strides = array<i32>} : memref<128xi32, #tpu.memory_space<vmem>>, vector<16xi32>,
    tpu.vector_store %arg9[%swap3A_135], %shift_right_logical3A_134 {strides = array<i32>} : memref<128xi32, #tpu.memory_space<vmem>>, vector<16xi32>,
    %get3A_137 = arith.constant 1 : i32
    %get3A_138 = arith.index_cast %get3A_137 : i32 to index
    %get3A_139 = arith.constant 112 : index
    %get3A_140 = tpu.vector_load %arg6[%get3A_138, %get3A_139] {strides = array<i32>} : memref<200x128xi32, #tpu.memory_space<vmem>>, vector<16xi32>,
    %shift_right_logical3A_141 = arith.constant 1 : i32
    %shift_right_logical3A_142 = vector.broadcast %shift_right_logical3A_141 : i32 to vector<16xi32>
    %shift_right_logical3A_143 = arith.shrui %get3A_140, %shift_right_logical3A_142 : vector<16xi32>
    %swap3A_144 = arith.constant 112 : index
    %swap3A_145 = tpu.vector_load %arg9[%swap3A_144] {strides = array<i32>} : memref<128xi32, #tpu.memory_space<vmem>>, vector<16xi32>,
    tpu.vector_store %arg9[%swap3A_144], %shift_right_logical3A_143 {strides = array<i32>} : memref<128xi32, #tpu.memory_space<vmem>>, vector<16xi32>,
    %dma_start3A_146 = arith.constant 0 : i32
    %dma_start3A_147 = arith.constant 0 : i32
    %dma_start3A_148 = tpu.memref_slice %arg2[%dma_start3A_146, %dma_start3A_147] : memref<500000x128xf32, #tpu.memory_space<hbm>> -> memref<500000x128xf32, #tpu.memory_space<hbm>>
    tpu.enqueue_indirect_dma source(%dma_start3A_148 : memref<500000x128xf32, #tpu.memory_space<hbm>>) target(%arg11 : memref<128x128xf32, #tpu.memory_space<vmem>>) offsets(%arg9 : memref<128xi32, #tpu.memory_space<vmem>>) semaphore(%arg15 : memref<!tpu.dma_semaphore, #tpu.memory_space<semaphore_mem>>)
    %scan3A = arith.constant 0 : i32
    %scan3A_149 = arith.constant 0 : i32
    %scan3A_150 = arith.constant 100 : i32
    %scan3A_151 = arith.addi %scan3A_149, %scan3A_150 : i32
    %scan3A_152 = arith.constant 1 : i32
    scf.for %scan3A_167 = %scan3A_149 to %scan3A_151 step %scan3A_152  : i32 {
      %mul3A_168 = arith.constant 2 : i32
      %mul3A_169 = arith.muli %scan3A_167, %mul3A_168 : i32
      %add3A_170 = arith.constant 0 : i32
      %add3A_171 = arith.addi %mul3A_169, %add3A_170 : i32
      %dma_wait3A_172 = arith.constant 0 : i32
      %dma_wait3A_173 = arith.constant 0 : i32
      %dma_wait3A_174 = tpu.memref_slice %arg2[%dma_wait3A_172, %dma_wait3A_173] : memref<500000x128xf32, #tpu.memory_space<hbm>> -> memref<500000x128xf32, #tpu.memory_space<hbm>>
      tpu.wait_indirect_dma semaphore(%arg14 : memref<!tpu.dma_semaphore, #tpu.memory_space<semaphore_mem>>) src(%dma_wait3A_174 : memref<500000x128xf32, #tpu.memory_space<hbm>>) dst(%arg10 : memref<128x128xf32, #tpu.memory_space<vmem>>)
      %gt3A = arith.constant 0 : i32
      %gt3A_175 = arith.cmpi sgt, %scan3A_167, %gt3A : i32
      %convert_element_type3A = arith.extui %gt3A_175 : i1 to i32
      %cond3A = arith.constant 0 : i32
      %cond3A_176 = arith.cmpi ne, %convert_element_type3A, %cond3A : i32
      scf.if %cond3A_176 {
        %dma_wait3A_363 = arith.constant 0 : i32
        %dma_wait3A_364 = tpu.memref_slice %arg5[%add3A_171, %dma_wait3A_363, %mul3A_2] : memref<200x64x4096xf32, #tpu.memory_space<hbm>> -> memref<1x64x128xf32, #tpu.memory_space<hbm>>
        %dma_wait3A_365 = tpu.memref_squeeze %dma_wait3A_364 : memref<1x64x128xf32, #tpu.memory_space<hbm>> -> memref<64x128xf32, #tpu.memory_space<hbm>>
        %dma_wait3A_366 = arith.constant 0 : i32
        %dma_wait3A_367 = tpu.memref_slice %arg5[%add3A_171, %dma_wait3A_366, %mul3A_2] : memref<200x64x4096xf32, #tpu.memory_space<hbm>> -> memref<1x64x128xf32, #tpu.memory_space<hbm>>
        %dma_wait3A_368 = tpu.memref_squeeze %dma_wait3A_367 : memref<1x64x128xf32, #tpu.memory_space<hbm>> -> memref<64x128xf32, #tpu.memory_space<hbm>>
        tpu.wait_dma2 semaphore(%arg16 : memref<!tpu.dma_semaphore, #tpu.memory_space<semaphore_mem>>) src(%arg12 : memref<64x128xf32, #tpu.memory_space<vmem>>) dst(%dma_wait3A_368 : memref<64x128xf32, #tpu.memory_space<hbm>>)
      } else {
      }
      %iota3A = tpu.iota {dimensions = array<i32: 0>} : vector<16xi32>
      %get3A_177 = arith.index_cast %add3A_171 : i32 to index
      %get3A_178 = arith.constant 0 : index
      %get3A_179 = tpu.vector_load %arg6[%get3A_177, %get3A_178] {strides = array<i32>} : memref<200x128xi32, #tpu.memory_space<vmem>>, vector<16xi32>,
      %and3A = arith.constant 1 : i32
      %and3A_180 = vector.broadcast %and3A : i32 to vector<16xi32>
      %and3A_181 = arith.andi %get3A_179, %and3A_180 : vector<16xi32>
      %mul3A_182 = arith.constant 64 : i32
      %mul3A_183 = vector.broadcast %mul3A_182 : i32 to vector<16xi32>
      %mul3A_184 = arith.muli %and3A_181, %mul3A_183 : vector<16xi32>
      %get3A_185 = arith.index_cast %add3A_171 : i32 to index
      %get3A_186 = arith.constant 16 : index
      %get3A_187 = tpu.vector_load %arg6[%get3A_185, %get3A_186] {strides = array<i32>} : memref<200x128xi32, #tpu.memory_space<vmem>>, vector<16xi32>,
      %and3A_188 = arith.constant 1 : i32
      %and3A_189 = vector.broadcast %and3A_188 : i32 to vector<16xi32>
      %and3A_190 = arith.andi %get3A_187, %and3A_189 : vector<16xi32>
      %mul3A_191 = arith.constant 64 : i32
      %mul3A_192 = vector.broadcast %mul3A_191 : i32 to vector<16xi32>
      %mul3A_193 = arith.muli %and3A_190, %mul3A_192 : vector<16xi32>
      %get3A_194 = arith.index_cast %add3A_171 : i32 to index
      %get3A_195 = arith.constant 32 : index
      %get3A_196 = tpu.vector_load %arg6[%get3A_194, %get3A_195] {strides = array<i32>} : memref<200x128xi32, #tpu.memory_space<vmem>>, vector<16xi32>,
      %and3A_197 = arith.constant 1 : i32
      %and3A_198 = vector.broadcast %and3A_197 : i32 to vector<16xi32>
      %and3A_199 = arith.andi %get3A_196, %and3A_198 : vector<16xi32>
      %mul3A_200 = arith.constant 64 : i32
      %mul3A_201 = vector.broadcast %mul3A_200 : i32 to vector<16xi32>
      %mul3A_202 = arith.muli %and3A_199, %mul3A_201 : vector<16xi32>
      %get3A_203 = arith.index_cast %add3A_171 : i32 to index
      %get3A_204 = arith.constant 48 : index
      %get3A_205 = tpu.vector_load %arg6[%get3A_203, %get3A_204] {strides = array<i32>} : memref<200x128xi32, #tpu.memory_space<vmem>>, vector<16xi32>,
      %and3A_206 = arith.constant 1 : i32
      %and3A_207 = vector.broadcast %and3A_206 : i32 to vector<16xi32>
      %and3A_208 = arith.andi %get3A_205, %and3A_207 : vector<16xi32>
      %mul3A_209 = arith.constant 64 : i32
      %mul3A_210 = vector.broadcast %mul3A_209 : i32 to vector<16xi32>
      %mul3A_211 = arith.muli %and3A_208, %mul3A_210 : vector<16xi32>
      %get3A_212 = arith.index_cast %add3A_171 : i32 to index
      %get3A_213 = arith.constant 64 : index
      %get3A_214 = tpu.vector_load %arg6[%get3A_212, %get3A_213] {strides = array<i32>} : memref<200x128xi32, #tpu.memory_space<vmem>>, vector<16xi32>,
      %and3A_215 = arith.constant 1 : i32
      %and3A_216 = vector.broadcast %and3A_215 : i32 to vector<16xi32>
      %and3A_217 = arith.andi %get3A_214, %and3A_216 : vector<16xi32>
      %mul3A_218 = arith.constant 64 : i32
      %mul3A_219 = vector.broadcast %mul3A_218 : i32 to vector<16xi32>
      %mul3A_220 = arith.muli %and3A_217, %mul3A_219 : vector<16xi32>
      %get3A_221 = arith.index_cast %add3A_171 : i32 to index
      %get3A_222 = arith.constant 80 : index
      %get3A_223 = tpu.vector_load %arg6[%get3A_221, %get3A_222] {strides = array<i32>} : memref<200x128xi32, #tpu.memory_space<vmem>>, vector<16xi32>,
      %and3A_224 = arith.constant 1 : i32
      %and3A_225 = vector.broadcast %and3A_224 : i32 to vector<16xi32>
      %and3A_226 = arith.andi %get3A_223, %and3A_225 : vector<16xi32>
      %mul3A_227 = arith.constant 64 : i32
      %mul3A_228 = vector.broadcast %mul3A_227 : i32 to vector<16xi32>
      %mul3A_229 = arith.muli %and3A_226, %mul3A_228 : vector<16xi32>
      %get3A_230 = arith.index_cast %add3A_171 : i32 to index
      %get3A_231 = arith.constant 96 : index
      %get3A_232 = tpu.vector_load %arg6[%get3A_230, %get3A_231] {strides = array<i32>} : memref<200x128xi32, #tpu.memory_space<vmem>>, vector<16xi32>,
      %and3A_233 = arith.constant 1 : i32
      %and3A_234 = vector.broadcast %and3A_233 : i32 to vector<16xi32>
      %and3A_235 = arith.andi %get3A_232, %and3A_234 : vector<16xi32>
      %mul3A_236 = arith.constant 64 : i32
      %mul3A_237 = vector.broadcast %mul3A_236 : i32 to vector<16xi32>
      %mul3A_238 = arith.muli %and3A_235, %mul3A_237 : vector<16xi32>
      %get3A_239 = arith.index_cast %add3A_171 : i32 to index
      %get3A_240 = arith.constant 112 : index
      %get3A_241 = tpu.vector_load %arg6[%get3A_239, %get3A_240] {strides = array<i32>} : memref<200x128xi32, #tpu.memory_space<vmem>>, vector<16xi32>,
      %and3A_242 = arith.constant 1 : i32
      %and3A_243 = vector.broadcast %and3A_242 : i32 to vector<16xi32>
      %and3A_244 = arith.andi %get3A_241, %and3A_243 : vector<16xi32>
      %mul3A_245 = arith.constant 64 : i32
      %mul3A_246 = vector.broadcast %mul3A_245 : i32 to vector<16xi32>
      %mul3A_247 = arith.muli %and3A_244, %mul3A_246 : vector<16xi32>
      %parallel_loop3A = arith.constant 0 : i32
      %parallel_loop3A_248 = arith.constant 64 : i32
      %parallel_loop3A_249 = arith.constant 1 : i32
      scf.for %parallel_loop3A_363 = %parallel_loop3A to %parallel_loop3A_248 step %parallel_loop3A_249  : i32 {
        %parallel_loop3A_364 = vector.broadcast %parallel_loop3A_363 : i32 to vector<16xi32>
        %parallel_loop3A_365 = arith.addi %iota3A, %parallel_loop3A_364 : vector<16xi32>
        %parallel_loop3A_366 = arith.constant 15 : i32
        %parallel_loop3A_367 = vector.broadcast %parallel_loop3A_366 : i32 to vector<16xi32>
        %parallel_loop3A_368 = arith.andi %parallel_loop3A_365, %parallel_loop3A_367 : vector<16xi32>
        %parallel_loop3A_369 = arith.constant -16 : i32
        %parallel_loop3A_370 = arith.andi %parallel_loop3A_363, %parallel_loop3A_369 : i32
        %parallel_loop3A_371 = vector.broadcast %parallel_loop3A_370 : i32 to vector<16xi32>
        %parallel_loop3A_372 = arith.addi %parallel_loop3A_368, %parallel_loop3A_371 : vector<16xi32>
        %parallel_loop3A_373 = arith.constant 64 : i32
        %parallel_loop3A_374 = arith.muli %add3A_171, %parallel_loop3A_373 : i32
        %parallel_loop3A_375 = vector.broadcast %parallel_loop3A_374 : i32 to vector<16xi32>
        %parallel_loop3A_376 = arith.addi %parallel_loop3A_375, %parallel_loop3A_372 : vector<16xi32>
        %parallel_loop3A_377 = tpu.vector_load_idx %arg7[%parallel_loop3A_376] : memref<12800xf32, #tpu.memory_space<vmem>>[vector<16xi32>], vector<16xf32>,
        %parallel_loop3A_378 = arith.constant 0 : i32
        %parallel_loop3A_379 = vector.broadcast %parallel_loop3A_378 : i32 to vector<16xi32>
        %parallel_loop3A_380 = arith.addi %iota3A, %parallel_loop3A_379 : vector<16xi32>
        %parallel_loop3A_381 = arith.addi %mul3A_184, %parallel_loop3A_372 : vector<16xi32>
        %parallel_loop3A_382 = tpu.vector_load_idx %arg10[%parallel_loop3A_380, %parallel_loop3A_381] : memref<128x128xf32, #tpu.memory_space<vmem>>[vector<16xi32>, vector<16xi32>], vector<16xf32>,
        %parallel_loop3A_383 = arith.addf %parallel_loop3A_382, %parallel_loop3A_377 : vector<16xf32>
        tpu.vector_store_idx %arg12[%parallel_loop3A_372, %parallel_loop3A_380], %parallel_loop3A_383 : memref<64x128xf32, #tpu.memory_space<vmem>>[vector<16xi32>, vector<16xi32>], vector<16xf32>,
        %parallel_loop3A_384 = arith.constant 16 : i32
        %parallel_loop3A_385 = vector.broadcast %parallel_loop3A_384 : i32 to vector<16xi32>
        %parallel_loop3A_386 = arith.addi %iota3A, %parallel_loop3A_385 : vector<16xi32>
        %parallel_loop3A_387 = arith.addi %mul3A_193, %parallel_loop3A_372 : vector<16xi32>
        %parallel_loop3A_388 = tpu.vector_load_idx %arg10[%parallel_loop3A_386, %parallel_loop3A_387] : memref<128x128xf32, #tpu.memory_space<vmem>>[vector<16xi32>, vector<16xi32>], vector<16xf32>,
        %parallel_loop3A_389 = arith.addf %parallel_loop3A_388, %parallel_loop3A_377 : vector<16xf32>
        tpu.vector_store_idx %arg12[%parallel_loop3A_372, %parallel_loop3A_386], %parallel_loop3A_389 : memref<64x128xf32, #tpu.memory_space<vmem>>[vector<16xi32>, vector<16xi32>], vector<16xf32>,
        %parallel_loop3A_390 = arith.constant 32 : i32
        %parallel_loop3A_391 = vector.broadcast %parallel_loop3A_390 : i32 to vector<16xi32>
        %parallel_loop3A_392 = arith.addi %iota3A, %parallel_loop3A_391 : vector<16xi32>
        %parallel_loop3A_393 = arith.addi %mul3A_202, %parallel_loop3A_372 : vector<16xi32>
        %parallel_loop3A_394 = tpu.vector_load_idx %arg10[%parallel_loop3A_392, %parallel_loop3A_393] : memref<128x128xf32, #tpu.memory_space<vmem>>[vector<16xi32>, vector<16xi32>], vector<16xf32>,
        %parallel_loop3A_395 = arith.addf %parallel_loop3A_394, %parallel_loop3A_377 : vector<16xf32>
        tpu.vector_store_idx %arg12[%parallel_loop3A_372, %parallel_loop3A_392], %parallel_loop3A_395 : memref<64x128xf32, #tpu.memory_space<vmem>>[vector<16xi32>, vector<16xi32>], vector<16xf32>,
        %parallel_loop3A_396 = arith.constant 48 : i32
        %parallel_loop3A_397 = vector.broadcast %parallel_loop3A_396 : i32 to vector<16xi32>
        %parallel_loop3A_398 = arith.addi %iota3A, %parallel_loop3A_397 : vector<16xi32>
        %parallel_loop3A_399 = arith.addi %mul3A_211, %parallel_loop3A_372 : vector<16xi32>
        %parallel_loop3A_400 = tpu.vector_load_idx %arg10[%parallel_loop3A_398, %parallel_loop3A_399] : memref<128x128xf32, #tpu.memory_space<vmem>>[vector<16xi32>, vector<16xi32>], vector<16xf32>,
        %parallel_loop3A_401 = arith.addf %parallel_loop3A_400, %parallel_loop3A_377 : vector<16xf32>
        tpu.vector_store_idx %arg12[%parallel_loop3A_372, %parallel_loop3A_398], %parallel_loop3A_401 : memref<64x128xf32, #tpu.memory_space<vmem>>[vector<16xi32>, vector<16xi32>], vector<16xf32>,
        %parallel_loop3A_402 = arith.constant 64 : i32
        %parallel_loop3A_403 = vector.broadcast %parallel_loop3A_402 : i32 to vector<16xi32>
        %parallel_loop3A_404 = arith.addi %iota3A, %parallel_loop3A_403 : vector<16xi32>
        %parallel_loop3A_405 = arith.addi %mul3A_220, %parallel_loop3A_372 : vector<16xi32>
        %parallel_loop3A_406 = tpu.vector_load_idx %arg10[%parallel_loop3A_404, %parallel_loop3A_405] : memref<128x128xf32, #tpu.memory_space<vmem>>[vector<16xi32>, vector<16xi32>], vector<16xf32>,
        %parallel_loop3A_407 = arith.addf %parallel_loop3A_406, %parallel_loop3A_377 : vector<16xf32>
        tpu.vector_store_idx %arg12[%parallel_loop3A_372, %parallel_loop3A_404], %parallel_loop3A_407 : memref<64x128xf32, #tpu.memory_space<vmem>>[vector<16xi32>, vector<16xi32>], vector<16xf32>,
        %parallel_loop3A_408 = arith.constant 80 : i32
        %parallel_loop3A_409 = vector.broadcast %parallel_loop3A_408 : i32 to vector<16xi32>
        %parallel_loop3A_410 = arith.addi %iota3A, %parallel_loop3A_409 : vector<16xi32>
        %parallel_loop3A_411 = arith.addi %mul3A_229, %parallel_loop3A_372 : vector<16xi32>
        %parallel_loop3A_412 = tpu.vector_load_idx %arg10[%parallel_loop3A_410, %parallel_loop3A_411] : memref<128x128xf32, #tpu.memory_space<vmem>>[vector<16xi32>, vector<16xi32>], vector<16xf32>,
        %parallel_loop3A_413 = arith.addf %parallel_loop3A_412, %parallel_loop3A_377 : vector<16xf32>
        tpu.vector_store_idx %arg12[%parallel_loop3A_372, %parallel_loop3A_410], %parallel_loop3A_413 : memref<64x128xf32, #tpu.memory_space<vmem>>[vector<16xi32>, vector<16xi32>], vector<16xf32>,
        %parallel_loop3A_414 = arith.constant 96 : i32
        %parallel_loop3A_415 = vector.broadcast %parallel_loop3A_414 : i32 to vector<16xi32>
        %parallel_loop3A_416 = arith.addi %iota3A, %parallel_loop3A_415 : vector<16xi32>
        %parallel_loop3A_417 = arith.addi %mul3A_238, %parallel_loop3A_372 : vector<16xi32>
        %parallel_loop3A_418 = tpu.vector_load_idx %arg10[%parallel_loop3A_416, %parallel_loop3A_417] : memref<128x128xf32, #tpu.memory_space<vmem>>[vector<16xi32>, vector<16xi32>], vector<16xf32>,
        %parallel_loop3A_419 = arith.addf %parallel_loop3A_418, %parallel_loop3A_377 : vector<16xf32>
        tpu.vector_store_idx %arg12[%parallel_loop3A_372, %parallel_loop3A_416], %parallel_loop3A_419 : memref<64x128xf32, #tpu.memory_space<vmem>>[vector<16xi32>, vector<16xi32>], vector<16xf32>,
        %parallel_loop3A_420 = arith.constant 112 : i32
        %parallel_loop3A_421 = vector.broadcast %parallel_loop3A_420 : i32 to vector<16xi32>
        %parallel_loop3A_422 = arith.addi %iota3A, %parallel_loop3A_421 : vector<16xi32>
        %parallel_loop3A_423 = arith.addi %mul3A_247, %parallel_loop3A_372 : vector<16xi32>
        %parallel_loop3A_424 = tpu.vector_load_idx %arg10[%parallel_loop3A_422, %parallel_loop3A_423] : memref<128x128xf32, #tpu.memory_space<vmem>>[vector<16xi32>, vector<16xi32>], vector<16xf32>,
        %parallel_loop3A_425 = arith.addf %parallel_loop3A_424, %parallel_loop3A_377 : vector<16xf32>
        tpu.vector_store_idx %arg12[%parallel_loop3A_372, %parallel_loop3A_422], %parallel_loop3A_425 : memref<64x128xf32, #tpu.memory_space<vmem>>[vector<16xi32>, vector<16xi32>], vector<16xf32>,
      } {sc.loop_unroll_factor = 4 : i64, sc.parallel_access}
      %dma_start3A_250 = arith.constant 0 : i32
      %dma_start3A_251 = tpu.memref_slice %arg5[%add3A_171, %dma_start3A_250, %mul3A_2] : memref<200x64x4096xf32, #tpu.memory_space<hbm>> -> memref<1x64x128xf32, #tpu.memory_space<hbm>>
      %dma_start3A_252 = tpu.memref_squeeze %dma_start3A_251 : memref<1x64x128xf32, #tpu.memory_space<hbm>> -> memref<64x128xf32, #tpu.memory_space<hbm>>
      %dma_start3A_253 = arith.constant 0 : i32
      %dma_start3A_254 = tpu.memref_slice %arg5[%add3A_171, %dma_start3A_253, %mul3A_2] : memref<200x64x4096xf32, #tpu.memory_space<hbm>> -> memref<1x64x128xf32, #tpu.memory_space<hbm>>
      %dma_start3A_255 = tpu.memref_squeeze %dma_start3A_254 : memref<1x64x128xf32, #tpu.memory_space<hbm>> -> memref<64x128xf32, #tpu.memory_space<hbm>>
      tpu.enqueue_dma source(%arg12 : memref<64x128xf32, #tpu.memory_space<vmem>>) target(%dma_start3A_255 : memref<64x128xf32, #tpu.memory_space<hbm>>) target_semaphore(%arg16 : memref<!tpu.dma_semaphore, #tpu.memory_space<semaphore_mem>>)
      %add3A_256 = arith.constant 2 : i32
      %add3A_257 = arith.addi %add3A_171, %add3A_256 : i32
      %lt3A = arith.constant 200 : i32
      %lt3A_258 = arith.cmpi slt, %add3A_257, %lt3A : i32
      %convert_element_type3A_259 = arith.extui %lt3A_258 : i1 to i32
      %cond3A_260 = arith.constant 0 : i32
      %cond3A_261 = arith.cmpi ne, %convert_element_type3A_259, %cond3A_260 : i32
      scf.if %cond3A_261 {
        %add3A_363 = arith.constant 2 : i32
        %add3A_364 = arith.addi %add3A_171, %add3A_363 : i32
        %get3A_365 = arith.index_cast %add3A_364 : i32 to index
        %get3A_366 = arith.constant 0 : index
        %get3A_367 = tpu.vector_load %arg6[%get3A_365, %get3A_366] {strides = array<i32>} : memref<200x128xi32, #tpu.memory_space<vmem>>, vector<16xi32>,
        %shift_right_logical3A_368 = arith.constant 1 : i32
        %shift_right_logical3A_369 = vector.broadcast %shift_right_logical3A_368 : i32 to vector<16xi32>
        %shift_right_logical3A_370 = arith.shrui %get3A_367, %shift_right_logical3A_369 : vector<16xi32>
        %swap3A_371 = arith.constant 0 : index
        %swap3A_372 = tpu.vector_load %arg8[%swap3A_371] {strides = array<i32>} : memref<128xi32, #tpu.memory_space<vmem>>, vector<16xi32>,
        tpu.vector_store %arg8[%swap3A_371], %shift_right_logical3A_370 {strides = array<i32>} : memref<128xi32, #tpu.memory_space<vmem>>, vector<16xi32>,
        %get3A_373 = arith.index_cast %add3A_364 : i32 to index
        %get3A_374 = arith.constant 16 : index
        %get3A_375 = tpu.vector_load %arg6[%get3A_373, %get3A_374] {strides = array<i32>} : memref<200x128xi32, #tpu.memory_space<vmem>>, vector<16xi32>,
        %shift_right_logical3A_376 = arith.constant 1 : i32
        %shift_right_logical3A_377 = vector.broadcast %shift_right_logical3A_376 : i32 to vector<16xi32>
        %shift_right_logical3A_378 = arith.shrui %get3A_375, %shift_right_logical3A_377 : vector<16xi32>
        %swap3A_379 = arith.constant 16 : index
        %swap3A_380 = tpu.vector_load %arg8[%swap3A_379] {strides = array<i32>} : memref<128xi32, #tpu.memory_space<vmem>>, vector<16xi32>,
        tpu.vector_store %arg8[%swap3A_379], %shift_right_logical3A_378 {strides = array<i32>} : memref<128xi32, #tpu.memory_space<vmem>>, vector<16xi32>,
        %get3A_381 = arith.index_cast %add3A_364 : i32 to index
        %get3A_382 = arith.constant 32 : index
        %get3A_383 = tpu.vector_load %arg6[%get3A_381, %get3A_382] {strides = array<i32>} : memref<200x128xi32, #tpu.memory_space<vmem>>, vector<16xi32>,
        %shift_right_logical3A_384 = arith.constant 1 : i32
        %shift_right_logical3A_385 = vector.broadcast %shift_right_logical3A_384 : i32 to vector<16xi32>
        %shift_right_logical3A_386 = arith.shrui %get3A_383, %shift_right_logical3A_385 : vector<16xi32>
        %swap3A_387 = arith.constant 32 : index
        %swap3A_388 = tpu.vector_load %arg8[%swap3A_387] {strides = array<i32>} : memref<128xi32, #tpu.memory_space<vmem>>, vector<16xi32>,
        tpu.vector_store %arg8[%swap3A_387], %shift_right_logical3A_386 {strides = array<i32>} : memref<128xi32, #tpu.memory_space<vmem>>, vector<16xi32>,
        %get3A_389 = arith.index_cast %add3A_364 : i32 to index
        %get3A_390 = arith.constant 48 : index
        %get3A_391 = tpu.vector_load %arg6[%get3A_389, %get3A_390] {strides = array<i32>} : memref<200x128xi32, #tpu.memory_space<vmem>>, vector<16xi32>,
        %shift_right_logical3A_392 = arith.constant 1 : i32
        %shift_right_logical3A_393 = vector.broadcast %shift_right_logical3A_392 : i32 to vector<16xi32>
        %shift_right_logical3A_394 = arith.shrui %get3A_391, %shift_right_logical3A_393 : vector<16xi32>
        %swap3A_395 = arith.constant 48 : index
        %swap3A_396 = tpu.vector_load %arg8[%swap3A_395] {strides = array<i32>} : memref<128xi32, #tpu.memory_space<vmem>>, vector<16xi32>,
        tpu.vector_store %arg8[%swap3A_395], %shift_right_logical3A_394 {strides = array<i32>} : memref<128xi32, #tpu.memory_space<vmem>>, vector<16xi32>,
        %get3A_397 = arith.index_cast %add3A_364 : i32 to index
        %get3A_398 = arith.constant 64 : index
        %get3A_399 = tpu.vector_load %arg6[%get3A_397, %get3A_398] {strides = array<i32>} : memref<200x128xi32, #tpu.memory_space<vmem>>, vector<16xi32>,
        %shift_right_logical3A_400 = arith.constant 1 : i32
        %shift_right_logical3A_401 = vector.broadcast %shift_right_logical3A_400 : i32 to vector<16xi32>
        %shift_right_logical3A_402 = arith.shrui %get3A_399, %shift_right_logical3A_401 : vector<16xi32>
        %swap3A_403 = arith.constant 64 : index
        %swap3A_404 = tpu.vector_load %arg8[%swap3A_403] {strides = array<i32>} : memref<128xi32, #tpu.memory_space<vmem>>, vector<16xi32>,
        tpu.vector_store %arg8[%swap3A_403], %shift_right_logical3A_402 {strides = array<i32>} : memref<128xi32, #tpu.memory_space<vmem>>, vector<16xi32>,
        %get3A_405 = arith.index_cast %add3A_364 : i32 to index
        %get3A_406 = arith.constant 80 : index
        %get3A_407 = tpu.vector_load %arg6[%get3A_405, %get3A_406] {strides = array<i32>} : memref<200x128xi32, #tpu.memory_space<vmem>>, vector<16xi32>,
        %shift_right_logical3A_408 = arith.constant 1 : i32
        %shift_right_logical3A_409 = vector.broadcast %shift_right_logical3A_408 : i32 to vector<16xi32>
        %shift_right_logical3A_410 = arith.shrui %get3A_407, %shift_right_logical3A_409 : vector<16xi32>
        %swap3A_411 = arith.constant 80 : index
        %swap3A_412 = tpu.vector_load %arg8[%swap3A_411] {strides = array<i32>} : memref<128xi32, #tpu.memory_space<vmem>>, vector<16xi32>,
        tpu.vector_store %arg8[%swap3A_411], %shift_right_logical3A_410 {strides = array<i32>} : memref<128xi32, #tpu.memory_space<vmem>>, vector<16xi32>,
        %get3A_413 = arith.index_cast %add3A_364 : i32 to index
        %get3A_414 = arith.constant 96 : index
        %get3A_415 = tpu.vector_load %arg6[%get3A_413, %get3A_414] {strides = array<i32>} : memref<200x128xi32, #tpu.memory_space<vmem>>, vector<16xi32>,
        %shift_right_logical3A_416 = arith.constant 1 : i32
        %shift_right_logical3A_417 = vector.broadcast %shift_right_logical3A_416 : i32 to vector<16xi32>
        %shift_right_logical3A_418 = arith.shrui %get3A_415, %shift_right_logical3A_417 : vector<16xi32>
        %swap3A_419 = arith.constant 96 : index
        %swap3A_420 = tpu.vector_load %arg8[%swap3A_419] {strides = array<i32>} : memref<128xi32, #tpu.memory_space<vmem>>, vector<16xi32>,
        tpu.vector_store %arg8[%swap3A_419], %shift_right_logical3A_418 {strides = array<i32>} : memref<128xi32, #tpu.memory_space<vmem>>, vector<16xi32>,
        %get3A_421 = arith.index_cast %add3A_364 : i32 to index
        %get3A_422 = arith.constant 112 : index
        %get3A_423 = tpu.vector_load %arg6[%get3A_421, %get3A_422] {strides = array<i32>} : memref<200x128xi32, #tpu.memory_space<vmem>>, vector<16xi32>,
        %shift_right_logical3A_424 = arith.constant 1 : i32
        %shift_right_logical3A_425 = vector.broadcast %shift_right_logical3A_424 : i32 to vector<16xi32>
        %shift_right_logical3A_426 = arith.shrui %get3A_423, %shift_right_logical3A_425 : vector<16xi32>
        %swap3A_427 = arith.constant 112 : index
        %swap3A_428 = tpu.vector_load %arg8[%swap3A_427] {strides = array<i32>} : memref<128xi32, #tpu.memory_space<vmem>>, vector<16xi32>,
        tpu.vector_store %arg8[%swap3A_427], %shift_right_logical3A_426 {strides = array<i32>} : memref<128xi32, #tpu.memory_space<vmem>>, vector<16xi32>,
        %dma_start3A_429 = arith.constant 0 : i32
        %dma_start3A_430 = arith.constant 0 : i32
        %dma_start3A_431 = tpu.memref_slice %arg2[%dma_start3A_429, %dma_start3A_430] : memref<500000x128xf32, #tpu.memory_space<hbm>> -> memref<500000x128xf32, #tpu.memory_space<hbm>>
        tpu.enqueue_indirect_dma source(%dma_start3A_431 : memref<500000x128xf32, #tpu.memory_space<hbm>>) target(%arg10 : memref<128x128xf32, #tpu.memory_space<vmem>>) offsets(%arg8 : memref<128xi32, #tpu.memory_space<vmem>>) semaphore(%arg14 : memref<!tpu.dma_semaphore, #tpu.memory_space<semaphore_mem>>)
      } else {
      }
      %mul3A_262 = arith.constant 2 : i32
      %mul3A_263 = arith.muli %scan3A_167, %mul3A_262 : i32
      %add3A_264 = arith.constant 1 : i32
      %add3A_265 = arith.addi %mul3A_263, %add3A_264 : i32
      %dma_wait3A_266 = arith.constant 0 : i32
      %dma_wait3A_267 = arith.constant 0 : i32
      %dma_wait3A_268 = tpu.memref_slice %arg2[%dma_wait3A_266, %dma_wait3A_267] : memref<500000x128xf32, #tpu.memory_space<hbm>> -> memref<500000x128xf32, #tpu.memory_space<hbm>>
      tpu.wait_indirect_dma semaphore(%arg15 : memref<!tpu.dma_semaphore, #tpu.memory_space<semaphore_mem>>) src(%dma_wait3A_268 : memref<500000x128xf32, #tpu.memory_space<hbm>>) dst(%arg11 : memref<128x128xf32, #tpu.memory_space<vmem>>)
      %gt3A_269 = arith.constant 0 : i32
      %gt3A_270 = arith.cmpi sgt, %scan3A_167, %gt3A_269 : i32
      %convert_element_type3A_271 = arith.extui %gt3A_270 : i1 to i32
      %cond3A_272 = arith.constant 0 : i32
      %cond3A_273 = arith.cmpi ne, %convert_element_type3A_271, %cond3A_272 : i32
      scf.if %cond3A_273 {
        %dma_wait3A_363 = arith.constant 0 : i32
        %dma_wait3A_364 = tpu.memref_slice %arg5[%add3A_265, %dma_wait3A_363, %mul3A_2] : memref<200x64x4096xf32, #tpu.memory_space<hbm>> -> memref<1x64x128xf32, #tpu.memory_space<hbm>>
        %dma_wait3A_365 = tpu.memref_squeeze %dma_wait3A_364 : memref<1x64x128xf32, #tpu.memory_space<hbm>> -> memref<64x128xf32, #tpu.memory_space<hbm>>
        %dma_wait3A_366 = arith.constant 0 : i32
        %dma_wait3A_367 = tpu.memref_slice %arg5[%add3A_265, %dma_wait3A_366, %mul3A_2] : memref<200x64x4096xf32, #tpu.memory_space<hbm>> -> memref<1x64x128xf32, #tpu.memory_space<hbm>>
        %dma_wait3A_368 = tpu.memref_squeeze %dma_wait3A_367 : memref<1x64x128xf32, #tpu.memory_space<hbm>> -> memref<64x128xf32, #tpu.memory_space<hbm>>
        tpu.wait_dma2 semaphore(%arg17 : memref<!tpu.dma_semaphore, #tpu.memory_space<semaphore_mem>>) src(%arg13 : memref<64x128xf32, #tpu.memory_space<vmem>>) dst(%dma_wait3A_368 : memref<64x128xf32, #tpu.memory_space<hbm>>)
      } else {
      }
      %iota3A_274 = tpu.iota {dimensions = array<i32: 0>} : vector<16xi32>
      %get3A_275 = arith.index_cast %add3A_265 : i32 to index
      %get3A_276 = arith.constant 0 : index
      %get3A_277 = tpu.vector_load %arg6[%get3A_275, %get3A_276] {strides = array<i32>} : memref<200x128xi32, #tpu.memory_space<vmem>>, vector<16xi32>,
      %and3A_278 = arith.constant 1 : i32
      %and3A_279 = vector.broadcast %and3A_278 : i32 to vector<16xi32>
      %and3A_280 = arith.andi %get3A_277, %and3A_279 : vector<16xi32>
      %mul3A_281 = arith.constant 64 : i32
      %mul3A_282 = vector.broadcast %mul3A_281 : i32 to vector<16xi32>
      %mul3A_283 = arith.muli %and3A_280, %mul3A_282 : vector<16xi32>
      %get3A_284 = arith.index_cast %add3A_265 : i32 to index
      %get3A_285 = arith.constant 16 : index
      %get3A_286 = tpu.vector_load %arg6[%get3A_284, %get3A_285] {strides = array<i32>} : memref<200x128xi32, #tpu.memory_space<vmem>>, vector<16xi32>,
      %and3A_287 = arith.constant 1 : i32
      %and3A_288 = vector.broadcast %and3A_287 : i32 to vector<16xi32>
      %and3A_289 = arith.andi %get3A_286, %and3A_288 : vector<16xi32>
      %mul3A_290 = arith.constant 64 : i32
      %mul3A_291 = vector.broadcast %mul3A_290 : i32 to vector<16xi32>
      %mul3A_292 = arith.muli %and3A_289, %mul3A_291 : vector<16xi32>
      %get3A_293 = arith.index_cast %add3A_265 : i32 to index
      %get3A_294 = arith.constant 32 : index
      %get3A_295 = tpu.vector_load %arg6[%get3A_293, %get3A_294] {strides = array<i32>} : memref<200x128xi32, #tpu.memory_space<vmem>>, vector<16xi32>,
      %and3A_296 = arith.constant 1 : i32
      %and3A_297 = vector.broadcast %and3A_296 : i32 to vector<16xi32>
      %and3A_298 = arith.andi %get3A_295, %and3A_297 : vector<16xi32>
      %mul3A_299 = arith.constant 64 : i32
      %mul3A_300 = vector.broadcast %mul3A_299 : i32 to vector<16xi32>
      %mul3A_301 = arith.muli %and3A_298, %mul3A_300 : vector<16xi32>
      %get3A_302 = arith.index_cast %add3A_265 : i32 to index
      %get3A_303 = arith.constant 48 : index
      %get3A_304 = tpu.vector_load %arg6[%get3A_302, %get3A_303] {strides = array<i32>} : memref<200x128xi32, #tpu.memory_space<vmem>>, vector<16xi32>,
      %and3A_305 = arith.constant 1 : i32
      %and3A_306 = vector.broadcast %and3A_305 : i32 to vector<16xi32>
      %and3A_307 = arith.andi %get3A_304, %and3A_306 : vector<16xi32>
      %mul3A_308 = arith.constant 64 : i32
      %mul3A_309 = vector.broadcast %mul3A_308 : i32 to vector<16xi32>
      %mul3A_310 = arith.muli %and3A_307, %mul3A_309 : vector<16xi32>
      %get3A_311 = arith.index_cast %add3A_265 : i32 to index
      %get3A_312 = arith.constant 64 : index
      %get3A_313 = tpu.vector_load %arg6[%get3A_311, %get3A_312] {strides = array<i32>} : memref<200x128xi32, #tpu.memory_space<vmem>>, vector<16xi32>,
      %and3A_314 = arith.constant 1 : i32
      %and3A_315 = vector.broadcast %and3A_314 : i32 to vector<16xi32>
      %and3A_316 = arith.andi %get3A_313, %and3A_315 : vector<16xi32>
      %mul3A_317 = arith.constant 64 : i32
      %mul3A_318 = vector.broadcast %mul3A_317 : i32 to vector<16xi32>
      %mul3A_319 = arith.muli %and3A_316, %mul3A_318 : vector<16xi32>
      %get3A_320 = arith.index_cast %add3A_265 : i32 to index
      %get3A_321 = arith.constant 80 : index
      %get3A_322 = tpu.vector_load %arg6[%get3A_320, %get3A_321] {strides = array<i32>} : memref<200x128xi32, #tpu.memory_space<vmem>>, vector<16xi32>,
      %and3A_323 = arith.constant 1 : i32
      %and3A_324 = vector.broadcast %and3A_323 : i32 to vector<16xi32>
      %and3A_325 = arith.andi %get3A_322, %and3A_324 : vector<16xi32>
      %mul3A_326 = arith.constant 64 : i32
      %mul3A_327 = vector.broadcast %mul3A_326 : i32 to vector<16xi32>
      %mul3A_328 = arith.muli %and3A_325, %mul3A_327 : vector<16xi32>
      %get3A_329 = arith.index_cast %add3A_265 : i32 to index
      %get3A_330 = arith.constant 96 : index
      %get3A_331 = tpu.vector_load %arg6[%get3A_329, %get3A_330] {strides = array<i32>} : memref<200x128xi32, #tpu.memory_space<vmem>>, vector<16xi32>,
      %and3A_332 = arith.constant 1 : i32
      %and3A_333 = vector.broadcast %and3A_332 : i32 to vector<16xi32>
      %and3A_334 = arith.andi %get3A_331, %and3A_333 : vector<16xi32>
      %mul3A_335 = arith.constant 64 : i32
      %mul3A_336 = vector.broadcast %mul3A_335 : i32 to vector<16xi32>
      %mul3A_337 = arith.muli %and3A_334, %mul3A_336 : vector<16xi32>
      %get3A_338 = arith.index_cast %add3A_265 : i32 to index
      %get3A_339 = arith.constant 112 : index
      %get3A_340 = tpu.vector_load %arg6[%get3A_338, %get3A_339] {strides = array<i32>} : memref<200x128xi32, #tpu.memory_space<vmem>>, vector<16xi32>,
      %and3A_341 = arith.constant 1 : i32
      %and3A_342 = vector.broadcast %and3A_341 : i32 to vector<16xi32>
      %and3A_343 = arith.andi %get3A_340, %and3A_342 : vector<16xi32>
      %mul3A_344 = arith.constant 64 : i32
      %mul3A_345 = vector.broadcast %mul3A_344 : i32 to vector<16xi32>
      %mul3A_346 = arith.muli %and3A_343, %mul3A_345 : vector<16xi32>
      %parallel_loop3A_347 = arith.constant 0 : i32
      %parallel_loop3A_348 = arith.constant 64 : i32
      %parallel_loop3A_349 = arith.constant 1 : i32
      scf.for %parallel_loop3A_363 = %parallel_loop3A_347 to %parallel_loop3A_348 step %parallel_loop3A_349  : i32 {
        %parallel_loop3A_364 = vector.broadcast %parallel_loop3A_363 : i32 to vector<16xi32>
        %parallel_loop3A_365 = arith.addi %iota3A_274, %parallel_loop3A_364 : vector<16xi32>
        %parallel_loop3A_366 = arith.constant 15 : i32
        %parallel_loop3A_367 = vector.broadcast %parallel_loop3A_366 : i32 to vector<16xi32>
        %parallel_loop3A_368 = arith.andi %parallel_loop3A_365, %parallel_loop3A_367 : vector<16xi32>
        %parallel_loop3A_369 = arith.constant -16 : i32
        %parallel_loop3A_370 = arith.andi %parallel_loop3A_363, %parallel_loop3A_369 : i32
        %parallel_loop3A_371 = vector.broadcast %parallel_loop3A_370 : i32 to vector<16xi32>
        %parallel_loop3A_372 = arith.addi %parallel_loop3A_368, %parallel_loop3A_371 : vector<16xi32>
        %parallel_loop3A_373 = arith.constant 64 : i32
        %parallel_loop3A_374 = arith.muli %add3A_265, %parallel_loop3A_373 : i32
        %parallel_loop3A_375 = vector.broadcast %parallel_loop3A_374 : i32 to vector<16xi32>
        %parallel_loop3A_376 = arith.addi %parallel_loop3A_375, %parallel_loop3A_372 : vector<16xi32>
        %parallel_loop3A_377 = tpu.vector_load_idx %arg7[%parallel_loop3A_376] : memref<12800xf32, #tpu.memory_space<vmem>>[vector<16xi32>], vector<16xf32>,
        %parallel_loop3A_378 = arith.constant 0 : i32
        %parallel_loop3A_379 = vector.broadcast %parallel_loop3A_378 : i32 to vector<16xi32>
        %parallel_loop3A_380 = arith.addi %iota3A_274, %parallel_loop3A_379 : vector<16xi32>
        %parallel_loop3A_381 = arith.addi %mul3A_283, %parallel_loop3A_372 : vector<16xi32>
        %parallel_loop3A_382 = tpu.vector_load_idx %arg11[%parallel_loop3A_380, %parallel_loop3A_381] : memref<128x128xf32, #tpu.memory_space<vmem>>[vector<16xi32>, vector<16xi32>], vector<16xf32>,
        %parallel_loop3A_383 = arith.addf %parallel_loop3A_382, %parallel_loop3A_377 : vector<16xf32>
        tpu.vector_store_idx %arg13[%parallel_loop3A_372, %parallel_loop3A_380], %parallel_loop3A_383 : memref<64x128xf32, #tpu.memory_space<vmem>>[vector<16xi32>, vector<16xi32>], vector<16xf32>,
        %parallel_loop3A_384 = arith.constant 16 : i32
        %parallel_loop3A_385 = vector.broadcast %parallel_loop3A_384 : i32 to vector<16xi32>
        %parallel_loop3A_386 = arith.addi %iota3A_274, %parallel_loop3A_385 : vector<16xi32>
        %parallel_loop3A_387 = arith.addi %mul3A_292, %parallel_loop3A_372 : vector<16xi32>
        %parallel_loop3A_388 = tpu.vector_load_idx %arg11[%parallel_loop3A_386, %parallel_loop3A_387] : memref<128x128xf32, #tpu.memory_space<vmem>>[vector<16xi32>, vector<16xi32>], vector<16xf32>,
        %parallel_loop3A_389 = arith.addf %parallel_loop3A_388, %parallel_loop3A_377 : vector<16xf32>
        tpu.vector_store_idx %arg13[%parallel_loop3A_372, %parallel_loop3A_386], %parallel_loop3A_389 : memref<64x128xf32, #tpu.memory_space<vmem>>[vector<16xi32>, vector<16xi32>], vector<16xf32>,
        %parallel_loop3A_390 = arith.constant 32 : i32
        %parallel_loop3A_391 = vector.broadcast %parallel_loop3A_390 : i32 to vector<16xi32>
        %parallel_loop3A_392 = arith.addi %iota3A_274, %parallel_loop3A_391 : vector<16xi32>
        %parallel_loop3A_393 = arith.addi %mul3A_301, %parallel_loop3A_372 : vector<16xi32>
        %parallel_loop3A_394 = tpu.vector_load_idx %arg11[%parallel_loop3A_392, %parallel_loop3A_393] : memref<128x128xf32, #tpu.memory_space<vmem>>[vector<16xi32>, vector<16xi32>], vector<16xf32>,
        %parallel_loop3A_395 = arith.addf %parallel_loop3A_394, %parallel_loop3A_377 : vector<16xf32>
        tpu.vector_store_idx %arg13[%parallel_loop3A_372, %parallel_loop3A_392], %parallel_loop3A_395 : memref<64x128xf32, #tpu.memory_space<vmem>>[vector<16xi32>, vector<16xi32>], vector<16xf32>,
        %parallel_loop3A_396 = arith.constant 48 : i32
        %parallel_loop3A_397 = vector.broadcast %parallel_loop3A_396 : i32 to vector<16xi32>
        %parallel_loop3A_398 = arith.addi %iota3A_274, %parallel_loop3A_397 : vector<16xi32>
        %parallel_loop3A_399 = arith.addi %mul3A_310, %parallel_loop3A_372 : vector<16xi32>
        %parallel_loop3A_400 = tpu.vector_load_idx %arg11[%parallel_loop3A_398, %parallel_loop3A_399] : memref<128x128xf32, #tpu.memory_space<vmem>>[vector<16xi32>, vector<16xi32>], vector<16xf32>,
        %parallel_loop3A_401 = arith.addf %parallel_loop3A_400, %parallel_loop3A_377 : vector<16xf32>
        tpu.vector_store_idx %arg13[%parallel_loop3A_372, %parallel_loop3A_398], %parallel_loop3A_401 : memref<64x128xf32, #tpu.memory_space<vmem>>[vector<16xi32>, vector<16xi32>], vector<16xf32>,
        %parallel_loop3A_402 = arith.constant 64 : i32
        %parallel_loop3A_403 = vector.broadcast %parallel_loop3A_402 : i32 to vector<16xi32>
        %parallel_loop3A_404 = arith.addi %iota3A_274, %parallel_loop3A_403 : vector<16xi32>
        %parallel_loop3A_405 = arith.addi %mul3A_319, %parallel_loop3A_372 : vector<16xi32>
        %parallel_loop3A_406 = tpu.vector_load_idx %arg11[%parallel_loop3A_404, %parallel_loop3A_405] : memref<128x128xf32, #tpu.memory_space<vmem>>[vector<16xi32>, vector<16xi32>], vector<16xf32>,
        %parallel_loop3A_407 = arith.addf %parallel_loop3A_406, %parallel_loop3A_377 : vector<16xf32>
        tpu.vector_store_idx %arg13[%parallel_loop3A_372, %parallel_loop3A_404], %parallel_loop3A_407 : memref<64x128xf32, #tpu.memory_space<vmem>>[vector<16xi32>, vector<16xi32>], vector<16xf32>,
        %parallel_loop3A_408 = arith.constant 80 : i32
        %parallel_loop3A_409 = vector.broadcast %parallel_loop3A_408 : i32 to vector<16xi32>
        %parallel_loop3A_410 = arith.addi %iota3A_274, %parallel_loop3A_409 : vector<16xi32>
        %parallel_loop3A_411 = arith.addi %mul3A_328, %parallel_loop3A_372 : vector<16xi32>
        %parallel_loop3A_412 = tpu.vector_load_idx %arg11[%parallel_loop3A_410, %parallel_loop3A_411] : memref<128x128xf32, #tpu.memory_space<vmem>>[vector<16xi32>, vector<16xi32>], vector<16xf32>,
        %parallel_loop3A_413 = arith.addf %parallel_loop3A_412, %parallel_loop3A_377 : vector<16xf32>
        tpu.vector_store_idx %arg13[%parallel_loop3A_372, %parallel_loop3A_410], %parallel_loop3A_413 : memref<64x128xf32, #tpu.memory_space<vmem>>[vector<16xi32>, vector<16xi32>], vector<16xf32>,
        %parallel_loop3A_414 = arith.constant 96 : i32
        %parallel_loop3A_415 = vector.broadcast %parallel_loop3A_414 : i32 to vector<16xi32>
        %parallel_loop3A_416 = arith.addi %iota3A_274, %parallel_loop3A_415 : vector<16xi32>
        %parallel_loop3A_417 = arith.addi %mul3A_337, %parallel_loop3A_372 : vector<16xi32>
        %parallel_loop3A_418 = tpu.vector_load_idx %arg11[%parallel_loop3A_416, %parallel_loop3A_417] : memref<128x128xf32, #tpu.memory_space<vmem>>[vector<16xi32>, vector<16xi32>], vector<16xf32>,
        %parallel_loop3A_419 = arith.addf %parallel_loop3A_418, %parallel_loop3A_377 : vector<16xf32>
        tpu.vector_store_idx %arg13[%parallel_loop3A_372, %parallel_loop3A_416], %parallel_loop3A_419 : memref<64x128xf32, #tpu.memory_space<vmem>>[vector<16xi32>, vector<16xi32>], vector<16xf32>,
        %parallel_loop3A_420 = arith.constant 112 : i32
        %parallel_loop3A_421 = vector.broadcast %parallel_loop3A_420 : i32 to vector<16xi32>
        %parallel_loop3A_422 = arith.addi %iota3A_274, %parallel_loop3A_421 : vector<16xi32>
        %parallel_loop3A_423 = arith.addi %mul3A_346, %parallel_loop3A_372 : vector<16xi32>
        %parallel_loop3A_424 = tpu.vector_load_idx %arg11[%parallel_loop3A_422, %parallel_loop3A_423] : memref<128x128xf32, #tpu.memory_space<vmem>>[vector<16xi32>, vector<16xi32>], vector<16xf32>,
        %parallel_loop3A_425 = arith.addf %parallel_loop3A_424, %parallel_loop3A_377 : vector<16xf32>
        tpu.vector_store_idx %arg13[%parallel_loop3A_372, %parallel_loop3A_422], %parallel_loop3A_425 : memref<64x128xf32, #tpu.memory_space<vmem>>[vector<16xi32>, vector<16xi32>], vector<16xf32>,
      } {sc.loop_unroll_factor = 4 : i64, sc.parallel_access}
      %dma_start3A_350 = arith.constant 0 : i32
      %dma_start3A_351 = tpu.memref_slice %arg5[%add3A_265, %dma_start3A_350, %mul3A_2] : memref<200x64x4096xf32, #tpu.memory_space<hbm>> -> memref<1x64x128xf32, #tpu.memory_space<hbm>>
      %dma_start3A_352 = tpu.memref_squeeze %dma_start3A_351 : memref<1x64x128xf32, #tpu.memory_space<hbm>> -> memref<64x128xf32, #tpu.memory_space<hbm>>
      %dma_start3A_353 = arith.constant 0 : i32
      %dma_start3A_354 = tpu.memref_slice %arg5[%add3A_265, %dma_start3A_353, %mul3A_2] : memref<200x64x4096xf32, #tpu.memory_space<hbm>> -> memref<1x64x128xf32, #tpu.memory_space<hbm>>
      %dma_start3A_355 = tpu.memref_squeeze %dma_start3A_354 : memref<1x64x128xf32, #tpu.memory_space<hbm>> -> memref<64x128xf32, #tpu.memory_space<hbm>>
      tpu.enqueue_dma source(%arg13 : memref<64x128xf32, #tpu.memory_space<vmem>>) target(%dma_start3A_355 : memref<64x128xf32, #tpu.memory_space<hbm>>) target_semaphore(%arg17 : memref<!tpu.dma_semaphore, #tpu.memory_space<semaphore_mem>>)
      %add3A_356 = arith.constant 2 : i32
      %add3A_357 = arith.addi %add3A_265, %add3A_356 : i32
      %lt3A_358 = arith.constant 200 : i32
      %lt3A_359 = arith.cmpi slt, %add3A_357, %lt3A_358 : i32
      %convert_element_type3A_360 = arith.extui %lt3A_359 : i1 to i32
      %cond3A_361 = arith.constant 0 : i32
      %cond3A_362 = arith.cmpi ne, %convert_element_type3A_360, %cond3A_361 : i32
      scf.if %cond3A_362 {
        %add3A_363 = arith.constant 2 : i32
        %add3A_364 = arith.addi %add3A_265, %add3A_363 : i32
        %get3A_365 = arith.index_cast %add3A_364 : i32 to index
        %get3A_366 = arith.constant 0 : index
        %get3A_367 = tpu.vector_load %arg6[%get3A_365, %get3A_366] {strides = array<i32>} : memref<200x128xi32, #tpu.memory_space<vmem>>, vector<16xi32>,
        %shift_right_logical3A_368 = arith.constant 1 : i32
        %shift_right_logical3A_369 = vector.broadcast %shift_right_logical3A_368 : i32 to vector<16xi32>
        %shift_right_logical3A_370 = arith.shrui %get3A_367, %shift_right_logical3A_369 : vector<16xi32>
        %swap3A_371 = arith.constant 0 : index
        %swap3A_372 = tpu.vector_load %arg9[%swap3A_371] {strides = array<i32>} : memref<128xi32, #tpu.memory_space<vmem>>, vector<16xi32>,
        tpu.vector_store %arg9[%swap3A_371], %shift_right_logical3A_370 {strides = array<i32>} : memref<128xi32, #tpu.memory_space<vmem>>, vector<16xi32>,
        %get3A_373 = arith.index_cast %add3A_364 : i32 to index
        %get3A_374 = arith.constant 16 : index
        %get3A_375 = tpu.vector_load %arg6[%get3A_373, %get3A_374] {strides = array<i32>} : memref<200x128xi32, #tpu.memory_space<vmem>>, vector<16xi32>,
        %shift_right_logical3A_376 = arith.constant 1 : i32
        %shift_right_logical3A_377 = vector.broadcast %shift_right_logical3A_376 : i32 to vector<16xi32>
        %shift_right_logical3A_378 = arith.shrui %get3A_375, %shift_right_logical3A_377 : vector<16xi32>
        %swap3A_379 = arith.constant 16 : index
        %swap3A_380 = tpu.vector_load %arg9[%swap3A_379] {strides = array<i32>} : memref<128xi32, #tpu.memory_space<vmem>>, vector<16xi32>,
        tpu.vector_store %arg9[%swap3A_379], %shift_right_logical3A_378 {strides = array<i32>} : memref<128xi32, #tpu.memory_space<vmem>>, vector<16xi32>,
        %get3A_381 = arith.index_cast %add3A_364 : i32 to index
        %get3A_382 = arith.constant 32 : index
        %get3A_383 = tpu.vector_load %arg6[%get3A_381, %get3A_382] {strides = array<i32>} : memref<200x128xi32, #tpu.memory_space<vmem>>, vector<16xi32>,
        %shift_right_logical3A_384 = arith.constant 1 : i32
        %shift_right_logical3A_385 = vector.broadcast %shift_right_logical3A_384 : i32 to vector<16xi32>
        %shift_right_logical3A_386 = arith.shrui %get3A_383, %shift_right_logical3A_385 : vector<16xi32>
        %swap3A_387 = arith.constant 32 : index
        %swap3A_388 = tpu.vector_load %arg9[%swap3A_387] {strides = array<i32>} : memref<128xi32, #tpu.memory_space<vmem>>, vector<16xi32>,
        tpu.vector_store %arg9[%swap3A_387], %shift_right_logical3A_386 {strides = array<i32>} : memref<128xi32, #tpu.memory_space<vmem>>, vector<16xi32>,
        %get3A_389 = arith.index_cast %add3A_364 : i32 to index
        %get3A_390 = arith.constant 48 : index
        %get3A_391 = tpu.vector_load %arg6[%get3A_389, %get3A_390] {strides = array<i32>} : memref<200x128xi32, #tpu.memory_space<vmem>>, vector<16xi32>,
        %shift_right_logical3A_392 = arith.constant 1 : i32
        %shift_right_logical3A_393 = vector.broadcast %shift_right_logical3A_392 : i32 to vector<16xi32>
        %shift_right_logical3A_394 = arith.shrui %get3A_391, %shift_right_logical3A_393 : vector<16xi32>
        %swap3A_395 = arith.constant 48 : index
        %swap3A_396 = tpu.vector_load %arg9[%swap3A_395] {strides = array<i32>} : memref<128xi32, #tpu.memory_space<vmem>>, vector<16xi32>,
        tpu.vector_store %arg9[%swap3A_395], %shift_right_logical3A_394 {strides = array<i32>} : memref<128xi32, #tpu.memory_space<vmem>>, vector<16xi32>,
        %get3A_397 = arith.index_cast %add3A_364 : i32 to index
        %get3A_398 = arith.constant 64 : index
        %get3A_399 = tpu.vector_load %arg6[%get3A_397, %get3A_398] {strides = array<i32>} : memref<200x128xi32, #tpu.memory_space<vmem>>, vector<16xi32>,
        %shift_right_logical3A_400 = arith.constant 1 : i32
        %shift_right_logical3A_401 = vector.broadcast %shift_right_logical3A_400 : i32 to vector<16xi32>
        %shift_right_logical3A_402 = arith.shrui %get3A_399, %shift_right_logical3A_401 : vector<16xi32>
        %swap3A_403 = arith.constant 64 : index
        %swap3A_404 = tpu.vector_load %arg9[%swap3A_403] {strides = array<i32>} : memref<128xi32, #tpu.memory_space<vmem>>, vector<16xi32>,
        tpu.vector_store %arg9[%swap3A_403], %shift_right_logical3A_402 {strides = array<i32>} : memref<128xi32, #tpu.memory_space<vmem>>, vector<16xi32>,
        %get3A_405 = arith.index_cast %add3A_364 : i32 to index
        %get3A_406 = arith.constant 80 : index
        %get3A_407 = tpu.vector_load %arg6[%get3A_405, %get3A_406] {strides = array<i32>} : memref<200x128xi32, #tpu.memory_space<vmem>>, vector<16xi32>,
        %shift_right_logical3A_408 = arith.constant 1 : i32
        %shift_right_logical3A_409 = vector.broadcast %shift_right_logical3A_408 : i32 to vector<16xi32>
        %shift_right_logical3A_410 = arith.shrui %get3A_407, %shift_right_logical3A_409 : vector<16xi32>
        %swap3A_411 = arith.constant 80 : index
        %swap3A_412 = tpu.vector_load %arg9[%swap3A_411] {strides = array<i32>} : memref<128xi32, #tpu.memory_space<vmem>>, vector<16xi32>,
        tpu.vector_store %arg9[%swap3A_411], %shift_right_logical3A_410 {strides = array<i32>} : memref<128xi32, #tpu.memory_space<vmem>>, vector<16xi32>,
        %get3A_413 = arith.index_cast %add3A_364 : i32 to index
        %get3A_414 = arith.constant 96 : index
        %get3A_415 = tpu.vector_load %arg6[%get3A_413, %get3A_414] {strides = array<i32>} : memref<200x128xi32, #tpu.memory_space<vmem>>, vector<16xi32>,
        %shift_right_logical3A_416 = arith.constant 1 : i32
        %shift_right_logical3A_417 = vector.broadcast %shift_right_logical3A_416 : i32 to vector<16xi32>
        %shift_right_logical3A_418 = arith.shrui %get3A_415, %shift_right_logical3A_417 : vector<16xi32>
        %swap3A_419 = arith.constant 96 : index
        %swap3A_420 = tpu.vector_load %arg9[%swap3A_419] {strides = array<i32>} : memref<128xi32, #tpu.memory_space<vmem>>, vector<16xi32>,
        tpu.vector_store %arg9[%swap3A_419], %shift_right_logical3A_418 {strides = array<i32>} : memref<128xi32, #tpu.memory_space<vmem>>, vector<16xi32>,
        %get3A_421 = arith.index_cast %add3A_364 : i32 to index
        %get3A_422 = arith.constant 112 : index
        %get3A_423 = tpu.vector_load %arg6[%get3A_421, %get3A_422] {strides = array<i32>} : memref<200x128xi32, #tpu.memory_space<vmem>>, vector<16xi32>,
        %shift_right_logical3A_424 = arith.constant 1 : i32
        %shift_right_logical3A_425 = vector.broadcast %shift_right_logical3A_424 : i32 to vector<16xi32>
        %shift_right_logical3A_426 = arith.shrui %get3A_423, %shift_right_logical3A_425 : vector<16xi32>
        %swap3A_427 = arith.constant 112 : index
        %swap3A_428 = tpu.vector_load %arg9[%swap3A_427] {strides = array<i32>} : memref<128xi32, #tpu.memory_space<vmem>>, vector<16xi32>,
        tpu.vector_store %arg9[%swap3A_427], %shift_right_logical3A_426 {strides = array<i32>} : memref<128xi32, #tpu.memory_space<vmem>>, vector<16xi32>,
        %dma_start3A_429 = arith.constant 0 : i32
        %dma_start3A_430 = arith.constant 0 : i32
        %dma_start3A_431 = tpu.memref_slice %arg2[%dma_start3A_429, %dma_start3A_430] : memref<500000x128xf32, #tpu.memory_space<hbm>> -> memref<500000x128xf32, #tpu.memory_space<hbm>>
        tpu.enqueue_indirect_dma source(%dma_start3A_431 : memref<500000x128xf32, #tpu.memory_space<hbm>>) target(%arg11 : memref<128x128xf32, #tpu.memory_space<vmem>>) offsets(%arg9 : memref<128xi32, #tpu.memory_space<vmem>>) semaphore(%arg15 : memref<!tpu.dma_semaphore, #tpu.memory_space<semaphore_mem>>)
      } else {
      }
    }
    %scan3A_153 = arith.constant 100 : i32
    %dma_wait3A = arith.constant 198 : i32
    %dma_wait3A_154 = arith.constant 0 : i32
    %dma_wait3A_155 = tpu.memref_slice %arg5[%dma_wait3A, %dma_wait3A_154, %mul3A_2] : memref<200x64x4096xf32, #tpu.memory_space<hbm>> -> memref<1x64x128xf32, #tpu.memory_space<hbm>>
    %dma_wait3A_156 = tpu.memref_squeeze %dma_wait3A_155 : memref<1x64x128xf32, #tpu.memory_space<hbm>> -> memref<64x128xf32, #tpu.memory_space<hbm>>
    %dma_wait3A_157 = arith.constant 0 : i32
    %dma_wait3A_158 = tpu.memref_slice %arg5[%dma_wait3A, %dma_wait3A_157, %mul3A_2] : memref<200x64x4096xf32, #tpu.memory_space<hbm>> -> memref<1x64x128xf32, #tpu.memory_space<hbm>>
    %dma_wait3A_159 = tpu.memref_squeeze %dma_wait3A_158 : memref<1x64x128xf32, #tpu.memory_space<hbm>> -> memref<64x128xf32, #tpu.memory_space<hbm>>
    tpu.wait_dma2 semaphore(%arg16 : memref<!tpu.dma_semaphore, #tpu.memory_space<semaphore_mem>>) src(%arg12 : memref<64x128xf32, #tpu.memory_space<vmem>>) dst(%dma_wait3A_159 : memref<64x128xf32, #tpu.memory_space<hbm>>)
    %dma_wait3A_160 = arith.constant 199 : i32
    %dma_wait3A_161 = arith.constant 0 : i32
    %dma_wait3A_162 = tpu.memref_slice %arg5[%dma_wait3A_160, %dma_wait3A_161, %mul3A_2] : memref<200x64x4096xf32, #tpu.memory_space<hbm>> -> memref<1x64x128xf32, #tpu.memory_space<hbm>>
    %dma_wait3A_163 = tpu.memref_squeeze %dma_wait3A_162 : memref<1x64x128xf32, #tpu.memory_space<hbm>> -> memref<64x128xf32, #tpu.memory_space<hbm>>
    %dma_wait3A_164 = arith.constant 0 : i32
    %dma_wait3A_165 = tpu.memref_slice %arg5[%dma_wait3A_160, %dma_wait3A_164, %mul3A_2] : memref<200x64x4096xf32, #tpu.memory_space<hbm>> -> memref<1x64x128xf32, #tpu.memory_space<hbm>>
    %dma_wait3A_166 = tpu.memref_squeeze %dma_wait3A_165 : memref<1x64x128xf32, #tpu.memory_space<hbm>> -> memref<64x128xf32, #tpu.memory_space<hbm>>
    tpu.wait_dma2 semaphore(%arg17 : memref<!tpu.dma_semaphore, #tpu.memory_space<semaphore_mem>>) src(%arg13 : memref<64x128xf32, #tpu.memory_space<vmem>>) dst(%dma_wait3A_166 : memref<64x128xf32, #tpu.memory_space<hbm>>)
    return
  }
}

</mosaic_0001>

<sc_bundles>
// kernel: _sc_embed.4.cloned.1.call-start
scs
__scs_entry_jumppad:
0x0: {  	(pc) =	sbr.rel $0x88, $3  }
0x1: {  	(tag) =	ssettag $0x0;
	lr =	simm.s32 $0x1  }
0x2: {  	[smem:$0x3F9D] =	sst lr;
	_ =	strace $0xD0000000  }
0x3: {  	_ = 	snop  }
0x4: {  	_ = 	snop  }
0x5: {  	_ = 	snop  }
0x6: {  	_ = 	snop  }
0x7: {  	_ = 	snop  }
__scs_overlays_trampoline_lowered:
0x8: {  	[smem:$0x3FAC] =	sst s0  }
0x9: {  	[smem:$0x3FAD] =	sst s1  }
0xa: {  	[smem:$0x3FAE] =	sst s2  }
0xb: {  	[smem:$0x3FAF] =	sst s3  }
0xc: {  	[smem:$0x3FB0] =	sst s4  }
0xd: {  	[smem:$0x3FB1] =	sst s5  }
0xe: {  	[smem:$0x3FB2] =	sst s6  }
0xf: {  	[smem:$0x3FB3] =	sst s7  }
0x10: {  	[smem:$0x3FB4] =	sst s8  }
0x11: {  	[smem:$0x3FB5] =	sst s9;
	s0 =	simm.s32 @!p0 $0x0  }
0x12: {  	s1 =	sld [smem:$0x3F9B];
	s0 =	simm.s32 @p0 $0x1  }
0x13: {  	[smem:$0x3FB6] =	sst s0;
	s0 =	simm.s32 @!p1 $0x0  }
0x14: {  	s2 =	sld [smem:$0x3F9A];
	s0 =	simm.s32 @p1 $0x1  }
0x15: {  	[smem:$0x3FB7] =	sst s0;
	s0 =	simm.s32 @!p2 $0x0  }
0x16: {  	s3 =	sld [smem:$0x3FDB];
	s0 =	simm.s32 @p2 $0x1  }
0x17: {  	s4 =	simm.s32 $0x1BF5;
	[smem:$0x3FB9] =	sst s0  }
0x18: {  	s0 =	sld [smem:$0x3F9C];
	_ =	swait.ge [sflag:s4], $0x0  }
0x19: {  	s7 =	sld [smem:$0x3F9D]  }
0x1a: {  	s8 =	sadd.s32 $0xFFFFE003, lr  }
0x1b: {  	s9 =	sadd.s32 $0xFFFFFEF7, lr;
	s5 =	simm.s32 $0xFFFFFFFF;
	p2 =	slt.u32 s8, $0xFFFFF086  }
0x1c: {  	p1 =	slt.u32 s9, $0xF7A;
	s5 =	simm.s32 @!p2 $0x0  }
0x1d: {  	s5 =	simm.s32 @p1 $0x1;
	p0 =	seq.s32 s7, s2  }
0x1e: {  	s7 =	smul.u32 @!p0 $0xF7A, s2;
	p2 =	seq.s32 @!p0 s5, $0x0  }
0x1f: {  	s9 =	smul.u32 $0xF7A, s1;
	s8 =	simm.s32 @!p0 $0x1BF5;
	p2 =	por !p2, p0  }
0x20: {  	[sflag:s8] =	ssyncset.s32 @!p0 $0xFFFFF086;
	s6 =	sadd.s32 @!p0 s3, s7;
	s7 =	simm.s32 @!p0 $0x108  }
0x21: {  	s3 =	sadd.s32 s3, s9;
	s6 =	sadd.s32 @!p0 $0x88, s6;
	s7 =	simm.s32 @p2 $0x1082  }
0x22: {  	[simem:s7], [sflag:s8] =	dma.local @!p0 [hbm:s6], $0xF7A  }
0x23: {  	s9 =	sor.u32 $0xD0000000, s2;
	s6 =	simm.s32 $0x108;
	_ =	swait.ge @!p0 [sflag:s8], $0x0  }
0x24: {  	s3 =	sadd.s32 $0x88, s3;
	s6 =	simm.s32 @!p1 $0x1082;
	[sflag:s4] =	ssyncset.s32 $0xFFFFF086  }
0x25: {  	[simem:s6], [sflag:s4] =	dma.local [hbm:s3], $0xF7A  }
0x26: {  	[smem:$0x3F9D] =	sst s1;
	(tag) =	ssettag s2;
	_ =	strace s9  }
0x27: {  	s1 =	sld [smem:$0x3FAD]  }
0x28: {  	s2 =	sld [smem:$0x3FAE]  }
0x29: {  	s4 =	sld [smem:$0x3FB0]  }
0x2a: {  	p0 =	seq.s32 s5, $0x0;
	s5 =	sld [smem:$0x3FB1]  }
0x2b: {  	s6 =	sld [smem:$0x3FB2]  }
0x2c: {  	s7 =	sld [smem:$0x3FB3]  }
0x2d: {  	s3 =	simm.s32 $0x108;
	s8 =	sld [smem:$0x3FB4]  }
0x2e: {  	s3 =	simm.s32 @!p0 $0x1082;
	s9 =	sld [smem:$0x3FB5]  }
0x2f: {  	lr =	sadd.s32 s0, s3;
	s0 =	sld [smem:$0x3FAC]  }
0x30: {  	s3 =	sld [smem:$0x3FAF]  }
0x31: {  	[smem:$0x3FB8] =	sst s10  }
0x32: {  	s10 =	sld [smem:$0x3FB6];
	_ =	sdelay $0x3  }
0x33: {  	p0 =	seq.s32 s10, $0x1;
	s10 =	sld [smem:$0x3FB8];
	_ =	sdelay $0x3  }
0x34: {  	[smem:$0x3FB8] =	sst s10  }
0x35: {  	s10 =	sld [smem:$0x3FB7];
	_ =	sdelay $0x3  }
0x36: {  	p1 =	seq.s32 s10, $0x1;
	s10 =	sld [smem:$0x3FB8];
	_ =	sdelay $0x3  }
0x37: {  	[smem:$0x3FB8] =	sst s10  }
0x38: {  	s10 =	sld [smem:$0x3FB9]  }
0x39: {  	_ = 	snop;
	(pc) =	sbr.ind lr, $3  }
0x3a: {  	_ = 	snop  }
0x3b: {  	_ = 	snop  }
0x3c: {  	p2 =	seq.s32 s10, $0x1;
	s10 =	sld [smem:$0x3FB8]  }
0x3d: {  	_ =	shalt  }
0x3e: {  	_ =	shalt  }
0x3f: {  	_ =	shalt  }
0x40: {  	_ =	shalt  }
0x41: {  	_ =	shalt  }
0x42: {  	_ =	shalt  }
0x43: {  	_ =	shalt  }
0x44: {  	_ =	shalt  }
0x45: {  	_ =	shalt  }
0x46: {  	_ =	shalt  }
0x47: {  	_ =	shalt  }
0x48: {  	_ =	shalt  }
0x49: {  	_ =	shalt  }
0x4a: {  	_ =	shalt  }
0x4b: {  	_ =	shalt  }
0x4c: {  	_ =	shalt  }
0x4d: {  	_ =	shalt  }
0x4e: {  	_ =	shalt  }
0x4f: {  	_ =	shalt  }
0x50: {  	_ =	shalt  }
0x51: {  	_ =	shalt  }
0x52: {  	_ =	shalt  }
0x53: {  	_ =	shalt  }
0x54: {  	_ =	shalt  }
0x55: {  	_ =	shalt  }
0x56: {  	_ =	shalt  }
0x57: {  	_ =	shalt  }
0x58: {  	_ =	shalt  }
0x59: {  	_ =	shalt  }
0x5a: {  	_ =	shalt  }
0x5b: {  	_ =	shalt  }
0x5c: {  	_ =	shalt  }
0x5d: {  	_ =	shalt  }
0x5e: {  	_ =	shalt  }
0x5f: {  	_ =	shalt  }
0x60: {  	_ =	shalt  }
0x61: {  	_ =	shalt  }
0x62: {  	_ =	shalt  }
0x63: {  	_ =	shalt  }
0x64: {  	_ =	shalt  }
0x65: {  	_ =	shalt  }
0x66: {  	_ =	shalt  }
0x67: {  	_ =	shalt  }
0x68: {  	_ =	shalt  }
0x69: {  	_ =	shalt  }
0x6a: {  	_ =	shalt  }
0x6b: {  	_ =	shalt  }
0x6c: {  	_ =	shalt  }
0x6d: {  	_ =	shalt  }
0x6e: {  	_ =	shalt  }
0x6f: {  	_ =	shalt  }
0x70: {  	_ =	shalt  }
0x71: {  	_ =	shalt  }
0x72: {  	_ =	shalt  }
0x73: {  	_ =	shalt  }
0x74: {  	_ =	shalt  }
0x75: {  	_ =	shalt  }
0x76: {  	_ =	shalt  }
0x77: {  	_ =	shalt  }
0x78: {  	_ =	shalt  }
0x79: {  	_ =	shalt  }
0x7a: {  	_ =	shalt  }
0x7b: {  	_ =	shalt  }
0x7c: {  	_ =	shalt  }
0x7d: {  	_ =	shalt  }
0x7e: {  	_ =	shalt  }
0x7f: {  	_ =	shalt  }
0x80: {  	_ =	shalt  }
0x81: {  	_ =	shalt  }
0x82: {  	_ =	shalt  }
0x83: {  	_ =	shalt  }
0x84: {  	_ =	shalt  }
0x85: {  	_ =	shalt  }
0x86: {  	_ =	shalt  }
0x87: {  	_ =	shalt  }
.Lfunc_end0:
.L_simem_size_0:
called_computation_lowered:
.L_overlay_start_0:
0x88: {  	s2 =	sld [smem:$0x3FD9]  }
0x89: {  	s3 =	sld [smem:$0x3FFE];
	_ =	sdelay $0x1  }
0x8a: {  	s1 =	srdreg.scid  }
0x8b: {  	s0 =	sand.u32 $0x1, s1  }
0x8c: {  	s17 =	sshll.u32 s0, $0xA;
	s2 =	sadd.s32 s3, s2  }
0x8d: {  	s2 =	sadd.s32 s2, s17  }
0x8e: {  	[smem:$0x3FC4] =	sst s2  }
0x8f: {  	_ = 	snop  }
0x90: {  	s2 =	sld [smem:$0x3FC9]  }
0x91: {  	s18 =	sld [smem:$0x3FC8];
	(tm) =	ssettm $0x1  }
0x92: {  	s4 =	sld [smem:$0x3FFB];
	_ =	sdelay $0x3  }
0x93: {  	_ =	strace s4  }
0x94: {  	s4 =	sld [smem:$0x3FFC];
	_ =	sdelay $0x3  }
0x95: {  	_ =	strace s4  }
0x96: {  	s4 =	sld [smem:$0x3FFD];
	_ =	sdelay $0x3  }
0x97: {  	_ =	strace s4  }
0x98: {  	_ =	strace $0x8FFFFFFF  }
0x99: {  	s19 =	sld [smem:$0x3FDB];
	_ =	sdelay $0x1  }
0x9a: {  	s5 =	simm.s32 $_scs_section_size  }
0x9b: {  	s6 =	simm.s32 $_size__tile_overlayer_lowered;
	s7 =	simm.s32 $_tile_overlayer_lowered  }
0x9c: {  	s22 =	simm.s32 $0x1BFF;
	s21 =	sshll.u32 s7, $0x1;
	s4 =	sadd.s32 s5, s19  }
0x9d: {  	s8 =	simm.s32 $0x0;
	s20 =	sshll.u32 s6, $0x1;
	s6 =	sadd.s32 s21, s4  }
0x9e: {  	[timem:s8], [sflag:s22] =	dma.local [hbm:s6], s20  }
0x9f: {  	_ =	swait.ge [sflag:s22], s20  }
0xa0: {  	s5 =	ssub.s32 $0x0, s20;
	[sflag:s22] =	ssyncset.done $0x0  }
0xa1: {  	[sflag:s22] =	ssyncadd.s32 s5;
	_ =	sdelay $0x1  }
0xa2: {  	s23 =	simm.s32 $0x1B8B  }
0xa3: {  	_ =	swait.ge [sflag:s23], $0x1  }
0xa4: {  	[sflag:s23] =	ssyncset.done $0x0  }
0xa5: {  	s25 =	simm.s32 $0x1B8E;
	s24 =	sld [smem:$0x3FFE];
	[sflag:s23] =	ssyncadd.s32 $0xFFFFFFFF  }
0xa6: {  	s26 =	simm.s32 $execute0_lowered;
	[smem:$0x3FD2] =	sst s25  }
0xa7: {  	s6 =	sshll.u32 s26, $0x1;
	_ =	strace $0x80000046;
	[dreg:$0x1] =	wrdreg $0xFFFFFFFF  }
0xa8: {  	s28 =	simm.s32 $_size_execute0_lowered;
	s4 =	sadd.s32 s4, s6;
	[dreg:$0x0] =	wrdreg $0x0  }
0xa9: {  	s6 =	sshll.u32 s28, $0x1;
	[dreg:$0x2] =	wrdreg s4  }
0xaa: {  	[dreg:$0x3] =	wrdreg s6  }
0xab: {  	[dreg:$0x4] =	wrdreg $0xC0  }
0xac: {  	_ =	task [dreg:s8], $0x5FFFF  }
0xad: {  	[dreg:$0x1] =	wrdreg $0xFFFFFFFF  }
0xae: {  	[dreg:$0x0] =	wrdreg $0x60  }
0xaf: {  	[dreg:$0x2] =	wrdreg s2  }
0xb0: {  	[dreg:$0x3] =	wrdreg s18  }
0xb1: {  	[dreg:$0x4] =	wrdreg s24  }
0xb2: {  	[dreg:$0x5] =	wrdreg $0x9  }
0xb3: {  	_ =	task.clear_ibuf [dreg:s8], $0x6FFFF;
	_ =	strace $0x90000046  }
0xb4: {  	s29 =	simm.s32 $0x9;
	_ =	strace $0x80000048  }
0xb5: {  	_ =	swait.ge [sflag:s29], $0x1  }
0xb6: {  	[sflag:s29] =	ssyncadd.s32 $0xFFFFFFFF  }
0xb7: {  	_ =	strace $0x90000048  }
0xb8: {  	_ =	sfence  }
0xb9: {  	s30 =	sld [smem:$0x0];
	_ =	sdelay $0x2  }
0xba: {  	s31 =	sshll.u32 s1, $0xD;
	s1 =	sshrl.u32 s1, $0x2  }
0xbb: {  	s3 =	sand.u32 $0x4000, s31;
	s1 =	sadd.s32 s1, s30  }
0xbc: {  	s0 =	sor.u32 s3, s0;
	s1 =	sshll.u32 s1, $0x11  }
0xbd: {  	s0 =	sor.u32 s1, s0  }
0xbe: {  	s0 =	sadd.s32 $0x8F2B, s0  }
0xbf: {  	[sflag:s0] =	ssyncadd.remote.s32 $0x1  }
0xc0: {  	_ =	sfence.sel $0xFFFF  }
0xc1: {  	[dreg:$0x0] =	wrdreg $0xFFFFFFFF;
	(pc) =	sbr.abs _section_cstart, $3  }
0xc2: {  	[dreg:$0x1] =	wrdreg $0xFFFFFFFF  }
0xc3: {  	_ =	task.clear_ibuf [dreg:s8], $0x2FFFF;
	_ =	strace $0x9FFFFFFF  }
0xc4: {  	(tm) =	ssettm $0x7FFFFFFF  }
0xc5: {  	_ =	shalt  }
tec
execute0_lowered:
.L_overlay_start_1:
0x0: {  	(tag) =	ssettag $0x1  }
0x1: {  	s1 =	rddreg [dreg:$0x0]  }
0x2: {  	s0 =	rddreg [dreg:$0x1];
	s2 =	srdreg.scid  }
0x3: {  	s17 =	stileid.u32;
	s6 =	rddreg [dreg:$0x2];
	s3 =	simm.s32 $0x0  }
0x4: {  	s28 =	simm.s32 $0x1;
	s29 =	simm.s32 $0x8000;
	s30 =	simm.s32 $0x2  }
0x5: {  	s31 =	simm.s32 $0xA000;
	s18 =	simm.s32 $0x4;
	s2 =	sand.u32 $0x1, s2  }
0x6: {  	s4 =	sshll.u32 s17, $0x1;
	[smem:$0x7FF] =	sst s3;
	s0 =	sadd.s32 $0x200, s0  }
0x7: {  	s25 =	sadd.s32 $0x7A1800, s6;
	p1 =	sgt.u32 s17, $0x1;
	s17 =	simm.s32 $0xC000  }
0x8: {  	s7 =	sor.u32 s2, s4;
	_ =	strace $0x80000047;
	[dreg:$0xa] =	wrdreg s0  }
0x9: {  	s2 =	ssub.s32 $0x2, s2;
	s4 =	sadd.s32 $0x800, s6;
	[dreg:$0xb] =	wrdreg s25  }
0xa: {  	s25 =	simm.s32 $0x4000;
	s0 =	simm.s32 $0xE000;
	s8 =	smul.u32 $0x7A00, s7  }
0xb: {  	s5 =	sshrl.u32 s2, $0x1;
	s23 =	sor.u32 $0x1E80, s7;
	p0 =	sne.s32 s7, $0x4  }
0xc: {  	s2 =	ssub.s32 s2, s5;
	s5 =	smul.u32 $0xF4, s7;
	s24 =	sshll.u32 s23, $0x7  }
0xd: {  	s8 =	sadd.s32 s1, s8;
	s26 =	smax.u32 s2, $0x1;
	s2 =	simm.s32 $0x3  }
0xe: {  	s9 =	sadd.s32 $0x80, s8;
	s22 =	sadd.s32 $0x100, s8;
	[dreg:$0x4] =	wrdreg s8  }
0xf: {  	s8 =	sadd.s32 $0x180, s8;
	s10 =	sadd.s32 $0x4, s5;
	s11 =	sor.u32 $0x1, s5  }
0x10: {  	v0 =	vlaneseq.u32;
	s12 =	sadd.s32 $0x5, s5;
	s13 =	sor.u32 $0x2, s5;
	[dreg:$0xc] =	wrdreg s26  }
.Ltmp0:
0x11: {  	v1 =	vmul.u32 $0x40, v0;
	v2 =	vor.u32 $0x10, v0;
	v4 =	vor.u32 $0x20, v0;
	s14 =	sadd.s32 $0x6, s5;
	[dreg:$0x5] =	wrdreg s9;
	(pc) =	sbr.rel .LBB2_1-.Ltmp0, $4  }
0x12: {  	v6 =	vor.u32 $0x30, v0;
	v8 =	vor.u32 $0x40, v0;
	v10 =	vor.u32 $0x50, v0;
	s15 =	sor.u32 $0x3, s5;
	s16 =	sadd.s32 $0x7, s5;
	[dreg:$0x6] =	wrdreg s22  }
0x13: {  	v12 =	vor.u32 $0x60, v0;
	v14 =	vor.u32 $0x70, v0;
	v3 =	vor.u32 $0x400, v1;
	[dreg:$0x7] =	wrdreg s8;
	s8 =	sshll.u32 s23, $0xA;
	s9 =	sadd.s32 s1, s24  }
0x14: {  	v5 =	vor.u32 $0x800, v1;
	v7 =	vor.u32 $0xC00, v1;
	v9 =	vor.u32 $0x1000, v1;
	s26 =	simm.s32 $0x6000;
	[dreg:$0x8] =	wrdreg s9;
	s8 =	sadd.s32 s4, s8  }
0x15: {  	v11 =	vor.u32 $0x1400, v1;
	v13 =	vor.u32 $0x1800, v1;
	v15 =	vor.u32 $0x1C00, v1;
	s24 =	simm.s32 $0x2000;
	s9 =	simm.s32 $0x0;
	[dreg:$0x9] =	wrdreg s8  }
.LBB2_16:
0x16: {  	s6 =	stileid.u32  }
0x17: {  	s7 =	rddreg [dreg:$0xa];
	s6 =	sshll.u32 @!p0 s6, $0x6  }
0x18: {  	s8 =	rddreg [dreg:$0xb];
	s6 =	sor.u32 @!p0 $0x1C09, s6  }
0x19: {  	[hbm:s8], [sflag:s6] =	dma.local @!p0 [hbm:s7], $0x200  }
0x1a: {  	s6 =	simm.s32 @!p0 $0x9  }
0x1b: {  	_ =	swait.ge @!p0 [sflag:s6], $0x200  }
0x1c: {  	s9 =	sadd.s32 $0x1, s9;
	s23 =	rddreg [dreg:$0xc]  }
0x1d: {  	p2 =	sne.s32 s9, s23  }
.Ltmp1:
0x1e: {  	_ = 	snop;
	(pc) =	sbr.rel @!p2 .LBB2_17-.Ltmp1, $3  }
0x1f: {  	_ =	sdelay $0x1  }
0x20: {  	[sflag:s6] =	ssyncset.done @!p0 $0x0  }
0x21: {  	[sflag:s6] =	ssyncadd.s32 @!p0 $0xFFFFFE00  }
.LBB2_1:
0x22: {  	[dreg:$0xd] =	wrdreg s9  }
0x23: {  	s6 =	rddreg [dreg:$0x4];
	s7 =	simm.s32 $0x400;
	s8 =	simm.s32 $0x7A1400  }
0x24: {  	[tilespmem:s3], [sflag:$0x1] =	stream.strided.gather [hbm4b:s6+s7], $0x2000, s8, s7, $0x38;
	[tilespmem:$0x10000] =	vst v63  }
0x25: {  	s21 =	rddreg [dreg:$0x5]  }
0x26: {  	[tilespmem:s24], [sflag:$0x2] =	stream.strided.gather [hbm4b:s21+s7], $0x2000, s8, s7, $0x38;
	[tilespmem:$0x10000] =	vst v63  }
0x27: {  	s22 =	rddreg [dreg:$0x6]  }
0x28: {  	[tilespmem:s25], [sflag:$0x3] =	stream.strided.gather [hbm4b:s22+s7], $0x2000, s8, s7, $0x38;
	[tilespmem:$0x10000] =	vst v63  }
0x29: {  	s23 =	rddreg [dreg:$0x7];
	s6 =	simm.s32 $0x0  }
0x2a: {  	[tilespmem:s26], [sflag:$0x4] =	stream.strided.gather [hbm4b:s23+s7], $0x2000, s8, s7, $0x38;
	[tilespmem:$0x10000] =	vst v63  }
.LBB2_2:
0x2b: {  	s7 =	simm.s32 $0x2  }
0x2c: {  	s8 =	simm.s32 $0x0;
	v16 =	vadd.s32 s7, v0  }
0x2d: {  	s19 =	simm.s32 $0x1;
	s9 =	sand.u32 $0x30, s8;
	v16 =	vand.u32 $0xF, v16  }
0x2e: {  	v17 =	vadd.s32 s19, v0;
	v36 =	vor.u32 s9, v16  }
0x2f: {  	_ =	swait.ge [sflag:s28], $0x2000;
	v16 =	vand.u32 $0xF, v17;
	v34 =	vshll.u32 v36, $0x7  }
0x30: {  	p2 =	seq.s32 s6, $0x0;
	[sflag:s28] =	ssyncset.done $0x0;
	v38 =	vor.u32 s9, v16;
	v16 =	vor.u32 v0, v34  }
0x31: {  	s7 =	simm.s32 @!p2 $0x5;
	[sflag:s28] =	ssyncadd.s32 $0xFFFFE000;
	v18 =	vshll.u32 v38, $0x7  }
0x32: {  	s19 =	simm.s32 $0x3;
	_ =	swait.ge @!p2 [sflag:s7], $0x2000;
	v17 =	vor.u32 v0, v18  }
0x33: {  	v19 =	vadd.s32 s19, v0;
	[sflag:s7] =	ssyncset.done @!p2 $0x0  }
0x34: {  	v19 =	vand.u32 $0xF, v19;
	[sflag:s7] =	ssyncadd.s32 @!p2 $0xFFFFE000  }
0x35: {  	v22 =	vor.u32 s9, v19;
	v19 =	vor.u32 v1, v36;
	v16 =	vld.idx.msk [tilespmem:v16+s3+$0x0], $0xffff  }
0x36: {  	v39 =	vshll.u32 v22, $0x7;
	v20 =	vor.u32 v2, v34  }
0x37: {  	v21 =	vadd.s32 s8, v0;
	v24 =	vor.u32 v1, v38;
	v23 =	vor.u32 v0, v39;
	v17 =	vld.idx.msk [tilespmem:v17+s3+$0x0], $0xffff  }
0x38: {  	v21 =	vand.u32 $0xF, v21;
	v25 =	vor.u32 v2, v18  }
0x39: {  	v26 =	vor.u32 s9, v21  }
0x3a: {  	v29 =	vshll.u32 v26, $0x7;
	[tilespmem:v19+s29+$0x0] =	vst.idx.msk $0xffff, v16  }
0x3b: {  	v16 =	vor.u32 v0, v29;
	v19 =	vld.idx.msk [tilespmem:v20+s3+$0x0], $0xffff;
	v20 =	vor.u32 v3, v36  }
0x3c: {  	v21 =	vor.u32 v1, v22;
	v23 =	vld.idx.msk [tilespmem:v23+s3+$0x0], $0xffff;
	[tilespmem:v24+s29+$0x0] =	vst.idx.msk $0xffff, v17;
	v17 =	vor.u32 v4, v34  }
0x3d: {  	v27 =	vor.u32 v3, v38;
	v24 =	vor.u32 v2, v39;
	v25 =	vld.idx.msk [tilespmem:v25+s3+$0x0], $0xffff  }
0x3e: {  	v28 =	vor.u32 v4, v18;
	_ =	sdelay $0x1  }
0x3f: {  	v31 =	vor.u32 v1, v26;
	v16 =	vld.idx.msk [tilespmem:v16+s3+$0x0], $0xffff;
	[tilespmem:v20+s29+$0x0] =	vst.idx.msk $0xffff, v19  }
0x40: {  	[tilespmem:v21+s29+$0x0] =	vst.idx.msk $0xffff, v23;
	v19 =	vor.u32 v2, v29;
	v20 =	vor.u32 v5, v36;
	v17 =	vld.idx.msk [tilespmem:v17+s3+$0x0], $0xffff  }
0x41: {  	v23 =	vor.u32 v6, v34;
	v21 =	vld.idx.msk [tilespmem:v24+s3+$0x0], $0xffff;
	v24 =	vor.u32 v3, v22;
	[tilespmem:v27+s29+$0x0] =	vst.idx.msk $0xffff, v25  }
0x42: {  	v25 =	vor.u32 v5, v38;
	v27 =	vld.idx.msk [tilespmem:v28+s3+$0x0], $0xffff;
	v28 =	vor.u32 v4, v39  }
0x43: {  	s20 =	simm.s32 $0x4;
	v41 =	vor.u32 v5, v26;
	v49 =	vor.u32 v7, v26;
	v30 =	vor.u32 v12, v34  }
0x44: {  	v40 =	vadd.s32 s20, v0;
	v33 =	vor.u32 v8, v34;
	v37 =	vor.u32 v6, v29;
	[tilespmem:v31+s29+$0x0] =	vst.idx.msk $0xffff, v16  }
0x45: {  	v32 =	vor.u32 v6, v18;
	v16 =	vor.u32 v3, v26;
	v19 =	vld.idx.msk [tilespmem:v19+s3+$0x0], $0xffff;
	[tilespmem:v20+s29+$0x0] =	vst.idx.msk $0xffff, v17  }
0x46: {  	v53 =	vor.u32 v7, v38;
	[tilespmem:v24+s29+$0x0] =	vst.idx.msk $0xffff, v21;
	v21 =	vor.u32 v4, v29;
	v17 =	vld.idx.msk [tilespmem:v23+s3+$0x0], $0xffff  }
0x47: {  	v43 =	vor.u32 v9, v38;
	v23 =	vld.idx.msk [tilespmem:v28+s3+$0x0], $0xffff;
	[tilespmem:v25+s29+$0x0] =	vst.idx.msk $0xffff, v27;
	v25 =	vor.u32 v5, v22  }
0x48: {  	s21 =	simm.s32 $0x5;
	v46 =	vor.u32 v7, v22;
	v57 =	vor.u32 v8, v29;
	v20 =	vor.u32 v7, v36  }
0x49: {  	s22 =	simm.s32 $0x6;
	v63 =	vor.u32 v10, v34;
	v24 =	vor.u32 v6, v39;
	v28 =	vadd.s32 s21, v0  }
0x4a: {  	s7 =	sand.u32 $0x30, s20;
	v35 =	vor.u32 v8, v18;
	v27 =	vld.idx.msk [tilespmem:v32+s3+$0x0], $0xffff;
	v28 =	vand.u32 $0xF, v28;
	[tilespmem:v16+s29+$0x0] =	vst.idx.msk $0xffff, v19;
	v16 =	vadd.s32 s22, v0  }
0x4b: {  	s23 =	simm.s32 $0x7;
	v47 =	vor.u32 v8, v39;
	v28 =	vor.u32 s7, v28;
	v16 =	vand.u32 $0xF, v16;
	v42 =	vld.idx.msk [tilespmem:v21+s3+$0x0], $0xffff  }
0x4c: {  	v19 =	vadd.s32 s23, v0;
	v16 =	vor.u32 s7, v16;
	[tilespmem:v25+s29+$0x0] =	vst.idx.msk $0xffff, v23;
	v23 =	vshll.u32 v28, $0x7  }
0x4d: {  	v21 =	vand.u32 $0xF, v40;
	[tilespmem:v20+s29+$0x0] =	vst.idx.msk $0xffff, v17;
	v20 =	vshll.u32 v16, $0x7;
	v25 =	vor.u32 v0, v23  }
0x4e: {  	v19 =	vand.u32 $0xF, v19;
	v21 =	vor.u32 s7, v21;
	v45 =	vld.idx.msk [tilespmem:v24+s3+$0x0], $0xffff;
	v54 =	vor.u32 v0, v20  }
0x4f: {  	v31 =	vor.u32 v9, v36;
	v17 =	vor.u32 s7, v19;
	[tilespmem:v53+s29+$0x0] =	vst.idx.msk $0xffff, v27;
	v24 =	vshll.u32 v21, $0x7;
	v33 =	vld.idx.msk [tilespmem:v33+s3+$0x0], $0xffff  }
0x50: {  	v19 =	vshll.u32 v17, $0x7;
	v55 =	vld.idx.msk [tilespmem:v35+s3+$0x0], $0xffff;
	v56 =	vor.u32 v0, v24;
	[tilespmem:v41+s29+$0x0] =	vst.idx.msk $0xffff, v42  }
0x51: {  	v62 =	vor.u32 v10, v39;
	v34 =	vor.u32 v14, v34;
	v44 =	vor.u32 v0, v19;
	v37 =	vld.idx.msk [tilespmem:v37+s3+$0x0], $0xffff  }
0x52: {  	v59 =	vor.u32 v1, v28;
	v48 =	vor.u32 v1, v17;
	v53 =	vor.u32 v10, v18;
	v58 =	vld.idx.msk [tilespmem:v25+s3+$0x0], $0xffff  }
0x53: {  	v50 =	vor.u32 v1, v16;
	v60 =	vor.u32 v2, v23;
	[tilespmem:v46+s29+$0x0] =	vst.idx.msk $0xffff, v45;
	v32 =	vld.idx.msk [tilespmem:v54+s3+$0x0], $0xffff  }
0x54: {  	v61 =	vor.u32 v1, v21;
	v35 =	vor.u32 v5, v28;
	[tilespmem:v31+s29+$0x0] =	vst.idx.msk $0xffff, v33;
	v46 =	vld.idx.msk [tilespmem:v47+s3+$0x0], $0xffff  }
0x55: {  	v52 =	vor.u32 v2, v20;
	[tilespmem:v43+s29+$0x0] =	vst.idx.msk $0xffff, v55;
	v41 =	vld.idx.msk [tilespmem:v56+s3+$0x0], $0xffff;
	v54 =	vor.u32 v9, v22  }
0x56: {  	v27 =	vor.u32 v12, v20;
	v51 =	vor.u32 v2, v19;
	v44 =	vld.idx.msk [tilespmem:v44+s3+$0x0], $0xffff;
	[tilespmem:v49+s29+$0x0] =	vst.idx.msk $0xffff, v37  }
0x57: {  	v25 =	vor.u32 v15, v36;
	v31 =	vor.u32 v15, v22;
	v53 =	vld.idx.msk [tilespmem:v53+s3+$0x0], $0xffff;
	[tilespmem:v59+s29+$0x0] =	vst.idx.msk $0xffff, v58  }
0x58: {  	v55 =	vor.u32 v2, v24;
	v42 =	vld.idx.msk [tilespmem:v57+s3+$0x0], $0xffff;
	[tilespmem:v50+s29+$0x0] =	vst.idx.msk $0xffff, v32;
	v50 =	vor.u32 v9, v26  }
0x59: {  	v33 =	vor.u32 v15, v38;
	v56 =	vor.u32 v10, v29;
	v57 =	vor.u32 v3, v28;
	v45 =	vld.idx.msk [tilespmem:v60+s3+$0x0], $0xffff  }
0x5a: {  	v47 =	vor.u32 v5, v16;
	[tilespmem:v54+s29+$0x0] =	vst.idx.msk $0xffff, v46;
	v43 =	vld.idx.msk [tilespmem:v52+s3+$0x0], $0xffff;
	v52 =	vor.u32 v3, v16  }
0x5b: {  	v58 =	vor.u32 v4, v20;
	[tilespmem:v61+s29+$0x0] =	vst.idx.msk $0xffff, v41;
	v41 =	vor.u32 v11, v38;
	v60 =	vld.idx.msk [tilespmem:v63+s3+$0x0], $0xffff  }
0x5c: {  	v59 =	vor.u32 v12, v18;
	[tilespmem:v48+s29+$0x0] =	vst.idx.msk $0xffff, v44;
	v61 =	vor.u32 v11, v22;
	v54 =	vld.idx.msk [tilespmem:v62+s3+$0x0], $0xffff  }
0x5d: {  	v40 =	vld.idx.msk [tilespmem:v55+s3+$0x0], $0xffff;
	v55 =	vor.u32 v4, v23;
	v62 =	vor.u32 v11, v36;
	[tilespmem:v50+s29+$0x0] =	vst.idx.msk $0xffff, v42  }
0x5e: {  	v37 =	vor.u32 v13, v36;
	v44 =	vor.u32 v12, v39;
	v49 =	vld.idx.msk [tilespmem:v51+s3+$0x0], $0xffff;
	[tilespmem:v57+s29+$0x0] =	vst.idx.msk $0xffff, v45  }
0x5f: {  	v32 =	vor.u32 v15, v26;
	v45 =	vor.u32 v11, v26;
	[tilespmem:v52+s29+$0x0] =	vst.idx.msk $0xffff, v43;
	v42 =	vld.idx.msk [tilespmem:v56+s3+$0x0], $0xffff  }
0x60: {  	v36 =	vor.u32 v14, v39;
	v39 =	vor.u32 v12, v29;
	[tilespmem:v41+s29+$0x0] =	vst.idx.msk $0xffff, v53;
	v46 =	vld.idx.msk [tilespmem:v58+s3+$0x0], $0xffff  }
0x61: {  	s7 =	sshll.u32 s6, $0x2;
	v48 =	vor.u32 v6, v20;
	v51 =	vor.u32 v3, v17;
	v41 =	vld.idx.msk [tilespmem:v59+s3+$0x0], $0xffff;
	[tilespmem:v61+s29+$0x0] =	vst.idx.msk $0xffff, v54  }
0x62: {  	s9 =	simm.s32 $0x8;
	s8 =	sadd.s32 s5, s7;
	v50 =	vld.idx.msk [tilespmem:v55+s3+$0x0], $0xffff;
	v52 =	vor.u32 v4, v19;
	v43 =	vor.u32 v13, v38;
	[tilespmem:v62+s29+$0x0] =	vst.idx.msk $0xffff, v60  }
.LBB2_3:
0x63: {  	p3 =	slt.u32 s9, $0x3C;
	v29 =	vor.u32 v14, v29;
	v18 =	vor.u32 v14, v18;
	v44 =	vld.idx.msk [tilespmem:v44+s3+$0x0], $0xffff;
	v22 =	vor.u32 v13, v22;
	s19 =	smov.u32 s9;
	s9 =	sadd.s32 $0x4, s9  }
0x64: {  	v53 =	vor.u32 v3, v21;
	v54 =	vor.u32 v6, v23;
	v38 =	vmov v28;
	[tilespmem:v45+s29+$0x0] =	vst.idx.msk $0xffff, v42  }
0x65: {  	v26 =	vor.u32 v13, v26;
	v42 =	vor.u32 v9, v16;
	[tilespmem:v47+s29+$0x0] =	vst.idx.msk $0xffff, v46;
	v28 =	vld.idx.msk [tilespmem:v39+s3+$0x0], $0xffff  }
0x66: {  	v45 =	vor.u32 v8, v20;
	v46 =	vor.u32 v6, v19;
	v39 =	vld.idx.msk [tilespmem:v48+s3+$0x0], $0xffff;
	[tilespmem:v51+s29+$0x0] =	vst.idx.msk $0xffff, v49  }
0x67: {  	v47 =	vor.u32 v4, v24;
	v48 =	vor.u32 v7, v16;
	v49 =	vld.idx.msk [tilespmem:v52+s3+$0x0], $0xffff;
	[tilespmem:v43+s29+$0x0] =	vst.idx.msk $0xffff, v41  }
0x68: {  	v41 =	vor.u32 v6, v24;
	[tilespmem:v35+s29+$0x0] =	vst.idx.msk $0xffff, v50;
	v35 =	vor.u32 v5, v17;
	v30 =	vld.idx.msk [tilespmem:v30+s3+$0x0], $0xffff  }
0x69: {  	v43 =	vor.u32 v7, v38;
	v50 =	vor.u32 v8, v23;
	[tilespmem:v53+s29+$0x0] =	vst.idx.msk $0xffff, v40;
	v40 =	vld.idx.msk [tilespmem:v54+s3+$0x0], $0xffff  }
0x6a: {  	s20 =	sadd.s32 $0x1, s19;
	s21 =	sadd.s32 $0x2, s19;
	s22 =	sadd.s32 $0x3, s19;
	v51 =	vadd.s32 s19, v0;
	v52 =	vor.u32 v5, v21;
	v53 =	vld.idx.msk [tilespmem:v18+s3+$0x0], $0xffff;
	[tilespmem:v22+s29+$0x0] =	vst.idx.msk $0xffff, v44;
	v44 =	vmov v16  }
0x6b: {  	v55 =	vadd.s32 s22, v0;
	v54 =	vadd.s32 s21, v0;
	v16 =	vadd.s32 s20, v0;
	v22 =	vmovc v17;
	v18 =	vmovc v23;
	[tilespmem:v26+s29+$0x0] =	vst.idx.msk $0xffff, v28  }
0x6c: {  	s19 =	sand.u32 $0x30, s19;
	v17 =	vand.u32 $0xF, v54;
	v23 =	vand.u32 $0xF, v55;
	v16 =	vand.u32 $0xF, v16;
	v47 =	vld.idx.msk [tilespmem:v47+s3+$0x0], $0xffff;
	[tilespmem:v48+s29+$0x0] =	vst.idx.msk $0xffff, v39;
	v39 =	vmovc v20  }
0x6d: {  	v28 =	vor.u32 s19, v16;
	v16 =	vor.u32 s19, v17;
	v17 =	vor.u32 s19, v23;
	[tilespmem:v35+s29+$0x0] =	vst.idx.msk $0xffff, v49;
	v48 =	vld.idx.msk [tilespmem:v29+s3+$0x0], $0xffff;
	v49 =	vmovc v19  }
0x6e: {  	v26 =	vmovc v21;
	v23 =	vshll.u32 v28, $0x7;
	v20 =	vshll.u32 v16, $0x7;
	v19 =	vshll.u32 v17, $0x7;
	[tilespmem:v37+s29+$0x0] =	vst.idx.msk $0xffff, v30;
	v36 =	vld.idx.msk [tilespmem:v36+s3+$0x0], $0xffff  }
0x6f: {  	v37 =	vor.u32 v0, v23;
	v54 =	vor.u32 v0, v20;
	[tilespmem:v43+s29+$0x0] =	vst.idx.msk $0xffff, v40;
	v34 =	vld.idx.msk [tilespmem:v34+s3+$0x0], $0xffff  }
0x70: {  	v21 =	vand.u32 $0xF, v51;
	v29 =	vmov v24;
	v40 =	vor.u32 v0, v19;
	v43 =	vld.idx.msk [tilespmem:v50+s3+$0x0], $0xffff;
	[tilespmem:v33+s29+$0x0] =	vst.idx.msk $0xffff, v53  }
0x71: {  	v21 =	vor.u32 s19, v21;
	v35 =	vor.u32 v5, v28;
	v30 =	vmovc v27;
	v33 =	vor.u32 v9, v38;
	v46 =	vld.idx.msk [tilespmem:v46+s3+$0x0], $0xffff  }
0x72: {  	v24 =	vshll.u32 v21, $0x7;
	[tilespmem:v52+s29+$0x0] =	vst.idx.msk $0xffff, v47;
	v45 =	vld.idx.msk [tilespmem:v45+s3+$0x0], $0xffff;
	v47 =	vor.u32 v7, v22  }
0x73: {  	v51 =	vor.u32 v8, v49;
	v50 =	vor.u32 v0, v24;
	[tilespmem:v32+s29+$0x0] =	vst.idx.msk $0xffff, v48  }
0x74: {  	v27 =	vor.u32 v12, v20;
	v32 =	vld.idx.msk [tilespmem:v41+s3+$0x0], $0xffff;
	v41 =	vor.u32 v8, v29;
	[tilespmem:v31+s29+$0x0] =	vst.idx.msk $0xffff, v36  }
0x75: {  	v48 =	vor.u32 v7, v26;
	v36 =	vor.u32 v1, v17;
	v31 =	vld.idx.msk [tilespmem:v54+s3+$0x0], $0xffff;
	[tilespmem:v25+s29+$0x0] =	vst.idx.msk $0xffff, v34  }
0x76: {  	v52 =	vor.u32 v2, v19;
	v34 =	vld.idx.msk [tilespmem:v37+s3+$0x0], $0xffff;
	v37 =	vor.u32 v1, v16;
	[tilespmem:v33+s29+$0x0] =	vst.idx.msk $0xffff, v43  }
0x77: {  	v33 =	vor.u32 v1, v28;
	v43 =	vor.u32 v2, v20;
	[tilespmem:v47+s29+$0x0] =	vst.idx.msk $0xffff, v46  }
0x78: {  	v25 =	vor.u32 v15, v44;
	v46 =	vor.u32 v2, v23;
	[tilespmem:v42+s29+$0x0] =	vst.idx.msk $0xffff, v45;
	v42 =	vld.idx.msk [tilespmem:v51+s3+$0x0], $0xffff  }
0x79: {  	v47 =	vor.u32 v1, v21;
	v51 =	vor.u32 v9, v22;
	v45 =	vld.idx.msk [tilespmem:v50+s3+$0x0], $0xffff;
	v50 =	vor.u32 v10, v18  }
0x7a: {  	v53 =	vor.u32 v2, v24;
	v40 =	vld.idx.msk [tilespmem:v40+s3+$0x0], $0xffff;
	[tilespmem:v48+s29+$0x0] =	vst.idx.msk $0xffff, v32;
	v48 =	vor.u32 v10, v49  }
0x7b: {  	[tilespmem:v37+s29+$0x0] =	vst.idx.msk $0xffff, v31;
	v37 =	vld.idx.msk [tilespmem:v41+s3+$0x0], $0xffff;
	v41 =	vor.u32 v10, v39;
	v31 =	vor.u32 v15, v22  }
0x7c: {  	v54 =	vor.u32 v9, v26;
	[tilespmem:v33+s29+$0x0] =	vst.idx.msk $0xffff, v34;
	v43 =	vld.idx.msk [tilespmem:v43+s3+$0x0], $0xffff;
	v33 =	vor.u32 v15, v38  }
0x7d: {  	v55 =	vor.u32 v3, v16;
	v56 =	vor.u32 v10, v29;
	v32 =	vor.u32 v15, v26;
	v46 =	vld.idx.msk [tilespmem:v46+s3+$0x0], $0xffff  }
0x7e: {  	v57 =	vor.u32 v3, v28;
	v58 =	vor.u32 v4, v20;
	v50 =	vld.idx.msk [tilespmem:v50+s3+$0x0], $0xffff;
	[tilespmem:v51+s29+$0x0] =	vst.idx.msk $0xffff, v42  }
0x7f: {  	v34 =	vor.u32 v14, v39;
	v51 =	vor.u32 v11, v38;
	[tilespmem:v47+s29+$0x0] =	vst.idx.msk $0xffff, v45;
	v59 =	vld.idx.msk [tilespmem:v48+s3+$0x0], $0xffff  }
0x80: {  	v60 =	vor.u32 v12, v18;
	v62 =	vor.u32 v11, v22;
	[tilespmem:v36+s29+$0x0] =	vst.idx.msk $0xffff, v40;
	v61 =	vld.idx.msk [tilespmem:v41+s3+$0x0], $0xffff  }
0x81: {  	v40 =	vld.idx.msk [tilespmem:v53+s3+$0x0], $0xffff;
	v53 =	vor.u32 v4, v23;
	[tilespmem:v54+s29+$0x0] =	vst.idx.msk $0xffff, v37;
	v54 =	vor.u32 v11, v44  }
.Ltmp2:
0x82: {  	v37 =	vor.u32 v13, v44;
	v44 =	vor.u32 v12, v49;
	[tilespmem:v55+s29+$0x0] =	vst.idx.msk $0xffff, v43;
	v42 =	vld.idx.msk [tilespmem:v56+s3+$0x0], $0xffff;
	(pc) =	sbr.rel @p3 .LBB2_3-.Ltmp2, $4  }
0x83: {  	v45 =	vor.u32 v11, v26;
	v36 =	vor.u32 v14, v49;
	[tilespmem:v57+s29+$0x0] =	vst.idx.msk $0xffff, v46;
	v46 =	vld.idx.msk [tilespmem:v58+s3+$0x0], $0xffff  }
0x84: {  	v39 =	vor.u32 v12, v29;
	v47 =	vor.u32 v5, v16;
	v49 =	vld.idx.msk [tilespmem:v52+s3+$0x0], $0xffff;
	[tilespmem:v51+s29+$0x0] =	vst.idx.msk $0xffff, v50  }
0x85: {  	v48 =	vor.u32 v6, v20;
	v51 =	vor.u32 v3, v17;
	v41 =	vld.idx.msk [tilespmem:v60+s3+$0x0], $0xffff;
	[tilespmem:v62+s29+$0x0] =	vst.idx.msk $0xffff, v59  }
0x86: {  	v43 =	vor.u32 v13, v38;
	v52 =	vor.u32 v4, v19;
	v50 =	vld.idx.msk [tilespmem:v53+s3+$0x0], $0xffff;
	[tilespmem:v54+s29+$0x0] =	vst.idx.msk $0xffff, v61  }
0x87: {  	v38 =	vor.u32 v3, v21  }
0x88: {  	v53 =	vor.u32 v4, v24;
	_ =	sdelay $0x2  }
0x89: {  	[tilespmem:v51+s29+$0x0] =	vst.idx.msk $0xffff, v49  }
0x8a: {  	v59 =	vor.u32 v6, v23;
	v63 =	vor.u32 v5, v17;
	v51 =	vld.idx.msk [tilespmem:v52+s3+$0x0], $0xffff;
	[tilespmem:v38+s29+$0x0] =	vst.idx.msk $0xffff, v40  }
0x8b: {  	v60 =	vor.u32 v5, v21;
	v54 =	vor.u32 v6, v19;
	v61 =	vld.idx.msk [tilespmem:v53+s3+$0x0], $0xffff  }
0x8c: {  	v62 =	vor.u32 v6, v24;
	_ =	sdelay $0x1  }
0x8d: {  	[tilespmem:v35+s29+$0x0] =	vst.idx.msk $0xffff, v50  }
0x8e: {  	v35 =	vld.idx.msk [tilespmem:v59+s3+$0x0], $0xffff;
	v38 =	vor.u32 v7, v28;
	[tilespmem:v63+s29+$0x0] =	vst.idx.msk $0xffff, v51  }
0x8f: {  	v56 =	vor.u32 v8, v23;
	v59 =	vor.u32 v7, v17;
	v58 =	vld.idx.msk [tilespmem:v54+s3+$0x0], $0xffff;
	[tilespmem:v60+s29+$0x0] =	vst.idx.msk $0xffff, v61  }
0x90: {  	v57 =	vor.u32 v7, v21;
	[tilespmem:v47+s29+$0x0] =	vst.idx.msk $0xffff, v46;
	v49 =	vld.idx.msk [tilespmem:v62+s3+$0x0], $0xffff;
	v62 =	vor.u32 v8, v19  }
0x91: {  	v48 =	vld.idx.msk [tilespmem:v48+s3+$0x0], $0xffff;
	v60 =	vor.u32 v8, v24;
	v61 =	vor.u32 v7, v16  }
0x92: {  	[tilespmem:v45+s29+$0x0] =	vst.idx.msk $0xffff, v42;
	v63 =	vor.u32 v8, v20  }
0x93: {  	v44 =	vld.idx.msk [tilespmem:v44+s3+$0x0], $0xffff;
	v22 =	vor.u32 v13, v22;
	[tilespmem:v38+s29+$0x0] =	vst.idx.msk $0xffff, v35  }
0x94: {  	v54 =	vor.u32 v9, v28;
	v35 =	vld.idx.msk [tilespmem:v56+s3+$0x0], $0xffff;
	[tilespmem:v59+s29+$0x0] =	vst.idx.msk $0xffff, v58  }
0x95: {  	v55 =	vor.u32 v10, v23;
	v58 =	vor.u32 v9, v17;
	[tilespmem:v57+s29+$0x0] =	vst.idx.msk $0xffff, v49;
	v47 =	vld.idx.msk [tilespmem:v62+s3+$0x0], $0xffff  }
0x96: {  	[tilespmem:v61+s29+$0x0] =	vst.idx.msk $0xffff, v48;
	v57 =	vor.u32 v9, v21;
	v62 =	vor.u32 v10, v19;
	v56 =	vld.idx.msk [tilespmem:v60+s3+$0x0], $0xffff  }
0x97: {  	[tilespmem:v43+s29+$0x0] =	vst.idx.msk $0xffff, v41;
	v59 =	vor.u32 v10, v24;
	v61 =	vld.idx.msk [tilespmem:v63+s3+$0x0], $0xffff;
	v60 =	vor.u32 v9, v16  }
0x98: {  	v26 =	vor.u32 v13, v26;
	v39 =	vld.idx.msk [tilespmem:v39+s3+$0x0], $0xffff;
	[tilespmem:v22+s29+$0x0] =	vst.idx.msk $0xffff, v44;
	v22 =	vor.u32 v10, v20  }
0x99: {  	v30 =	vld.idx.msk [tilespmem:v30+s3+$0x0], $0xffff;
	[tilespmem:v54+s29+$0x0] =	vst.idx.msk $0xffff, v35  }
0x9a: {  	v18 =	vor.u32 v14, v18;
	v35 =	vld.idx.msk [tilespmem:v55+s3+$0x0], $0xffff;
	v63 =	vor.u32 v11, v28;
	[tilespmem:v58+s29+$0x0] =	vst.idx.msk $0xffff, v47  }
0x9b: {  	v29 =	vor.u32 v14, v29;
	v54 =	vor.u32 v11, v17;
	[tilespmem:v57+s29+$0x0] =	vst.idx.msk $0xffff, v56;
	v53 =	vld.idx.msk [tilespmem:v62+s3+$0x0], $0xffff  }
0x9c: {  	v52 =	vor.u32 v11, v21;
	v48 =	vor.u32 v12, v23;
	[tilespmem:v60+s29+$0x0] =	vst.idx.msk $0xffff, v61;
	v51 =	vld.idx.msk [tilespmem:v59+s3+$0x0], $0xffff  }
0x9d: {  	[tilespmem:v26+s29+$0x0] =	vst.idx.msk $0xffff, v39;
	v26 =	vor.u32 v11, v16;
	v56 =	vor.u32 v12, v19;
	v22 =	vld.idx.msk [tilespmem:v22+s3+$0x0], $0xffff  }
0x9e: {  	[tilespmem:v37+s29+$0x0] =	vst.idx.msk $0xffff, v30;
	v55 =	vor.u32 v12, v24  }
0x9f: {  	v18 =	vld.idx.msk [tilespmem:v18+s3+$0x0], $0xffff;
	[tilespmem:v63+s29+$0x0] =	vst.idx.msk $0xffff, v35  }
0xa0: {  	v29 =	vld.idx.msk [tilespmem:v29+s3+$0x0], $0xffff;
	[tilespmem:v54+s29+$0x0] =	vst.idx.msk $0xffff, v53  }
0xa1: {  	v30 =	vld.idx.msk [tilespmem:v48+s3+$0x0], $0xffff;
	v57 =	vor.u32 v13, v28;
	[tilespmem:v52+s29+$0x0] =	vst.idx.msk $0xffff, v51  }
0xa2: {  	[tilespmem:v26+s29+$0x0] =	vst.idx.msk $0xffff, v22;
	v22 =	vor.u32 v14, v24;
	v24 =	vld.idx.msk [tilespmem:v56+s3+$0x0], $0xffff;
	v26 =	vor.u32 v13, v17  }
0xa3: {  	v23 =	vor.u32 v14, v23;
	v59 =	vor.u32 v13, v21;
	v58 =	vld.idx.msk [tilespmem:v55+s3+$0x0], $0xffff  }
0xa4: {  	[tilespmem:v33+s29+$0x0] =	vst.idx.msk $0xffff, v18;
	v18 =	vor.u32 v13, v16;
	v19 =	vor.u32 v14, v19;
	v27 =	vld.idx.msk [tilespmem:v27+s3+$0x0], $0xffff  }
0xa5: {  	[tilespmem:v32+s29+$0x0] =	vst.idx.msk $0xffff, v29  }
0xa6: {  	v20 =	vor.u32 v14, v20;
	v29 =	vld.idx.msk [tilespmem:v34+s3+$0x0], $0xffff;
	[tilespmem:v57+s29+$0x0] =	vst.idx.msk $0xffff, v30  }
0xa7: {  	v60 =	vld.idx.msk [tilespmem:v36+s3+$0x0], $0xffff;
	[tilespmem:v26+s29+$0x0] =	vst.idx.msk $0xffff, v24  }
0xa8: {  	v28 =	vor.u32 v15, v28;
	v23 =	vld.idx.msk [tilespmem:v23+s3+$0x0], $0xffff;
	[tilespmem:v59+s29+$0x0] =	vst.idx.msk $0xffff, v58  }
0xa9: {  	v17 =	vor.u32 v15, v17;
	[tilespmem:v18+s29+$0x0] =	vst.idx.msk $0xffff, v27;
	v18 =	vld.idx.msk [tilespmem:v19+s3+$0x0], $0xffff  }
0xaa: {  	v21 =	vor.u32 v15, v21;
	v22 =	vld.idx.msk [tilespmem:v22+s3+$0x0], $0xffff  }
0xab: {  	[tilespmem:v25+s29+$0x0] =	vst.idx.msk $0xffff, v29;
	v16 =	vor.u32 v15, v16;
	v19 =	vld.idx.msk [tilespmem:v20+s3+$0x0], $0xffff  }
0xac: {  	[tilespmem:v31+s29+$0x0] =	vst.idx.msk $0xffff, v60  }
0xad: {  	[tilespmem:v28+s29+$0x0] =	vst.idx.msk $0xffff, v23  }
0xae: {  	[tilespmem:v17+s29+$0x0] =	vst.idx.msk $0xffff, v18  }
0xaf: {  	s8 =	sshll.u32 s8, $0xA;
	[tilespmem:v21+s29+$0x0] =	vst.idx.msk $0xffff, v22  }
0xb0: {  	p3 =	seq.s32 s6, $0x3C;
	s8 =	sadd.s32 s4, s8;
	[tilespmem:v16+s29+$0x0] =	vst.idx.msk $0xffff, v19  }
0xb1: {  	[hbm4b:s8+s3] =	stream.linear.scatter [tilespmem:s29], [sflag:$0x5], $0x2000, $0x38;
	[tilespmem:$0x10000] =	vst v63  }
0xb2: {  	s9 =	simm.s32 $0x2;
	s8 =	sadd.s32 @!p3 s7, s10  }
0xb3: {  	s21 =	simm.s32 $0x0;
	s19 =	simm.s32 @!p3 $0x400;
	s8 =	sshll.u32 @!p3 s8, $0x7  }
0xb4: {  	s22 =	simm.s32 $0x1;
	s20 =	simm.s32 @!p3 $0x7A1400;
	v16 =	vadd.s32 s9, v0;
	s8 =	sand.u32 @!p3 $0x1FFFFE00, s8  }
0xb5: {  	s23 =	sand.u32 $0x30, s21;
	s9 =	simm.s32 @!p3 $0x0;
	v16 =	vand.u32 $0xF, v16;
	s8 =	sadd.s32 @!p3 s1, s8  }
0xb6: {  	v17 =	vadd.s32 s22, v0;
	v36 =	vor.u32 s23, v16;
	[tilespmem:s9], [sflag:$0x1] =	stream.strided.gather @!p3 [hbm4b:s8+s19], $0x2000, s20, s19, $0x38;
	[tilespmem:$0x10000] =	vst v63  }
0xb7: {  	v16 =	vand.u32 $0xF, v17;
	v34 =	vshll.u32 v36, $0x7;
	_ =	swait.ge [sflag:s30], $0x2000  }
0xb8: {  	v38 =	vor.u32 s23, v16;
	v16 =	vor.u32 v0, v34;
	[sflag:s30] =	ssyncset.done $0x0  }
0xb9: {  	v18 =	vshll.u32 v38, $0x7;
	s8 =	simm.s32 @!p2 $0x6;
	[sflag:s30] =	ssyncadd.s32 $0xFFFFE000  }
0xba: {  	s20 =	simm.s32 $0x3;
	v17 =	vor.u32 v0, v18;
	_ =	swait.ge @!p2 [sflag:s8], $0x2000  }
0xbb: {  	v19 =	vadd.s32 s20, v0;
	[sflag:s8] =	ssyncset.done @!p2 $0x0  }
0xbc: {  	v19 =	vand.u32 $0xF, v19;
	[sflag:s8] =	ssyncadd.s32 @!p2 $0xFFFFE000  }
0xbd: {  	v22 =	vor.u32 s23, v19;
	v19 =	vor.u32 v1, v36;
	v16 =	vld.idx.msk [tilespmem:v16+s24+$0x0], $0xffff  }
0xbe: {  	v20 =	vor.u32 v2, v34;
	v39 =	vshll.u32 v22, $0x7  }
0xbf: {  	v21 =	vadd.s32 s21, v0;
	v24 =	vor.u32 v1, v38;
	v23 =	vor.u32 v0, v39;
	v17 =	vld.idx.msk [tilespmem:v17+s24+$0x0], $0xffff  }
0xc0: {  	v21 =	vand.u32 $0xF, v21;
	v25 =	vor.u32 v2, v18  }
0xc1: {  	v26 =	vor.u32 s23, v21  }
0xc2: {  	v29 =	vshll.u32 v26, $0x7;
	[tilespmem:v19+s31+$0x0] =	vst.idx.msk $0xffff, v16  }
0xc3: {  	v16 =	vor.u32 v0, v29;
	v19 =	vld.idx.msk [tilespmem:v20+s24+$0x0], $0xffff;
	v20 =	vor.u32 v3, v36  }
0xc4: {  	v21 =	vor.u32 v1, v22;
	v23 =	vld.idx.msk [tilespmem:v23+s24+$0x0], $0xffff;
	[tilespmem:v24+s31+$0x0] =	vst.idx.msk $0xffff, v17;
	v17 =	vor.u32 v4, v34  }
0xc5: {  	v27 =	vor.u32 v3, v38;
	v24 =	vor.u32 v2, v39;
	v25 =	vld.idx.msk [tilespmem:v25+s24+$0x0], $0xffff  }
0xc6: {  	v28 =	vor.u32 v4, v18;
	_ =	sdelay $0x1  }
0xc7: {  	v31 =	vor.u32 v1, v26;
	v16 =	vld.idx.msk [tilespmem:v16+s24+$0x0], $0xffff;
	[tilespmem:v20+s31+$0x0] =	vst.idx.msk $0xffff, v19  }
0xc8: {  	[tilespmem:v21+s31+$0x0] =	vst.idx.msk $0xffff, v23;
	v19 =	vor.u32 v2, v29;
	v20 =	vor.u32 v5, v36;
	v17 =	vld.idx.msk [tilespmem:v17+s24+$0x0], $0xffff  }
0xc9: {  	v23 =	vor.u32 v6, v34;
	v21 =	vld.idx.msk [tilespmem:v24+s24+$0x0], $0xffff;
	v24 =	vor.u32 v3, v22;
	[tilespmem:v27+s31+$0x0] =	vst.idx.msk $0xffff, v25  }
0xca: {  	v51 =	vor.u32 v5, v26;
	v25 =	vor.u32 v5, v38;
	v27 =	vld.idx.msk [tilespmem:v28+s24+$0x0], $0xffff;
	v28 =	vor.u32 v4, v39  }
0xcb: {  	v30 =	vor.u32 v12, v34;
	v62 =	vor.u32 v8, v34;
	v63 =	vor.u32 v6, v29  }
0xcc: {  	v48 =	vor.u32 v7, v38;
	v61 =	vor.u32 v6, v18;
	[tilespmem:v31+s31+$0x0] =	vst.idx.msk $0xffff, v16  }
0xcd: {  	v55 =	vor.u32 v9, v38;
	v16 =	vor.u32 v3, v26;
	v19 =	vld.idx.msk [tilespmem:v19+s24+$0x0], $0xffff;
	[tilespmem:v20+s31+$0x0] =	vst.idx.msk $0xffff, v17  }
0xce: {  	v42 =	vor.u32 v8, v29;
	[tilespmem:v24+s31+$0x0] =	vst.idx.msk $0xffff, v21;
	v21 =	vor.u32 v4, v29;
	v17 =	vld.idx.msk [tilespmem:v23+s24+$0x0], $0xffff  }
0xcf: {  	v49 =	vor.u32 v8, v18;
	[tilespmem:v25+s31+$0x0] =	vst.idx.msk $0xffff, v27;
	v25 =	vor.u32 v5, v22;
	v23 =	vld.idx.msk [tilespmem:v28+s24+$0x0], $0xffff  }
0xd0: {  	s21 =	simm.s32 $0x5;
	v59 =	vor.u32 v7, v22;
	v60 =	vor.u32 v8, v39;
	s8 =	simm.s32 $0x4;
	v20 =	vor.u32 v7, v36  }
0xd1: {  	s22 =	simm.s32 $0x6;
	v50 =	vadd.s32 s8, v0;
	v24 =	vor.u32 v6, v39;
	v27 =	vld.idx.msk [tilespmem:v61+s24+$0x0], $0xffff;
	v28 =	vadd.s32 s21, v0  }
0xd2: {  	s23 =	simm.s32 $0x7;
	s8 =	sand.u32 $0x30, s8;
	v31 =	vor.u32 v9, v36;
	v28 =	vand.u32 $0xF, v28;
	[tilespmem:v16+s31+$0x0] =	vst.idx.msk $0xffff, v19;
	v16 =	vadd.s32 s22, v0  }
0xd3: {  	v28 =	vor.u32 s8, v28;
	v19 =	vadd.s32 s23, v0;
	v16 =	vand.u32 $0xF, v16;
	v52 =	vld.idx.msk [tilespmem:v21+s24+$0x0], $0xffff  }
0xd4: {  	v35 =	vor.u32 v5, v28;
	v16 =	vor.u32 s8, v16;
	[tilespmem:v25+s31+$0x0] =	vst.idx.msk $0xffff, v23;
	v23 =	vshll.u32 v28, $0x7  }
0xd5: {  	v21 =	vand.u32 $0xF, v50;
	[tilespmem:v20+s31+$0x0] =	vst.idx.msk $0xffff, v17;
	v20 =	vshll.u32 v16, $0x7;
	v25 =	vor.u32 v0, v23  }
0xd6: {  	v19 =	vand.u32 $0xF, v19;
	[tilespmem:v48+s31+$0x0] =	vst.idx.msk $0xffff, v27;
	v21 =	vor.u32 s8, v21;
	v56 =	vld.idx.msk [tilespmem:v24+s24+$0x0], $0xffff;
	v53 =	vor.u32 v0, v20  }
0xd7: {  	v57 =	vor.u32 v1, v28;
	v17 =	vor.u32 s8, v19;
	v54 =	vld.idx.msk [tilespmem:v49+s24+$0x0], $0xffff;
	v24 =	vshll.u32 v21, $0x7  }
0xd8: {  	v19 =	vshll.u32 v17, $0x7;
	v33 =	vld.idx.msk [tilespmem:v62+s24+$0x0], $0xffff;
	v61 =	vor.u32 v0, v24;
	[tilespmem:v51+s31+$0x0] =	vst.idx.msk $0xffff, v52  }
0xd9: {  	v50 =	vor.u32 v9, v26;
	v62 =	vor.u32 v7, v26;
	v44 =	vor.u32 v0, v19;
	v37 =	vld.idx.msk [tilespmem:v63+s24+$0x0], $0xffff  }
0xda: {  	v48 =	vor.u32 v1, v17;
	v47 =	vor.u32 v1, v21;
	v27 =	vor.u32 v12, v20;
	v40 =	vld.idx.msk [tilespmem:v25+s24+$0x0], $0xffff  }
0xdb: {  	v63 =	vor.u32 v1, v16;
	[tilespmem:v59+s31+$0x0] =	vst.idx.msk $0xffff, v56;
	v59 =	vor.u32 v2, v23;
	v32 =	vld.idx.msk [tilespmem:v53+s24+$0x0], $0xffff  }
0xdc: {  	v58 =	vor.u32 v2, v20;
	[tilespmem:v55+s31+$0x0] =	vst.idx.msk $0xffff, v54;
	v46 =	vld.idx.msk [tilespmem:v60+s24+$0x0], $0xffff;
	v60 =	vor.u32 v10, v18  }
0xdd: {  	v51 =	vor.u32 v2, v19;
	v52 =	vor.u32 v3, v16;
	[tilespmem:v31+s31+$0x0] =	vst.idx.msk $0xffff, v33;
	v41 =	vld.idx.msk [tilespmem:v61+s24+$0x0], $0xffff  }
0xde: {  	v55 =	vor.u32 v2, v24;
	v61 =	vor.u32 v9, v22;
	v44 =	vld.idx.msk [tilespmem:v44+s24+$0x0], $0xffff;
	[tilespmem:v62+s31+$0x0] =	vst.idx.msk $0xffff, v37  }
0xdf: {  	v25 =	vor.u32 v15, v36;
	v62 =	vor.u32 v10, v39;
	v42 =	vld.idx.msk [tilespmem:v42+s24+$0x0], $0xffff;
	[tilespmem:v57+s31+$0x0] =	vst.idx.msk $0xffff, v40  }
0xe0: {  	v31 =	vor.u32 v15, v22;
	[tilespmem:v63+s31+$0x0] =	vst.idx.msk $0xffff, v32;
	v63 =	vor.u32 v10, v34;
	v45 =	vld.idx.msk [tilespmem:v59+s24+$0x0], $0xffff  }
0xe1: {  	v33 =	vor.u32 v15, v38;
	v56 =	vor.u32 v10, v29;
	v57 =	vor.u32 v3, v28;
	v53 =	vld.idx.msk [tilespmem:v60+s24+$0x0], $0xffff  }
0xe2: {  	v37 =	vor.u32 v13, v36;
	v32 =	vor.u32 v15, v26;
	[tilespmem:v47+s31+$0x0] =	vst.idx.msk $0xffff, v41;
	v43 =	vld.idx.msk [tilespmem:v58+s24+$0x0], $0xffff  }
0xe3: {  	[tilespmem:v61+s31+$0x0] =	vst.idx.msk $0xffff, v46;
	v41 =	vor.u32 v11, v38;
	v58 =	vor.u32 v4, v20;
	v40 =	vld.idx.msk [tilespmem:v55+s24+$0x0], $0xffff  }
0xe4: {  	[tilespmem:v48+s31+$0x0] =	vst.idx.msk $0xffff, v44;
	v59 =	vor.u32 v12, v18;
	v61 =	vor.u32 v11, v22;
	v54 =	vld.idx.msk [tilespmem:v62+s24+$0x0], $0xffff  }
0xe5: {  	v55 =	vor.u32 v4, v23;
	v62 =	vor.u32 v11, v36;
	[tilespmem:v50+s31+$0x0] =	vst.idx.msk $0xffff, v42;
	v60 =	vld.idx.msk [tilespmem:v63+s24+$0x0], $0xffff  }
0xe6: {  	v34 =	vor.u32 v14, v34;
	v44 =	vor.u32 v12, v39;
	v49 =	vld.idx.msk [tilespmem:v51+s24+$0x0], $0xffff;
	[tilespmem:v57+s31+$0x0] =	vst.idx.msk $0xffff, v45  }
0xe7: {  	v47 =	vor.u32 v5, v16;
	v42 =	vld.idx.msk [tilespmem:v56+s24+$0x0], $0xffff;
	v45 =	vor.u32 v11, v26;
	[tilespmem:v52+s31+$0x0] =	vst.idx.msk $0xffff, v43  }
0xe8: {  	v36 =	vor.u32 v14, v39;
	v39 =	vor.u32 v12, v29;
	[tilespmem:v41+s31+$0x0] =	vst.idx.msk $0xffff, v53;
	v46 =	vld.idx.msk [tilespmem:v58+s24+$0x0], $0xffff  }
0xe9: {  	v48 =	vor.u32 v6, v20;
	v51 =	vor.u32 v3, v17;
	v41 =	vld.idx.msk [tilespmem:v59+s24+$0x0], $0xffff;
	[tilespmem:v61+s31+$0x0] =	vst.idx.msk $0xffff, v54  }
0xea: {  	s9 =	simm.s32 $0x8;
	s8 =	sadd.s32 s7, s11;
	v50 =	vld.idx.msk [tilespmem:v55+s24+$0x0], $0xffff;
	v52 =	vor.u32 v4, v19;
	v43 =	vor.u32 v13, v38;
	[tilespmem:v62+s31+$0x0] =	vst.idx.msk $0xffff, v60  }
.LBB2_5:
0xeb: {  	p4 =	slt.u32 s9, $0x3C;
	v29 =	vor.u32 v14, v29;
	v18 =	vor.u32 v14, v18;
	v44 =	vld.idx.msk [tilespmem:v44+s24+$0x0], $0xffff;
	v22 =	vor.u32 v13, v22;
	s19 =	smov.u32 s9;
	s9 =	sadd.s32 $0x4, s9  }
0xec: {  	v53 =	vor.u32 v3, v21;
	v54 =	vor.u32 v6, v23;
	v38 =	vmov v28;
	[tilespmem:v45+s31+$0x0] =	vst.idx.msk $0xffff, v42  }
0xed: {  	v26 =	vor.u32 v13, v26;
	v42 =	vor.u32 v9, v16;
	[tilespmem:v47+s31+$0x0] =	vst.idx.msk $0xffff, v46;
	v28 =	vld.idx.msk [tilespmem:v39+s24+$0x0], $0xffff  }
0xee: {  	v45 =	vor.u32 v8, v20;
	v46 =	vor.u32 v6, v19;
	v39 =	vld.idx.msk [tilespmem:v48+s24+$0x0], $0xffff;
	[tilespmem:v51+s31+$0x0] =	vst.idx.msk $0xffff, v49  }
0xef: {  	v47 =	vor.u32 v4, v24;
	v48 =	vor.u32 v7, v16;
	v49 =	vld.idx.msk [tilespmem:v52+s24+$0x0], $0xffff;
	[tilespmem:v43+s31+$0x0] =	vst.idx.msk $0xffff, v41  }
0xf0: {  	v41 =	vor.u32 v6, v24;
	[tilespmem:v35+s31+$0x0] =	vst.idx.msk $0xffff, v50;
	v35 =	vor.u32 v5, v17;
	v30 =	vld.idx.msk [tilespmem:v30+s24+$0x0], $0xffff  }
0xf1: {  	v43 =	vor.u32 v7, v38;
	v50 =	vor.u32 v8, v23;
	[tilespmem:v53+s31+$0x0] =	vst.idx.msk $0xffff, v40;
	v40 =	vld.idx.msk [tilespmem:v54+s24+$0x0], $0xffff  }
0xf2: {  	s20 =	sadd.s32 $0x1, s19;
	s21 =	sadd.s32 $0x2, s19;
	s22 =	sadd.s32 $0x3, s19;
	v51 =	vadd.s32 s19, v0;
	v52 =	vor.u32 v5, v21;
	v53 =	vld.idx.msk [tilespmem:v18+s24+$0x0], $0xffff;
	[tilespmem:v22+s31+$0x0] =	vst.idx.msk $0xffff, v44;
	v44 =	vmov v16  }
0xf3: {  	v55 =	vadd.s32 s22, v0;
	v54 =	vadd.s32 s21, v0;
	v16 =	vadd.s32 s20, v0;
	v22 =	vmovc v17;
	v18 =	vmovc v23;
	[tilespmem:v26+s31+$0x0] =	vst.idx.msk $0xffff, v28  }
0xf4: {  	s19 =	sand.u32 $0x30, s19;
	v17 =	vand.u32 $0xF, v54;
	v23 =	vand.u32 $0xF, v55;
	v16 =	vand.u32 $0xF, v16;
	v47 =	vld.idx.msk [tilespmem:v47+s24+$0x0], $0xffff;
	[tilespmem:v48+s31+$0x0] =	vst.idx.msk $0xffff, v39;
	v39 =	vmovc v20  }
0xf5: {  	v28 =	vor.u32 s19, v16;
	v16 =	vor.u32 s19, v17;
	v17 =	vor.u32 s19, v23;
	[tilespmem:v35+s31+$0x0] =	vst.idx.msk $0xffff, v49;
	v48 =	vld.idx.msk [tilespmem:v29+s24+$0x0], $0xffff;
	v49 =	vmovc v19  }
0xf6: {  	v26 =	vmovc v21;
	v23 =	vshll.u32 v28, $0x7;
	v20 =	vshll.u32 v16, $0x7;
	v19 =	vshll.u32 v17, $0x7;
	[tilespmem:v37+s31+$0x0] =	vst.idx.msk $0xffff, v30;
	v36 =	vld.idx.msk [tilespmem:v36+s24+$0x0], $0xffff  }
0xf7: {  	v37 =	vor.u32 v0, v23;
	v54 =	vor.u32 v0, v20;
	[tilespmem:v43+s31+$0x0] =	vst.idx.msk $0xffff, v40;
	v34 =	vld.idx.msk [tilespmem:v34+s24+$0x0], $0xffff  }
0xf8: {  	v21 =	vand.u32 $0xF, v51;
	v29 =	vmov v24;
	v40 =	vor.u32 v0, v19;
	v43 =	vld.idx.msk [tilespmem:v50+s24+$0x0], $0xffff;
	[tilespmem:v33+s31+$0x0] =	vst.idx.msk $0xffff, v53  }
0xf9: {  	v21 =	vor.u32 s19, v21;
	v35 =	vor.u32 v5, v28;
	v30 =	vmovc v27;
	v33 =	vor.u32 v9, v38;
	v46 =	vld.idx.msk [tilespmem:v46+s24+$0x0], $0xffff  }
0xfa: {  	v24 =	vshll.u32 v21, $0x7;
	[tilespmem:v52+s31+$0x0] =	vst.idx.msk $0xffff, v47;
	v45 =	vld.idx.msk [tilespmem:v45+s24+$0x0], $0xffff;
	v47 =	vor.u32 v7, v22  }
0xfb: {  	v51 =	vor.u32 v8, v49;
	v50 =	vor.u32 v0, v24;
	[tilespmem:v32+s31+$0x0] =	vst.idx.msk $0xffff, v48  }
0xfc: {  	v27 =	vor.u32 v12, v20;
	v32 =	vld.idx.msk [tilespmem:v41+s24+$0x0], $0xffff;
	v41 =	vor.u32 v8, v29;
	[tilespmem:v31+s31+$0x0] =	vst.idx.msk $0xffff, v36  }
0xfd: {  	v48 =	vor.u32 v7, v26;
	v36 =	vor.u32 v1, v17;
	v31 =	vld.idx.msk [tilespmem:v54+s24+$0x0], $0xffff;
	[tilespmem:v25+s31+$0x0] =	vst.idx.msk $0xffff, v34  }
0xfe: {  	v52 =	vor.u32 v2, v19;
	v34 =	vld.idx.msk [tilespmem:v37+s24+$0x0], $0xffff;
	v37 =	vor.u32 v1, v16;
	[tilespmem:v33+s31+$0x0] =	vst.idx.msk $0xffff, v43  }
0xff: {  	v33 =	vor.u32 v1, v28;
	v43 =	vor.u32 v2, v20;
	[tilespmem:v47+s31+$0x0] =	vst.idx.msk $0xffff, v46  }
0x100: {  	v25 =	vor.u32 v15, v44;
	v46 =	vor.u32 v2, v23;
	[tilespmem:v42+s31+$0x0] =	vst.idx.msk $0xffff, v45;
	v42 =	vld.idx.msk [tilespmem:v51+s24+$0x0], $0xffff  }
0x101: {  	v47 =	vor.u32 v1, v21;
	v51 =	vor.u32 v9, v22;
	v45 =	vld.idx.msk [tilespmem:v50+s24+$0x0], $0xffff;
	v50 =	vor.u32 v10, v18  }
0x102: {  	v53 =	vor.u32 v2, v24;
	v40 =	vld.idx.msk [tilespmem:v40+s24+$0x0], $0xffff;
	[tilespmem:v48+s31+$0x0] =	vst.idx.msk $0xffff, v32;
	v48 =	vor.u32 v10, v49  }
0x103: {  	[tilespmem:v37+s31+$0x0] =	vst.idx.msk $0xffff, v31;
	v37 =	vld.idx.msk [tilespmem:v41+s24+$0x0], $0xffff;
	v41 =	vor.u32 v10, v39;
	v31 =	vor.u32 v15, v22  }
0x104: {  	v54 =	vor.u32 v9, v26;
	[tilespmem:v33+s31+$0x0] =	vst.idx.msk $0xffff, v34;
	v43 =	vld.idx.msk [tilespmem:v43+s24+$0x0], $0xffff;
	v33 =	vor.u32 v15, v38  }
0x105: {  	v55 =	vor.u32 v3, v16;
	v56 =	vor.u32 v10, v29;
	v32 =	vor.u32 v15, v26;
	v46 =	vld.idx.msk [tilespmem:v46+s24+$0x0], $0xffff  }
0x106: {  	v57 =	vor.u32 v3, v28;
	v58 =	vor.u32 v4, v20;
	v50 =	vld.idx.msk [tilespmem:v50+s24+$0x0], $0xffff;
	[tilespmem:v51+s31+$0x0] =	vst.idx.msk $0xffff, v42  }
0x107: {  	v34 =	vor.u32 v14, v39;
	v51 =	vor.u32 v11, v38;
	[tilespmem:v47+s31+$0x0] =	vst.idx.msk $0xffff, v45;
	v59 =	vld.idx.msk [tilespmem:v48+s24+$0x0], $0xffff  }
0x108: {  	v60 =	vor.u32 v12, v18;
	v62 =	vor.u32 v11, v22;
	[tilespmem:v36+s31+$0x0] =	vst.idx.msk $0xffff, v40;
	v61 =	vld.idx.msk [tilespmem:v41+s24+$0x0], $0xffff  }
0x109: {  	v40 =	vld.idx.msk [tilespmem:v53+s24+$0x0], $0xffff;
	v53 =	vor.u32 v4, v23;
	[tilespmem:v54+s31+$0x0] =	vst.idx.msk $0xffff, v37;
	v54 =	vor.u32 v11, v44  }
.Ltmp3:
0x10a: {  	v37 =	vor.u32 v13, v44;
	v44 =	vor.u32 v12, v49;
	[tilespmem:v55+s31+$0x0] =	vst.idx.msk $0xffff, v43;
	v42 =	vld.idx.msk [tilespmem:v56+s24+$0x0], $0xffff;
	(pc) =	sbr.rel @p4 .LBB2_5-.Ltmp3, $4  }
0x10b: {  	v45 =	vor.u32 v11, v26;
	v36 =	vor.u32 v14, v49;
	[tilespmem:v57+s31+$0x0] =	vst.idx.msk $0xffff, v46;
	v46 =	vld.idx.msk [tilespmem:v58+s24+$0x0], $0xffff  }
0x10c: {  	v39 =	vor.u32 v12, v29;
	v47 =	vor.u32 v5, v16;
	v49 =	vld.idx.msk [tilespmem:v52+s24+$0x0], $0xffff;
	[tilespmem:v51+s31+$0x0] =	vst.idx.msk $0xffff, v50  }
0x10d: {  	v48 =	vor.u32 v6, v20;
	v51 =	vor.u32 v3, v17;
	v41 =	vld.idx.msk [tilespmem:v60+s24+$0x0], $0xffff;
	[tilespmem:v62+s31+$0x0] =	vst.idx.msk $0xffff, v59  }
0x10e: {  	v43 =	vor.u32 v13, v38;
	v52 =	vor.u32 v4, v19;
	v50 =	vld.idx.msk [tilespmem:v53+s24+$0x0], $0xffff;
	[tilespmem:v54+s31+$0x0] =	vst.idx.msk $0xffff, v61  }
0x10f: {  	v38 =	vor.u32 v3, v21  }
0x110: {  	v53 =	vor.u32 v4, v24;
	_ =	sdelay $0x2  }
0x111: {  	[tilespmem:v51+s31+$0x0] =	vst.idx.msk $0xffff, v49  }
0x112: {  	v59 =	vor.u32 v6, v23;
	v63 =	vor.u32 v5, v17;
	v51 =	vld.idx.msk [tilespmem:v52+s24+$0x0], $0xffff;
	[tilespmem:v38+s31+$0x0] =	vst.idx.msk $0xffff, v40  }
0x113: {  	v60 =	vor.u32 v5, v21;
	v54 =	vor.u32 v6, v19;
	v61 =	vld.idx.msk [tilespmem:v53+s24+$0x0], $0xffff  }
0x114: {  	v62 =	vor.u32 v6, v24;
	_ =	sdelay $0x1  }
0x115: {  	[tilespmem:v35+s31+$0x0] =	vst.idx.msk $0xffff, v50  }
0x116: {  	v35 =	vld.idx.msk [tilespmem:v59+s24+$0x0], $0xffff;
	v38 =	vor.u32 v7, v28;
	[tilespmem:v63+s31+$0x0] =	vst.idx.msk $0xffff, v51  }
0x117: {  	v56 =	vor.u32 v8, v23;
	v59 =	vor.u32 v7, v17;
	v58 =	vld.idx.msk [tilespmem:v54+s24+$0x0], $0xffff;
	[tilespmem:v60+s31+$0x0] =	vst.idx.msk $0xffff, v61  }
0x118: {  	v57 =	vor.u32 v7, v21;
	[tilespmem:v47+s31+$0x0] =	vst.idx.msk $0xffff, v46;
	v49 =	vld.idx.msk [tilespmem:v62+s24+$0x0], $0xffff;
	v62 =	vor.u32 v8, v19  }
0x119: {  	v48 =	vld.idx.msk [tilespmem:v48+s24+$0x0], $0xffff;
	v60 =	vor.u32 v8, v24;
	v61 =	vor.u32 v7, v16  }
0x11a: {  	[tilespmem:v45+s31+$0x0] =	vst.idx.msk $0xffff, v42;
	v63 =	vor.u32 v8, v20  }
0x11b: {  	v44 =	vld.idx.msk [tilespmem:v44+s24+$0x0], $0xffff;
	v22 =	vor.u32 v13, v22;
	[tilespmem:v38+s31+$0x0] =	vst.idx.msk $0xffff, v35  }
0x11c: {  	v54 =	vor.u32 v9, v28;
	v35 =	vld.idx.msk [tilespmem:v56+s24+$0x0], $0xffff;
	[tilespmem:v59+s31+$0x0] =	vst.idx.msk $0xffff, v58  }
0x11d: {  	v55 =	vor.u32 v10, v23;
	v58 =	vor.u32 v9, v17;
	[tilespmem:v57+s31+$0x0] =	vst.idx.msk $0xffff, v49;
	v47 =	vld.idx.msk [tilespmem:v62+s24+$0x0], $0xffff  }
0x11e: {  	[tilespmem:v61+s31+$0x0] =	vst.idx.msk $0xffff, v48;
	v57 =	vor.u32 v9, v21;
	v62 =	vor.u32 v10, v19;
	v56 =	vld.idx.msk [tilespmem:v60+s24+$0x0], $0xffff  }
0x11f: {  	[tilespmem:v43+s31+$0x0] =	vst.idx.msk $0xffff, v41;
	v59 =	vor.u32 v10, v24;
	v61 =	vld.idx.msk [tilespmem:v63+s24+$0x0], $0xffff;
	v60 =	vor.u32 v9, v16  }
0x120: {  	v26 =	vor.u32 v13, v26;
	v39 =	vld.idx.msk [tilespmem:v39+s24+$0x0], $0xffff;
	[tilespmem:v22+s31+$0x0] =	vst.idx.msk $0xffff, v44;
	v22 =	vor.u32 v10, v20  }
0x121: {  	v30 =	vld.idx.msk [tilespmem:v30+s24+$0x0], $0xffff;
	[tilespmem:v54+s31+$0x0] =	vst.idx.msk $0xffff, v35  }
0x122: {  	v18 =	vor.u32 v14, v18;
	v35 =	vld.idx.msk [tilespmem:v55+s24+$0x0], $0xffff;
	v63 =	vor.u32 v11, v28;
	[tilespmem:v58+s31+$0x0] =	vst.idx.msk $0xffff, v47  }
0x123: {  	v29 =	vor.u32 v14, v29;
	v54 =	vor.u32 v11, v17;
	[tilespmem:v57+s31+$0x0] =	vst.idx.msk $0xffff, v56;
	v53 =	vld.idx.msk [tilespmem:v62+s24+$0x0], $0xffff  }
0x124: {  	v52 =	vor.u32 v11, v21;
	v48 =	vor.u32 v12, v23;
	[tilespmem:v60+s31+$0x0] =	vst.idx.msk $0xffff, v61;
	v51 =	vld.idx.msk [tilespmem:v59+s24+$0x0], $0xffff  }
0x125: {  	[tilespmem:v26+s31+$0x0] =	vst.idx.msk $0xffff, v39;
	v26 =	vor.u32 v11, v16;
	v56 =	vor.u32 v12, v19;
	v22 =	vld.idx.msk [tilespmem:v22+s24+$0x0], $0xffff  }
0x126: {  	[tilespmem:v37+s31+$0x0] =	vst.idx.msk $0xffff, v30;
	v55 =	vor.u32 v12, v24  }
0x127: {  	v18 =	vld.idx.msk [tilespmem:v18+s24+$0x0], $0xffff;
	[tilespmem:v63+s31+$0x0] =	vst.idx.msk $0xffff, v35  }
0x128: {  	v29 =	vld.idx.msk [tilespmem:v29+s24+$0x0], $0xffff;
	[tilespmem:v54+s31+$0x0] =	vst.idx.msk $0xffff, v53  }
0x129: {  	v30 =	vld.idx.msk [tilespmem:v48+s24+$0x0], $0xffff;
	v57 =	vor.u32 v13, v28;
	[tilespmem:v52+s31+$0x0] =	vst.idx.msk $0xffff, v51  }
0x12a: {  	[tilespmem:v26+s31+$0x0] =	vst.idx.msk $0xffff, v22;
	v22 =	vor.u32 v14, v24;
	v24 =	vld.idx.msk [tilespmem:v56+s24+$0x0], $0xffff;
	v26 =	vor.u32 v13, v17  }
0x12b: {  	v23 =	vor.u32 v14, v23;
	v59 =	vor.u32 v13, v21;
	v58 =	vld.idx.msk [tilespmem:v55+s24+$0x0], $0xffff  }
0x12c: {  	[tilespmem:v33+s31+$0x0] =	vst.idx.msk $0xffff, v18;
	v18 =	vor.u32 v13, v16;
	v19 =	vor.u32 v14, v19;
	v27 =	vld.idx.msk [tilespmem:v27+s24+$0x0], $0xffff  }
0x12d: {  	[tilespmem:v32+s31+$0x0] =	vst.idx.msk $0xffff, v29  }
0x12e: {  	v20 =	vor.u32 v14, v20;
	v29 =	vld.idx.msk [tilespmem:v34+s24+$0x0], $0xffff;
	[tilespmem:v57+s31+$0x0] =	vst.idx.msk $0xffff, v30  }
0x12f: {  	v60 =	vld.idx.msk [tilespmem:v36+s24+$0x0], $0xffff;
	[tilespmem:v26+s31+$0x0] =	vst.idx.msk $0xffff, v24  }
0x130: {  	v28 =	vor.u32 v15, v28;
	v23 =	vld.idx.msk [tilespmem:v23+s24+$0x0], $0xffff;
	[tilespmem:v59+s31+$0x0] =	vst.idx.msk $0xffff, v58  }
0x131: {  	v17 =	vor.u32 v15, v17;
	[tilespmem:v18+s31+$0x0] =	vst.idx.msk $0xffff, v27;
	v18 =	vld.idx.msk [tilespmem:v19+s24+$0x0], $0xffff  }
0x132: {  	v21 =	vor.u32 v15, v21;
	v22 =	vld.idx.msk [tilespmem:v22+s24+$0x0], $0xffff  }
0x133: {  	[tilespmem:v25+s31+$0x0] =	vst.idx.msk $0xffff, v29;
	v16 =	vor.u32 v15, v16;
	v19 =	vld.idx.msk [tilespmem:v20+s24+$0x0], $0xffff  }
0x134: {  	[tilespmem:v31+s31+$0x0] =	vst.idx.msk $0xffff, v60  }
0x135: {  	[tilespmem:v28+s31+$0x0] =	vst.idx.msk $0xffff, v23  }
0x136: {  	s8 =	sshll.u32 s8, $0xA;
	[tilespmem:v17+s31+$0x0] =	vst.idx.msk $0xffff, v18  }
0x137: {  	s8 =	sand.u32 $0x1FFFF400, s8;
	[tilespmem:v21+s31+$0x0] =	vst.idx.msk $0xffff, v22  }
0x138: {  	s8 =	sadd.s32 s4, s8;
	[tilespmem:v16+s31+$0x0] =	vst.idx.msk $0xffff, v19  }
0x139: {  	[hbm4b:s8+s3] =	stream.linear.scatter [tilespmem:s31], [sflag:$0x6], $0x2000, $0x38;
	[tilespmem:$0x10000] =	vst v63  }
0x13a: {  	s9 =	simm.s32 $0x2;
	s8 =	sadd.s32 @!p3 s7, s12  }
0x13b: {  	s19 =	simm.s32 @!p3 $0x400;
	s20 =	simm.s32 @!p3 $0x7A1400;
	s8 =	sshll.u32 @!p3 s8, $0x7  }
0x13c: {  	s21 =	simm.s32 $0x0;
	s22 =	simm.s32 $0x1;
	v16 =	vadd.s32 s9, v0;
	s8 =	sand.u32 @!p3 $0x1FFFFE80, s8  }
0x13d: {  	s23 =	sand.u32 $0x30, s21;
	s9 =	simm.s32 @!p3 $0x2000;
	v16 =	vand.u32 $0xF, v16;
	s8 =	sadd.s32 @!p3 s1, s8  }
0x13e: {  	v17 =	vadd.s32 s22, v0;
	v36 =	vor.u32 s23, v16;
	[tilespmem:s9], [sflag:$0x2] =	stream.strided.gather @!p3 [hbm4b:s8+s19], $0x2000, s20, s19, $0x38;
	[tilespmem:$0x10000] =	vst v63  }
0x13f: {  	v16 =	vand.u32 $0xF, v17;
	v34 =	vshll.u32 v36, $0x7;
	_ =	swait.ge [sflag:s2], $0x2000  }
0x140: {  	v38 =	vor.u32 s23, v16;
	v16 =	vor.u32 v0, v34;
	[sflag:s2] =	ssyncset.done $0x0  }
0x141: {  	v18 =	vshll.u32 v38, $0x7;
	s8 =	simm.s32 @!p2 $0x7;
	[sflag:s2] =	ssyncadd.s32 $0xFFFFE000  }
0x142: {  	s20 =	simm.s32 $0x3;
	v17 =	vor.u32 v0, v18;
	_ =	swait.ge @!p2 [sflag:s8], $0x2000  }
0x143: {  	v19 =	vadd.s32 s20, v0;
	[sflag:s8] =	ssyncset.done @!p2 $0x0  }
0x144: {  	v19 =	vand.u32 $0xF, v19;
	[sflag:s8] =	ssyncadd.s32 @!p2 $0xFFFFE000  }
0x145: {  	v22 =	vor.u32 s23, v19;
	v19 =	vor.u32 v1, v36;
	v16 =	vld.idx.msk [tilespmem:v16+s25+$0x0], $0xffff  }
0x146: {  	v20 =	vor.u32 v2, v34;
	v39 =	vshll.u32 v22, $0x7  }
0x147: {  	v21 =	vadd.s32 s21, v0;
	v24 =	vor.u32 v1, v38;
	v23 =	vor.u32 v0, v39;
	v17 =	vld.idx.msk [tilespmem:v17+s25+$0x0], $0xffff  }
0x148: {  	v21 =	vand.u32 $0xF, v21;
	v25 =	vor.u32 v2, v18  }
0x149: {  	v26 =	vor.u32 s23, v21  }
0x14a: {  	v29 =	vshll.u32 v26, $0x7;
	[tilespmem:v19+s17+$0x0] =	vst.idx.msk $0xffff, v16  }
0x14b: {  	v16 =	vor.u32 v0, v29;
	v19 =	vld.idx.msk [tilespmem:v20+s25+$0x0], $0xffff;
	v20 =	vor.u32 v3, v36  }
0x14c: {  	v21 =	vor.u32 v1, v22;
	v23 =	vld.idx.msk [tilespmem:v23+s25+$0x0], $0xffff;
	[tilespmem:v24+s17+$0x0] =	vst.idx.msk $0xffff, v17;
	v17 =	vor.u32 v4, v34  }
0x14d: {  	v27 =	vor.u32 v3, v38;
	v24 =	vor.u32 v2, v39;
	v25 =	vld.idx.msk [tilespmem:v25+s25+$0x0], $0xffff  }
0x14e: {  	v28 =	vor.u32 v4, v18;
	_ =	sdelay $0x1  }
0x14f: {  	v31 =	vor.u32 v1, v26;
	v16 =	vld.idx.msk [tilespmem:v16+s25+$0x0], $0xffff;
	[tilespmem:v20+s17+$0x0] =	vst.idx.msk $0xffff, v19  }
0x150: {  	[tilespmem:v21+s17+$0x0] =	vst.idx.msk $0xffff, v23;
	v19 =	vor.u32 v2, v29;
	v20 =	vor.u32 v5, v36;
	v17 =	vld.idx.msk [tilespmem:v17+s25+$0x0], $0xffff  }
0x151: {  	v23 =	vor.u32 v6, v34;
	v21 =	vld.idx.msk [tilespmem:v24+s25+$0x0], $0xffff;
	v24 =	vor.u32 v3, v22;
	[tilespmem:v27+s17+$0x0] =	vst.idx.msk $0xffff, v25  }
0x152: {  	v51 =	vor.u32 v5, v26;
	v25 =	vor.u32 v5, v38;
	v27 =	vld.idx.msk [tilespmem:v28+s25+$0x0], $0xffff;
	v28 =	vor.u32 v4, v39  }
0x153: {  	v30 =	vor.u32 v12, v34;
	v62 =	vor.u32 v8, v34;
	v63 =	vor.u32 v6, v29  }
0x154: {  	v48 =	vor.u32 v7, v38;
	v61 =	vor.u32 v6, v18;
	[tilespmem:v31+s17+$0x0] =	vst.idx.msk $0xffff, v16  }
0x155: {  	v55 =	vor.u32 v9, v38;
	v16 =	vor.u32 v3, v26;
	v19 =	vld.idx.msk [tilespmem:v19+s25+$0x0], $0xffff;
	[tilespmem:v20+s17+$0x0] =	vst.idx.msk $0xffff, v17  }
0x156: {  	v42 =	vor.u32 v8, v29;
	[tilespmem:v24+s17+$0x0] =	vst.idx.msk $0xffff, v21;
	v21 =	vor.u32 v4, v29;
	v17 =	vld.idx.msk [tilespmem:v23+s25+$0x0], $0xffff  }
0x157: {  	v49 =	vor.u32 v8, v18;
	[tilespmem:v25+s17+$0x0] =	vst.idx.msk $0xffff, v27;
	v25 =	vor.u32 v5, v22;
	v23 =	vld.idx.msk [tilespmem:v28+s25+$0x0], $0xffff  }
0x158: {  	s21 =	simm.s32 $0x5;
	v59 =	vor.u32 v7, v22;
	v60 =	vor.u32 v8, v39;
	s8 =	simm.s32 $0x4;
	v20 =	vor.u32 v7, v36  }
0x159: {  	s22 =	simm.s32 $0x6;
	v50 =	vadd.s32 s8, v0;
	v24 =	vor.u32 v6, v39;
	v27 =	vld.idx.msk [tilespmem:v61+s25+$0x0], $0xffff;
	v28 =	vadd.s32 s21, v0  }
0x15a: {  	s23 =	simm.s32 $0x7;
	s8 =	sand.u32 $0x30, s8;
	v31 =	vor.u32 v9, v36;
	v28 =	vand.u32 $0xF, v28;
	[tilespmem:v16+s17+$0x0] =	vst.idx.msk $0xffff, v19;
	v16 =	vadd.s32 s22, v0  }
0x15b: {  	v28 =	vor.u32 s8, v28;
	v19 =	vadd.s32 s23, v0;
	v16 =	vand.u32 $0xF, v16;
	v52 =	vld.idx.msk [tilespmem:v21+s25+$0x0], $0xffff  }
0x15c: {  	v35 =	vor.u32 v5, v28;
	v16 =	vor.u32 s8, v16;
	[tilespmem:v25+s17+$0x0] =	vst.idx.msk $0xffff, v23;
	v23 =	vshll.u32 v28, $0x7  }
0x15d: {  	v21 =	vand.u32 $0xF, v50;
	[tilespmem:v20+s17+$0x0] =	vst.idx.msk $0xffff, v17;
	v20 =	vshll.u32 v16, $0x7;
	v25 =	vor.u32 v0, v23  }
0x15e: {  	v19 =	vand.u32 $0xF, v19;
	[tilespmem:v48+s17+$0x0] =	vst.idx.msk $0xffff, v27;
	v21 =	vor.u32 s8, v21;
	v56 =	vld.idx.msk [tilespmem:v24+s25+$0x0], $0xffff;
	v53 =	vor.u32 v0, v20  }
0x15f: {  	v57 =	vor.u32 v1, v28;
	v17 =	vor.u32 s8, v19;
	v54 =	vld.idx.msk [tilespmem:v49+s25+$0x0], $0xffff;
	v24 =	vshll.u32 v21, $0x7  }
0x160: {  	v19 =	vshll.u32 v17, $0x7;
	v33 =	vld.idx.msk [tilespmem:v62+s25+$0x0], $0xffff;
	v61 =	vor.u32 v0, v24;
	[tilespmem:v51+s17+$0x0] =	vst.idx.msk $0xffff, v52  }
0x161: {  	v50 =	vor.u32 v9, v26;
	v62 =	vor.u32 v7, v26;
	v44 =	vor.u32 v0, v19;
	v37 =	vld.idx.msk [tilespmem:v63+s25+$0x0], $0xffff  }
0x162: {  	v48 =	vor.u32 v1, v17;
	v47 =	vor.u32 v1, v21;
	v27 =	vor.u32 v12, v20;
	v40 =	vld.idx.msk [tilespmem:v25+s25+$0x0], $0xffff  }
0x163: {  	v63 =	vor.u32 v1, v16;
	[tilespmem:v59+s17+$0x0] =	vst.idx.msk $0xffff, v56;
	v59 =	vor.u32 v2, v23;
	v32 =	vld.idx.msk [tilespmem:v53+s25+$0x0], $0xffff  }
0x164: {  	v58 =	vor.u32 v2, v20;
	[tilespmem:v55+s17+$0x0] =	vst.idx.msk $0xffff, v54;
	v46 =	vld.idx.msk [tilespmem:v60+s25+$0x0], $0xffff;
	v60 =	vor.u32 v10, v18  }
0x165: {  	v51 =	vor.u32 v2, v19;
	v52 =	vor.u32 v3, v16;
	[tilespmem:v31+s17+$0x0] =	vst.idx.msk $0xffff, v33;
	v41 =	vld.idx.msk [tilespmem:v61+s25+$0x0], $0xffff  }
0x166: {  	v55 =	vor.u32 v2, v24;
	v61 =	vor.u32 v9, v22;
	v44 =	vld.idx.msk [tilespmem:v44+s25+$0x0], $0xffff;
	[tilespmem:v62+s17+$0x0] =	vst.idx.msk $0xffff, v37  }
0x167: {  	v25 =	vor.u32 v15, v36;
	v62 =	vor.u32 v10, v39;
	v42 =	vld.idx.msk [tilespmem:v42+s25+$0x0], $0xffff;
	[tilespmem:v57+s17+$0x0] =	vst.idx.msk $0xffff, v40  }
0x168: {  	v31 =	vor.u32 v15, v22;
	[tilespmem:v63+s17+$0x0] =	vst.idx.msk $0xffff, v32;
	v63 =	vor.u32 v10, v34;
	v45 =	vld.idx.msk [tilespmem:v59+s25+$0x0], $0xffff  }
0x169: {  	v33 =	vor.u32 v15, v38;
	v56 =	vor.u32 v10, v29;
	v57 =	vor.u32 v3, v28;
	v53 =	vld.idx.msk [tilespmem:v60+s25+$0x0], $0xffff  }
0x16a: {  	v37 =	vor.u32 v13, v36;
	v32 =	vor.u32 v15, v26;
	[tilespmem:v47+s17+$0x0] =	vst.idx.msk $0xffff, v41;
	v43 =	vld.idx.msk [tilespmem:v58+s25+$0x0], $0xffff  }
0x16b: {  	[tilespmem:v61+s17+$0x0] =	vst.idx.msk $0xffff, v46;
	v41 =	vor.u32 v11, v38;
	v58 =	vor.u32 v4, v20;
	v40 =	vld.idx.msk [tilespmem:v55+s25+$0x0], $0xffff  }
0x16c: {  	[tilespmem:v48+s17+$0x0] =	vst.idx.msk $0xffff, v44;
	v59 =	vor.u32 v12, v18;
	v61 =	vor.u32 v11, v22;
	v54 =	vld.idx.msk [tilespmem:v62+s25+$0x0], $0xffff  }
0x16d: {  	v55 =	vor.u32 v4, v23;
	v62 =	vor.u32 v11, v36;
	[tilespmem:v50+s17+$0x0] =	vst.idx.msk $0xffff, v42;
	v60 =	vld.idx.msk [tilespmem:v63+s25+$0x0], $0xffff  }
0x16e: {  	v34 =	vor.u32 v14, v34;
	v44 =	vor.u32 v12, v39;
	v49 =	vld.idx.msk [tilespmem:v51+s25+$0x0], $0xffff;
	[tilespmem:v57+s17+$0x0] =	vst.idx.msk $0xffff, v45  }
0x16f: {  	v47 =	vor.u32 v5, v16;
	v42 =	vld.idx.msk [tilespmem:v56+s25+$0x0], $0xffff;
	v45 =	vor.u32 v11, v26;
	[tilespmem:v52+s17+$0x0] =	vst.idx.msk $0xffff, v43  }
0x170: {  	v36 =	vor.u32 v14, v39;
	v39 =	vor.u32 v12, v29;
	[tilespmem:v41+s17+$0x0] =	vst.idx.msk $0xffff, v53;
	v46 =	vld.idx.msk [tilespmem:v58+s25+$0x0], $0xffff  }
0x171: {  	v48 =	vor.u32 v6, v20;
	v51 =	vor.u32 v3, v17;
	v41 =	vld.idx.msk [tilespmem:v59+s25+$0x0], $0xffff;
	[tilespmem:v61+s17+$0x0] =	vst.idx.msk $0xffff, v54  }
0x172: {  	s9 =	simm.s32 $0x8;
	s8 =	sadd.s32 s7, s13;
	v50 =	vld.idx.msk [tilespmem:v55+s25+$0x0], $0xffff;
	v52 =	vor.u32 v4, v19;
	v43 =	vor.u32 v13, v38;
	[tilespmem:v62+s17+$0x0] =	vst.idx.msk $0xffff, v60  }
.LBB2_7:
0x173: {  	p4 =	slt.u32 s9, $0x3C;
	v29 =	vor.u32 v14, v29;
	v18 =	vor.u32 v14, v18;
	v44 =	vld.idx.msk [tilespmem:v44+s25+$0x0], $0xffff;
	v22 =	vor.u32 v13, v22;
	s19 =	smov.u32 s9;
	s9 =	sadd.s32 $0x4, s9  }
0x174: {  	v53 =	vor.u32 v3, v21;
	v54 =	vor.u32 v6, v23;
	v38 =	vmov v28;
	[tilespmem:v45+s17+$0x0] =	vst.idx.msk $0xffff, v42  }
0x175: {  	v26 =	vor.u32 v13, v26;
	v42 =	vor.u32 v9, v16;
	[tilespmem:v47+s17+$0x0] =	vst.idx.msk $0xffff, v46;
	v28 =	vld.idx.msk [tilespmem:v39+s25+$0x0], $0xffff  }
0x176: {  	v45 =	vor.u32 v8, v20;
	v46 =	vor.u32 v6, v19;
	v39 =	vld.idx.msk [tilespmem:v48+s25+$0x0], $0xffff;
	[tilespmem:v51+s17+$0x0] =	vst.idx.msk $0xffff, v49  }
0x177: {  	v47 =	vor.u32 v4, v24;
	v48 =	vor.u32 v7, v16;
	v49 =	vld.idx.msk [tilespmem:v52+s25+$0x0], $0xffff;
	[tilespmem:v43+s17+$0x0] =	vst.idx.msk $0xffff, v41  }
0x178: {  	v41 =	vor.u32 v6, v24;
	[tilespmem:v35+s17+$0x0] =	vst.idx.msk $0xffff, v50;
	v35 =	vor.u32 v5, v17;
	v30 =	vld.idx.msk [tilespmem:v30+s25+$0x0], $0xffff  }
0x179: {  	v43 =	vor.u32 v7, v38;
	v50 =	vor.u32 v8, v23;
	[tilespmem:v53+s17+$0x0] =	vst.idx.msk $0xffff, v40;
	v40 =	vld.idx.msk [tilespmem:v54+s25+$0x0], $0xffff  }
0x17a: {  	s20 =	sadd.s32 $0x1, s19;
	s21 =	sadd.s32 $0x2, s19;
	s22 =	sadd.s32 $0x3, s19;
	v51 =	vadd.s32 s19, v0;
	v52 =	vor.u32 v5, v21;
	v53 =	vld.idx.msk [tilespmem:v18+s25+$0x0], $0xffff;
	[tilespmem:v22+s17+$0x0] =	vst.idx.msk $0xffff, v44;
	v44 =	vmov v16  }
0x17b: {  	v55 =	vadd.s32 s22, v0;
	v54 =	vadd.s32 s21, v0;
	v16 =	vadd.s32 s20, v0;
	v22 =	vmovc v17;
	v18 =	vmovc v23;
	[tilespmem:v26+s17+$0x0] =	vst.idx.msk $0xffff, v28  }
0x17c: {  	s19 =	sand.u32 $0x30, s19;
	v17 =	vand.u32 $0xF, v54;
	v23 =	vand.u32 $0xF, v55;
	v16 =	vand.u32 $0xF, v16;
	v47 =	vld.idx.msk [tilespmem:v47+s25+$0x0], $0xffff;
	[tilespmem:v48+s17+$0x0] =	vst.idx.msk $0xffff, v39;
	v39 =	vmovc v20  }
0x17d: {  	v28 =	vor.u32 s19, v16;
	v16 =	vor.u32 s19, v17;
	v17 =	vor.u32 s19, v23;
	[tilespmem:v35+s17+$0x0] =	vst.idx.msk $0xffff, v49;
	v48 =	vld.idx.msk [tilespmem:v29+s25+$0x0], $0xffff;
	v49 =	vmovc v19  }
0x17e: {  	v26 =	vmovc v21;
	v23 =	vshll.u32 v28, $0x7;
	v20 =	vshll.u32 v16, $0x7;
	v19 =	vshll.u32 v17, $0x7;
	[tilespmem:v37+s17+$0x0] =	vst.idx.msk $0xffff, v30;
	v36 =	vld.idx.msk [tilespmem:v36+s25+$0x0], $0xffff  }
0x17f: {  	v37 =	vor.u32 v0, v23;
	v54 =	vor.u32 v0, v20;
	[tilespmem:v43+s17+$0x0] =	vst.idx.msk $0xffff, v40;
	v34 =	vld.idx.msk [tilespmem:v34+s25+$0x0], $0xffff  }
0x180: {  	v21 =	vand.u32 $0xF, v51;
	v29 =	vmov v24;
	v40 =	vor.u32 v0, v19;
	v43 =	vld.idx.msk [tilespmem:v50+s25+$0x0], $0xffff;
	[tilespmem:v33+s17+$0x0] =	vst.idx.msk $0xffff, v53  }
0x181: {  	v21 =	vor.u32 s19, v21;
	v35 =	vor.u32 v5, v28;
	v30 =	vmovc v27;
	v33 =	vor.u32 v9, v38;
	v46 =	vld.idx.msk [tilespmem:v46+s25+$0x0], $0xffff  }
0x182: {  	v24 =	vshll.u32 v21, $0x7;
	[tilespmem:v52+s17+$0x0] =	vst.idx.msk $0xffff, v47;
	v45 =	vld.idx.msk [tilespmem:v45+s25+$0x0], $0xffff;
	v47 =	vor.u32 v7, v22  }
0x183: {  	v51 =	vor.u32 v8, v49;
	v50 =	vor.u32 v0, v24;
	[tilespmem:v32+s17+$0x0] =	vst.idx.msk $0xffff, v48  }
0x184: {  	v27 =	vor.u32 v12, v20;
	v32 =	vld.idx.msk [tilespmem:v41+s25+$0x0], $0xffff;
	v41 =	vor.u32 v8, v29;
	[tilespmem:v31+s17+$0x0] =	vst.idx.msk $0xffff, v36  }
0x185: {  	v48 =	vor.u32 v7, v26;
	v36 =	vor.u32 v1, v17;
	v31 =	vld.idx.msk [tilespmem:v54+s25+$0x0], $0xffff;
	[tilespmem:v25+s17+$0x0] =	vst.idx.msk $0xffff, v34  }
0x186: {  	v52 =	vor.u32 v2, v19;
	v34 =	vld.idx.msk [tilespmem:v37+s25+$0x0], $0xffff;
	v37 =	vor.u32 v1, v16;
	[tilespmem:v33+s17+$0x0] =	vst.idx.msk $0xffff, v43  }
0x187: {  	v33 =	vor.u32 v1, v28;
	v43 =	vor.u32 v2, v20;
	[tilespmem:v47+s17+$0x0] =	vst.idx.msk $0xffff, v46  }
0x188: {  	v25 =	vor.u32 v15, v44;
	v46 =	vor.u32 v2, v23;
	[tilespmem:v42+s17+$0x0] =	vst.idx.msk $0xffff, v45;
	v42 =	vld.idx.msk [tilespmem:v51+s25+$0x0], $0xffff  }
0x189: {  	v47 =	vor.u32 v1, v21;
	v51 =	vor.u32 v9, v22;
	v45 =	vld.idx.msk [tilespmem:v50+s25+$0x0], $0xffff;
	v50 =	vor.u32 v10, v18  }
0x18a: {  	v53 =	vor.u32 v2, v24;
	v40 =	vld.idx.msk [tilespmem:v40+s25+$0x0], $0xffff;
	[tilespmem:v48+s17+$0x0] =	vst.idx.msk $0xffff, v32;
	v48 =	vor.u32 v10, v49  }
0x18b: {  	[tilespmem:v37+s17+$0x0] =	vst.idx.msk $0xffff, v31;
	v37 =	vld.idx.msk [tilespmem:v41+s25+$0x0], $0xffff;
	v41 =	vor.u32 v10, v39;
	v31 =	vor.u32 v15, v22  }
0x18c: {  	v54 =	vor.u32 v9, v26;
	[tilespmem:v33+s17+$0x0] =	vst.idx.msk $0xffff, v34;
	v43 =	vld.idx.msk [tilespmem:v43+s25+$0x0], $0xffff;
	v33 =	vor.u32 v15, v38  }
0x18d: {  	v55 =	vor.u32 v3, v16;
	v56 =	vor.u32 v10, v29;
	v32 =	vor.u32 v15, v26;
	v46 =	vld.idx.msk [tilespmem:v46+s25+$0x0], $0xffff  }
0x18e: {  	v57 =	vor.u32 v3, v28;
	v58 =	vor.u32 v4, v20;
	v50 =	vld.idx.msk [tilespmem:v50+s25+$0x0], $0xffff;
	[tilespmem:v51+s17+$0x0] =	vst.idx.msk $0xffff, v42  }
0x18f: {  	v34 =	vor.u32 v14, v39;
	v51 =	vor.u32 v11, v38;
	[tilespmem:v47+s17+$0x0] =	vst.idx.msk $0xffff, v45;
	v59 =	vld.idx.msk [tilespmem:v48+s25+$0x0], $0xffff  }
0x190: {  	v60 =	vor.u32 v12, v18;
	v62 =	vor.u32 v11, v22;
	[tilespmem:v36+s17+$0x0] =	vst.idx.msk $0xffff, v40;
	v61 =	vld.idx.msk [tilespmem:v41+s25+$0x0], $0xffff  }
0x191: {  	v40 =	vld.idx.msk [tilespmem:v53+s25+$0x0], $0xffff;
	v53 =	vor.u32 v4, v23;
	[tilespmem:v54+s17+$0x0] =	vst.idx.msk $0xffff, v37;
	v54 =	vor.u32 v11, v44  }
.Ltmp4:
0x192: {  	v37 =	vor.u32 v13, v44;
	v44 =	vor.u32 v12, v49;
	[tilespmem:v55+s17+$0x0] =	vst.idx.msk $0xffff, v43;
	v42 =	vld.idx.msk [tilespmem:v56+s25+$0x0], $0xffff;
	(pc) =	sbr.rel @p4 .LBB2_7-.Ltmp4, $4  }
0x193: {  	v45 =	vor.u32 v11, v26;
	v36 =	vor.u32 v14, v49;
	[tilespmem:v57+s17+$0x0] =	vst.idx.msk $0xffff, v46;
	v46 =	vld.idx.msk [tilespmem:v58+s25+$0x0], $0xffff  }
0x194: {  	v39 =	vor.u32 v12, v29;
	v47 =	vor.u32 v5, v16;
	v49 =	vld.idx.msk [tilespmem:v52+s25+$0x0], $0xffff;
	[tilespmem:v51+s17+$0x0] =	vst.idx.msk $0xffff, v50  }
0x195: {  	v48 =	vor.u32 v6, v20;
	v51 =	vor.u32 v3, v17;
	v41 =	vld.idx.msk [tilespmem:v60+s25+$0x0], $0xffff;
	[tilespmem:v62+s17+$0x0] =	vst.idx.msk $0xffff, v59  }
0x196: {  	v43 =	vor.u32 v13, v38;
	v52 =	vor.u32 v4, v19;
	v50 =	vld.idx.msk [tilespmem:v53+s25+$0x0], $0xffff;
	[tilespmem:v54+s17+$0x0] =	vst.idx.msk $0xffff, v61  }
0x197: {  	v38 =	vor.u32 v3, v21  }
0x198: {  	v53 =	vor.u32 v4, v24;
	_ =	sdelay $0x2  }
0x199: {  	[tilespmem:v51+s17+$0x0] =	vst.idx.msk $0xffff, v49  }
0x19a: {  	v59 =	vor.u32 v6, v23;
	v63 =	vor.u32 v5, v17;
	v51 =	vld.idx.msk [tilespmem:v52+s25+$0x0], $0xffff;
	[tilespmem:v38+s17+$0x0] =	vst.idx.msk $0xffff, v40  }
0x19b: {  	v60 =	vor.u32 v5, v21;
	v54 =	vor.u32 v6, v19;
	v61 =	vld.idx.msk [tilespmem:v53+s25+$0x0], $0xffff  }
0x19c: {  	v62 =	vor.u32 v6, v24;
	_ =	sdelay $0x1  }
0x19d: {  	[tilespmem:v35+s17+$0x0] =	vst.idx.msk $0xffff, v50  }
0x19e: {  	v35 =	vld.idx.msk [tilespmem:v59+s25+$0x0], $0xffff;
	v38 =	vor.u32 v7, v28;
	[tilespmem:v63+s17+$0x0] =	vst.idx.msk $0xffff, v51  }
0x19f: {  	v56 =	vor.u32 v8, v23;
	v59 =	vor.u32 v7, v17;
	v58 =	vld.idx.msk [tilespmem:v54+s25+$0x0], $0xffff;
	[tilespmem:v60+s17+$0x0] =	vst.idx.msk $0xffff, v61  }
0x1a0: {  	v57 =	vor.u32 v7, v21;
	[tilespmem:v47+s17+$0x0] =	vst.idx.msk $0xffff, v46;
	v49 =	vld.idx.msk [tilespmem:v62+s25+$0x0], $0xffff;
	v62 =	vor.u32 v8, v19  }
0x1a1: {  	v48 =	vld.idx.msk [tilespmem:v48+s25+$0x0], $0xffff;
	v60 =	vor.u32 v8, v24;
	v61 =	vor.u32 v7, v16  }
0x1a2: {  	[tilespmem:v45+s17+$0x0] =	vst.idx.msk $0xffff, v42;
	v63 =	vor.u32 v8, v20  }
0x1a3: {  	v44 =	vld.idx.msk [tilespmem:v44+s25+$0x0], $0xffff;
	v22 =	vor.u32 v13, v22;
	[tilespmem:v38+s17+$0x0] =	vst.idx.msk $0xffff, v35  }
0x1a4: {  	v54 =	vor.u32 v9, v28;
	v35 =	vld.idx.msk [tilespmem:v56+s25+$0x0], $0xffff;
	[tilespmem:v59+s17+$0x0] =	vst.idx.msk $0xffff, v58  }
0x1a5: {  	v55 =	vor.u32 v10, v23;
	v58 =	vor.u32 v9, v17;
	[tilespmem:v57+s17+$0x0] =	vst.idx.msk $0xffff, v49;
	v47 =	vld.idx.msk [tilespmem:v62+s25+$0x0], $0xffff  }
0x1a6: {  	[tilespmem:v61+s17+$0x0] =	vst.idx.msk $0xffff, v48;
	v57 =	vor.u32 v9, v21;
	v62 =	vor.u32 v10, v19;
	v56 =	vld.idx.msk [tilespmem:v60+s25+$0x0], $0xffff  }
0x1a7: {  	[tilespmem:v43+s17+$0x0] =	vst.idx.msk $0xffff, v41;
	v59 =	vor.u32 v10, v24;
	v61 =	vld.idx.msk [tilespmem:v63+s25+$0x0], $0xffff;
	v60 =	vor.u32 v9, v16  }
0x1a8: {  	v26 =	vor.u32 v13, v26;
	v39 =	vld.idx.msk [tilespmem:v39+s25+$0x0], $0xffff;
	[tilespmem:v22+s17+$0x0] =	vst.idx.msk $0xffff, v44;
	v22 =	vor.u32 v10, v20  }
0x1a9: {  	v30 =	vld.idx.msk [tilespmem:v30+s25+$0x0], $0xffff;
	[tilespmem:v54+s17+$0x0] =	vst.idx.msk $0xffff, v35  }
0x1aa: {  	v18 =	vor.u32 v14, v18;
	v35 =	vld.idx.msk [tilespmem:v55+s25+$0x0], $0xffff;
	v63 =	vor.u32 v11, v28;
	[tilespmem:v58+s17+$0x0] =	vst.idx.msk $0xffff, v47  }
0x1ab: {  	v29 =	vor.u32 v14, v29;
	v54 =	vor.u32 v11, v17;
	[tilespmem:v57+s17+$0x0] =	vst.idx.msk $0xffff, v56;
	v53 =	vld.idx.msk [tilespmem:v62+s25+$0x0], $0xffff  }
0x1ac: {  	v52 =	vor.u32 v11, v21;
	v48 =	vor.u32 v12, v23;
	[tilespmem:v60+s17+$0x0] =	vst.idx.msk $0xffff, v61;
	v51 =	vld.idx.msk [tilespmem:v59+s25+$0x0], $0xffff  }
0x1ad: {  	[tilespmem:v26+s17+$0x0] =	vst.idx.msk $0xffff, v39;
	v26 =	vor.u32 v11, v16;
	v56 =	vor.u32 v12, v19;
	v22 =	vld.idx.msk [tilespmem:v22+s25+$0x0], $0xffff  }
0x1ae: {  	[tilespmem:v37+s17+$0x0] =	vst.idx.msk $0xffff, v30;
	v55 =	vor.u32 v12, v24  }
0x1af: {  	v18 =	vld.idx.msk [tilespmem:v18+s25+$0x0], $0xffff;
	[tilespmem:v63+s17+$0x0] =	vst.idx.msk $0xffff, v35  }
0x1b0: {  	v29 =	vld.idx.msk [tilespmem:v29+s25+$0x0], $0xffff;
	[tilespmem:v54+s17+$0x0] =	vst.idx.msk $0xffff, v53  }
0x1b1: {  	v30 =	vld.idx.msk [tilespmem:v48+s25+$0x0], $0xffff;
	v57 =	vor.u32 v13, v28;
	[tilespmem:v52+s17+$0x0] =	vst.idx.msk $0xffff, v51  }
0x1b2: {  	[tilespmem:v26+s17+$0x0] =	vst.idx.msk $0xffff, v22;
	v22 =	vor.u32 v14, v24;
	v24 =	vld.idx.msk [tilespmem:v56+s25+$0x0], $0xffff;
	v26 =	vor.u32 v13, v17  }
0x1b3: {  	v23 =	vor.u32 v14, v23;
	v59 =	vor.u32 v13, v21;
	v58 =	vld.idx.msk [tilespmem:v55+s25+$0x0], $0xffff  }
0x1b4: {  	[tilespmem:v33+s17+$0x0] =	vst.idx.msk $0xffff, v18;
	v18 =	vor.u32 v13, v16;
	v19 =	vor.u32 v14, v19;
	v27 =	vld.idx.msk [tilespmem:v27+s25+$0x0], $0xffff  }
0x1b5: {  	[tilespmem:v32+s17+$0x0] =	vst.idx.msk $0xffff, v29  }
0x1b6: {  	v20 =	vor.u32 v14, v20;
	v29 =	vld.idx.msk [tilespmem:v34+s25+$0x0], $0xffff;
	[tilespmem:v57+s17+$0x0] =	vst.idx.msk $0xffff, v30  }
0x1b7: {  	v60 =	vld.idx.msk [tilespmem:v36+s25+$0x0], $0xffff;
	[tilespmem:v26+s17+$0x0] =	vst.idx.msk $0xffff, v24  }
0x1b8: {  	v28 =	vor.u32 v15, v28;
	v23 =	vld.idx.msk [tilespmem:v23+s25+$0x0], $0xffff;
	[tilespmem:v59+s17+$0x0] =	vst.idx.msk $0xffff, v58  }
0x1b9: {  	v17 =	vor.u32 v15, v17;
	[tilespmem:v18+s17+$0x0] =	vst.idx.msk $0xffff, v27;
	v18 =	vld.idx.msk [tilespmem:v19+s25+$0x0], $0xffff  }
0x1ba: {  	v21 =	vor.u32 v15, v21;
	v22 =	vld.idx.msk [tilespmem:v22+s25+$0x0], $0xffff  }
0x1bb: {  	[tilespmem:v25+s17+$0x0] =	vst.idx.msk $0xffff, v29;
	v16 =	vor.u32 v15, v16;
	v19 =	vld.idx.msk [tilespmem:v20+s25+$0x0], $0xffff  }
0x1bc: {  	[tilespmem:v31+s17+$0x0] =	vst.idx.msk $0xffff, v60  }
0x1bd: {  	[tilespmem:v28+s17+$0x0] =	vst.idx.msk $0xffff, v23  }
0x1be: {  	s8 =	sshll.u32 s8, $0xA;
	[tilespmem:v17+s17+$0x0] =	vst.idx.msk $0xffff, v18  }
0x1bf: {  	s8 =	sand.u32 $0x1FFFF800, s8;
	[tilespmem:v21+s17+$0x0] =	vst.idx.msk $0xffff, v22  }
0x1c0: {  	s8 =	sadd.s32 s4, s8;
	[tilespmem:v16+s17+$0x0] =	vst.idx.msk $0xffff, v19  }
0x1c1: {  	[hbm4b:s8+s3] =	stream.linear.scatter [tilespmem:s17], [sflag:$0x7], $0x2000, $0x38;
	[tilespmem:$0x10000] =	vst v63  }
0x1c2: {  	s9 =	simm.s32 $0x2;
	s8 =	sadd.s32 @!p3 s7, s14  }
0x1c3: {  	s19 =	simm.s32 @!p3 $0x400;
	s20 =	simm.s32 @!p3 $0x7A1400;
	s8 =	sshll.u32 @!p3 s8, $0x7  }
0x1c4: {  	s21 =	simm.s32 $0x0;
	s22 =	simm.s32 $0x1;
	v16 =	vadd.s32 s9, v0;
	s8 =	sand.u32 @!p3 $0x1FFFFF00, s8  }
0x1c5: {  	s23 =	sand.u32 $0x30, s21;
	s9 =	simm.s32 @!p3 $0x4000;
	v16 =	vand.u32 $0xF, v16;
	s8 =	sadd.s32 @!p3 s1, s8  }
0x1c6: {  	v17 =	vadd.s32 s22, v0;
	v36 =	vor.u32 s23, v16;
	[tilespmem:s9], [sflag:$0x3] =	stream.strided.gather @!p3 [hbm4b:s8+s19], $0x2000, s20, s19, $0x38;
	[tilespmem:$0x10000] =	vst v63  }
0x1c7: {  	v16 =	vand.u32 $0xF, v17;
	v34 =	vshll.u32 v36, $0x7;
	_ =	swait.ge [sflag:s18], $0x2000  }
0x1c8: {  	v38 =	vor.u32 s23, v16;
	v16 =	vor.u32 v0, v34;
	[sflag:s18] =	ssyncset.done $0x0  }
0x1c9: {  	v18 =	vshll.u32 v38, $0x7;
	s8 =	simm.s32 @!p2 $0x8;
	[sflag:s18] =	ssyncadd.s32 $0xFFFFE000  }
0x1ca: {  	s20 =	simm.s32 $0x3;
	v17 =	vor.u32 v0, v18;
	_ =	swait.ge @!p2 [sflag:s8], $0x2000  }
0x1cb: {  	v19 =	vadd.s32 s20, v0;
	[sflag:s8] =	ssyncset.done @!p2 $0x0  }
0x1cc: {  	v19 =	vand.u32 $0xF, v19;
	[sflag:s8] =	ssyncadd.s32 @!p2 $0xFFFFE000  }
0x1cd: {  	v22 =	vor.u32 s23, v19;
	v19 =	vor.u32 v1, v36;
	v16 =	vld.idx.msk [tilespmem:v16+s26+$0x0], $0xffff  }
0x1ce: {  	v20 =	vor.u32 v2, v34;
	v39 =	vshll.u32 v22, $0x7  }
0x1cf: {  	v21 =	vadd.s32 s21, v0;
	v24 =	vor.u32 v1, v38;
	v23 =	vor.u32 v0, v39;
	v17 =	vld.idx.msk [tilespmem:v17+s26+$0x0], $0xffff  }
0x1d0: {  	v21 =	vand.u32 $0xF, v21;
	v25 =	vor.u32 v2, v18  }
0x1d1: {  	v26 =	vor.u32 s23, v21  }
0x1d2: {  	v29 =	vshll.u32 v26, $0x7;
	[tilespmem:v19+s0+$0x0] =	vst.idx.msk $0xffff, v16  }
0x1d3: {  	v16 =	vor.u32 v0, v29;
	v19 =	vld.idx.msk [tilespmem:v20+s26+$0x0], $0xffff;
	v20 =	vor.u32 v3, v36  }
0x1d4: {  	v21 =	vor.u32 v1, v22;
	v23 =	vld.idx.msk [tilespmem:v23+s26+$0x0], $0xffff;
	[tilespmem:v24+s0+$0x0] =	vst.idx.msk $0xffff, v17;
	v17 =	vor.u32 v4, v34  }
0x1d5: {  	v27 =	vor.u32 v3, v38;
	v24 =	vor.u32 v2, v39;
	v25 =	vld.idx.msk [tilespmem:v25+s26+$0x0], $0xffff  }
0x1d6: {  	v28 =	vor.u32 v4, v18;
	_ =	sdelay $0x1  }
0x1d7: {  	v31 =	vor.u32 v1, v26;
	v16 =	vld.idx.msk [tilespmem:v16+s26+$0x0], $0xffff;
	[tilespmem:v20+s0+$0x0] =	vst.idx.msk $0xffff, v19  }
0x1d8: {  	[tilespmem:v21+s0+$0x0] =	vst.idx.msk $0xffff, v23;
	v19 =	vor.u32 v2, v29;
	v20 =	vor.u32 v5, v36;
	v17 =	vld.idx.msk [tilespmem:v17+s26+$0x0], $0xffff  }
0x1d9: {  	v23 =	vor.u32 v6, v34;
	v21 =	vld.idx.msk [tilespmem:v24+s26+$0x0], $0xffff;
	v24 =	vor.u32 v3, v22;
	[tilespmem:v27+s0+$0x0] =	vst.idx.msk $0xffff, v25  }
0x1da: {  	v51 =	vor.u32 v5, v26;
	v25 =	vor.u32 v5, v38;
	v27 =	vld.idx.msk [tilespmem:v28+s26+$0x0], $0xffff;
	v28 =	vor.u32 v4, v39  }
0x1db: {  	v30 =	vor.u32 v12, v34;
	v62 =	vor.u32 v8, v34;
	v63 =	vor.u32 v6, v29  }
0x1dc: {  	v48 =	vor.u32 v7, v38;
	v61 =	vor.u32 v6, v18;
	[tilespmem:v31+s0+$0x0] =	vst.idx.msk $0xffff, v16  }
0x1dd: {  	v55 =	vor.u32 v9, v38;
	v16 =	vor.u32 v3, v26;
	v19 =	vld.idx.msk [tilespmem:v19+s26+$0x0], $0xffff;
	[tilespmem:v20+s0+$0x0] =	vst.idx.msk $0xffff, v17  }
0x1de: {  	v42 =	vor.u32 v8, v29;
	[tilespmem:v24+s0+$0x0] =	vst.idx.msk $0xffff, v21;
	v21 =	vor.u32 v4, v29;
	v17 =	vld.idx.msk [tilespmem:v23+s26+$0x0], $0xffff  }
0x1df: {  	v49 =	vor.u32 v8, v18;
	[tilespmem:v25+s0+$0x0] =	vst.idx.msk $0xffff, v27;
	v25 =	vor.u32 v5, v22;
	v23 =	vld.idx.msk [tilespmem:v28+s26+$0x0], $0xffff  }
0x1e0: {  	s21 =	simm.s32 $0x5;
	v59 =	vor.u32 v7, v22;
	v60 =	vor.u32 v8, v39;
	s8 =	simm.s32 $0x4;
	v20 =	vor.u32 v7, v36  }
0x1e1: {  	s22 =	simm.s32 $0x6;
	v50 =	vadd.s32 s8, v0;
	v24 =	vor.u32 v6, v39;
	v27 =	vld.idx.msk [tilespmem:v61+s26+$0x0], $0xffff;
	v28 =	vadd.s32 s21, v0  }
0x1e2: {  	s23 =	simm.s32 $0x7;
	s8 =	sand.u32 $0x30, s8;
	v31 =	vor.u32 v9, v36;
	v28 =	vand.u32 $0xF, v28;
	[tilespmem:v16+s0+$0x0] =	vst.idx.msk $0xffff, v19;
	v16 =	vadd.s32 s22, v0  }
0x1e3: {  	v28 =	vor.u32 s8, v28;
	v19 =	vadd.s32 s23, v0;
	v16 =	vand.u32 $0xF, v16;
	v52 =	vld.idx.msk [tilespmem:v21+s26+$0x0], $0xffff  }
0x1e4: {  	v35 =	vor.u32 v5, v28;
	v16 =	vor.u32 s8, v16;
	[tilespmem:v25+s0+$0x0] =	vst.idx.msk $0xffff, v23;
	v23 =	vshll.u32 v28, $0x7  }
0x1e5: {  	v21 =	vand.u32 $0xF, v50;
	[tilespmem:v20+s0+$0x0] =	vst.idx.msk $0xffff, v17;
	v20 =	vshll.u32 v16, $0x7;
	v25 =	vor.u32 v0, v23  }
0x1e6: {  	v19 =	vand.u32 $0xF, v19;
	[tilespmem:v48+s0+$0x0] =	vst.idx.msk $0xffff, v27;
	v21 =	vor.u32 s8, v21;
	v56 =	vld.idx.msk [tilespmem:v24+s26+$0x0], $0xffff;
	v53 =	vor.u32 v0, v20  }
0x1e7: {  	v57 =	vor.u32 v1, v28;
	v17 =	vor.u32 s8, v19;
	v54 =	vld.idx.msk [tilespmem:v49+s26+$0x0], $0xffff;
	v24 =	vshll.u32 v21, $0x7  }
0x1e8: {  	v19 =	vshll.u32 v17, $0x7;
	v33 =	vld.idx.msk [tilespmem:v62+s26+$0x0], $0xffff;
	v61 =	vor.u32 v0, v24;
	[tilespmem:v51+s0+$0x0] =	vst.idx.msk $0xffff, v52  }
0x1e9: {  	v50 =	vor.u32 v9, v26;
	v62 =	vor.u32 v7, v26;
	v44 =	vor.u32 v0, v19;
	v37 =	vld.idx.msk [tilespmem:v63+s26+$0x0], $0xffff  }
0x1ea: {  	v48 =	vor.u32 v1, v17;
	v47 =	vor.u32 v1, v21;
	v27 =	vor.u32 v12, v20;
	v40 =	vld.idx.msk [tilespmem:v25+s26+$0x0], $0xffff  }
0x1eb: {  	v63 =	vor.u32 v1, v16;
	[tilespmem:v59+s0+$0x0] =	vst.idx.msk $0xffff, v56;
	v59 =	vor.u32 v2, v23;
	v32 =	vld.idx.msk [tilespmem:v53+s26+$0x0], $0xffff  }
0x1ec: {  	v58 =	vor.u32 v2, v20;
	[tilespmem:v55+s0+$0x0] =	vst.idx.msk $0xffff, v54;
	v46 =	vld.idx.msk [tilespmem:v60+s26+$0x0], $0xffff;
	v60 =	vor.u32 v10, v18  }
0x1ed: {  	v51 =	vor.u32 v2, v19;
	v52 =	vor.u32 v3, v16;
	[tilespmem:v31+s0+$0x0] =	vst.idx.msk $0xffff, v33;
	v41 =	vld.idx.msk [tilespmem:v61+s26+$0x0], $0xffff  }
0x1ee: {  	v55 =	vor.u32 v2, v24;
	v61 =	vor.u32 v9, v22;
	v44 =	vld.idx.msk [tilespmem:v44+s26+$0x0], $0xffff;
	[tilespmem:v62+s0+$0x0] =	vst.idx.msk $0xffff, v37  }
0x1ef: {  	v25 =	vor.u32 v15, v36;
	v62 =	vor.u32 v10, v39;
	v42 =	vld.idx.msk [tilespmem:v42+s26+$0x0], $0xffff;
	[tilespmem:v57+s0+$0x0] =	vst.idx.msk $0xffff, v40  }
0x1f0: {  	v31 =	vor.u32 v15, v22;
	[tilespmem:v63+s0+$0x0] =	vst.idx.msk $0xffff, v32;
	v63 =	vor.u32 v10, v34;
	v45 =	vld.idx.msk [tilespmem:v59+s26+$0x0], $0xffff  }
0x1f1: {  	v33 =	vor.u32 v15, v38;
	v56 =	vor.u32 v10, v29;
	v57 =	vor.u32 v3, v28;
	v53 =	vld.idx.msk [tilespmem:v60+s26+$0x0], $0xffff  }
0x1f2: {  	v37 =	vor.u32 v13, v36;
	v32 =	vor.u32 v15, v26;
	[tilespmem:v47+s0+$0x0] =	vst.idx.msk $0xffff, v41;
	v43 =	vld.idx.msk [tilespmem:v58+s26+$0x0], $0xffff  }
0x1f3: {  	[tilespmem:v61+s0+$0x0] =	vst.idx.msk $0xffff, v46;
	v41 =	vor.u32 v11, v38;
	v58 =	vor.u32 v4, v20;
	v40 =	vld.idx.msk [tilespmem:v55+s26+$0x0], $0xffff  }
0x1f4: {  	[tilespmem:v48+s0+$0x0] =	vst.idx.msk $0xffff, v44;
	v59 =	vor.u32 v12, v18;
	v61 =	vor.u32 v11, v22;
	v54 =	vld.idx.msk [tilespmem:v62+s26+$0x0], $0xffff  }
0x1f5: {  	v55 =	vor.u32 v4, v23;
	v62 =	vor.u32 v11, v36;
	[tilespmem:v50+s0+$0x0] =	vst.idx.msk $0xffff, v42;
	v60 =	vld.idx.msk [tilespmem:v63+s26+$0x0], $0xffff  }
0x1f6: {  	v34 =	vor.u32 v14, v34;
	v44 =	vor.u32 v12, v39;
	v49 =	vld.idx.msk [tilespmem:v51+s26+$0x0], $0xffff;
	[tilespmem:v57+s0+$0x0] =	vst.idx.msk $0xffff, v45  }
0x1f7: {  	v47 =	vor.u32 v5, v16;
	v42 =	vld.idx.msk [tilespmem:v56+s26+$0x0], $0xffff;
	v45 =	vor.u32 v11, v26;
	[tilespmem:v52+s0+$0x0] =	vst.idx.msk $0xffff, v43  }
0x1f8: {  	v36 =	vor.u32 v14, v39;
	v39 =	vor.u32 v12, v29;
	[tilespmem:v41+s0+$0x0] =	vst.idx.msk $0xffff, v53;
	v46 =	vld.idx.msk [tilespmem:v58+s26+$0x0], $0xffff  }
0x1f9: {  	v48 =	vor.u32 v6, v20;
	v51 =	vor.u32 v3, v17;
	v41 =	vld.idx.msk [tilespmem:v59+s26+$0x0], $0xffff;
	[tilespmem:v61+s0+$0x0] =	vst.idx.msk $0xffff, v54  }
0x1fa: {  	s9 =	simm.s32 $0x8;
	s8 =	sadd.s32 s7, s15;
	v50 =	vld.idx.msk [tilespmem:v55+s26+$0x0], $0xffff;
	v52 =	vor.u32 v4, v19;
	v43 =	vor.u32 v13, v38;
	[tilespmem:v62+s0+$0x0] =	vst.idx.msk $0xffff, v60  }
.LBB2_9:
0x1fb: {  	p2 =	slt.u32 s9, $0x3C;
	v29 =	vor.u32 v14, v29;
	v18 =	vor.u32 v14, v18;
	v44 =	vld.idx.msk [tilespmem:v44+s26+$0x0], $0xffff;
	v22 =	vor.u32 v13, v22;
	s19 =	smov.u32 s9;
	s9 =	sadd.s32 $0x4, s9  }
0x1fc: {  	v53 =	vor.u32 v3, v21;
	v54 =	vor.u32 v6, v23;
	v38 =	vmov v28;
	[tilespmem:v45+s0+$0x0] =	vst.idx.msk $0xffff, v42  }
0x1fd: {  	v26 =	vor.u32 v13, v26;
	v42 =	vor.u32 v9, v16;
	[tilespmem:v47+s0+$0x0] =	vst.idx.msk $0xffff, v46;
	v28 =	vld.idx.msk [tilespmem:v39+s26+$0x0], $0xffff  }
0x1fe: {  	v45 =	vor.u32 v8, v20;
	v46 =	vor.u32 v6, v19;
	v39 =	vld.idx.msk [tilespmem:v48+s26+$0x0], $0xffff;
	[tilespmem:v51+s0+$0x0] =	vst.idx.msk $0xffff, v49  }
0x1ff: {  	v47 =	vor.u32 v4, v24;
	v48 =	vor.u32 v7, v16;
	v49 =	vld.idx.msk [tilespmem:v52+s26+$0x0], $0xffff;
	[tilespmem:v43+s0+$0x0] =	vst.idx.msk $0xffff, v41  }
0x200: {  	v41 =	vor.u32 v6, v24;
	[tilespmem:v35+s0+$0x0] =	vst.idx.msk $0xffff, v50;
	v35 =	vor.u32 v5, v17;
	v30 =	vld.idx.msk [tilespmem:v30+s26+$0x0], $0xffff  }
0x201: {  	v43 =	vor.u32 v7, v38;
	v50 =	vor.u32 v8, v23;
	[tilespmem:v53+s0+$0x0] =	vst.idx.msk $0xffff, v40;
	v40 =	vld.idx.msk [tilespmem:v54+s26+$0x0], $0xffff  }
0x202: {  	s20 =	sadd.s32 $0x1, s19;
	s21 =	sadd.s32 $0x2, s19;
	s22 =	sadd.s32 $0x3, s19;
	v51 =	vadd.s32 s19, v0;
	v52 =	vor.u32 v5, v21;
	v53 =	vld.idx.msk [tilespmem:v18+s26+$0x0], $0xffff;
	[tilespmem:v22+s0+$0x0] =	vst.idx.msk $0xffff, v44;
	v44 =	vmov v16  }
0x203: {  	v55 =	vadd.s32 s22, v0;
	v54 =	vadd.s32 s21, v0;
	v16 =	vadd.s32 s20, v0;
	v22 =	vmovc v17;
	v18 =	vmovc v23;
	[tilespmem:v26+s0+$0x0] =	vst.idx.msk $0xffff, v28  }
0x204: {  	s19 =	sand.u32 $0x30, s19;
	v17 =	vand.u32 $0xF, v54;
	v23 =	vand.u32 $0xF, v55;
	v16 =	vand.u32 $0xF, v16;
	v47 =	vld.idx.msk [tilespmem:v47+s26+$0x0], $0xffff;
	[tilespmem:v48+s0+$0x0] =	vst.idx.msk $0xffff, v39;
	v39 =	vmovc v20  }
0x205: {  	v28 =	vor.u32 s19, v16;
	v16 =	vor.u32 s19, v17;
	v17 =	vor.u32 s19, v23;
	[tilespmem:v35+s0+$0x0] =	vst.idx.msk $0xffff, v49;
	v48 =	vld.idx.msk [tilespmem:v29+s26+$0x0], $0xffff;
	v49 =	vmovc v19  }
0x206: {  	v26 =	vmovc v21;
	v23 =	vshll.u32 v28, $0x7;
	v20 =	vshll.u32 v16, $0x7;
	v19 =	vshll.u32 v17, $0x7;
	[tilespmem:v37+s0+$0x0] =	vst.idx.msk $0xffff, v30;
	v36 =	vld.idx.msk [tilespmem:v36+s26+$0x0], $0xffff  }
0x207: {  	v37 =	vor.u32 v0, v23;
	v54 =	vor.u32 v0, v20;
	[tilespmem:v43+s0+$0x0] =	vst.idx.msk $0xffff, v40;
	v34 =	vld.idx.msk [tilespmem:v34+s26+$0x0], $0xffff  }
0x208: {  	v21 =	vand.u32 $0xF, v51;
	v29 =	vmov v24;
	v40 =	vor.u32 v0, v19;
	v43 =	vld.idx.msk [tilespmem:v50+s26+$0x0], $0xffff;
	[tilespmem:v33+s0+$0x0] =	vst.idx.msk $0xffff, v53  }
0x209: {  	v21 =	vor.u32 s19, v21;
	v35 =	vor.u32 v5, v28;
	v30 =	vmovc v27;
	v33 =	vor.u32 v9, v38;
	v46 =	vld.idx.msk [tilespmem:v46+s26+$0x0], $0xffff  }
0x20a: {  	v24 =	vshll.u32 v21, $0x7;
	[tilespmem:v52+s0+$0x0] =	vst.idx.msk $0xffff, v47;
	v45 =	vld.idx.msk [tilespmem:v45+s26+$0x0], $0xffff;
	v47 =	vor.u32 v7, v22  }
0x20b: {  	v51 =	vor.u32 v8, v49;
	v50 =	vor.u32 v0, v24;
	[tilespmem:v32+s0+$0x0] =	vst.idx.msk $0xffff, v48  }
0x20c: {  	v27 =	vor.u32 v12, v20;
	v32 =	vld.idx.msk [tilespmem:v41+s26+$0x0], $0xffff;
	v41 =	vor.u32 v8, v29;
	[tilespmem:v31+s0+$0x0] =	vst.idx.msk $0xffff, v36  }
0x20d: {  	v48 =	vor.u32 v7, v26;
	v36 =	vor.u32 v1, v17;
	v31 =	vld.idx.msk [tilespmem:v54+s26+$0x0], $0xffff;
	[tilespmem:v25+s0+$0x0] =	vst.idx.msk $0xffff, v34  }
0x20e: {  	v52 =	vor.u32 v2, v19;
	v34 =	vld.idx.msk [tilespmem:v37+s26+$0x0], $0xffff;
	v37 =	vor.u32 v1, v16;
	[tilespmem:v33+s0+$0x0] =	vst.idx.msk $0xffff, v43  }
0x20f: {  	v33 =	vor.u32 v1, v28;
	v43 =	vor.u32 v2, v20;
	[tilespmem:v47+s0+$0x0] =	vst.idx.msk $0xffff, v46  }
0x210: {  	v25 =	vor.u32 v15, v44;
	v46 =	vor.u32 v2, v23;
	[tilespmem:v42+s0+$0x0] =	vst.idx.msk $0xffff, v45;
	v42 =	vld.idx.msk [tilespmem:v51+s26+$0x0], $0xffff  }
0x211: {  	v47 =	vor.u32 v1, v21;
	v51 =	vor.u32 v9, v22;
	v45 =	vld.idx.msk [tilespmem:v50+s26+$0x0], $0xffff;
	v50 =	vor.u32 v10, v18  }
0x212: {  	v53 =	vor.u32 v2, v24;
	v40 =	vld.idx.msk [tilespmem:v40+s26+$0x0], $0xffff;
	[tilespmem:v48+s0+$0x0] =	vst.idx.msk $0xffff, v32;
	v48 =	vor.u32 v10, v49  }
0x213: {  	[tilespmem:v37+s0+$0x0] =	vst.idx.msk $0xffff, v31;
	v37 =	vld.idx.msk [tilespmem:v41+s26+$0x0], $0xffff;
	v41 =	vor.u32 v10, v39;
	v31 =	vor.u32 v15, v22  }
0x214: {  	v54 =	vor.u32 v9, v26;
	[tilespmem:v33+s0+$0x0] =	vst.idx.msk $0xffff, v34;
	v43 =	vld.idx.msk [tilespmem:v43+s26+$0x0], $0xffff;
	v33 =	vor.u32 v15, v38  }
0x215: {  	v55 =	vor.u32 v3, v16;
	v56 =	vor.u32 v10, v29;
	v32 =	vor.u32 v15, v26;
	v46 =	vld.idx.msk [tilespmem:v46+s26+$0x0], $0xffff  }
0x216: {  	v57 =	vor.u32 v3, v28;
	v58 =	vor.u32 v4, v20;
	v50 =	vld.idx.msk [tilespmem:v50+s26+$0x0], $0xffff;
	[tilespmem:v51+s0+$0x0] =	vst.idx.msk $0xffff, v42  }
0x217: {  	v34 =	vor.u32 v14, v39;
	v51 =	vor.u32 v11, v38;
	[tilespmem:v47+s0+$0x0] =	vst.idx.msk $0xffff, v45;
	v59 =	vld.idx.msk [tilespmem:v48+s26+$0x0], $0xffff  }
0x218: {  	v60 =	vor.u32 v12, v18;
	v62 =	vor.u32 v11, v22;
	[tilespmem:v36+s0+$0x0] =	vst.idx.msk $0xffff, v40;
	v61 =	vld.idx.msk [tilespmem:v41+s26+$0x0], $0xffff  }
0x219: {  	v40 =	vld.idx.msk [tilespmem:v53+s26+$0x0], $0xffff;
	v53 =	vor.u32 v4, v23;
	[tilespmem:v54+s0+$0x0] =	vst.idx.msk $0xffff, v37;
	v54 =	vor.u32 v11, v44  }
.Ltmp5:
0x21a: {  	v37 =	vor.u32 v13, v44;
	v44 =	vor.u32 v12, v49;
	[tilespmem:v55+s0+$0x0] =	vst.idx.msk $0xffff, v43;
	v42 =	vld.idx.msk [tilespmem:v56+s26+$0x0], $0xffff;
	(pc) =	sbr.rel @p2 .LBB2_9-.Ltmp5, $4  }
0x21b: {  	v45 =	vor.u32 v11, v26;
	v36 =	vor.u32 v14, v49;
	[tilespmem:v57+s0+$0x0] =	vst.idx.msk $0xffff, v46;
	v46 =	vld.idx.msk [tilespmem:v58+s26+$0x0], $0xffff  }
0x21c: {  	v39 =	vor.u32 v12, v29;
	v47 =	vor.u32 v5, v16;
	v49 =	vld.idx.msk [tilespmem:v52+s26+$0x0], $0xffff;
	[tilespmem:v51+s0+$0x0] =	vst.idx.msk $0xffff, v50  }
0x21d: {  	v48 =	vor.u32 v6, v20;
	v51 =	vor.u32 v3, v17;
	v41 =	vld.idx.msk [tilespmem:v60+s26+$0x0], $0xffff;
	[tilespmem:v62+s0+$0x0] =	vst.idx.msk $0xffff, v59  }
0x21e: {  	v43 =	vor.u32 v13, v38;
	v52 =	vor.u32 v4, v19;
	v50 =	vld.idx.msk [tilespmem:v53+s26+$0x0], $0xffff;
	[tilespmem:v54+s0+$0x0] =	vst.idx.msk $0xffff, v61  }
0x21f: {  	v38 =	vor.u32 v3, v21  }
0x220: {  	v53 =	vor.u32 v4, v24;
	_ =	sdelay $0x3  }
0x221: {  	[tilespmem:v38+s0+$0x0] =	vst.idx.msk $0xffff, v40  }
0x222: {  	v60 =	vor.u32 v6, v23;
	v61 =	vor.u32 v5, v21;
	[tilespmem:v51+s0+$0x0] =	vst.idx.msk $0xffff, v49;
	v62 =	vld.idx.msk [tilespmem:v53+s26+$0x0], $0xffff  }
0x223: {  	v63 =	vor.u32 v6, v24;
	v57 =	vor.u32 v5, v17;
	v51 =	vld.idx.msk [tilespmem:v52+s26+$0x0], $0xffff  }
0x224: {  	v54 =	vor.u32 v6, v19;
	_ =	sdelay $0x1  }
0x225: {  	[tilespmem:v35+s0+$0x0] =	vst.idx.msk $0xffff, v50  }
0x226: {  	v35 =	vld.idx.msk [tilespmem:v60+s26+$0x0], $0xffff;
	v38 =	vor.u32 v7, v28;
	[tilespmem:v61+s0+$0x0] =	vst.idx.msk $0xffff, v62  }
0x227: {  	v58 =	vor.u32 v8, v23;
	v59 =	vor.u32 v7, v21;
	[tilespmem:v57+s0+$0x0] =	vst.idx.msk $0xffff, v51;
	v49 =	vld.idx.msk [tilespmem:v63+s26+$0x0], $0xffff  }
0x228: {  	[tilespmem:v47+s0+$0x0] =	vst.idx.msk $0xffff, v46;
	v60 =	vld.idx.msk [tilespmem:v54+s26+$0x0], $0xffff;
	v61 =	vor.u32 v7, v17;
	v62 =	vor.u32 v8, v24  }
0x229: {  	v56 =	vor.u32 v8, v19;
	v48 =	vld.idx.msk [tilespmem:v48+s26+$0x0], $0xffff;
	v63 =	vor.u32 v7, v16  }
0x22a: {  	[tilespmem:v45+s0+$0x0] =	vst.idx.msk $0xffff, v42;
	v57 =	vor.u32 v8, v20  }
0x22b: {  	v44 =	vld.idx.msk [tilespmem:v44+s26+$0x0], $0xffff;
	v22 =	vor.u32 v13, v22;
	[tilespmem:v38+s0+$0x0] =	vst.idx.msk $0xffff, v35  }
0x22c: {  	v35 =	vld.idx.msk [tilespmem:v58+s26+$0x0], $0xffff;
	v58 =	vor.u32 v9, v28;
	[tilespmem:v59+s0+$0x0] =	vst.idx.msk $0xffff, v49  }
0x22d: {  	[tilespmem:v61+s0+$0x0] =	vst.idx.msk $0xffff, v60;
	v61 =	vor.u32 v9, v21;
	v59 =	vor.u32 v10, v23;
	v60 =	vld.idx.msk [tilespmem:v62+s26+$0x0], $0xffff  }
0x22e: {  	[tilespmem:v63+s0+$0x0] =	vst.idx.msk $0xffff, v48;
	v47 =	vld.idx.msk [tilespmem:v56+s26+$0x0], $0xffff;
	v63 =	vor.u32 v10, v24;
	v62 =	vor.u32 v9, v17  }
0x22f: {  	v52 =	vor.u32 v9, v16;
	[tilespmem:v43+s0+$0x0] =	vst.idx.msk $0xffff, v41;
	v54 =	vor.u32 v10, v19;
	v53 =	vld.idx.msk [tilespmem:v57+s26+$0x0], $0xffff  }
0x230: {  	v55 =	vor.u32 v10, v20;
	v30 =	vld.idx.msk [tilespmem:v30+s26+$0x0], $0xffff;
	[tilespmem:v22+s0+$0x0] =	vst.idx.msk $0xffff, v44  }
0x231: {  	v26 =	vor.u32 v13, v26;
	v18 =	vor.u32 v14, v18;
	v39 =	vld.idx.msk [tilespmem:v39+s26+$0x0], $0xffff;
	[tilespmem:v58+s0+$0x0] =	vst.idx.msk $0xffff, v35  }
0x232: {  	v29 =	vor.u32 v14, v29;
	v56 =	vor.u32 v11, v28;
	v35 =	vld.idx.msk [tilespmem:v59+s26+$0x0], $0xffff;
	[tilespmem:v61+s0+$0x0] =	vst.idx.msk $0xffff, v60  }
0x233: {  	v57 =	vor.u32 v12, v23;
	v59 =	vor.u32 v11, v21;
	[tilespmem:v62+s0+$0x0] =	vst.idx.msk $0xffff, v47;
	v58 =	vld.idx.msk [tilespmem:v63+s26+$0x0], $0xffff  }
0x234: {  	[tilespmem:v52+s0+$0x0] =	vst.idx.msk $0xffff, v53;
	v61 =	vor.u32 v11, v17;
	v62 =	vor.u32 v12, v24;
	v60 =	vld.idx.msk [tilespmem:v54+s26+$0x0], $0xffff  }
0x235: {  	v46 =	vor.u32 v12, v19;
	[tilespmem:v37+s0+$0x0] =	vst.idx.msk $0xffff, v30;
	v22 =	vld.idx.msk [tilespmem:v55+s26+$0x0], $0xffff;
	v63 =	vor.u32 v11, v16  }
0x236: {  	v18 =	vld.idx.msk [tilespmem:v18+s26+$0x0], $0xffff;
	[tilespmem:v26+s0+$0x0] =	vst.idx.msk $0xffff, v39  }
0x237: {  	v29 =	vld.idx.msk [tilespmem:v29+s26+$0x0], $0xffff;
	[tilespmem:v56+s0+$0x0] =	vst.idx.msk $0xffff, v35  }
0x238: {  	v48 =	vor.u32 v13, v28;
	v47 =	vld.idx.msk [tilespmem:v57+s26+$0x0], $0xffff;
	[tilespmem:v59+s0+$0x0] =	vst.idx.msk $0xffff, v58  }
0x239: {  	v51 =	vor.u32 v13, v21;
	v49 =	vor.u32 v14, v23;
	[tilespmem:v61+s0+$0x0] =	vst.idx.msk $0xffff, v60;
	v50 =	vld.idx.msk [tilespmem:v62+s26+$0x0], $0xffff  }
0x23a: {  	v52 =	vor.u32 v14, v24;
	v54 =	vor.u32 v13, v17;
	[tilespmem:v63+s0+$0x0] =	vst.idx.msk $0xffff, v22;
	v53 =	vld.idx.msk [tilespmem:v46+s26+$0x0], $0xffff  }
0x23b: {  	[tilespmem:v33+s0+$0x0] =	vst.idx.msk $0xffff, v18;
	v55 =	vor.u32 v13, v16;
	v56 =	vor.u32 v14, v19;
	v27 =	vld.idx.msk [tilespmem:v27+s26+$0x0], $0xffff  }
0x23c: {  	[tilespmem:v32+s0+$0x0] =	vst.idx.msk $0xffff, v29;
	v57 =	vld.idx.msk [tilespmem:v36+s26+$0x0], $0xffff;
	v58 =	vor.u32 v14, v20  }
0x23d: {  	v59 =	vld.idx.msk [tilespmem:v34+s26+$0x0], $0xffff;
	[tilespmem:v48+s0+$0x0] =	vst.idx.msk $0xffff, v47  }
0x23e: {  	v60 =	vor.u32 v15, v28;
	v23 =	vld.idx.msk [tilespmem:v49+s26+$0x0], $0xffff;
	[tilespmem:v51+s0+$0x0] =	vst.idx.msk $0xffff, v50  }
0x23f: {  	v61 =	vor.u32 v15, v21;
	[tilespmem:v54+s0+$0x0] =	vst.idx.msk $0xffff, v53;
	v22 =	vld.idx.msk [tilespmem:v52+s26+$0x0], $0xffff  }
0x240: {  	v17 =	vor.u32 v15, v17;
	[tilespmem:v55+s0+$0x0] =	vst.idx.msk $0xffff, v27;
	v62 =	vld.idx.msk [tilespmem:v56+s26+$0x0], $0xffff  }
0x241: {  	v16 =	vor.u32 v15, v16;
	[tilespmem:v31+s0+$0x0] =	vst.idx.msk $0xffff, v57;
	v63 =	vld.idx.msk [tilespmem:v58+s26+$0x0], $0xffff  }
0x242: {  	[tilespmem:v25+s0+$0x0] =	vst.idx.msk $0xffff, v59  }
.Ltmp6:
0x243: {  	[tilespmem:v60+s0+$0x0] =	vst.idx.msk $0xffff, v23;
	(pc) =	sbr.rel @p3 .LBB2_12-.Ltmp6, $4  }
0x244: {  	s8 =	sshll.u32 s8, $0xA;
	[tilespmem:v61+s0+$0x0] =	vst.idx.msk $0xffff, v22  }
0x245: {  	s8 =	sand.u32 $0x1FFFFC00, s8;
	[tilespmem:v17+s0+$0x0] =	vst.idx.msk $0xffff, v62  }
0x246: {  	s8 =	sadd.s32 s4, s8;
	[tilespmem:v16+s0+$0x0] =	vst.idx.msk $0xffff, v63  }
0x247: {  	[hbm4b:s8+s3] =	stream.linear.scatter [tilespmem:s0], [sflag:$0x8], $0x2000, $0x38;
	[tilespmem:$0x10000] =	vst v63  }
.Ltmp7:
0x248: {  	s7 =	sadd.s32 s7, s16;
	(pc) =	sbr.rel .LBB2_2-.Ltmp7, $4  }
0x249: {  	s7 =	sshll.u32 s7, $0x7  }
0x24a: {  	s8 =	simm.s32 $0x400;
	s7 =	sand.u32 $0x1FFFFF80, s7  }
0x24b: {  	s9 =	simm.s32 $0x7A1400;
	s6 =	sadd.s32 $0x1, s6;
	s7 =	sadd.s32 s1, s7  }
0x24c: {  	[tilespmem:s26], [sflag:$0x4] =	stream.strided.gather [hbm4b:s7+s8], $0x2000, s9, s8, $0x38;
	[tilespmem:$0x10000] =	vst v63  }
.LBB2_12:
0x24d: {  	s6 =	simm.s32 $0x5  }
0x24e: {  	_ =	swait.ge [sflag:s6], $0x2000  }
0x24f: {  	[sflag:s6] =	ssyncset.done $0x0  }
0x250: {  	s21 =	simm.s32 $0x6;
	[sflag:s6] =	ssyncadd.s32 $0xFFFFE000  }
0x251: {  	_ =	swait.ge [sflag:s21], $0x2000  }
0x252: {  	[sflag:s21] =	ssyncset.done $0x0  }
0x253: {  	s22 =	simm.s32 $0x7;
	[sflag:s21] =	ssyncadd.s32 $0xFFFFE000  }
0x254: {  	_ =	swait.ge [sflag:s22], $0x2000  }
.Ltmp8:
0x255: {  	[sflag:s22] =	ssyncset.done $0x0;
	(pc) =	sbr.rel @p1 .LBB2_16-.Ltmp8, $4  }
0x256: {  	s23 =	simm.s32 $0x8;
	[sflag:s22] =	ssyncadd.s32 $0xFFFFE000  }
0x257: {  	_ =	swait.ge [sflag:s23], $0x2000  }
0x258: {  	[sflag:s23] =	ssyncset.done $0x0  }
0x259: {  	s9 =	rddreg [dreg:$0xd];
	[sflag:s23] =	ssyncadd.s32 $0xFFFFE000  }
0x25a: {  	s6 =	simm.s32 $0x2  }
0x25b: {  	s7 =	simm.s32 $0x0;
	v16 =	vadd.s32 s6, v0  }
0x25c: {  	s21 =	simm.s32 $0x1;
	s8 =	sand.u32 $0x30, s7;
	v16 =	vand.u32 $0xF, v16  }
0x25d: {  	v17 =	vadd.s32 s21, v0;
	v36 =	vor.u32 s8, v16  }
0x25e: {  	s22 =	rddreg [dreg:$0x8];
	v16 =	vand.u32 $0xF, v17;
	v34 =	vshll.u32 v36, $0x7  }
0x25f: {  	s9 =	simm.s32 $0x400;
	s19 =	simm.s32 $0x7A1400;
	s23 =	simm.s32 $0x9;
	v38 =	vor.u32 s8, v16;
	v16 =	vor.u32 v0, v34  }
0x260: {  	[tilespmem:s7], [sflag:$0x9] =	stream.strided.gather [hbm4b:s22+s9], $0x2000, s19, s9, $0x38;
	v18 =	vshll.u32 v38, $0x7;
	[tilespmem:$0x10000] =	vst v63  }
0x261: {  	s19 =	simm.s32 $0x3;
	_ =	swait.ge [sflag:s23], $0x2000;
	v17 =	vor.u32 v0, v18  }
0x262: {  	v19 =	vadd.s32 s19, v0;
	[sflag:s23] =	ssyncset.done $0x0  }
0x263: {  	v19 =	vand.u32 $0xF, v19;
	[sflag:s23] =	ssyncadd.s32 $0xFFFFE000  }
0x264: {  	v22 =	vor.u32 s8, v19;
	v19 =	vor.u32 v1, v36;
	v16 =	vld.idx.msk [tilespmem:v16+s3+$0x0], $0xffff  }
0x265: {  	v39 =	vshll.u32 v22, $0x7;
	v20 =	vor.u32 v2, v34  }
0x266: {  	v21 =	vadd.s32 s7, v0;
	v24 =	vor.u32 v1, v38;
	v23 =	vor.u32 v0, v39;
	v17 =	vld.idx.msk [tilespmem:v17+s3+$0x0], $0xffff  }
0x267: {  	v21 =	vand.u32 $0xF, v21;
	v25 =	vor.u32 v2, v18  }
0x268: {  	v26 =	vor.u32 s8, v21  }
0x269: {  	v29 =	vshll.u32 v26, $0x7;
	[tilespmem:v19+s29+$0x0] =	vst.idx.msk $0xffff, v16  }
0x26a: {  	v16 =	vor.u32 v0, v29;
	v19 =	vld.idx.msk [tilespmem:v20+s3+$0x0], $0xffff;
	v20 =	vor.u32 v3, v36  }
0x26b: {  	v21 =	vor.u32 v1, v22;
	v23 =	vld.idx.msk [tilespmem:v23+s3+$0x0], $0xffff;
	[tilespmem:v24+s29+$0x0] =	vst.idx.msk $0xffff, v17;
	v17 =	vor.u32 v4, v34  }
0x26c: {  	v27 =	vor.u32 v3, v38;
	v24 =	vor.u32 v2, v39;
	v25 =	vld.idx.msk [tilespmem:v25+s3+$0x0], $0xffff  }
0x26d: {  	v28 =	vor.u32 v4, v18;
	_ =	sdelay $0x1  }
0x26e: {  	v31 =	vor.u32 v1, v26;
	v16 =	vld.idx.msk [tilespmem:v16+s3+$0x0], $0xffff;
	[tilespmem:v20+s29+$0x0] =	vst.idx.msk $0xffff, v19  }
0x26f: {  	[tilespmem:v21+s29+$0x0] =	vst.idx.msk $0xffff, v23;
	v19 =	vor.u32 v2, v29;
	v20 =	vor.u32 v5, v36;
	v17 =	vld.idx.msk [tilespmem:v17+s3+$0x0], $0xffff  }
0x270: {  	v23 =	vor.u32 v6, v34;
	v21 =	vld.idx.msk [tilespmem:v24+s3+$0x0], $0xffff;
	v24 =	vor.u32 v3, v22;
	[tilespmem:v27+s29+$0x0] =	vst.idx.msk $0xffff, v25  }
0x271: {  	v25 =	vor.u32 v5, v38;
	v27 =	vld.idx.msk [tilespmem:v28+s3+$0x0], $0xffff;
	v28 =	vor.u32 v4, v39  }
0x272: {  	s20 =	simm.s32 $0x4;
	v41 =	vor.u32 v5, v26;
	v49 =	vor.u32 v7, v26;
	v30 =	vor.u32 v12, v34  }
0x273: {  	v40 =	vadd.s32 s20, v0;
	v33 =	vor.u32 v8, v34;
	v37 =	vor.u32 v6, v29;
	[tilespmem:v31+s29+$0x0] =	vst.idx.msk $0xffff, v16  }
0x274: {  	v32 =	vor.u32 v6, v18;
	v16 =	vor.u32 v3, v26;
	v19 =	vld.idx.msk [tilespmem:v19+s3+$0x0], $0xffff;
	[tilespmem:v20+s29+$0x0] =	vst.idx.msk $0xffff, v17  }
0x275: {  	v53 =	vor.u32 v7, v38;
	[tilespmem:v24+s29+$0x0] =	vst.idx.msk $0xffff, v21;
	v21 =	vor.u32 v4, v29;
	v17 =	vld.idx.msk [tilespmem:v23+s3+$0x0], $0xffff  }
0x276: {  	v43 =	vor.u32 v9, v38;
	v23 =	vld.idx.msk [tilespmem:v28+s3+$0x0], $0xffff;
	[tilespmem:v25+s29+$0x0] =	vst.idx.msk $0xffff, v27;
	v25 =	vor.u32 v5, v22  }
0x277: {  	s21 =	simm.s32 $0x5;
	v46 =	vor.u32 v7, v22;
	v57 =	vor.u32 v8, v29;
	v20 =	vor.u32 v7, v36  }
0x278: {  	s22 =	simm.s32 $0x6;
	v63 =	vor.u32 v10, v34;
	v24 =	vor.u32 v6, v39;
	v28 =	vadd.s32 s21, v0  }
0x279: {  	s6 =	sand.u32 $0x30, s20;
	v35 =	vor.u32 v8, v18;
	v27 =	vld.idx.msk [tilespmem:v32+s3+$0x0], $0xffff;
	v28 =	vand.u32 $0xF, v28;
	[tilespmem:v16+s29+$0x0] =	vst.idx.msk $0xffff, v19;
	v16 =	vadd.s32 s22, v0  }
0x27a: {  	s23 =	simm.s32 $0x7;
	v47 =	vor.u32 v8, v39;
	v28 =	vor.u32 s6, v28;
	v16 =	vand.u32 $0xF, v16;
	v42 =	vld.idx.msk [tilespmem:v21+s3+$0x0], $0xffff  }
0x27b: {  	v19 =	vadd.s32 s23, v0;
	v16 =	vor.u32 s6, v16;
	[tilespmem:v25+s29+$0x0] =	vst.idx.msk $0xffff, v23;
	v23 =	vshll.u32 v28, $0x7  }
0x27c: {  	v21 =	vand.u32 $0xF, v40;
	[tilespmem:v20+s29+$0x0] =	vst.idx.msk $0xffff, v17;
	v20 =	vshll.u32 v16, $0x7;
	v25 =	vor.u32 v0, v23  }
0x27d: {  	v19 =	vand.u32 $0xF, v19;
	v21 =	vor.u32 s6, v21;
	v45 =	vld.idx.msk [tilespmem:v24+s3+$0x0], $0xffff;
	v54 =	vor.u32 v0, v20  }
0x27e: {  	v31 =	vor.u32 v9, v36;
	v17 =	vor.u32 s6, v19;
	[tilespmem:v53+s29+$0x0] =	vst.idx.msk $0xffff, v27;
	v24 =	vshll.u32 v21, $0x7;
	v33 =	vld.idx.msk [tilespmem:v33+s3+$0x0], $0xffff  }
0x27f: {  	v19 =	vshll.u32 v17, $0x7;
	v55 =	vld.idx.msk [tilespmem:v35+s3+$0x0], $0xffff;
	v56 =	vor.u32 v0, v24;
	[tilespmem:v41+s29+$0x0] =	vst.idx.msk $0xffff, v42  }
0x280: {  	v62 =	vor.u32 v10, v39;
	v34 =	vor.u32 v14, v34;
	v44 =	vor.u32 v0, v19;
	v37 =	vld.idx.msk [tilespmem:v37+s3+$0x0], $0xffff  }
0x281: {  	v59 =	vor.u32 v1, v28;
	v48 =	vor.u32 v1, v17;
	v53 =	vor.u32 v10, v18;
	v58 =	vld.idx.msk [tilespmem:v25+s3+$0x0], $0xffff  }
0x282: {  	v50 =	vor.u32 v1, v16;
	v60 =	vor.u32 v2, v23;
	[tilespmem:v46+s29+$0x0] =	vst.idx.msk $0xffff, v45;
	v32 =	vld.idx.msk [tilespmem:v54+s3+$0x0], $0xffff  }
0x283: {  	v61 =	vor.u32 v1, v21;
	v35 =	vor.u32 v5, v28;
	[tilespmem:v31+s29+$0x0] =	vst.idx.msk $0xffff, v33;
	v46 =	vld.idx.msk [tilespmem:v47+s3+$0x0], $0xffff  }
0x284: {  	v52 =	vor.u32 v2, v20;
	[tilespmem:v43+s29+$0x0] =	vst.idx.msk $0xffff, v55;
	v41 =	vld.idx.msk [tilespmem:v56+s3+$0x0], $0xffff;
	v54 =	vor.u32 v9, v22  }
0x285: {  	v27 =	vor.u32 v12, v20;
	v51 =	vor.u32 v2, v19;
	v44 =	vld.idx.msk [tilespmem:v44+s3+$0x0], $0xffff;
	[tilespmem:v49+s29+$0x0] =	vst.idx.msk $0xffff, v37  }
0x286: {  	v25 =	vor.u32 v15, v36;
	v31 =	vor.u32 v15, v22;
	v53 =	vld.idx.msk [tilespmem:v53+s3+$0x0], $0xffff;
	[tilespmem:v59+s29+$0x0] =	vst.idx.msk $0xffff, v58  }
0x287: {  	v55 =	vor.u32 v2, v24;
	v42 =	vld.idx.msk [tilespmem:v57+s3+$0x0], $0xffff;
	[tilespmem:v50+s29+$0x0] =	vst.idx.msk $0xffff, v32;
	v50 =	vor.u32 v9, v26  }
0x288: {  	v33 =	vor.u32 v15, v38;
	v56 =	vor.u32 v10, v29;
	v57 =	vor.u32 v3, v28;
	v45 =	vld.idx.msk [tilespmem:v60+s3+$0x0], $0xffff  }
0x289: {  	v47 =	vor.u32 v5, v16;
	[tilespmem:v54+s29+$0x0] =	vst.idx.msk $0xffff, v46;
	v43 =	vld.idx.msk [tilespmem:v52+s3+$0x0], $0xffff;
	v52 =	vor.u32 v3, v16  }
0x28a: {  	v58 =	vor.u32 v4, v20;
	[tilespmem:v61+s29+$0x0] =	vst.idx.msk $0xffff, v41;
	v41 =	vor.u32 v11, v38;
	v60 =	vld.idx.msk [tilespmem:v63+s3+$0x0], $0xffff  }
0x28b: {  	v59 =	vor.u32 v12, v18;
	[tilespmem:v48+s29+$0x0] =	vst.idx.msk $0xffff, v44;
	v61 =	vor.u32 v11, v22;
	v54 =	vld.idx.msk [tilespmem:v62+s3+$0x0], $0xffff  }
0x28c: {  	v40 =	vld.idx.msk [tilespmem:v55+s3+$0x0], $0xffff;
	v55 =	vor.u32 v4, v23;
	v62 =	vor.u32 v11, v36;
	[tilespmem:v50+s29+$0x0] =	vst.idx.msk $0xffff, v42  }
0x28d: {  	v37 =	vor.u32 v13, v36;
	v44 =	vor.u32 v12, v39;
	v49 =	vld.idx.msk [tilespmem:v51+s3+$0x0], $0xffff;
	[tilespmem:v57+s29+$0x0] =	vst.idx.msk $0xffff, v45  }
0x28e: {  	v32 =	vor.u32 v15, v26;
	v45 =	vor.u32 v11, v26;
	[tilespmem:v52+s29+$0x0] =	vst.idx.msk $0xffff, v43;
	v42 =	vld.idx.msk [tilespmem:v56+s3+$0x0], $0xffff  }
0x28f: {  	v36 =	vor.u32 v14, v39;
	v39 =	vor.u32 v12, v29;
	[tilespmem:v41+s29+$0x0] =	vst.idx.msk $0xffff, v53;
	v46 =	vld.idx.msk [tilespmem:v58+s3+$0x0], $0xffff  }
0x290: {  	v48 =	vor.u32 v6, v20;
	v51 =	vor.u32 v3, v17;
	v41 =	vld.idx.msk [tilespmem:v59+s3+$0x0], $0xffff;
	[tilespmem:v61+s29+$0x0] =	vst.idx.msk $0xffff, v54  }
0x291: {  	s6 =	simm.s32 $0x8;
	v50 =	vld.idx.msk [tilespmem:v55+s3+$0x0], $0xffff;
	v52 =	vor.u32 v4, v19;
	v43 =	vor.u32 v13, v38;
	[tilespmem:v62+s29+$0x0] =	vst.idx.msk $0xffff, v60  }
.LBB2_14:
0x292: {  	p2 =	slt.u32 s6, $0x3C;
	v29 =	vor.u32 v14, v29;
	v18 =	vor.u32 v14, v18;
	v44 =	vld.idx.msk [tilespmem:v44+s3+$0x0], $0xffff;
	v22 =	vor.u32 v13, v22;
	s7 =	smov.u32 s6;
	s6 =	sadd.s32 $0x4, s6  }
0x293: {  	v53 =	vor.u32 v3, v21;
	v54 =	vor.u32 v6, v23;
	v38 =	vmov v28;
	[tilespmem:v45+s29+$0x0] =	vst.idx.msk $0xffff, v42  }
0x294: {  	v26 =	vor.u32 v13, v26;
	v42 =	vor.u32 v9, v16;
	[tilespmem:v47+s29+$0x0] =	vst.idx.msk $0xffff, v46;
	v28 =	vld.idx.msk [tilespmem:v39+s3+$0x0], $0xffff  }
0x295: {  	v45 =	vor.u32 v8, v20;
	v46 =	vor.u32 v6, v19;
	v39 =	vld.idx.msk [tilespmem:v48+s3+$0x0], $0xffff;
	[tilespmem:v51+s29+$0x0] =	vst.idx.msk $0xffff, v49  }
0x296: {  	v47 =	vor.u32 v4, v24;
	v48 =	vor.u32 v7, v16;
	v49 =	vld.idx.msk [tilespmem:v52+s3+$0x0], $0xffff;
	[tilespmem:v43+s29+$0x0] =	vst.idx.msk $0xffff, v41  }
0x297: {  	v41 =	vor.u32 v6, v24;
	[tilespmem:v35+s29+$0x0] =	vst.idx.msk $0xffff, v50;
	v35 =	vor.u32 v5, v17;
	v30 =	vld.idx.msk [tilespmem:v30+s3+$0x0], $0xffff  }
0x298: {  	v43 =	vor.u32 v7, v38;
	v50 =	vor.u32 v8, v23;
	[tilespmem:v53+s29+$0x0] =	vst.idx.msk $0xffff, v40;
	v40 =	vld.idx.msk [tilespmem:v54+s3+$0x0], $0xffff  }
0x299: {  	s8 =	sadd.s32 $0x1, s7;
	s9 =	sadd.s32 $0x2, s7;
	s19 =	sadd.s32 $0x3, s7;
	v51 =	vadd.s32 s7, v0;
	v52 =	vor.u32 v5, v21;
	v53 =	vld.idx.msk [tilespmem:v18+s3+$0x0], $0xffff;
	[tilespmem:v22+s29+$0x0] =	vst.idx.msk $0xffff, v44;
	v44 =	vmov v16  }
0x29a: {  	v55 =	vadd.s32 s19, v0;
	v54 =	vadd.s32 s9, v0;
	v16 =	vadd.s32 s8, v0;
	v22 =	vmovc v17;
	v18 =	vmovc v23;
	[tilespmem:v26+s29+$0x0] =	vst.idx.msk $0xffff, v28  }
0x29b: {  	s7 =	sand.u32 $0x30, s7;
	v17 =	vand.u32 $0xF, v54;
	v23 =	vand.u32 $0xF, v55;
	v16 =	vand.u32 $0xF, v16;
	v47 =	vld.idx.msk [tilespmem:v47+s3+$0x0], $0xffff;
	[tilespmem:v48+s29+$0x0] =	vst.idx.msk $0xffff, v39;
	v39 =	vmovc v20  }
0x29c: {  	v28 =	vor.u32 s7, v16;
	v16 =	vor.u32 s7, v17;
	v17 =	vor.u32 s7, v23;
	[tilespmem:v35+s29+$0x0] =	vst.idx.msk $0xffff, v49;
	v48 =	vld.idx.msk [tilespmem:v29+s3+$0x0], $0xffff;
	v49 =	vmovc v19  }
0x29d: {  	v26 =	vmovc v21;
	v23 =	vshll.u32 v28, $0x7;
	v20 =	vshll.u32 v16, $0x7;
	v19 =	vshll.u32 v17, $0x7;
	[tilespmem:v37+s29+$0x0] =	vst.idx.msk $0xffff, v30;
	v36 =	vld.idx.msk [tilespmem:v36+s3+$0x0], $0xffff  }
0x29e: {  	v37 =	vor.u32 v0, v23;
	v54 =	vor.u32 v0, v20;
	[tilespmem:v43+s29+$0x0] =	vst.idx.msk $0xffff, v40;
	v34 =	vld.idx.msk [tilespmem:v34+s3+$0x0], $0xffff  }
0x29f: {  	v21 =	vand.u32 $0xF, v51;
	v29 =	vmov v24;
	v40 =	vor.u32 v0, v19;
	v43 =	vld.idx.msk [tilespmem:v50+s3+$0x0], $0xffff;
	[tilespmem:v33+s29+$0x0] =	vst.idx.msk $0xffff, v53  }
0x2a0: {  	v21 =	vor.u32 s7, v21;
	v35 =	vor.u32 v5, v28;
	v30 =	vmovc v27;
	v33 =	vor.u32 v9, v38;
	v46 =	vld.idx.msk [tilespmem:v46+s3+$0x0], $0xffff  }
0x2a1: {  	v24 =	vshll.u32 v21, $0x7;
	[tilespmem:v52+s29+$0x0] =	vst.idx.msk $0xffff, v47;
	v45 =	vld.idx.msk [tilespmem:v45+s3+$0x0], $0xffff;
	v47 =	vor.u32 v7, v22  }
0x2a2: {  	v51 =	vor.u32 v8, v49;
	v50 =	vor.u32 v0, v24;
	[tilespmem:v32+s29+$0x0] =	vst.idx.msk $0xffff, v48  }
0x2a3: {  	v27 =	vor.u32 v12, v20;
	v32 =	vld.idx.msk [tilespmem:v41+s3+$0x0], $0xffff;
	v41 =	vor.u32 v8, v29;
	[tilespmem:v31+s29+$0x0] =	vst.idx.msk $0xffff, v36  }
0x2a4: {  	v48 =	vor.u32 v7, v26;
	v36 =	vor.u32 v1, v17;
	v31 =	vld.idx.msk [tilespmem:v54+s3+$0x0], $0xffff;
	[tilespmem:v25+s29+$0x0] =	vst.idx.msk $0xffff, v34  }
0x2a5: {  	v52 =	vor.u32 v2, v19;
	v34 =	vld.idx.msk [tilespmem:v37+s3+$0x0], $0xffff;
	v37 =	vor.u32 v1, v16;
	[tilespmem:v33+s29+$0x0] =	vst.idx.msk $0xffff, v43  }
0x2a6: {  	v33 =	vor.u32 v1, v28;
	v43 =	vor.u32 v2, v20;
	[tilespmem:v47+s29+$0x0] =	vst.idx.msk $0xffff, v46  }
0x2a7: {  	v25 =	vor.u32 v15, v44;
	v46 =	vor.u32 v2, v23;
	[tilespmem:v42+s29+$0x0] =	vst.idx.msk $0xffff, v45;
	v42 =	vld.idx.msk [tilespmem:v51+s3+$0x0], $0xffff  }
0x2a8: {  	v47 =	vor.u32 v1, v21;
	v51 =	vor.u32 v9, v22;
	v45 =	vld.idx.msk [tilespmem:v50+s3+$0x0], $0xffff;
	v50 =	vor.u32 v10, v18  }
0x2a9: {  	v53 =	vor.u32 v2, v24;
	v40 =	vld.idx.msk [tilespmem:v40+s3+$0x0], $0xffff;
	[tilespmem:v48+s29+$0x0] =	vst.idx.msk $0xffff, v32;
	v48 =	vor.u32 v10, v49  }
0x2aa: {  	[tilespmem:v37+s29+$0x0] =	vst.idx.msk $0xffff, v31;
	v37 =	vld.idx.msk [tilespmem:v41+s3+$0x0], $0xffff;
	v41 =	vor.u32 v10, v39;
	v31 =	vor.u32 v15, v22  }
0x2ab: {  	v54 =	vor.u32 v9, v26;
	[tilespmem:v33+s29+$0x0] =	vst.idx.msk $0xffff, v34;
	v43 =	vld.idx.msk [tilespmem:v43+s3+$0x0], $0xffff;
	v33 =	vor.u32 v15, v38  }
0x2ac: {  	v55 =	vor.u32 v3, v16;
	v56 =	vor.u32 v10, v29;
	v32 =	vor.u32 v15, v26;
	v46 =	vld.idx.msk [tilespmem:v46+s3+$0x0], $0xffff  }
0x2ad: {  	v57 =	vor.u32 v3, v28;
	v58 =	vor.u32 v4, v20;
	v50 =	vld.idx.msk [tilespmem:v50+s3+$0x0], $0xffff;
	[tilespmem:v51+s29+$0x0] =	vst.idx.msk $0xffff, v42  }
0x2ae: {  	v34 =	vor.u32 v14, v39;
	v51 =	vor.u32 v11, v38;
	[tilespmem:v47+s29+$0x0] =	vst.idx.msk $0xffff, v45;
	v59 =	vld.idx.msk [tilespmem:v48+s3+$0x0], $0xffff  }
0x2af: {  	v60 =	vor.u32 v12, v18;
	v62 =	vor.u32 v11, v22;
	[tilespmem:v36+s29+$0x0] =	vst.idx.msk $0xffff, v40;
	v61 =	vld.idx.msk [tilespmem:v41+s3+$0x0], $0xffff  }
0x2b0: {  	v40 =	vld.idx.msk [tilespmem:v53+s3+$0x0], $0xffff;
	v53 =	vor.u32 v4, v23;
	[tilespmem:v54+s29+$0x0] =	vst.idx.msk $0xffff, v37;
	v54 =	vor.u32 v11, v44  }
.Ltmp9:
0x2b1: {  	v37 =	vor.u32 v13, v44;
	v44 =	vor.u32 v12, v49;
	[tilespmem:v55+s29+$0x0] =	vst.idx.msk $0xffff, v43;
	v42 =	vld.idx.msk [tilespmem:v56+s3+$0x0], $0xffff;
	(pc) =	sbr.rel @p2 .LBB2_14-.Ltmp9, $4  }
0x2b2: {  	v45 =	vor.u32 v11, v26;
	v36 =	vor.u32 v14, v49;
	[tilespmem:v57+s29+$0x0] =	vst.idx.msk $0xffff, v46;
	v46 =	vld.idx.msk [tilespmem:v58+s3+$0x0], $0xffff  }
0x2b3: {  	v39 =	vor.u32 v12, v29;
	v47 =	vor.u32 v5, v16;
	v49 =	vld.idx.msk [tilespmem:v52+s3+$0x0], $0xffff;
	[tilespmem:v51+s29+$0x0] =	vst.idx.msk $0xffff, v50  }
0x2b4: {  	v48 =	vor.u32 v6, v20;
	v51 =	vor.u32 v3, v17;
	v41 =	vld.idx.msk [tilespmem:v60+s3+$0x0], $0xffff;
	[tilespmem:v62+s29+$0x0] =	vst.idx.msk $0xffff, v59  }
0x2b5: {  	v43 =	vor.u32 v13, v38;
	v52 =	vor.u32 v4, v19;
	v50 =	vld.idx.msk [tilespmem:v53+s3+$0x0], $0xffff;
	[tilespmem:v54+s29+$0x0] =	vst.idx.msk $0xffff, v61  }
0x2b6: {  	v38 =	vor.u32 v3, v21  }
0x2b7: {  	v53 =	vor.u32 v4, v24;
	_ =	sdelay $0x3  }
0x2b8: {  	[tilespmem:v38+s29+$0x0] =	vst.idx.msk $0xffff, v40  }
0x2b9: {  	v60 =	vor.u32 v6, v23;
	v61 =	vor.u32 v5, v21;
	[tilespmem:v51+s29+$0x0] =	vst.idx.msk $0xffff, v49;
	v62 =	vld.idx.msk [tilespmem:v53+s3+$0x0], $0xffff  }
0x2ba: {  	v63 =	vor.u32 v6, v24;
	v57 =	vor.u32 v5, v17;
	v51 =	vld.idx.msk [tilespmem:v52+s3+$0x0], $0xffff  }
0x2bb: {  	v54 =	vor.u32 v6, v19;
	_ =	sdelay $0x1  }
0x2bc: {  	[tilespmem:v35+s29+$0x0] =	vst.idx.msk $0xffff, v50  }
0x2bd: {  	v35 =	vld.idx.msk [tilespmem:v60+s3+$0x0], $0xffff;
	v38 =	vor.u32 v7, v28;
	[tilespmem:v61+s29+$0x0] =	vst.idx.msk $0xffff, v62  }
0x2be: {  	v58 =	vor.u32 v8, v23;
	v59 =	vor.u32 v7, v21;
	[tilespmem:v57+s29+$0x0] =	vst.idx.msk $0xffff, v51;
	v49 =	vld.idx.msk [tilespmem:v63+s3+$0x0], $0xffff  }
0x2bf: {  	[tilespmem:v47+s29+$0x0] =	vst.idx.msk $0xffff, v46;
	v60 =	vld.idx.msk [tilespmem:v54+s3+$0x0], $0xffff;
	v61 =	vor.u32 v7, v17;
	v62 =	vor.u32 v8, v24  }
0x2c0: {  	v56 =	vor.u32 v8, v19;
	v48 =	vld.idx.msk [tilespmem:v48+s3+$0x0], $0xffff;
	v63 =	vor.u32 v7, v16  }
0x2c1: {  	[tilespmem:v45+s29+$0x0] =	vst.idx.msk $0xffff, v42;
	v57 =	vor.u32 v8, v20  }
0x2c2: {  	v44 =	vld.idx.msk [tilespmem:v44+s3+$0x0], $0xffff;
	v22 =	vor.u32 v13, v22;
	[tilespmem:v38+s29+$0x0] =	vst.idx.msk $0xffff, v35  }
0x2c3: {  	v35 =	vld.idx.msk [tilespmem:v58+s3+$0x0], $0xffff;
	v58 =	vor.u32 v9, v28;
	[tilespmem:v59+s29+$0x0] =	vst.idx.msk $0xffff, v49  }
0x2c4: {  	[tilespmem:v61+s29+$0x0] =	vst.idx.msk $0xffff, v60;
	v61 =	vor.u32 v9, v21;
	v59 =	vor.u32 v10, v23;
	v60 =	vld.idx.msk [tilespmem:v62+s3+$0x0], $0xffff  }
0x2c5: {  	[tilespmem:v63+s29+$0x0] =	vst.idx.msk $0xffff, v48;
	v47 =	vld.idx.msk [tilespmem:v56+s3+$0x0], $0xffff;
	v63 =	vor.u32 v10, v24;
	v62 =	vor.u32 v9, v17  }
0x2c6: {  	v52 =	vor.u32 v9, v16;
	[tilespmem:v43+s29+$0x0] =	vst.idx.msk $0xffff, v41;
	v54 =	vor.u32 v10, v19;
	v53 =	vld.idx.msk [tilespmem:v57+s3+$0x0], $0xffff  }
0x2c7: {  	v55 =	vor.u32 v10, v20;
	v30 =	vld.idx.msk [tilespmem:v30+s3+$0x0], $0xffff;
	[tilespmem:v22+s29+$0x0] =	vst.idx.msk $0xffff, v44  }
0x2c8: {  	v26 =	vor.u32 v13, v26;
	v18 =	vor.u32 v14, v18;
	v39 =	vld.idx.msk [tilespmem:v39+s3+$0x0], $0xffff;
	[tilespmem:v58+s29+$0x0] =	vst.idx.msk $0xffff, v35  }
0x2c9: {  	v29 =	vor.u32 v14, v29;
	v56 =	vor.u32 v11, v28;
	v35 =	vld.idx.msk [tilespmem:v59+s3+$0x0], $0xffff;
	[tilespmem:v61+s29+$0x0] =	vst.idx.msk $0xffff, v60  }
0x2ca: {  	v57 =	vor.u32 v12, v23;
	v59 =	vor.u32 v11, v21;
	[tilespmem:v62+s29+$0x0] =	vst.idx.msk $0xffff, v47;
	v58 =	vld.idx.msk [tilespmem:v63+s3+$0x0], $0xffff  }
0x2cb: {  	[tilespmem:v52+s29+$0x0] =	vst.idx.msk $0xffff, v53;
	v61 =	vor.u32 v11, v17;
	v62 =	vor.u32 v12, v24;
	v60 =	vld.idx.msk [tilespmem:v54+s3+$0x0], $0xffff  }
0x2cc: {  	v46 =	vor.u32 v12, v19;
	[tilespmem:v37+s29+$0x0] =	vst.idx.msk $0xffff, v30;
	v22 =	vld.idx.msk [tilespmem:v55+s3+$0x0], $0xffff;
	v63 =	vor.u32 v11, v16  }
0x2cd: {  	v18 =	vld.idx.msk [tilespmem:v18+s3+$0x0], $0xffff;
	[tilespmem:v26+s29+$0x0] =	vst.idx.msk $0xffff, v39  }
0x2ce: {  	v29 =	vld.idx.msk [tilespmem:v29+s3+$0x0], $0xffff;
	[tilespmem:v56+s29+$0x0] =	vst.idx.msk $0xffff, v35  }
0x2cf: {  	v48 =	vor.u32 v13, v28;
	v47 =	vld.idx.msk [tilespmem:v57+s3+$0x0], $0xffff;
	[tilespmem:v59+s29+$0x0] =	vst.idx.msk $0xffff, v58  }
0x2d0: {  	v51 =	vor.u32 v13, v21;
	v49 =	vor.u32 v14, v23;
	[tilespmem:v61+s29+$0x0] =	vst.idx.msk $0xffff, v60;
	v50 =	vld.idx.msk [tilespmem:v62+s3+$0x0], $0xffff  }
0x2d1: {  	v52 =	vor.u32 v14, v24;
	v54 =	vor.u32 v13, v17;
	[tilespmem:v63+s29+$0x0] =	vst.idx.msk $0xffff, v22;
	v53 =	vld.idx.msk [tilespmem:v46+s3+$0x0], $0xffff  }
0x2d2: {  	[tilespmem:v33+s29+$0x0] =	vst.idx.msk $0xffff, v18;
	v55 =	vor.u32 v13, v16;
	v56 =	vor.u32 v14, v19;
	v27 =	vld.idx.msk [tilespmem:v27+s3+$0x0], $0xffff  }
0x2d3: {  	[tilespmem:v32+s29+$0x0] =	vst.idx.msk $0xffff, v29;
	v57 =	vld.idx.msk [tilespmem:v36+s3+$0x0], $0xffff;
	v58 =	vor.u32 v14, v20  }
0x2d4: {  	v59 =	vld.idx.msk [tilespmem:v34+s3+$0x0], $0xffff;
	[tilespmem:v48+s29+$0x0] =	vst.idx.msk $0xffff, v47  }
0x2d5: {  	v60 =	vor.u32 v15, v28;
	v23 =	vld.idx.msk [tilespmem:v49+s3+$0x0], $0xffff;
	[tilespmem:v51+s29+$0x0] =	vst.idx.msk $0xffff, v50  }
0x2d6: {  	v61 =	vor.u32 v15, v21;
	[tilespmem:v54+s29+$0x0] =	vst.idx.msk $0xffff, v53;
	v22 =	vld.idx.msk [tilespmem:v52+s3+$0x0], $0xffff  }
0x2d7: {  	v17 =	vor.u32 v15, v17;
	[tilespmem:v55+s29+$0x0] =	vst.idx.msk $0xffff, v27;
	v62 =	vld.idx.msk [tilespmem:v56+s3+$0x0], $0xffff  }
0x2d8: {  	v16 =	vor.u32 v15, v16;
	[tilespmem:v31+s29+$0x0] =	vst.idx.msk $0xffff, v57;
	v63 =	vld.idx.msk [tilespmem:v58+s3+$0x0], $0xffff  }
0x2d9: {  	[tilespmem:v25+s29+$0x0] =	vst.idx.msk $0xffff, v59  }
0x2da: {  	[tilespmem:v60+s29+$0x0] =	vst.idx.msk $0xffff, v23  }
0x2db: {  	[tilespmem:v61+s29+$0x0] =	vst.idx.msk $0xffff, v22  }
0x2dc: {  	[tilespmem:v17+s29+$0x0] =	vst.idx.msk $0xffff, v62  }
0x2dd: {  	[tilespmem:v16+s29+$0x0] =	vst.idx.msk $0xffff, v63  }
.Ltmp10:
0x2de: {  	s23 =	simm.s32 $0x9;
	s6 =	rddreg [dreg:$0x9];
	(pc) =	sbr.rel .LBB2_16-.Ltmp10, $4  }
0x2df: {  	[hbm4b:s6+s3] =	stream.linear.scatter [tilespmem:s29], [sflag:$0x9], $0x2000, $0x38;
	[tilespmem:$0x10000] =	vst v63  }
0x2e0: {  	_ =	swait.ge [sflag:s23], $0x2000  }
0x2e1: {  	[sflag:s23] =	ssyncset.done $0x0  }
0x2e2: {  	s9 =	rddreg [dreg:$0xd];
	[sflag:s23] =	ssyncadd.s32 $0xFFFFE000  }
.LBB2_17:
0x2e3: {  	_ =	sfence.sel $0x180000  }
0x2e4: {  	[bflag:$0x0] =	sbarrier.arrive $0xFFFF  }
0x2e5: {  	_ =	strace $0x90000047  }
0x2e6: {  	s0 =	stileid.u32;
	[bflag:$0x2] =	sbarrier.arrive $0xFFFF  }
0x2e7: {  	p0 =	sne.s32 s0, $0x0;
	s0 =	rddreg [dreg:$0x3]  }
0x2e8: {  	s0 =	sadd.s32 @!p0 $0x100000, s0  }
0x2e9: {  	[sflag:s0] =	ssyncadd.tile.s32 @!p0 $0x1;
	_ =	shalt  }
.Lfunc_end2:
_tile_overlayer_lowered:
.L_overlay_start_2:
0x2ea: {  	(tag) =	ssettag $0x2  }
0x2eb: {  	s0 =	rddreg [dreg:$0x0];
	s2 =	stileid.u32  }
0x2ec: {  	s1 =	rddreg [dreg:$0x1];
	p0 =	sne.s32 s2, $0x0  }
0x2ed: {  	s3 =	rddreg [dreg:$0x2];
	[bflag:$0x3] =	sbarrier.arrive $0xFFFF;
	s2 =	simm.s32 @!p0 $0x1C09  }
0x2ee: {  	[timem:s3], [sflag:s2] =	dma.local @!p0 [hbm:s0], s1  }
0x2ef: {  	s0 =	simm.s32 @!p0 $0x9  }
0x2f0: {  	_ =	swait.ge @!p0 [sflag:s0], s1  }
0x2f1: {  	s1 =	ssub.s32 @!p0 $0x0, s1;
	[sflag:s0] =	ssyncset.done @!p0 $0x0  }
0x2f2: {  	[sflag:s0] =	ssyncadd.s32 @!p0 s1  }
0x2f3: {  	[bflag:$0x3] =	sbarrier.arrive $0xFFFF  }
0x2f4: {  	_ =	shalt  }

// kernel: _sc_embed.7.cloned.1.call-start
scs
__scs_entry_jumppad:
0x0: {  	(pc) =	sbr.rel $0x88, $3  }
0x1: {  	(tag) =	ssettag $0x0;
	lr =	simm.s32 $0x1  }
0x2: {  	[smem:$0x3F9D] =	sst lr;
	_ =	strace $0xD0000000  }
0x3: {  	_ = 	snop  }
0x4: {  	_ = 	snop  }
0x5: {  	_ = 	snop  }
0x6: {  	_ = 	snop  }
0x7: {  	_ = 	snop  }
__scs_overlays_trampoline_lowered:
0x8: {  	[smem:$0x3FAC] =	sst s0  }
0x9: {  	[smem:$0x3FAD] =	sst s1  }
0xa: {  	[smem:$0x3FAE] =	sst s2  }
0xb: {  	[smem:$0x3FAF] =	sst s3  }
0xc: {  	[smem:$0x3FB0] =	sst s4  }
0xd: {  	[smem:$0x3FB1] =	sst s5  }
0xe: {  	[smem:$0x3FB2] =	sst s6  }
0xf: {  	[smem:$0x3FB3] =	sst s7  }
0x10: {  	[smem:$0x3FB4] =	sst s8  }
0x11: {  	[smem:$0x3FB5] =	sst s9;
	s0 =	simm.s32 @!p0 $0x0  }
0x12: {  	s1 =	sld [smem:$0x3F9B];
	s0 =	simm.s32 @p0 $0x1  }
0x13: {  	[smem:$0x3FB6] =	sst s0;
	s0 =	simm.s32 @!p1 $0x0  }
0x14: {  	s2 =	sld [smem:$0x3F9A];
	s0 =	simm.s32 @p1 $0x1  }
0x15: {  	[smem:$0x3FB7] =	sst s0;
	s0 =	simm.s32 @!p2 $0x0  }
0x16: {  	s3 =	sld [smem:$0x3FDB];
	s0 =	simm.s32 @p2 $0x1  }
0x17: {  	s4 =	simm.s32 $0x1BF5;
	[smem:$0x3FB9] =	sst s0  }
0x18: {  	s0 =	sld [smem:$0x3F9C];
	_ =	swait.ge [sflag:s4], $0x0  }
0x19: {  	s7 =	sld [smem:$0x3F9D]  }
0x1a: {  	s8 =	sadd.s32 $0xFFFFE003, lr  }
0x1b: {  	s9 =	sadd.s32 $0xFFFFFEF7, lr;
	s5 =	simm.s32 $0xFFFFFFFF;
	p2 =	slt.u32 s8, $0xFFFFF086  }
0x1c: {  	p1 =	slt.u32 s9, $0xF7A;
	s5 =	simm.s32 @!p2 $0x0  }
0x1d: {  	s5 =	simm.s32 @p1 $0x1;
	p0 =	seq.s32 s7, s2  }
0x1e: {  	s7 =	smul.u32 @!p0 $0xF7A, s2;
	p2 =	seq.s32 @!p0 s5, $0x0  }
0x1f: {  	s9 =	smul.u32 $0xF7A, s1;
	s8 =	simm.s32 @!p0 $0x1BF5;
	p2 =	por !p2, p0  }
0x20: {  	[sflag:s8] =	ssyncset.s32 @!p0 $0xFFFFF086;
	s6 =	sadd.s32 @!p0 s3, s7;
	s7 =	simm.s32 @!p0 $0x108  }
0x21: {  	s3 =	sadd.s32 s3, s9;
	s6 =	sadd.s32 @!p0 $0x88, s6;
	s7 =	simm.s32 @p2 $0x1082  }
0x22: {  	[simem:s7], [sflag:s8] =	dma.local @!p0 [hbm:s6], $0xF7A  }
0x23: {  	s9 =	sor.u32 $0xD0000000, s2;
	s6 =	simm.s32 $0x108;
	_ =	swait.ge @!p0 [sflag:s8], $0x0  }
0x24: {  	s3 =	sadd.s32 $0x88, s3;
	s6 =	simm.s32 @!p1 $0x1082;
	[sflag:s4] =	ssyncset.s32 $0xFFFFF086  }
0x25: {  	[simem:s6], [sflag:s4] =	dma.local [hbm:s3], $0xF7A  }
0x26: {  	[smem:$0x3F9D] =	sst s1;
	(tag) =	ssettag s2;
	_ =	strace s9  }
0x27: {  	s1 =	sld [smem:$0x3FAD]  }
0x28: {  	s2 =	sld [smem:$0x3FAE]  }
0x29: {  	s4 =	sld [smem:$0x3FB0]  }
0x2a: {  	p0 =	seq.s32 s5, $0x0;
	s5 =	sld [smem:$0x3FB1]  }
0x2b: {  	s6 =	sld [smem:$0x3FB2]  }
0x2c: {  	s7 =	sld [smem:$0x3FB3]  }
0x2d: {  	s3 =	simm.s32 $0x108;
	s8 =	sld [smem:$0x3FB4]  }
0x2e: {  	s3 =	simm.s32 @!p0 $0x1082;
	s9 =	sld [smem:$0x3FB5]  }
0x2f: {  	lr =	sadd.s32 s0, s3;
	s0 =	sld [smem:$0x3FAC]  }
0x30: {  	s3 =	sld [smem:$0x3FAF]  }
0x31: {  	[smem:$0x3FB8] =	sst s10  }
0x32: {  	s10 =	sld [smem:$0x3FB6];
	_ =	sdelay $0x3  }
0x33: {  	p0 =	seq.s32 s10, $0x1;
	s10 =	sld [smem:$0x3FB8];
	_ =	sdelay $0x3  }
0x34: {  	[smem:$0x3FB8] =	sst s10  }
0x35: {  	s10 =	sld [smem:$0x3FB7];
	_ =	sdelay $0x3  }
0x36: {  	p1 =	seq.s32 s10, $0x1;
	s10 =	sld [smem:$0x3FB8];
	_ =	sdelay $0x3  }
0x37: {  	[smem:$0x3FB8] =	sst s10  }
0x38: {  	s10 =	sld [smem:$0x3FB9]  }
0x39: {  	_ = 	snop;
	(pc) =	sbr.ind lr, $3  }
0x3a: {  	_ = 	snop  }
0x3b: {  	_ = 	snop  }
0x3c: {  	p2 =	seq.s32 s10, $0x1;
	s10 =	sld [smem:$0x3FB8]  }
0x3d: {  	_ =	shalt  }
0x3e: {  	_ =	shalt  }
0x3f: {  	_ =	shalt  }
0x40: {  	_ =	shalt  }
0x41: {  	_ =	shalt  }
0x42: {  	_ =	shalt  }
0x43: {  	_ =	shalt  }
0x44: {  	_ =	shalt  }
0x45: {  	_ =	shalt  }
0x46: {  	_ =	shalt  }
0x47: {  	_ =	shalt  }
0x48: {  	_ =	shalt  }
0x49: {  	_ =	shalt  }
0x4a: {  	_ =	shalt  }
0x4b: {  	_ =	shalt  }
0x4c: {  	_ =	shalt  }
0x4d: {  	_ =	shalt  }
0x4e: {  	_ =	shalt  }
0x4f: {  	_ =	shalt  }
0x50: {  	_ =	shalt  }
0x51: {  	_ =	shalt  }
0x52: {  	_ =	shalt  }
0x53: {  	_ =	shalt  }
0x54: {  	_ =	shalt  }
0x55: {  	_ =	shalt  }
0x56: {  	_ =	shalt  }
0x57: {  	_ =	shalt  }
0x58: {  	_ =	shalt  }
0x59: {  	_ =	shalt  }
0x5a: {  	_ =	shalt  }
0x5b: {  	_ =	shalt  }
0x5c: {  	_ =	shalt  }
0x5d: {  	_ =	shalt  }
0x5e: {  	_ =	shalt  }
0x5f: {  	_ =	shalt  }
0x60: {  	_ =	shalt  }
0x61: {  	_ =	shalt  }
0x62: {  	_ =	shalt  }
0x63: {  	_ =	shalt  }
0x64: {  	_ =	shalt  }
0x65: {  	_ =	shalt  }
0x66: {  	_ =	shalt  }
0x67: {  	_ =	shalt  }
0x68: {  	_ =	shalt  }
0x69: {  	_ =	shalt  }
0x6a: {  	_ =	shalt  }
0x6b: {  	_ =	shalt  }
0x6c: {  	_ =	shalt  }
0x6d: {  	_ =	shalt  }
0x6e: {  	_ =	shalt  }
0x6f: {  	_ =	shalt  }
0x70: {  	_ =	shalt  }
0x71: {  	_ =	shalt  }
0x72: {  	_ =	shalt  }
0x73: {  	_ =	shalt  }
0x74: {  	_ =	shalt  }
0x75: {  	_ =	shalt  }
0x76: {  	_ =	shalt  }
0x77: {  	_ =	shalt  }
0x78: {  	_ =	shalt  }
0x79: {  	_ =	shalt  }
0x7a: {  	_ =	shalt  }
0x7b: {  	_ =	shalt  }
0x7c: {  	_ =	shalt  }
0x7d: {  	_ =	shalt  }
0x7e: {  	_ =	shalt  }
0x7f: {  	_ =	shalt  }
0x80: {  	_ =	shalt  }
0x81: {  	_ =	shalt  }
0x82: {  	_ =	shalt  }
0x83: {  	_ =	shalt  }
0x84: {  	_ =	shalt  }
0x85: {  	_ =	shalt  }
0x86: {  	_ =	shalt  }
0x87: {  	_ =	shalt  }
.Lfunc_end0:
.L_simem_size_0:
called_computation.1_lowered:
.L_overlay_start_0:
0x88: {  	s2 =	sld [smem:$0x3FD9]  }
0x89: {  	s3 =	sld [smem:$0x3FFE];
	_ =	sdelay $0x1  }
0x8a: {  	s1 =	srdreg.scid  }
0x8b: {  	s0 =	sand.u32 $0x1, s1  }
0x8c: {  	s17 =	sshll.u32 s0, $0xA;
	s2 =	sadd.s32 s3, s2  }
0x8d: {  	s2 =	sadd.s32 s2, s17  }
0x8e: {  	[smem:$0x3FC4] =	sst s2  }
0x8f: {  	_ = 	snop  }
0x90: {  	s2 =	sld [smem:$0x3FC7]  }
0x91: {  	s18 =	sld [smem:$0x3FC6]  }
0x92: {  	s4 =	sld [smem:$0x3FD0];
	(tm) =	ssettm $0x1  }
0x93: {  	s5 =	sld [smem:$0x3FFB];
	_ =	sdelay $0x3  }
0x94: {  	_ =	strace s5  }
0x95: {  	s5 =	sld [smem:$0x3FFC];
	_ =	sdelay $0x3  }
0x96: {  	_ =	strace s5  }
0x97: {  	s5 =	sld [smem:$0x3FFD];
	_ =	sdelay $0x3  }
0x98: {  	_ =	strace s5  }
0x99: {  	_ =	strace $0x8FFFFFFF  }
0x9a: {  	s19 =	sld [smem:$0x3FDB];
	_ =	sdelay $0x1  }
0x9b: {  	s6 =	simm.s32 $_scs_section_size  }
0x9c: {  	s7 =	simm.s32 $_size__tile_overlayer_lowered;
	s8 =	simm.s32 $_tile_overlayer_lowered  }
0x9d: {  	s22 =	simm.s32 $0x1BFF;
	s21 =	sshll.u32 s8, $0x1;
	s5 =	sadd.s32 s6, s19  }
0x9e: {  	s9 =	simm.s32 $0x0;
	s20 =	sshll.u32 s7, $0x1;
	s7 =	sadd.s32 s21, s5  }
0x9f: {  	[timem:s9], [sflag:s22] =	dma.local [hbm:s7], s20  }
0xa0: {  	_ =	swait.ge [sflag:s22], s20  }
0xa1: {  	s6 =	ssub.s32 $0x0, s20;
	[sflag:s22] =	ssyncset.done $0x0  }
0xa2: {  	[sflag:s22] =	ssyncadd.s32 s6;
	_ =	sdelay $0x1  }
0xa3: {  	s23 =	simm.s32 $0x1B8B  }
0xa4: {  	_ =	swait.ge [sflag:s23], $0x1  }
0xa5: {  	[sflag:s23] =	ssyncset.done $0x0  }
0xa6: {  	s25 =	simm.s32 $0x1B8E;
	s24 =	sld [smem:$0x3FFE];
	[sflag:s23] =	ssyncadd.s32 $0xFFFFFFFF  }
0xa7: {  	s26 =	simm.s32 $execute0_lowered;
	[smem:$0x3FD2] =	sst s25  }
0xa8: {  	s7 =	sshll.u32 s26, $0x1;
	_ =	strace $0x80000049;
	[dreg:$0x1] =	wrdreg $0xFFFFFFFF  }
0xa9: {  	s28 =	simm.s32 $_size_execute0_lowered;
	s5 =	sadd.s32 s5, s7;
	[dreg:$0x0] =	wrdreg $0x0  }
0xaa: {  	s7 =	sshll.u32 s28, $0x1;
	[dreg:$0x2] =	wrdreg s5  }
0xab: {  	[dreg:$0x3] =	wrdreg s7  }
0xac: {  	[dreg:$0x4] =	wrdreg $0xC0  }
0xad: {  	_ =	task [dreg:s9], $0x5FFFF  }
0xae: {  	[dreg:$0x1] =	wrdreg $0xFFFFFFFF  }
0xaf: {  	[dreg:$0x0] =	wrdreg $0x60  }
0xb0: {  	[dreg:$0x2] =	wrdreg s24  }
0xb1: {  	[dreg:$0x3] =	wrdreg s2  }
0xb2: {  	[dreg:$0x4] =	wrdreg s18  }
0xb3: {  	[dreg:$0x5] =	wrdreg s4  }
0xb4: {  	[dreg:$0x6] =	wrdreg $0x9  }
0xb5: {  	_ =	task.clear_ibuf [dreg:s9], $0x7FFFF;
	_ =	strace $0x90000049  }
0xb6: {  	s29 =	simm.s32 $0x9;
	_ =	strace $0x8000004B  }
0xb7: {  	_ =	swait.ge [sflag:s29], $0x1  }
0xb8: {  	[sflag:s29] =	ssyncadd.s32 $0xFFFFFFFF  }
0xb9: {  	_ =	strace $0x9000004B  }
0xba: {  	_ =	sfence  }
0xbb: {  	s30 =	sld [smem:$0x0];
	_ =	sdelay $0x2  }
0xbc: {  	s31 =	sshll.u32 s1, $0xD;
	s1 =	sshrl.u32 s1, $0x2  }
0xbd: {  	s3 =	sand.u32 $0x4000, s31;
	s1 =	sadd.s32 s1, s30  }
0xbe: {  	s0 =	sor.u32 s3, s0;
	s1 =	sshll.u32 s1, $0x11  }
0xbf: {  	s0 =	sor.u32 s1, s0  }
0xc0: {  	s0 =	sadd.s32 $0x8F2B, s0  }
0xc1: {  	[sflag:s0] =	ssyncadd.remote.s32 $0x1  }
0xc2: {  	_ =	sfence.sel $0xFFFF  }
0xc3: {  	[dreg:$0x0] =	wrdreg $0xFFFFFFFF;
	(pc) =	sbr.abs _section_cstart, $3  }
0xc4: {  	[dreg:$0x1] =	wrdreg $0xFFFFFFFF  }
0xc5: {  	_ =	task.clear_ibuf [dreg:s9], $0x2FFFF;
	_ =	strace $0x9FFFFFFF  }
0xc6: {  	(tm) =	ssettm $0x7FFFFFFF  }
0xc7: {  	_ =	shalt  }
tec
execute0_lowered:
.L_overlay_start_1:
0x0: {  	(tag) =	ssettag $0x1  }
0x1: {  	s6 =	rddreg [dreg:$0x0]  }
0x2: {  	s7 =	rddreg [dreg:$0x1]  }
0x3: {  	s1 =	rddreg [dreg:$0x2];
	s4 =	simm.s32 $0x0;
	v13 =	vlaneseq.u32  }
0x4: {  	[smem:$0x7FF] =	sst s4;
	v53 =	vor.u32 $0x70, v13  }
0x5: {  	s2 =	rddreg [dreg:$0x3];
	v6 =	vor.u32 $0x20, v13;
	_ =	strace $0x8000004A;
	[tilespmem:$0x1FFA0] =	vst v53  }
0x6: {  	v7 =	vor.u32 $0x30, v13;
	[tilespmem:$0x1FFB0] =	vst v6  }
0x7: {  	v8 =	vor.u32 $0x40, v13;
	[tilespmem:$0x1FFC0] =	vst v7  }
0x8: {  	v10 =	vor.u32 $0x60, v13;
	[tilespmem:$0x1FFD0] =	vst v8  }
0x9: {  	s5 =	srdreg.scid;
	s0 =	stileid.u32;
	s11 =	simm.s32 $0x5;
	v11 =	vmul.u32 $0x80, v13;
	v9 =	vor.u32 $0x50, v13;
	[tilespmem:$0x1FFE0] =	vst v10  }
0xa: {  	s12 =	simm.s32 $0x6400;
	s13 =	simm.s32 $0x80;
	s14 =	simm.s32 $0x9600;
	[tilespmem:$0x1FFF0] =	vst v9  }
0xb: {  	s15 =	simm.s32 $0x9700;
	s16 =	simm.s32 $0x9680;
	s17 =	simm.s32 $0xD700;
	v0 =	vor.u32 $0x800, v11;
	[tilespmem:$0x1FF90] =	vst v11  }
0xc: {  	s18 =	simm.s32 $0x1;
	s19 =	simm.s32 $0x11700;
	s20 =	simm.s32 $0x2;
	v58 =	vor.u32 $0x1000, v11;
	[tilespmem:$0x1FF20] =	vst v0  }
0xd: {  	s21 =	simm.s32 $0x13700;
	s22 =	simm.s32 $0x3;
	s23 =	simm.s32 $0x4;
	v59 =	vor.u32 $0x1800, v11;
	[tilespmem:$0x1FF30] =	vst v58  }
.Ltmp0:
0xe: {  	s24 =	simm.s32 $0x0;
	s5 =	sand.u32 $0x1, s5;
	v60 =	vor.u32 $0x2000, v11;
	[tilespmem:$0x1FF40] =	vst v59;
	(pc) =	sbr.rel .LBB2_1-.Ltmp0, $4  }
0xf: {  	s9 =	sshll.u32 s0, $0xB;
	s8 =	ssub.s32 $0x2, s5;
	s5 =	sshll.u32 s5, $0xA;
	v61 =	vor.u32 $0x2800, v11;
	[tilespmem:$0x1FF50] =	vst v60  }
0x10: {  	s6 =	sadd.s32 $0x800, s6;
	s10 =	sshrl.u32 s8, $0x1;
	s5 =	sor.u32 s5, s9;
	v62 =	vor.u32 $0x3000, v11;
	[tilespmem:$0x1FF60] =	vst v61  }
0x11: {  	v63 =	vor.u32 $0x3800, v11;
	s8 =	ssub.s32 s8, s10;
	s9 =	sshrl.u32 s5, $0x3;
	s10 =	simm.s32 $0x8000;
	[tilespmem:$0x1FF70] =	vst v62  }
0x12: {  	v12 =	vor.u32 $0x10, v13;
	[tilespmem:$0x1FF80] =	vst v63;
	s7 =	sadd.s32 s7, s9;
	s8 =	smax.u32 s8, $0x1;
	s9 =	simm.s32 $0x400  }
.LBB2_8:
0x13: {  	s24 =	sadd.s32 $0x1, s24  }
0x14: {  	_ =	swait.ge [sflag:s22], $0x2000;
	p0 =	sne.s32 s24, s8  }
.Ltmp1:
0x15: {  	[sflag:s22] =	ssyncset.done $0x0;
	(pc) =	sbr.rel @!p0 .LBB2_9-.Ltmp1, $4  }
0x16: {  	[sflag:s22] =	ssyncadd.s32 $0xFFFFE000  }
0x17: {  	_ =	swait.ge [sflag:s23], $0x2000  }
0x18: {  	[sflag:s23] =	ssyncset.done $0x0  }
0x19: {  	v13 =	vlaneseq.u32;
	v12 =	vmov v15;
	v9 =	vmov v14;
	v11 =	vld [tilespmem:$0x1FF90];
	[sflag:s23] =	ssyncadd.s32 $0xFFFFE000  }
.LBB2_1:
0x1a: {  	[tilespmem:s4], [sflag:$0x5] =	stream.strided.gather [hbm4b:s7+s9], $0x6400, s10, s9, $0x38;
	[tilespmem:$0x15700] =	vst v63  }
0x1b: {  	_ =	swait.ge [sflag:s11], $0x6400  }
0x1c: {  	[sflag:s11] =	ssyncset.done $0x0  }
0x1d: {  	[sflag:s11] =	ssyncadd.s32 $0xFFFF9C00  }
0x1e: {  	[tilespmem:s12], [sflag:$0x5] =	stream.linear.gather [hbm4b:s1+s4], $0x3200, $0x38;
	[tilespmem:$0x15700] =	vst v63  }
0x1f: {  	_ =	swait.ge [sflag:s11], $0x3200  }
0x20: {  	[sflag:s11] =	ssyncset.done $0x0  }
0x21: {  	[sflag:s11] =	ssyncadd.s32 $0xFFFFCE00  }
0x22: {  	v1 =	vld [tilespmem:$0x0]  }
0x23: {  	v2 =	vld [tilespmem:$0x10]  }
0x24: {  	v3 =	vld [tilespmem:$0x20]  }
0x25: {  	v4 =	vld [tilespmem:$0x30]  }
0x26: {  	v5 =	vld [tilespmem:$0x40]  }
0x27: {  	v16 =	vld [tilespmem:$0x50];
	v1 =	vshrl.u32 v1, $0x1  }
0x28: {  	v43 =	vld [tilespmem:$0x60];
	v42 =	vshrl.u32 v2, $0x1;
	[tilespmem:$0x9600] =	vst v1  }
0x29: {  	v45 =	vld [tilespmem:$0x70];
	v44 =	vshrl.u32 v3, $0x1;
	[tilespmem:$0x9610] =	vst v42  }
0x2a: {  	v46 =	vshrl.u32 v4, $0x1;
	[tilespmem:$0x9620] =	vst v44  }
0x2b: {  	v47 =	vshrl.u32 v5, $0x1;
	[tilespmem:$0x9630] =	vst v46  }
0x2c: {  	v48 =	vshrl.u32 v16, $0x1;
	[tilespmem:$0x9640] =	vst v47  }
0x2d: {  	v49 =	vshrl.u32 v43, $0x1;
	[tilespmem:$0x9650] =	vst v48  }
0x2e: {  	v50 =	vshrl.u32 v45, $0x1;
	[tilespmem:$0x9660] =	vst v49  }
0x2f: {  	[tilespmem:$0x9670] =	vst v50  }
0x30: {  	[tilespmem:s15], [sflag:$0x1] =	stream.indirect.gather [hbm4b:s6+s13], $0x80, s14, s13, $0xb8;
	[tilespmem:$0x15700] =	vst v63  }
0x31: {  	v51 =	vld [tilespmem:$0x80]  }
0x32: {  	v52 =	vld [tilespmem:$0x90]  }
0x33: {  	v53 =	vld [tilespmem:$0xA0]  }
0x34: {  	v4 =	vld [tilespmem:$0xB0]  }
0x35: {  	v5 =	vld [tilespmem:$0xC0]  }
0x36: {  	v54 =	vld [tilespmem:$0xD0];
	v1 =	vshrl.u32 v51, $0x1  }
0x37: {  	v56 =	vld [tilespmem:$0xE0];
	v55 =	vshrl.u32 v52, $0x1;
	[tilespmem:$0x9680] =	vst v1  }
0x38: {  	v58 =	vld [tilespmem:$0xF0];
	v57 =	vshrl.u32 v53, $0x1;
	[tilespmem:$0x9690] =	vst v55  }
0x39: {  	v59 =	vshrl.u32 v4, $0x1;
	[tilespmem:$0x96A0] =	vst v57  }
0x3a: {  	v60 =	vshrl.u32 v5, $0x1;
	[tilespmem:$0x96B0] =	vst v59  }
0x3b: {  	v61 =	vshrl.u32 v54, $0x1;
	[tilespmem:$0x96C0] =	vst v60  }
0x3c: {  	v62 =	vshrl.u32 v56, $0x1;
	[tilespmem:$0x96D0] =	vst v61  }
0x3d: {  	v63 =	vshrl.u32 v58, $0x1;
	[tilespmem:$0x96E0] =	vst v62  }
0x3e: {  	s25 =	simm.s32 $0x0;
	[tilespmem:$0x96F0] =	vst v63  }
0x3f: {  	[tilespmem:s17], [sflag:$0x2] =	stream.indirect.gather [hbm4b:s6+s13], $0x80, s16, s13, $0xb8;
	[tilespmem:$0x15700] =	vst v63  }
.LBB2_2:
0x40: {  	_ =	swait.ge [sflag:s18], $0x4000  }
0x41: {  	p0 =	seq.s32 s25, $0x0;
	[sflag:s18] =	ssyncset.done $0x0  }
0x42: {  	s26 =	simm.s32 @!p0 $0x3;
	[sflag:s18] =	ssyncadd.s32 $0xFFFFC000  }
0x43: {  	_ =	swait.ge @!p0 [sflag:s26], $0x2000  }
0x44: {  	s28 =	sshll.u32 s25, $0xA;
	[sflag:s26] =	ssyncset.done @!p0 $0x0  }
0x45: {  	[sflag:s26] =	ssyncadd.s32 @!p0 $0xFFFFE000;
	s26 =	sshra.s32 s28, $0x2  }
0x46: {  	v1 =	vld [tilespmem:s26+$0x0];
	_ =	sdelay $0x2  }
0x47: {  	s28 =	simm.s32 $0x1  }
0x48: {  	s29 =	sshll.u32 s25, $0x7;
	s30 =	simm.s32 $0x0;
	v2 =	vadd.s32 s28, v13  }
0x49: {  	v21 =	vmov s29;
	s29 =	sand.u32 $0x30, s30;
	s28 =	simm.s32 $0x2;
	v2 =	vand.u32 $0xF, v2;
	v1 =	vshll.u32 v1, $0x6  }
0x4a: {  	v4 =	vadd.s32 s28, v13;
	v52 =	vor.u32 s29, v2;
	v1 =	vand.u32 $0x40, v1  }
0x4b: {  	v23 =	vor.u32 v11, v1;
	v1 =	vand.u32 $0xF, v4;
	v4 =	vor.u32 v21, v52  }
0x4c: {  	v0 =	vld [tilespmem:$0x1FF20];
	s28 =	simm.s32 $0x3;
	v54 =	vor.u32 s29, v1;
	v1 =	vor.u32 v52, v23  }
0x4d: {  	v3 =	vld [tilespmem:s26+$0x10];
	v16 =	vadd.s32 s28, v13;
	v17 =	vor.u32 v21, v54  }
0x4e: {  	v5 =	vld [tilespmem:s26+$0x30];
	v16 =	vand.u32 $0xF, v16;
	v19 =	vor.u32 v54, v23  }
0x4f: {  	v20 =	vld [tilespmem:s26+$0x40];
	v51 =	vor.u32 s29, v16;
	v16 =	vadd.s32 s30, v13  }
0x50: {  	v18 =	vand.u32 $0xF, v16;
	v16 =	vld.idx.msk [tilespmem:v4+s12+$0x0], $0xffff;
	v4 =	vor.u32 v21, v51  }
0x51: {  	v1 =	vld.idx.msk [tilespmem:v1+s15+$0x0], $0xffff  }
0x52: {  	v25 =	vshll.u32 v52, $0x7;
	v53 =	vor.u32 s29, v18;
	v18 =	vld.idx.msk [tilespmem:v17+s12+$0x0], $0xffff  }
0x53: {  	v29 =	vor.u32 v13, v25;
	v3 =	vshll.u32 v3, $0x6;
	v31 =	vld.idx.msk [tilespmem:v19+s15+$0x0], $0xffff  }
0x54: {  	v22 =	vld [tilespmem:s26+$0x50];
	v3 =	vand.u32 $0x40, v3;
	v33 =	vshll.u32 v54, $0x7  }
0x55: {  	v28 =	vor.u32 v0, v3;
	v3 =	vor.u32 v53, v23;
	v19 =	vld.idx.msk [tilespmem:v4+s12+$0x0], $0xffff;
	v4 =	vor.u32 v13, v33  }
0x56: {  	v24 =	vld [tilespmem:s26+$0x60];
	v1 =	vadd.f32 v1, v16  }
0x57: {  	v34 =	vld [tilespmem:s26+$0x70];
	v27 =	vor.u32 v21, v53  }
0x58: {  	v2 =	vld [tilespmem:s26+$0x20];
	v26 =	vor.u32 v51, v23;
	[tilespmem:v29+s19+$0x0] =	vst.idx.msk $0xffff, v1;
	v29 =	vadd.f32 v31, v18  }
0x59: {  	v32 =	vor.u32 v52, v28  }
0x5a: {  	v3 =	vld.idx.msk [tilespmem:v3+s15+$0x0], $0xffff;
	[tilespmem:v4+s19+$0x0] =	vst.idx.msk $0xffff, v29  }
0x5b: {  	v0 =	vld [tilespmem:$0x1FF30]  }
0x5c: {  	v17 =	vld.idx.msk [tilespmem:v27+s12+$0x0], $0xffff  }
0x5d: {  	v39 =	vshll.u32 v53, $0x7;
	v26 =	vld.idx.msk [tilespmem:v26+s15+$0x0], $0xffff  }
0x5e: {  	v30 =	vshll.u32 v51, $0x7;
	v2 =	vshll.u32 v2, $0x6;
	v36 =	vor.u32 v13, v39;
	v31 =	vld.idx.msk [tilespmem:v32+s15+$0x0], $0xffff  }
0x5f: {  	v2 =	vand.u32 $0x40, v2;
	v27 =	vor.u32 v13, v30  }
0x60: {  	v32 =	vor.u32 v0, v2;
	v2 =	vor.u32 v12, v25  }
0x61: {  	v3 =	vadd.f32 v3, v17  }
0x62: {  	v26 =	vadd.f32 v26, v19  }
0x63: {  	v35 =	vor.u32 v54, v28;
	[tilespmem:v36+s19+$0x0] =	vst.idx.msk $0xffff, v3;
	v31 =	vadd.f32 v31, v16  }
0x64: {  	[tilespmem:v27+s19+$0x0] =	vst.idx.msk $0xffff, v26  }
0x65: {  	[tilespmem:v2+s19+$0x0] =	vst.idx.msk $0xffff, v31  }
0x66: {  	v0 =	vld [tilespmem:$0x1FF40];
	_ =	sdelay $0x1  }
0x67: {  	v1 =	vor.u32 v51, v28;
	v4 =	vld.idx.msk [tilespmem:v35+s15+$0x0], $0xffff  }
0x68: {  	v5 =	vshll.u32 v5, $0x6  }
0x69: {  	v5 =	vand.u32 $0x40, v5;
	v29 =	vor.u32 v53, v28;
	v27 =	vor.u32 v12, v33  }
0x6a: {  	v35 =	vor.u32 v0, v5;
	v0 =	vld [tilespmem:$0x1FF50];
	_ =	sdelay $0x1  }
0x6b: {  	v20 =	vshll.u32 v20, $0x6;
	v1 =	vld.idx.msk [tilespmem:v1+s15+$0x0], $0xffff;
	v2 =	vadd.f32 v4, v18  }
0x6c: {  	v20 =	vand.u32 $0x40, v20  }
0x6d: {  	v3 =	vor.u32 v12, v30;
	v36 =	vld.idx.msk [tilespmem:v29+s15+$0x0], $0xffff;
	v26 =	vor.u32 v52, v32;
	[tilespmem:v27+s19+$0x0] =	vst.idx.msk $0xffff, v2  }
0x6e: {  	v29 =	vor.u32 v0, v20;
	v0 =	vld [tilespmem:$0x1FF60]  }
0x6f: {  	v37 =	vor.u32 v54, v32  }
0x70: {  	v1 =	vadd.f32 v1, v19  }
0x71: {  	v22 =	vshll.u32 v22, $0x6  }
0x72: {  	v22 =	vand.u32 $0x40, v22;
	v4 =	vor.u32 v51, v32;
	v5 =	vld.idx.msk [tilespmem:v26+s15+$0x0], $0xffff;
	[tilespmem:v3+s19+$0x0] =	vst.idx.msk $0xffff, v1  }
0x73: {  	v2 =	vor.u32 v12, v39;
	v26 =	vor.u32 v0, v22;
	v0 =	vld [tilespmem:$0x1FF70]  }
0x74: {  	v62 =	vor.u32 v6, v25;
	v24 =	vshll.u32 v24, $0x6;
	v27 =	vor.u32 v53, v32;
	v31 =	vld.idx.msk [tilespmem:v37+s15+$0x0], $0xffff  }
0x75: {  	v22 =	vand.u32 $0x40, v24;
	v24 =	vor.u32 v52, v35  }
0x76: {  	v38 =	vor.u32 v7, v25;
	v1 =	vadd.f32 v36, v17;
	v3 =	vor.u32 v6, v33  }
0x77: {  	s31 =	simm.s32 $0x6;
	v50 =	vor.u32 v8, v25;
	v63 =	vor.u32 v54, v35;
	v5 =	vadd.f32 v5, v16;
	v4 =	vld.idx.msk [tilespmem:v4+s15+$0x0], $0xffff  }
0x78: {  	v44 =	vadd.s32 s31, v13;
	v43 =	vor.u32 v7, v30;
	v22 =	vor.u32 v0, v22;
	v0 =	vld [tilespmem:$0x1FF80];
	[tilespmem:v2+s19+$0x0] =	vst.idx.msk $0xffff, v1  }
0x79: {  	v1 =	vor.u32 v6, v30;
	[tilespmem:v62+s19+$0x0] =	vst.idx.msk $0xffff, v5;
	v5 =	vadd.f32 v31, v18;
	v2 =	vld.idx.msk [tilespmem:v27+s15+$0x0], $0xffff  }
0x7a: {  	v48 =	vor.u32 v10, v33;
	v42 =	vor.u32 v8, v33;
	v59 =	vor.u32 v53, v35;
	v24 =	vld.idx.msk [tilespmem:v24+s15+$0x0], $0xffff  }
0x7b: {  	v44 =	vand.u32 $0xF, v44;
	v27 =	vor.u32 v51, v35;
	[tilespmem:v3+s19+$0x0] =	vst.idx.msk $0xffff, v5;
	v3 =	vor.u32 v6, v39  }
0x7c: {  	v20 =	vshll.u32 v34, $0x6;
	v11 =	vor.u32 v53, v29;
	v4 =	vadd.f32 v4, v19;
	v36 =	vld.idx.msk [tilespmem:v63+s15+$0x0], $0xffff  }
0x7d: {  	s28 =	simm.s32 $0x5;
	s29 =	simm.s32 $0x4;
	v40 =	vor.u32 v51, v29;
	v31 =	vor.u32 v54, v29;
	v5 =	vor.u32 v52, v29  }
0x7e: {  	[tilespmem:v1+s19+$0x0] =	vst.idx.msk $0xffff, v4;
	v1 =	vadd.s32 s28, v13;
	v4 =	vor.u32 v7, v33;
	s28 =	sand.u32 $0x30, s29;
	v2 =	vadd.f32 v2, v17  }
0x7f: {  	v1 =	vand.u32 $0xF, v1;
	v24 =	vadd.f32 v24, v16;
	v34 =	vor.u32 s28, v44  }
0x80: {  	v20 =	vand.u32 $0x40, v20;
	v41 =	vld.idx.msk [tilespmem:v27+s15+$0x0], $0xffff;
	v27 =	vor.u32 s28, v1;
	v61 =	vor.u32 v21, v34;
	[tilespmem:v3+s19+$0x0] =	vst.idx.msk $0xffff, v2  }
0x81: {  	v2 =	vor.u32 v21, v27;
	v3 =	vadd.s32 s29, v13;
	[tilespmem:v38+s19+$0x0] =	vst.idx.msk $0xffff, v24;
	v24 =	vadd.f32 v36, v18  }
0x82: {  	v14 =	vor.u32 v0, v20;
	v60 =	vor.u32 v27, v23;
	v45 =	vld.idx.msk [tilespmem:v59+s15+$0x0], $0xffff;
	v3 =	vand.u32 $0xF, v3  }
0x83: {  	v44 =	vor.u32 v53, v14;
	s29 =	simm.s32 $0x7;
	v5 =	vld.idx.msk [tilespmem:v5+s15+$0x0], $0xffff;
	[tilespmem:v4+s19+$0x0] =	vst.idx.msk $0xffff, v24;
	v46 =	vor.u32 s28, v3  }
0x84: {  	v1 =	vor.u32 v7, v39;
	v62 =	vadd.s32 s29, v13;
	v63 =	vld.idx.msk [tilespmem:v31+s15+$0x0], $0xffff;
	v55 =	vor.u32 v21, v46  }
0x85: {  	v47 =	vor.u32 v52, v14;
	v3 =	vand.u32 $0xF, v62;
	v4 =	vadd.f32 v41, v19;
	v38 =	vld.idx.msk [tilespmem:v61+s12+$0x0], $0xffff  }
0x86: {  	v59 =	vor.u32 v8, v39;
	v62 =	vor.u32 v34, v28;
	v49 =	vor.u32 s28, v3;
	v24 =	vld.idx.msk [tilespmem:v2+s12+$0x0], $0xffff  }
0x87: {  	v3 =	vor.u32 v49, v23;
	[tilespmem:v43+s19+$0x0] =	vst.idx.msk $0xffff, v4;
	v57 =	vld.idx.msk [tilespmem:v60+s15+$0x0], $0xffff;
	v4 =	vadd.f32 v45, v17  }
0x88: {  	v56 =	vor.u32 v21, v49;
	v41 =	vshll.u32 v49, $0x7;
	v2 =	vor.u32 v34, v23;
	v43 =	vld.idx.msk [tilespmem:v40+s15+$0x0], $0xffff  }
0x89: {  	v60 =	vor.u32 v53, v26;
	v6 =	vor.u32 v13, v41;
	[tilespmem:v1+s19+$0x0] =	vst.idx.msk $0xffff, v4;
	v37 =	vld.idx.msk [tilespmem:v55+s12+$0x0], $0xffff  }
0x8a: {  	v45 =	vor.u32 v46, v23;
	v5 =	vadd.f32 v5, v16;
	v40 =	vshll.u32 v27, $0x7;
	v0 =	vld [tilespmem:$0x1FFA0]  }
0x8b: {  	v58 =	vor.u32 v13, v40;
	v4 =	vadd.f32 v63, v18;
	v55 =	vor.u32 v51, v26;
	v1 =	vld.idx.msk [tilespmem:v11+s15+$0x0], $0xffff  }
0x8c: {  	[tilespmem:v50+s19+$0x0] =	vst.idx.msk $0xffff, v5;
	v5 =	vor.u32 v8, v30;
	v50 =	vor.u32 v54, v26;
	v3 =	vld.idx.msk [tilespmem:v3+s15+$0x0], $0xffff  }
0x8d: {  	v63 =	vor.u32 v52, v26;
	v36 =	vld.idx.msk [tilespmem:v56+s12+$0x0], $0xffff;
	v8 =	vor.u32 v9, v39;
	[tilespmem:v42+s19+$0x0] =	vst.idx.msk $0xffff, v4  }
0x8e: {  	v4 =	vor.u32 v27, v28;
	v42 =	vshll.u32 v34, $0x7;
	v2 =	vld.idx.msk [tilespmem:v2+s15+$0x0], $0xffff;
	v56 =	vadd.f32 v57, v24  }
0x8f: {  	v43 =	vadd.f32 v43, v19;
	v11 =	vor.u32 v13, v42;
	v61 =	vld.idx.msk [tilespmem:v45+s15+$0x0], $0xffff;
	v45 =	vshll.u32 v46, $0x7  }
0x90: {  	[tilespmem:v58+s19+$0x0] =	vst.idx.msk $0xffff, v56;
	v56 =	vor.u32 v13, v45;
	v31 =	vor.u32 v0, v25  }
0x91: {  	[tilespmem:v5+s19+$0x0] =	vst.idx.msk $0xffff, v43;
	v1 =	vadd.f32 v1, v17;
	v5 =	vld.idx.msk [tilespmem:v50+s15+$0x0], $0xffff;
	v43 =	vor.u32 v10, v42  }
0x92: {  	v50 =	vor.u32 v0, v30;
	v3 =	vadd.f32 v3, v36;
	v7 =	vld.idx.msk [tilespmem:v55+s15+$0x0], $0xffff;
	v55 =	vor.u32 v52, v22  }
0x93: {  	v52 =	vor.u32 v54, v14;
	[tilespmem:v59+s19+$0x0] =	vst.idx.msk $0xffff, v1;
	v1 =	vadd.f32 v2, v38  }
0x94: {  	v2 =	vor.u32 v9, v33;
	[tilespmem:v6+s19+$0x0] =	vst.idx.msk $0xffff, v3;
	v3 =	vor.u32 v49, v28;
	v58 =	vld.idx.msk [tilespmem:v60+s15+$0x0], $0xffff  }
0x95: {  	v57 =	vadd.f32 v61, v37;
	[tilespmem:v11+s19+$0x0] =	vst.idx.msk $0xffff, v1;
	v1 =	vld.idx.msk [tilespmem:v4+s15+$0x0], $0xffff;
	v4 =	vor.u32 v9, v30  }
0x96: {  	v54 =	vor.u32 v54, v22;
	v6 =	vor.u32 v51, v22;
	v61 =	vor.u32 v12, v40;
	v60 =	vld.idx.msk [tilespmem:v63+s15+$0x0], $0xffff  }
0x97: {  	v63 =	vor.u32 v27, v32;
	[tilespmem:v56+s19+$0x0] =	vst.idx.msk $0xffff, v57;
	v5 =	vadd.f32 v5, v18  }
0x98: {  	v57 =	vor.u32 v9, v25;
	v56 =	vor.u32 v51, v14;
	v7 =	vadd.f32 v7, v19  }
0x99: {  	v51 =	vor.u32 v0, v39;
	v62 =	vld.idx.msk [tilespmem:v62+s15+$0x0], $0xffff;
	[tilespmem:v2+s19+$0x0] =	vst.idx.msk $0xffff, v5;
	v5 =	vor.u32 v46, v28  }
0x9a: {  	v2 =	vor.u32 v12, v42;
	v3 =	vld.idx.msk [tilespmem:v3+s15+$0x0], $0xffff;
	[tilespmem:v4+s19+$0x0] =	vst.idx.msk $0xffff, v7;
	v4 =	vadd.f32 v58, v17  }
0x9b: {  	v59 =	vld.idx.msk [tilespmem:v54+s15+$0x0], $0xffff;
	v60 =	vadd.f32 v60, v16;
	v1 =	vadd.f32 v1, v24;
	v58 =	vor.u32 v53, v22  }
0x9c: {  	v20 =	vmov v9;
	s29 =	simm.s32 $0x8;
	s28 =	sshll.u32 s25, $0x1;
	v53 =	vmov v0;
	v54 =	vld.idx.msk [tilespmem:v6+s15+$0x0], $0xffff;
	[tilespmem:v8+s19+$0x0] =	vst.idx.msk $0xffff, v4;
	v4 =	vor.u32 v34, v32  }
.LBB2_3:
0x9d: {  	v11 =	vld [tilespmem:$0x1FFE0]  }
0x9e: {  	v5 =	vld.idx.msk [tilespmem:v5+s15+$0x0], $0xffff  }
0x9f: {  	v0 =	vld [tilespmem:$0x1FFB0];
	[tilespmem:v61+s19+$0x0] =	vst.idx.msk $0xffff, v1;
	v1 =	vor.u32 v53, v33  }
0xa0: {  	v7 =	vld.idx.msk [tilespmem:v63+s15+$0x0], $0xffff;
	[tilespmem:v57+s19+$0x0] =	vst.idx.msk $0xffff, v60;
	v57 =	vor.u32 v46, v29;
	v8 =	vadd.f32 v62, v38  }
0xa1: {  	v53 =	vmovc v46;
	v46 =	vor.u32 v12, v45;
	v3 =	vadd.f32 v3, v36;
	v63 =	vadd.f32 v59, v18  }
0xa2: {  	v10 =	vld [tilespmem:$0x1FFD0];
	v6 =	vor.u32 v11, v30;
	v25 =	vor.u32 v11, v25;
	v30 =	vor.u32 v12, v41  }
0xa3: {  	v33 =	vor.u32 v11, v39;
	v39 =	vld.idx.msk [tilespmem:v55+s15+$0x0], $0xffff;
	[tilespmem:v2+s19+$0x0] =	vst.idx.msk $0xffff, v8;
	v2 =	vor.u32 v49, v32  }
0xa4: {  	v9 =	vld [tilespmem:$0x1FFC0];
	v55 =	vor.u32 v53, v32;
	v59 =	vor.u32 v0, v40;
	v8 =	vadd.f32 v54, v19  }
0xa5: {  	v54 =	vmov v49;
	v5 =	vadd.f32 v5, v37;
	v49 =	vor.u32 v34, v29;
	v4 =	vld.idx.msk [tilespmem:v4+s15+$0x0], $0xffff  }
0xa6: {  	v60 =	vor.u32 v0, v42;
	[tilespmem:v48+s19+$0x0] =	vst.idx.msk $0xffff, v63;
	v48 =	vor.u32 v27, v35  }
0xa7: {  	v58 =	vld.idx.msk [tilespmem:v58+s15+$0x0], $0xffff;
	v7 =	vadd.f32 v7, v24;
	[tilespmem:v46+s19+$0x0] =	vst.idx.msk $0xffff, v5;
	v5 =	vor.u32 v27, v29  }
0xa8: {  	[tilespmem:v30+s19+$0x0] =	vst.idx.msk $0xffff, v3;
	v3 =	vld.idx.msk [tilespmem:v52+s15+$0x0], $0xffff;
	v30 =	vor.u32 v34, v35;
	v39 =	vadd.f32 v39, v16  }
0xa9: {  	v46 =	vld.idx.msk [tilespmem:v55+s15+$0x0], $0xffff;
	[tilespmem:v59+s19+$0x0] =	vst.idx.msk $0xffff, v7;
	v7 =	vor.u32 v10, v42;
	v52 =	vor.u32 v0, v41  }
0xaa: {  	v55 =	vor.u32 v9, v41;
	v2 =	vld.idx.msk [tilespmem:v2+s15+$0x0], $0xffff;
	[tilespmem:v6+s19+$0x0] =	vst.idx.msk $0xffff, v8;
	v4 =	vadd.f32 v4, v38  }
0xab: {  	v59 =	vor.u32 v9, v40;
	v6 =	vor.u32 v54, v29;
	v48 =	vld.idx.msk [tilespmem:v48+s15+$0x0], $0xffff;
	[tilespmem:v25+s19+$0x0] =	vst.idx.msk $0xffff, v39  }
0xac: {  	s30 =	smov.u32 s29;
	v8 =	vld.idx.msk [tilespmem:v56+s15+$0x0], $0xffff;
	v25 =	vadd.f32 v58, v17;
	v56 =	vor.u32 v53, v35;
	[tilespmem:v60+s19+$0x0] =	vst.idx.msk $0xffff, v4  }
0xad: {  	s0 =	sadd.s32 $0x2, s30;
	v4 =	vor.u32 v54, v35;
	v39 =	vld.idx.msk [tilespmem:v47+s15+$0x0], $0xffff;
	v47 =	vor.u32 v0, v45;
	v60 =	vor.u32 v9, v45  }
0xae: {  	v15 =	vmov v12;
	v0 =	vadd.s32 s0, v13;
	[tilespmem:v33+s19+$0x0] =	vst.idx.msk $0xffff, v25;
	v58 =	vld.idx.msk [tilespmem:v30+s15+$0x0], $0xffff;
	v3 =	vadd.f32 v3, v18  }
0xaf: {  	v33 =	vmovc v42;
	v30 =	vmov v41;
	v41 =	vor.u32 v9, v42;
	v44 =	vld.idx.msk [tilespmem:v44+s15+$0x0], $0xffff;
	v2 =	vadd.f32 v2, v36  }
0xb0: {  	s31 =	sadd.s32 $0x1, s30;
	v46 =	vadd.f32 v46, v37;
	v12 =	vor.u32 v20, v33;
	v25 =	vmov v40;
	[tilespmem:v1+s19+$0x0] =	vst.idx.msk $0xffff, v3  }
0xb1: {  	v1 =	vadd.f32 v8, v19;
	v19 =	vadd.f32 v48, v24;
	[tilespmem:v52+s19+$0x0] =	vst.idx.msk $0xffff, v2;
	v2 =	vadd.s32 s31, v13  }
0xb2: {  	v3 =	vadd.s32 s30, v13;
	v61 =	vor.u32 v10, v25;
	s31 =	sand.u32 $0x30, s30;
	[tilespmem:v47+s19+$0x0] =	vst.idx.msk $0xffff, v46;
	v4 =	vld.idx.msk [tilespmem:v4+s15+$0x0], $0xffff;
	v2 =	vand.u32 $0xF, v2  }
0xb3: {  	v18 =	vmovc v38;
	[tilespmem:v50+s19+$0x0] =	vst.idx.msk $0xffff, v1;
	v1 =	vand.u32 $0xF, v3;
	v3 =	vand.u32 $0xF, v0;
	v8 =	vld.idx.msk [tilespmem:v56+s15+$0x0], $0xffff;
	v2 =	vor.u32 s31, v2  }
0xb4: {  	[tilespmem:v59+s19+$0x0] =	vst.idx.msk $0xffff, v19;
	v19 =	vadd.f32 v58, v18;
	v46 =	vor.u32 s31, v1;
	v1 =	vor.u32 v21, v2  }
0xb5: {  	s3 =	sadd.s32 $0x3, s30;
	v3 =	vor.u32 s31, v3;
	v5 =	vld.idx.msk [tilespmem:v5+s15+$0x0], $0xffff;
	v48 =	vadd.f32 v44, v17;
	v47 =	vor.u32 v2, v23  }
0xb6: {  	v58 =	vadd.s32 s3, v13;
	v44 =	vor.u32 v53, v14;
	[tilespmem:v41+s19+$0x0] =	vst.idx.msk $0xffff, v19;
	v19 =	vadd.f32 v39, v16  }
0xb7: {  	v0 =	vld [tilespmem:$0x1FFA0];
	v17 =	vmovc v37;
	v40 =	vor.u32 v21, v3;
	v50 =	vor.u32 v3, v23;
	v52 =	vor.u32 v46, v23  }
0xb8: {  	v59 =	vor.u32 v21, v46;
	v56 =	vld.idx.msk [tilespmem:v49+s15+$0x0], $0xffff;
	v4 =	vadd.f32 v4, v36;
	[tilespmem:v31+s19+$0x0] =	vst.idx.msk $0xffff, v19  }
0xb9: {  	v37 =	vand.u32 $0xF, v58;
	v58 =	vor.u32 v53, v26;
	[tilespmem:v51+s19+$0x0] =	vst.idx.msk $0xffff, v48;
	v16 =	vmov v24;
	v24 =	vld.idx.msk [tilespmem:v1+s12+$0x0], $0xffff  }
0xba: {  	v39 =	vmov v45;
	v49 =	vor.u32 s31, v37;
	[tilespmem:v55+s19+$0x0] =	vst.idx.msk $0xffff, v4;
	v4 =	vadd.f32 v8, v17;
	v63 =	vld.idx.msk [tilespmem:v47+s15+$0x0], $0xffff  }
0xbb: {  	v45 =	vor.u32 v34, v26;
	v62 =	vor.u32 v49, v23;
	v1 =	vor.u32 v21, v49;
	v6 =	vld.idx.msk [tilespmem:v6+s15+$0x0], $0xffff  }
0xbc: {  	v31 =	vor.u32 v0, v25;
	v5 =	vadd.f32 v5, v16;
	v38 =	vld.idx.msk [tilespmem:v40+s12+$0x0], $0xffff;
	[tilespmem:v60+s19+$0x0] =	vst.idx.msk $0xffff, v4  }
0xbd: {  	v48 =	vmovc v43;
	v43 =	vor.u32 v10, v30;
	v9 =	vor.u32 v49, v28;
	v40 =	vshll.u32 v2, $0x7;
	v4 =	vld.idx.msk [tilespmem:v57+s15+$0x0], $0xffff  }
0xbe: {  	v42 =	vshll.u32 v3, $0x7;
	v0 =	vld [tilespmem:$0x1FFA0];
	[tilespmem:v61+s19+$0x0] =	vst.idx.msk $0xffff, v5;
	v5 =	vadd.f32 v56, v18;
	v56 =	vor.u32 v13, v40  }
0xbf: {  	v41 =	vshll.u32 v49, $0x7;
	v19 =	vmovc v36;
	v47 =	vor.u32 v27, v14;
	v37 =	vld.idx.msk [tilespmem:v59+s12+$0x0], $0xffff;
	v57 =	vor.u32 v10, v39  }
0xc0: {  	v55 =	vor.u32 v54, v26;
	v8 =	vor.u32 v13, v42;
	v36 =	vld.idx.msk [tilespmem:v1+s12+$0x0], $0xffff;
	v1 =	vadd.f32 v6, v19  }
0xc1: {  	v61 =	vor.u32 v27, v26;
	v51 =	vld.idx.msk [tilespmem:v62+s15+$0x0], $0xffff;
	[tilespmem:v7+s19+$0x0] =	vst.idx.msk $0xffff, v5;
	v6 =	vadd.f32 v63, v24  }
0xc2: {  	v5 =	vor.u32 v2, v28;
	v7 =	vld.idx.msk [tilespmem:v50+s15+$0x0], $0xffff;
	[tilespmem:v43+s19+$0x0] =	vst.idx.msk $0xffff, v1;
	v1 =	vadd.f32 v4, v17  }
0xc3: {  	v60 =	vor.u32 v3, v28;
	v59 =	vld.idx.msk [tilespmem:v52+s15+$0x0], $0xffff;
	v52 =	vor.u32 v34, v14;
	[tilespmem:v56+s19+$0x0] =	vst.idx.msk $0xffff, v6  }
0xc4: {  	v10 =	vor.u32 v20, v30;
	v50 =	vor.u32 v0, v30;
	v6 =	vld.idx.msk [tilespmem:v45+s15+$0x0], $0xffff;
	[tilespmem:v57+s19+$0x0] =	vst.idx.msk $0xffff, v1  }
0xc5: {  	v0 =	vor.u32 v34, v22;
	v63 =	vor.u32 v13, v41;
	v43 =	vor.u32 v11, v42;
	v58 =	vld.idx.msk [tilespmem:v58+s15+$0x0], $0xffff  }
0xc6: {  	v11 =	vor.u32 v54, v22;
	v45 =	vshll.u32 v46, $0x7;
	v4 =	vld.idx.msk [tilespmem:v55+s15+$0x0], $0xffff;
	v55 =	vor.u32 v27, v22  }
0xc7: {  	v56 =	vld.idx.msk [tilespmem:v5+s15+$0x0], $0xffff;
	v27 =	vmov v2;
	v2 =	vor.u32 v13, v45;
	v1 =	vadd.f32 v7, v38  }
0xc8: {  	v34 =	vmovc v3;
	v3 =	vadd.f32 v59, v37;
	v5 =	vor.u32 v46, v28;
	v51 =	vadd.f32 v51, v36  }
0xc9: {  	v7 =	vld.idx.msk [tilespmem:v61+s15+$0x0], $0xffff;
	v61 =	vor.u32 v15, v40;
	[tilespmem:v8+s19+$0x0] =	vst.idx.msk $0xffff, v1;
	v8 =	vor.u32 v20, v39  }
0xca: {  	p1 =	slt.u32 s29, $0x3C;
	[tilespmem:v63+s19+$0x0] =	vst.idx.msk $0xffff, v51;
	v51 =	vadd.f32 v58, v17;
	v58 =	vor.u32 v53, v22;
	v53 =	vld [tilespmem:$0x1FFA0]  }
.Ltmp2:
0xcb: {  	v57 =	vor.u32 v20, v25;
	v63 =	vor.u32 v27, v32;
	v6 =	vadd.f32 v6, v18;
	(pc) =	sbr.rel @p1 .LBB2_3-.Ltmp2, $4  }
0xcc: {  	v62 =	vld.idx.msk [tilespmem:v60+s15+$0x0], $0xffff;
	v4 =	vadd.f32 v4, v19;
	v1 =	vadd.f32 v56, v24;
	[tilespmem:v2+s19+$0x0] =	vst.idx.msk $0xffff, v3  }
0xcd: {  	v2 =	vor.u32 v15, v42;
	v3 =	vld.idx.msk [tilespmem:v9+s15+$0x0], $0xffff;
	v56 =	vor.u32 v54, v14;
	[tilespmem:v12+s19+$0x0] =	vst.idx.msk $0xffff, v6  }
0xce: {  	v12 =	vmov v15;
	v60 =	vadd.f32 v7, v16;
	v59 =	vld.idx.msk [tilespmem:v0+s15+$0x0], $0xffff;
	[tilespmem:v10+s19+$0x0] =	vst.idx.msk $0xffff, v4  }
0xcf: {  	s29 =	sadd.s32 $0x4, s29;
	v4 =	vor.u32 v34, v32;
	v54 =	vld.idx.msk [tilespmem:v11+s15+$0x0], $0xffff;
	[tilespmem:v8+s19+$0x0] =	vst.idx.msk $0xffff, v51;
	v51 =	vor.u32 v53, v39  }
0xd0: {  	_ =	sdelay $0x3  }
0xd1: {  	v0 =	vld.idx.msk [tilespmem:v5+s15+$0x0], $0xffff  }
0xd2: {  	v5 =	vor.u32 v12, v41  }
0xd3: {  	v7 =	vor.u32 v12, v45  }
0xd4: {  	v8 =	vadd.f32 v62, v38  }
0xd5: {  	[tilespmem:v61+s19+$0x0] =	vst.idx.msk $0xffff, v1;
	v3 =	vadd.f32 v3, v36  }
0xd6: {  	[tilespmem:v2+s19+$0x0] =	vst.idx.msk $0xffff, v8;
	v0 =	vadd.f32 v0, v37  }
0xd7: {  	[tilespmem:v5+s19+$0x0] =	vst.idx.msk $0xffff, v3  }
0xd8: {  	v6 =	vor.u32 v49, v32;
	[tilespmem:v7+s19+$0x0] =	vst.idx.msk $0xffff, v0  }
0xd9: {  	v9 =	vor.u32 v46, v32;
	v61 =	vld [tilespmem:$0x1FFB0];
	_ =	sdelay $0x2  }
0xda: {  	v2 =	vld.idx.msk [tilespmem:v4+s15+$0x0], $0xffff  }
0xdb: {  	v3 =	vld.idx.msk [tilespmem:v6+s15+$0x0], $0xffff  }
0xdc: {  	v1 =	vld.idx.msk [tilespmem:v9+s15+$0x0], $0xffff;
	v0 =	vor.u32 v61, v42  }
0xdd: {  	v4 =	vld.idx.msk [tilespmem:v63+s15+$0x0], $0xffff;
	v6 =	vor.u32 v61, v41  }
0xde: {  	v32 =	vor.u32 v61, v45  }
0xdf: {  	v2 =	vadd.f32 v2, v38;
	v62 =	vor.u32 v61, v40  }
0xe0: {  	v3 =	vadd.f32 v3, v36  }
0xe1: {  	[tilespmem:v0+s19+$0x0] =	vst.idx.msk $0xffff, v2;
	v0 =	vadd.f32 v1, v37  }
0xe2: {  	v1 =	vadd.f32 v4, v24;
	[tilespmem:v6+s19+$0x0] =	vst.idx.msk $0xffff, v3  }
0xe3: {  	v5 =	vor.u32 v34, v35;
	[tilespmem:v32+s19+$0x0] =	vst.idx.msk $0xffff, v0  }
0xe4: {  	v7 =	vor.u32 v49, v35;
	[tilespmem:v62+s19+$0x0] =	vst.idx.msk $0xffff, v1  }
0xe5: {  	v10 =	vor.u32 v46, v35;
	v62 =	vld [tilespmem:$0x1FFC0];
	_ =	sdelay $0x2  }
0xe6: {  	v2 =	vld.idx.msk [tilespmem:v5+s15+$0x0], $0xffff  }
0xe7: {  	v3 =	vld.idx.msk [tilespmem:v7+s15+$0x0], $0xffff  }
0xe8: {  	v1 =	vld.idx.msk [tilespmem:v10+s15+$0x0], $0xffff;
	v0 =	vor.u32 v62, v42  }
0xe9: {  	v11 =	vor.u32 v27, v35;
	v6 =	vor.u32 v62, v41  }
0xea: {  	v8 =	vor.u32 v62, v45  }
0xeb: {  	v2 =	vadd.f32 v2, v38  }
0xec: {  	v3 =	vadd.f32 v3, v36  }
0xed: {  	[tilespmem:v0+s19+$0x0] =	vst.idx.msk $0xffff, v2;
	v0 =	vadd.f32 v1, v37  }
0xee: {  	v4 =	vor.u32 v34, v29;
	v5 =	vld.idx.msk [tilespmem:v11+s15+$0x0], $0xffff;
	[tilespmem:v6+s19+$0x0] =	vst.idx.msk $0xffff, v3  }
0xef: {  	v7 =	vor.u32 v49, v29;
	[tilespmem:v8+s19+$0x0] =	vst.idx.msk $0xffff, v0  }
0xf0: {  	v63 =	vor.u32 v46, v29;
	v32 =	vor.u32 v62, v40;
	v12 =	vld [tilespmem:$0x1FFD0];
	_ =	sdelay $0x1  }
0xf1: {  	v35 =	vor.u32 v27, v29  }
0xf2: {  	v1 =	vadd.f32 v5, v24;
	v2 =	vld.idx.msk [tilespmem:v4+s15+$0x0], $0xffff  }
0xf3: {  	v3 =	vld.idx.msk [tilespmem:v7+s15+$0x0], $0xffff  }
0xf4: {  	[tilespmem:v32+s19+$0x0] =	vst.idx.msk $0xffff, v1;
	v1 =	vld.idx.msk [tilespmem:v63+s15+$0x0], $0xffff;
	v0 =	vor.u32 v12, v42  }
0xf5: {  	v6 =	vor.u32 v34, v26;
	v5 =	vor.u32 v12, v41  }
0xf6: {  	v7 =	vor.u32 v49, v26;
	v4 =	vld.idx.msk [tilespmem:v35+s15+$0x0], $0xffff;
	v63 =	vor.u32 v12, v45  }
0xf7: {  	v2 =	vadd.f32 v2, v38  }
0xf8: {  	v32 =	vor.u32 v46, v26;
	v3 =	vadd.f32 v3, v36;
	v9 =	vor.u32 v12, v40  }
0xf9: {  	v35 =	vor.u32 v27, v26;
	[tilespmem:v0+s19+$0x0] =	vst.idx.msk $0xffff, v2;
	v0 =	vadd.f32 v1, v37  }
0xfa: {  	[tilespmem:v5+s19+$0x0] =	vst.idx.msk $0xffff, v3;
	v2 =	vld.idx.msk [tilespmem:v6+s15+$0x0], $0xffff  }
0xfb: {  	v1 =	vadd.f32 v4, v24;
	v3 =	vld.idx.msk [tilespmem:v7+s15+$0x0], $0xffff;
	[tilespmem:v63+s19+$0x0] =	vst.idx.msk $0xffff, v0  }
0xfc: {  	v63 =	vld [tilespmem:$0x1FFE0]  }
0xfd: {  	v21 =	vor.u32 v20, v40;
	v4 =	vor.u32 v20, v42;
	[tilespmem:v9+s19+$0x0] =	vst.idx.msk $0xffff, v1;
	v1 =	vld.idx.msk [tilespmem:v32+s15+$0x0], $0xffff  }
0xfe: {  	v5 =	vor.u32 v34, v22;
	v6 =	vor.u32 v20, v41;
	[tilespmem:v57+s19+$0x0] =	vst.idx.msk $0xffff, v60;
	v7 =	vld.idx.msk [tilespmem:v35+s15+$0x0], $0xffff  }
0xff: {  	v57 =	vadd.f32 v59, v18;
	v59 =	vor.u32 v49, v22;
	v60 =	vor.u32 v20, v45  }
0x100: {  	v23 =	vor.u32 v46, v22;
	v12 =	vld.idx.msk [tilespmem:v58+s15+$0x0], $0xffff;
	v32 =	vor.u32 v27, v22;
	v2 =	vadd.f32 v2, v38  }
0x101: {  	[tilespmem:v48+s19+$0x0] =	vst.idx.msk $0xffff, v57;
	v3 =	vadd.f32 v3, v36;
	v0 =	vor.u32 v63, v30  }
0x102: {  	v55 =	vld.idx.msk [tilespmem:v55+s15+$0x0], $0xffff;
	v35 =	vor.u32 v49, v14;
	v1 =	vadd.f32 v1, v37;
	[tilespmem:v4+s19+$0x0] =	vst.idx.msk $0xffff, v2  }
0x103: {  	v22 =	vor.u32 v63, v39;
	[tilespmem:v6+s19+$0x0] =	vst.idx.msk $0xffff, v3;
	v4 =	vadd.f32 v7, v24;
	v5 =	vld.idx.msk [tilespmem:v5+s15+$0x0], $0xffff  }
0x104: {  	v3 =	vor.u32 v63, v25;
	v6 =	vadd.f32 v54, v19;
	[tilespmem:v60+s19+$0x0] =	vst.idx.msk $0xffff, v1;
	v1 =	vld.idx.msk [tilespmem:v59+s15+$0x0], $0xffff  }
0x105: {  	v2 =	vor.u32 v53, v33;
	v33 =	vadd.f32 v12, v17;
	[tilespmem:v21+s19+$0x0] =	vst.idx.msk $0xffff, v4;
	v4 =	vld.idx.msk [tilespmem:v23+s15+$0x0], $0xffff  }
0x106: {  	v9 =	vld.idx.msk [tilespmem:v32+s15+$0x0], $0xffff;
	[tilespmem:v0+s19+$0x0] =	vst.idx.msk $0xffff, v6;
	v0 =	vor.u32 v34, v14;
	v6 =	vor.u32 v63, v41  }
0x107: {  	v39 =	vor.u32 v63, v45;
	v7 =	vadd.f32 v55, v16;
	v21 =	vor.u32 v46, v14;
	v34 =	vld.idx.msk [tilespmem:v52+s15+$0x0], $0xffff  }
0x108: {  	[tilespmem:v22+s19+$0x0] =	vst.idx.msk $0xffff, v33;
	v22 =	vor.u32 v63, v40;
	v12 =	vld.idx.msk [tilespmem:v56+s15+$0x0], $0xffff;
	v5 =	vadd.f32 v5, v38  }
0x109: {  	[tilespmem:v3+s19+$0x0] =	vst.idx.msk $0xffff, v7;
	v7 =	vor.u32 v27, v14;
	v3 =	vld.idx.msk [tilespmem:v44+s15+$0x0], $0xffff;
	v1 =	vadd.f32 v1, v36  }
0x10a: {  	v14 =	vld.idx.msk [tilespmem:v47+s15+$0x0], $0xffff;
	[tilespmem:v43+s19+$0x0] =	vst.idx.msk $0xffff, v5;
	v4 =	vadd.f32 v4, v37  }
0x10b: {  	v5 =	vadd.f32 v9, v24;
	v0 =	vld.idx.msk [tilespmem:v0+s15+$0x0], $0xffff;
	[tilespmem:v6+s19+$0x0] =	vst.idx.msk $0xffff, v1  }
0x10c: {  	v1 =	vadd.f32 v34, v18;
	[tilespmem:v39+s19+$0x0] =	vst.idx.msk $0xffff, v4;
	v6 =	vld.idx.msk [tilespmem:v35+s15+$0x0], $0xffff  }
0x10d: {  	v46 =	vor.u32 v53, v42;
	v4 =	vadd.f32 v12, v19;
	[tilespmem:v22+s19+$0x0] =	vst.idx.msk $0xffff, v5;
	v5 =	vld.idx.msk [tilespmem:v21+s15+$0x0], $0xffff  }
0x10e: {  	[tilespmem:v2+s19+$0x0] =	vst.idx.msk $0xffff, v1;
	v1 =	vadd.f32 v3, v17;
	v2 =	vor.u32 v53, v41;
	v3 =	vld.idx.msk [tilespmem:v7+s15+$0x0], $0xffff  }
0x10f: {  	v7 =	vor.u32 v53, v45;
	[tilespmem:v50+s19+$0x0] =	vst.idx.msk $0xffff, v4;
	v4 =	vadd.f32 v14, v16  }
0x110: {  	[tilespmem:v51+s19+$0x0] =	vst.idx.msk $0xffff, v1;
	v1 =	vor.u32 v53, v40;
	v0 =	vadd.f32 v0, v38  }
0x111: {  	[tilespmem:v31+s19+$0x0] =	vst.idx.msk $0xffff, v4;
	v4 =	vadd.f32 v6, v36  }
0x112: {  	s0 =	sshll.u32 s25, $0x13;
	[tilespmem:v46+s19+$0x0] =	vst.idx.msk $0xffff, v0;
	v0 =	vadd.f32 v5, v37  }
0x113: {  	s0 =	sor.u32 s5, s0;
	[tilespmem:v2+s19+$0x0] =	vst.idx.msk $0xffff, v4;
	v2 =	vadd.f32 v3, v24  }
0x114: {  	s0 =	sshrl.u32 s0, $0x3;
	[tilespmem:v7+s19+$0x0] =	vst.idx.msk $0xffff, v0  }
0x115: {  	p1 =	seq.s32 s25, $0x63;
	s0 =	sadd.s32 s2, s0;
	[tilespmem:v1+s19+$0x0] =	vst.idx.msk $0xffff, v2  }
0x116: {  	[hbm4b:s0+s9] =	stream.strided.scatter [tilespmem:s19], [sflag:$0x3], $0x2000, s10, s9, $0x38;
	[tilespmem:$0x15700] =	vst v63  }
0x117: {  	v0 =	vld @!p1 [tilespmem:s26+$0x100];
	_ =	sdelay $0x4  }
0x118: {  	v0 =	vshrl.u32 @!p1 v0, $0x1  }
0x119: {  	[tilespmem:$0x9600] =	vst @!p1 v0  }
0x11a: {  	v0 =	vld @!p1 [tilespmem:s26+$0x110];
	_ =	sdelay $0x4  }
0x11b: {  	v0 =	vshrl.u32 @!p1 v0, $0x1  }
0x11c: {  	[tilespmem:$0x9610] =	vst @!p1 v0  }
0x11d: {  	v0 =	vld @!p1 [tilespmem:s26+$0x120];
	_ =	sdelay $0x4  }
0x11e: {  	v0 =	vshrl.u32 @!p1 v0, $0x1  }
0x11f: {  	[tilespmem:$0x9620] =	vst @!p1 v0  }
0x120: {  	v0 =	vld @!p1 [tilespmem:s26+$0x130];
	_ =	sdelay $0x4  }
0x121: {  	v0 =	vshrl.u32 @!p1 v0, $0x1  }
0x122: {  	[tilespmem:$0x9630] =	vst @!p1 v0  }
0x123: {  	v0 =	vld @!p1 [tilespmem:s26+$0x140];
	_ =	sdelay $0x4  }
0x124: {  	v0 =	vshrl.u32 @!p1 v0, $0x1  }
0x125: {  	[tilespmem:$0x9640] =	vst @!p1 v0  }
0x126: {  	v0 =	vld @!p1 [tilespmem:s26+$0x150];
	_ =	sdelay $0x4  }
0x127: {  	v0 =	vshrl.u32 @!p1 v0, $0x1  }
0x128: {  	[tilespmem:$0x9650] =	vst @!p1 v0  }
0x129: {  	v0 =	vld @!p1 [tilespmem:s26+$0x160];
	_ =	sdelay $0x4  }
0x12a: {  	v0 =	vshrl.u32 @!p1 v0, $0x1  }
0x12b: {  	[tilespmem:$0x9660] =	vst @!p1 v0  }
0x12c: {  	v0 =	vld @!p1 [tilespmem:s26+$0x170];
	_ =	sdelay $0x4  }
0x12d: {  	v0 =	vshrl.u32 @!p1 v0, $0x1  }
0x12e: {  	s3 =	simm.s32 @!p1 $0x9600;
	s29 =	simm.s32 @!p1 $0x9700;
	s0 =	simm.s32 @!p1 $0x80;
	[tilespmem:$0x9670] =	vst @!p1 v0  }
0x12f: {  	[tilespmem:s29], [sflag:$0x1] =	stream.indirect.gather @!p1 [hbm4b:s6+s0], $0x80, s3, s0, $0xb8;
	[tilespmem:$0x15700] =	vst v63  }
0x130: {  	_ =	swait.ge [sflag:s20], $0x4000  }
0x131: {  	[sflag:s20] =	ssyncset.done $0x0  }
0x132: {  	s0 =	simm.s32 @!p0 $0x4;
	[sflag:s20] =	ssyncadd.s32 $0xFFFFC000  }
0x133: {  	s28 =	sor.u32 $0x1, s28;
	_ =	swait.ge @!p0 [sflag:s0], $0x2000  }
0x134: {  	s30 =	sshll.u32 s28, $0x7;
	[sflag:s0] =	ssyncset.done @!p0 $0x0  }
0x135: {  	[sflag:s0] =	ssyncadd.s32 @!p0 $0xFFFFE000;
	s0 =	sand.u32 $0x3FFFFF80, s30  }
0x136: {  	v0 =	vld [tilespmem:s0+$0x0];
	_ =	sdelay $0x1  }
0x137: {  	v4 =	vld [tilespmem:$0x1FF90];
	_ =	sdelay $0x1  }
0x138: {  	s31 =	simm.s32 $0x1  }
0x139: {  	v1 =	vadd.s32 s31, v13;
	s31 =	simm.s32 $0x2;
	v0 =	vshll.u32 v0, $0x6  }
0x13a: {  	v3 =	vadd.s32 s31, v13;
	s29 =	sshll.u32 s28, $0x6;
	s30 =	simm.s32 $0x0;
	v0 =	vand.u32 $0x40, v0  }
0x13b: {  	v21 =	vmov s29;
	s29 =	sand.u32 $0x30, s30;
	v23 =	vor.u32 v4, v0;
	v0 =	vand.u32 $0xF, v3  }
0x13c: {  	v54 =	vor.u32 s29, v0  }
0x13d: {  	v7 =	vor.u32 v21, v54  }
0x13e: {  	v1 =	vand.u32 $0xF, v1  }
0x13f: {  	v52 =	vor.u32 s29, v1  }
0x140: {  	v3 =	vor.u32 v21, v52  }
0x141: {  	s31 =	simm.s32 $0x3;
	v2 =	vld [tilespmem:s0+$0x10];
	v0 =	vor.u32 v52, v23  }
0x142: {  	v5 =	vadd.s32 s31, v13;
	v18 =	vld.idx.msk [tilespmem:v7+s12+$0x0], $0xffff  }
0x143: {  	v5 =	vand.u32 $0xF, v5;
	v56 =	vor.u32 v54, v23;
	v7 =	vld [tilespmem:$0x1FF20]  }
0x144: {  	v6 =	vld [tilespmem:s0+$0x40];
	v51 =	vor.u32 s29, v5  }
0x145: {  	v16 =	vld.idx.msk [tilespmem:v3+s12+$0x0], $0xffff;
	v3 =	vor.u32 v21, v51  }
0x146: {  	v2 =	vshll.u32 v2, $0x6;
	v0 =	vld.idx.msk [tilespmem:v0+s17+$0x0], $0xffff  }
0x147: {  	v47 =	vld [tilespmem:s0+$0x50];
	v57 =	vadd.s32 s30, v13;
	v25 =	vshll.u32 v52, $0x7;
	v2 =	vand.u32 $0x40, v2  }
0x148: {  	v10 =	vand.u32 $0xF, v57;
	v9 =	vld.idx.msk [tilespmem:v56+s17+$0x0], $0xffff;
	v28 =	vor.u32 v7, v2;
	v7 =	vor.u32 v13, v25  }
0x149: {  	v14 =	vld [tilespmem:s0+$0x70];
	v53 =	vor.u32 s29, v10;
	v33 =	vshll.u32 v54, $0x7  }
0x14a: {  	v10 =	vor.u32 v21, v53;
	v19 =	vld.idx.msk [tilespmem:v3+s12+$0x0], $0xffff;
	v3 =	vor.u32 v13, v33  }
0x14b: {  	v1 =	vld [tilespmem:s0+$0x20];
	v0 =	vadd.f32 v0, v16  }
0x14c: {  	v5 =	vld [tilespmem:s0+$0x60];
	v58 =	vor.u32 v51, v23  }
0x14d: {  	v4 =	vld [tilespmem:s0+$0x30];
	v2 =	vor.u32 v53, v23;
	[tilespmem:v7+s21+$0x0] =	vst.idx.msk $0xffff, v0;
	v7 =	vadd.f32 v9, v18  }
0x14e: {  	v12 =	vor.u32 v52, v28  }
0x14f: {  	v17 =	vld.idx.msk [tilespmem:v10+s12+$0x0], $0xffff;
	[tilespmem:v3+s21+$0x0] =	vst.idx.msk $0xffff, v7  }
0x150: {  	v3 =	vld [tilespmem:$0x1FF30]  }
0x151: {  	v11 =	vld.idx.msk [tilespmem:v58+s17+$0x0], $0xffff  }
0x152: {  	v30 =	vshll.u32 v51, $0x7;
	v2 =	vld.idx.msk [tilespmem:v2+s17+$0x0], $0xffff  }
0x153: {  	v59 =	vor.u32 v13, v30;
	v39 =	vshll.u32 v53, $0x7;
	v1 =	vshll.u32 v1, $0x6;
	v60 =	vld.idx.msk [tilespmem:v12+s17+$0x0], $0xffff  }
0x154: {  	v1 =	vand.u32 $0x40, v1;
	v0 =	vor.u32 v51, v28;
	v12 =	vor.u32 v13, v39  }
0x155: {  	v22 =	vor.u32 v54, v28;
	v32 =	vor.u32 v3, v1;
	v1 =	vor.u32 v15, v25  }
0x156: {  	v11 =	vadd.f32 v11, v19  }
0x157: {  	v2 =	vadd.f32 v2, v17  }
0x158: {  	[tilespmem:v59+s21+$0x0] =	vst.idx.msk $0xffff, v11;
	v9 =	vadd.f32 v60, v16  }
0x159: {  	v0 =	vld.idx.msk [tilespmem:v0+s17+$0x0], $0xffff;
	[tilespmem:v12+s21+$0x0] =	vst.idx.msk $0xffff, v2  }
0x15a: {  	v3 =	vld.idx.msk [tilespmem:v22+s17+$0x0], $0xffff;
	[tilespmem:v1+s21+$0x0] =	vst.idx.msk $0xffff, v9  }
0x15b: {  	v9 =	vld [tilespmem:$0x1FF40]  }
0x15c: {  	v43 =	vor.u32 v15, v33;
	v7 =	vor.u32 v53, v28  }
0x15d: {  	v2 =	vor.u32 v15, v30  }
0x15e: {  	v4 =	vshll.u32 v4, $0x6  }
0x15f: {  	v4 =	vand.u32 $0x40, v4;
	v1 =	vadd.f32 v3, v18  }
0x160: {  	v42 =	vor.u32 v52, v32;
	v0 =	vadd.f32 v0, v19;
	v35 =	vor.u32 v9, v4;
	v4 =	vld [tilespmem:$0x1FF50]  }
0x161: {  	v7 =	vld.idx.msk [tilespmem:v7+s17+$0x0], $0xffff;
	[tilespmem:v43+s21+$0x0] =	vst.idx.msk $0xffff, v1  }
0x162: {  	v22 =	vor.u32 v54, v32;
	v12 =	vld [tilespmem:$0x1FF60];
	[tilespmem:v2+s21+$0x0] =	vst.idx.msk $0xffff, v0  }
0x163: {  	v6 =	vshll.u32 v6, $0x6;
	v0 =	vld [tilespmem:$0x1FF70]  }
0x164: {  	v6 =	vand.u32 $0x40, v6  }
0x165: {  	v3 =	vor.u32 v51, v32;
	v29 =	vor.u32 v4, v6;
	v4 =	vld.idx.msk [tilespmem:v42+s17+$0x0], $0xffff  }
0x166: {  	v5 =	vshll.u32 v5, $0x6;
	v1 =	vor.u32 v15, v39  }
0x167: {  	v46 =	vor.u32 v61, v25;
	v5 =	vand.u32 $0x40, v5;
	v44 =	vor.u32 v53, v32;
	v45 =	vld.idx.msk [tilespmem:v22+s17+$0x0], $0xffff  }
0x168: {  	v22 =	vor.u32 v0, v5;
	v0 =	vadd.f32 v7, v17;
	v7 =	vld [tilespmem:$0x1FF80]  }
0x169: {  	v8 =	vshll.u32 v47, $0x6;
	v2 =	vor.u32 v61, v33  }
0x16a: {  	v47 =	vor.u32 v52, v35;
	v3 =	vld.idx.msk [tilespmem:v3+s17+$0x0], $0xffff;
	v6 =	vshll.u32 v14, $0x6;
	v4 =	vadd.f32 v4, v16  }
0x16b: {  	v5 =	vand.u32 $0x40, v6;
	v6 =	vor.u32 v54, v35;
	[tilespmem:v1+s21+$0x0] =	vst.idx.msk $0xffff, v0  }
0x16c: {  	v0 =	vor.u32 v61, v30;
	v1 =	vld.idx.msk [tilespmem:v44+s17+$0x0], $0xffff;
	[tilespmem:v46+s21+$0x0] =	vst.idx.msk $0xffff, v4;
	v4 =	vadd.f32 v45, v18  }
0x16d: {  	v14 =	vor.u32 v7, v5;
	v5 =	vor.u32 v51, v35  }
0x16e: {  	v8 =	vand.u32 $0x40, v8;
	[tilespmem:v2+s21+$0x0] =	vst.idx.msk $0xffff, v4;
	v2 =	vor.u32 v61, v39  }
0x16f: {  	v50 =	vor.u32 v53, v35;
	v26 =	vor.u32 v12, v8;
	v3 =	vadd.f32 v3, v19;
	v8 =	vld.idx.msk [tilespmem:v47+s17+$0x0], $0xffff  }
0x170: {  	v6 =	vld.idx.msk [tilespmem:v6+s17+$0x0], $0xffff  }
0x171: {  	v56 =	vld [tilespmem:$0x1FFD0];
	[tilespmem:v0+s21+$0x0] =	vst.idx.msk $0xffff, v3;
	v1 =	vadd.f32 v1, v17  }
0x172: {  	v3 =	vor.u32 v62, v33;
	v5 =	vld.idx.msk [tilespmem:v5+s17+$0x0], $0xffff  }
0x173: {  	s30 =	simm.s32 $0x5;
	v55 =	vor.u32 v62, v25;
	[tilespmem:v2+s21+$0x0] =	vst.idx.msk $0xffff, v1  }
0x174: {  	s31 =	simm.s32 $0x4;
	v31 =	vor.u32 v62, v30;
	v4 =	vor.u32 v52, v29;
	v0 =	vadd.s32 s30, v13;
	v10 =	vld.idx.msk [tilespmem:v50+s17+$0x0], $0xffff  }
0x175: {  	v49 =	vor.u32 v54, v29;
	s30 =	sand.u32 $0x30, s31;
	v0 =	vand.u32 $0xF, v0;
	v6 =	vadd.f32 v6, v18  }
0x176: {  	v27 =	vor.u32 s30, v0;
	v0 =	vor.u32 v62, v39;
	v8 =	vadd.f32 v8, v16  }
0x177: {  	[tilespmem:v3+s21+$0x0] =	vst.idx.msk $0xffff, v6;
	v3 =	vadd.f32 v5, v19  }
0x178: {  	v58 =	vor.u32 v27, v23;
	[tilespmem:v55+s21+$0x0] =	vst.idx.msk $0xffff, v8  }
0x179: {  	s29 =	simm.s32 $0x6;
	v12 =	vor.u32 v51, v29;
	v4 =	vld.idx.msk [tilespmem:v4+s17+$0x0], $0xffff;
	[tilespmem:v31+s21+$0x0] =	vst.idx.msk $0xffff, v3;
	v3 =	vadd.f32 v10, v17  }
0x17a: {  	v24 =	vadd.s32 s29, v13;
	v1 =	vor.u32 v21, v27  }
0x17b: {  	v24 =	vand.u32 $0xF, v24;
	v2 =	vadd.s32 s31, v13;
	v6 =	vor.u32 v56, v25;
	v5 =	vld.idx.msk [tilespmem:v49+s17+$0x0], $0xffff;
	[tilespmem:v0+s21+$0x0] =	vst.idx.msk $0xffff, v3  }
0x17c: {  	v7 =	vor.u32 v53, v29;
	v34 =	vor.u32 s30, v24;
	s31 =	simm.s32 $0x7;
	v2 =	vand.u32 $0xF, v2;
	v0 =	vld [tilespmem:$0x1FFA0]  }
0x17d: {  	v59 =	vor.u32 v21, v34;
	v24 =	vadd.s32 s31, v13;
	v46 =	vor.u32 s30, v2;
	v8 =	vld.idx.msk [tilespmem:v58+s17+$0x0], $0xffff  }
0x17e: {  	v2 =	vand.u32 $0xF, v24;
	v60 =	vor.u32 v21, v46;
	v61 =	vld.idx.msk [tilespmem:v12+s17+$0x0], $0xffff;
	v4 =	vadd.f32 v4, v16  }
0x17f: {  	v57 =	vor.u32 v56, v33;
	v49 =	vor.u32 s30, v2;
	v24 =	vld.idx.msk [tilespmem:v1+s12+$0x0], $0xffff;
	v1 =	vor.u32 v34, v23  }
0x180: {  	v40 =	vshll.u32 v27, $0x7;
	v2 =	vor.u32 v49, v23;
	[tilespmem:v6+s21+$0x0] =	vst.idx.msk $0xffff, v4;
	v4 =	vor.u32 v56, v30  }
0x181: {  	v62 =	vor.u32 v21, v49;
	v31 =	vor.u32 v0, v25;
	v0 =	vld.idx.msk [tilespmem:v7+s17+$0x0], $0xffff;
	v7 =	vor.u32 v13, v40  }
0x182: {  	v38 =	vld.idx.msk [tilespmem:v59+s12+$0x0], $0xffff;
	v3 =	vadd.f32 v5, v18  }
0x183: {  	v45 =	vor.u32 v56, v39;
	v37 =	vld.idx.msk [tilespmem:v60+s12+$0x0], $0xffff;
	v5 =	vor.u32 v54, v26;
	v10 =	vadd.f32 v61, v19  }
0x184: {  	v6 =	vor.u32 v51, v26;
	v1 =	vld.idx.msk [tilespmem:v1+s17+$0x0], $0xffff;
	v8 =	vadd.f32 v8, v24;
	[tilespmem:v57+s21+$0x0] =	vst.idx.msk $0xffff, v3  }
0x185: {  	v42 =	vshll.u32 v34, $0x7;
	v12 =	vor.u32 v46, v23;
	v2 =	vld.idx.msk [tilespmem:v2+s17+$0x0], $0xffff;
	[tilespmem:v4+s21+$0x0] =	vst.idx.msk $0xffff, v10  }
0x186: {  	v60 =	vor.u32 v13, v42;
	v36 =	vld.idx.msk [tilespmem:v62+s12+$0x0], $0xffff;
	v3 =	vor.u32 v27, v28;
	[tilespmem:v7+s21+$0x0] =	vst.idx.msk $0xffff, v8  }
0x187: {  	v0 =	vadd.f32 v0, v17;
	v7 =	vld [tilespmem:$0x1FFA0]  }
0x188: {  	v58 =	vor.u32 v34, v28;
	v41 =	vshll.u32 v49, $0x7;
	v4 =	vld.idx.msk [tilespmem:v5+s17+$0x0], $0xffff  }
0x189: {  	v5 =	vor.u32 v13, v41;
	v6 =	vld.idx.msk [tilespmem:v6+s17+$0x0], $0xffff;
	[tilespmem:v45+s21+$0x0] =	vst.idx.msk $0xffff, v0;
	v0 =	vadd.f32 v1, v38  }
0x18a: {  	v62 =	vor.u32 v52, v26;
	v61 =	vor.u32 v53, v26;
	v12 =	vld.idx.msk [tilespmem:v12+s17+$0x0], $0xffff;
	v1 =	vor.u32 v20, v33  }
0x18b: {  	v45 =	vshll.u32 v46, $0x7;
	[tilespmem:v60+s21+$0x0] =	vst.idx.msk $0xffff, v0;
	v0 =	vld.idx.msk [tilespmem:v3+s17+$0x0], $0xffff;
	v3 =	vor.u32 v20, v30  }
0x18c: {  	v2 =	vadd.f32 v2, v36;
	v50 =	vor.u32 v7, v30;
	v7 =	vor.u32 v13, v45  }
0x18d: {  	v47 =	vor.u32 v52, v14;
	v55 =	vor.u32 v52, v22;
	v4 =	vadd.f32 v4, v18  }
0x18e: {  	v52 =	vor.u32 v54, v14;
	[tilespmem:v5+s21+$0x0] =	vst.idx.msk $0xffff, v2;
	v6 =	vadd.f32 v6, v19  }
0x18f: {  	v8 =	vor.u32 v54, v22;
	v54 =	vld.idx.msk [tilespmem:v62+s17+$0x0], $0xffff;
	v2 =	vadd.f32 v12, v37;
	[tilespmem:v1+s21+$0x0] =	vst.idx.msk $0xffff, v4  }
0x190: {  	v9 =	vld.idx.msk [tilespmem:v61+s17+$0x0], $0xffff;
	[tilespmem:v3+s21+$0x0] =	vst.idx.msk $0xffff, v6  }
0x191: {  	v11 =	vor.u32 v51, v22;
	v10 =	vor.u32 v49, v28;
	v62 =	vld.idx.msk [tilespmem:v58+s17+$0x0], $0xffff;
	[tilespmem:v7+s21+$0x0] =	vst.idx.msk $0xffff, v2  }
0x192: {  	v44 =	vor.u32 v53, v14;
	v58 =	vor.u32 v53, v22;
	v4 =	vor.u32 v20, v39;
	v53 =	vld [tilespmem:$0x1FFA0]  }
0x193: {  	v48 =	vor.u32 v63, v33;
	v43 =	vor.u32 v63, v42;
	v61 =	vor.u32 v15, v40  }
0x194: {  	v63 =	vor.u32 v27, v32;
	v56 =	vor.u32 v51, v14;
	v57 =	vor.u32 v20, v25  }
0x195: {  	v5 =	vor.u32 v46, v28;
	v59 =	vld.idx.msk [tilespmem:v8+s17+$0x0], $0xffff;
	v1 =	vadd.f32 v0, v24;
	v0 =	vadd.f32 v9, v17  }
0x196: {  	v12 =	vmov v15;
	v60 =	vadd.f32 v54, v16;
	v3 =	vld.idx.msk [tilespmem:v10+s17+$0x0], $0xffff;
	v2 =	vor.u32 v15, v42;
	[tilespmem:$0x1FF10] =	vst v14  }
0x197: {  	s29 =	simm.s32 $0x8;
	v14 =	vlaneseq.u32;
	[tilespmem:v4+s21+$0x0] =	vst.idx.msk $0xffff, v0;
	v4 =	vor.u32 v34, v32;
	v54 =	vld.idx.msk [tilespmem:v11+s17+$0x0], $0xffff;
	v51 =	vor.u32 v53, v39  }
.LBB2_5:
0x198: {  	[tilespmem:v61+s21+$0x0] =	vst.idx.msk $0xffff, v1;
	v61 =	vld [tilespmem:$0x1FFE0]  }
0x199: {  	v13 =	vld [tilespmem:$0x1FFB0]  }
0x19a: {  	v0 =	vld.idx.msk [tilespmem:v5+s17+$0x0], $0xffff;
	v1 =	vor.u32 v53, v33;
	v7 =	vadd.f32 v62, v38;
	v9 =	vor.u32 v12, v41  }
0x19b: {  	v12 =	vor.u32 v15, v45;
	v6 =	vld.idx.msk [tilespmem:v63+s17+$0x0], $0xffff;
	[tilespmem:v57+s21+$0x0] =	vst.idx.msk $0xffff, v60;
	v57 =	vor.u32 v46, v29  }
0x19c: {  	v53 =	vmov v46;
	[tilespmem:v2+s21+$0x0] =	vst.idx.msk $0xffff, v7;
	v2 =	vor.u32 v49, v32;
	v7 =	vadd.f32 v59, v18  }
0x19d: {  	v46 =	vld.idx.msk [tilespmem:v58+s17+$0x0], $0xffff;
	v5 =	vor.u32 v61, v30;
	v8 =	vor.u32 v61, v25;
	v25 =	vor.u32 v53, v32  }
0x19e: {  	v4 =	vld.idx.msk [tilespmem:v4+s17+$0x0], $0xffff;
	v3 =	vadd.f32 v3, v36;
	v30 =	vor.u32 v13, v40  }
0x19f: {  	v63 =	vor.u32 v27, v35;
	v11 =	vld.idx.msk [tilespmem:v55+s17+$0x0], $0xffff;
	v0 =	vadd.f32 v0, v37;
	[tilespmem:v48+s21+$0x0] =	vst.idx.msk $0xffff, v7  }
0x1a0: {  	v60 =	vor.u32 v13, v42;
	[tilespmem:v9+s21+$0x0] =	vst.idx.msk $0xffff, v3;
	v7 =	vadd.f32 v54, v19;
	v3 =	vld.idx.msk [tilespmem:v52+s17+$0x0], $0xffff  }
0x1a1: {  	v10 =	vor.u32 v61, v39;
	v6 =	vadd.f32 v6, v24;
	v2 =	vld.idx.msk [tilespmem:v2+s17+$0x0], $0xffff;
	[tilespmem:v12+s21+$0x0] =	vst.idx.msk $0xffff, v0  }
0x1a2: {  	[tilespmem:v5+s21+$0x0] =	vst.idx.msk $0xffff, v7;
	v12 =	vld.idx.msk [tilespmem:v25+s17+$0x0], $0xffff  }
0x1a3: {  	v62 =	vor.u32 v34, v35;
	v4 =	vadd.f32 v4, v38;
	[tilespmem:v30+s21+$0x0] =	vst.idx.msk $0xffff, v6;
	v7 =	vld.idx.msk [tilespmem:v56+s17+$0x0], $0xffff  }
0x1a4: {  	v33 =	vor.u32 v13, v41;
	v54 =	vmov v49;
	v55 =	vadd.f32 v46, v17;
	v25 =	vld.idx.msk [tilespmem:v63+s17+$0x0], $0xffff  }
0x1a5: {  	v11 =	vadd.f32 v11, v16;
	[tilespmem:v60+s21+$0x0] =	vst.idx.msk $0xffff, v4;
	v4 =	vor.u32 v54, v35;
	v63 =	vld [tilespmem:$0x1FFC0]  }
0x1a6: {  	s30 =	smov.u32 s29;
	v59 =	vor.u32 v53, v35;
	[tilespmem:v10+s21+$0x0] =	vst.idx.msk $0xffff, v55;
	v3 =	vadd.f32 v3, v18  }
0x1a7: {  	s3 =	sadd.s32 $0x2, s30;
	v58 =	vor.u32 v13, v45;
	[tilespmem:v8+s21+$0x0] =	vst.idx.msk $0xffff, v11;
	v10 =	vld.idx.msk [tilespmem:v44+s17+$0x0], $0xffff;
	v2 =	vadd.f32 v2, v36  }
0x1a8: {  	v39 =	vor.u32 v34, v29;
	v13 =	vadd.s32 s3, v14;
	v9 =	vld.idx.msk [tilespmem:v62+s17+$0x0], $0xffff;
	[tilespmem:v1+s21+$0x0] =	vst.idx.msk $0xffff, v3  }
0x1a9: {  	v0 =	vor.u32 v27, v29;
	v5 =	vor.u32 v54, v29;
	v3 =	vadd.s32 s30, v14;
	[tilespmem:v33+s21+$0x0] =	vst.idx.msk $0xffff, v2  }
0x1aa: {  	s0 =	sadd.s32 $0x1, s30;
	v4 =	vld.idx.msk [tilespmem:v4+s17+$0x0], $0xffff;
	v60 =	vor.u32 v63, v40;
	v1 =	vadd.f32 v7, v19;
	v7 =	vadd.f32 v12, v37  }
0x1ab: {  	v11 =	vld.idx.msk [tilespmem:v47+s17+$0x0], $0xffff;
	v18 =	vmovc v38;
	v2 =	vadd.s32 s0, v14;
	v52 =	vor.u32 v63, v41;
	v62 =	vor.u32 v63, v42  }
0x1ac: {  	s31 =	sadd.s32 $0x3, s30;
	s30 =	sand.u32 $0x30, s30;
	v2 =	vand.u32 $0xF, v2;
	v12 =	vor.u32 v63, v45;
	v10 =	vadd.f32 v10, v17;
	[tilespmem:v58+s21+$0x0] =	vst.idx.msk $0xffff, v7  }
0x1ad: {  	v19 =	vadd.f32 v25, v24;
	v2 =	vor.u32 s30, v2;
	[tilespmem:v50+s21+$0x0] =	vst.idx.msk $0xffff, v1;
	v1 =	vand.u32 $0xF, v3;
	v7 =	vld.idx.msk [tilespmem:v59+s17+$0x0], $0xffff  }
0x1ae: {  	v56 =	vld [tilespmem:$0x1FFD0];
	v9 =	vadd.f32 v9, v18;
	v46 =	vor.u32 s30, v1;
	v1 =	vor.u32 v21, v2;
	[tilespmem:v51+s21+$0x0] =	vst.idx.msk $0xffff, v10  }
0x1af: {  	v20 =	vld [tilespmem:$0x1FF10];
	v44 =	vor.u32 v2, v23;
	v3 =	vand.u32 $0xF, v13;
	v4 =	vadd.f32 v4, v36;
	[tilespmem:v60+s21+$0x0] =	vst.idx.msk $0xffff, v19  }
0x1b0: {  	v17 =	vmov v37;
	v47 =	vadd.f32 v11, v16;
	v3 =	vor.u32 s30, v3;
	[tilespmem:v62+s21+$0x0] =	vst.idx.msk $0xffff, v9;
	v0 =	vld.idx.msk [tilespmem:v0+s17+$0x0], $0xffff  }
0x1b1: {  	v63 =	vor.u32 v21, v3;
	v59 =	vor.u32 v21, v46;
	v58 =	vld.idx.msk [tilespmem:v39+s17+$0x0], $0xffff;
	[tilespmem:v52+s21+$0x0] =	vst.idx.msk $0xffff, v4  }
0x1b2: {  	v25 =	vmov v40;
	v19 =	vadd.s32 s31, v14;
	[tilespmem:v31+s21+$0x0] =	vst.idx.msk $0xffff, v47;
	v5 =	vld.idx.msk [tilespmem:v5+s17+$0x0], $0xffff;
	v4 =	vadd.f32 v7, v17  }
0x1b3: {  	v16 =	vmovc v24;
	v55 =	vor.u32 v46, v23;
	v60 =	vor.u32 v56, v25;
	v49 =	vand.u32 $0xF, v19;
	v24 =	vld.idx.msk [tilespmem:v1+s12+$0x0], $0xffff  }
0x1b4: {  	v48 =	vmov v43;
	v49 =	vor.u32 s30, v49;
	[tilespmem:v12+s21+$0x0] =	vst.idx.msk $0xffff, v4;
	v4 =	vld [tilespmem:$0x1FFA0]  }
0x1b5: {  	v30 =	vmovc v41;
	v33 =	vmov v42;
	v6 =	vor.u32 v56, v42;
	v1 =	vor.u32 v21, v49;
	v7 =	vld.idx.msk [tilespmem:v44+s17+$0x0], $0xffff  }
0x1b6: {  	v13 =	vor.u32 v54, v22;
	v62 =	vor.u32 v49, v23;
	v38 =	vld.idx.msk [tilespmem:v63+s12+$0x0], $0xffff;
	v0 =	vadd.f32 v0, v16  }
0x1b7: {  	v40 =	vshll.u32 v2, $0x7;
	v50 =	vor.u32 v3, v23;
	v39 =	vmovc v45;
	v63 =	vor.u32 v56, v30;
	v37 =	vld.idx.msk [tilespmem:v59+s12+$0x0], $0xffff  }
0x1b8: {  	v42 =	vshll.u32 v3, $0x7;
	v45 =	vor.u32 v56, v39;
	v19 =	vmov v36;
	v56 =	vld.idx.msk [tilespmem:v55+s17+$0x0], $0xffff;
	[tilespmem:v60+s21+$0x0] =	vst.idx.msk $0xffff, v0  }
0x1b9: {  	v0 =	vadd.f32 v58, v18;
	v60 =	vor.u32 v54, v26;
	v31 =	vor.u32 v4, v25;
	v4 =	vld.idx.msk [tilespmem:v57+s17+$0x0], $0xffff  }
0x1ba: {  	v10 =	vor.u32 v34, v26;
	v43 =	vor.u32 v61, v42;
	v36 =	vld.idx.msk [tilespmem:v1+s12+$0x0], $0xffff;
	v1 =	vadd.f32 v5, v19  }
0x1bb: {  	v61 =	vor.u32 v15, v40;
	v47 =	vor.u32 v27, v20;
	v8 =	vld.idx.msk [tilespmem:v62+s17+$0x0], $0xffff;
	[tilespmem:v6+s21+$0x0] =	vst.idx.msk $0xffff, v0  }
0x1bc: {  	v52 =	vor.u32 v34, v20;
	v12 =	vor.u32 v14, v40;
	[tilespmem:v63+s21+$0x0] =	vst.idx.msk $0xffff, v1;
	v63 =	vld [tilespmem:$0x1FFA0]  }
0x1bd: {  	v41 =	vshll.u32 v49, $0x7;
	v44 =	vor.u32 v53, v20;
	v0 =	vor.u32 v2, v28;
	v6 =	vld.idx.msk [tilespmem:v50+s17+$0x0], $0xffff  }
0x1be: {  	v11 =	vor.u32 v49, v28;
	v57 =	vor.u32 v27, v26;
	v1 =	vadd.f32 v4, v17;
	v4 =	vld.idx.msk [tilespmem:v60+s17+$0x0], $0xffff  }
0x1bf: {  	v5 =	vadd.f32 v7, v24;
	v7 =	vor.u32 v14, v42;
	v62 =	vor.u32 v53, v26;
	v60 =	vld [tilespmem:$0x1FFF0]  }
0x1c0: {  	v9 =	vor.u32 v14, v41;
	v55 =	vor.u32 v27, v22;
	v58 =	vor.u32 v3, v28  }
0x1c1: {  	[tilespmem:v12+s21+$0x0] =	vst.idx.msk $0xffff, v5;
	v27 =	vmov v2;
	v5 =	vld.idx.msk [tilespmem:v10+s17+$0x0], $0xffff;
	v10 =	vor.u32 v34, v22  }
0x1c2: {  	v34 =	vmov v3;
	v0 =	vld.idx.msk [tilespmem:v0+s17+$0x0], $0xffff;
	[tilespmem:v45+s21+$0x0] =	vst.idx.msk $0xffff, v1;
	v45 =	vshll.u32 v46, $0x7;
	v1 =	vadd.f32 v6, v38  }
0x1c3: {  	v3 =	vadd.f32 v56, v37;
	v8 =	vadd.f32 v8, v36;
	v6 =	vld.idx.msk [tilespmem:v57+s17+$0x0], $0xffff;
	v2 =	vor.u32 v14, v45  }
0x1c4: {  	v50 =	vor.u32 v63, v30;
	v12 =	vld.idx.msk [tilespmem:v62+s17+$0x0], $0xffff;
	[tilespmem:v7+s21+$0x0] =	vst.idx.msk $0xffff, v1;
	v59 =	vor.u32 v60, v33  }
0x1c5: {  	[tilespmem:v9+s21+$0x0] =	vst.idx.msk $0xffff, v8;
	v63 =	vor.u32 v27, v32;
	v51 =	vor.u32 v60, v30;
	v62 =	vld.idx.msk [tilespmem:v58+s17+$0x0], $0xffff  }
0x1c6: {  	p0 =	slt.u32 s29, $0x3C;
	v56 =	vadd.f32 v5, v18;
	v7 =	vor.u32 v60, v39;
	v58 =	vor.u32 v53, v22;
	v53 =	vld [tilespmem:$0x1FFA0]  }
.Ltmp3:
0x1c7: {  	v5 =	vor.u32 v46, v28;
	v57 =	vor.u32 v60, v25;
	v4 =	vadd.f32 v4, v19;
	(pc) =	sbr.rel @p0 .LBB2_5-.Ltmp3, $4  }
0x1c8: {  	v1 =	vadd.f32 v0, v24;
	v60 =	vadd.f32 v6, v16;
	[tilespmem:v2+s21+$0x0] =	vst.idx.msk $0xffff, v3  }
0x1c9: {  	v0 =	vadd.f32 v12, v17;
	v12 =	vmov v15;
	v3 =	vld.idx.msk [tilespmem:v11+s17+$0x0], $0xffff;
	[tilespmem:v59+s21+$0x0] =	vst.idx.msk $0xffff, v56  }
0x1ca: {  	v2 =	vor.u32 v15, v42;
	[tilespmem:v51+s21+$0x0] =	vst.idx.msk $0xffff, v4;
	v56 =	vor.u32 v54, v20;
	v59 =	vld.idx.msk [tilespmem:v10+s17+$0x0], $0xffff  }
0x1cb: {  	s29 =	sadd.s32 $0x4, s29;
	v4 =	vor.u32 v34, v32;
	[tilespmem:v7+s21+$0x0] =	vst.idx.msk $0xffff, v0;
	v51 =	vor.u32 v53, v39;
	v54 =	vld.idx.msk [tilespmem:v13+s17+$0x0], $0xffff  }
0x1cc: {  	_ =	sdelay $0x3  }
0x1cd: {  	v0 =	vld.idx.msk [tilespmem:v5+s17+$0x0], $0xffff  }
0x1ce: {  	v5 =	vor.u32 v12, v41  }
0x1cf: {  	v7 =	vor.u32 v12, v45  }
0x1d0: {  	v8 =	vadd.f32 v62, v38  }
0x1d1: {  	[tilespmem:v61+s21+$0x0] =	vst.idx.msk $0xffff, v1;
	v3 =	vadd.f32 v3, v36  }
0x1d2: {  	[tilespmem:v2+s21+$0x0] =	vst.idx.msk $0xffff, v8;
	v0 =	vadd.f32 v0, v37  }
0x1d3: {  	[tilespmem:v5+s21+$0x0] =	vst.idx.msk $0xffff, v3  }
0x1d4: {  	v6 =	vor.u32 v49, v32;
	[tilespmem:v7+s21+$0x0] =	vst.idx.msk $0xffff, v0  }
0x1d5: {  	v9 =	vor.u32 v46, v32;
	v23 =	vld [tilespmem:$0x1FFB0];
	_ =	sdelay $0x2  }
0x1d6: {  	v2 =	vld.idx.msk [tilespmem:v4+s17+$0x0], $0xffff  }
0x1d7: {  	v3 =	vld.idx.msk [tilespmem:v6+s17+$0x0], $0xffff  }
0x1d8: {  	v32 =	vld.idx.msk [tilespmem:v9+s17+$0x0], $0xffff;
	v28 =	vor.u32 v23, v42  }
0x1d9: {  	v4 =	vld.idx.msk [tilespmem:v63+s17+$0x0], $0xffff;
	v6 =	vor.u32 v23, v41  }
0x1da: {  	v8 =	vor.u32 v23, v45  }
0x1db: {  	v10 =	vor.u32 v46, v35;
	v2 =	vadd.f32 v2, v38;
	v9 =	vor.u32 v23, v40  }
0x1dc: {  	v11 =	vor.u32 v27, v35;
	v5 =	vor.u32 v34, v35;
	v3 =	vadd.f32 v3, v36  }
0x1dd: {  	v7 =	vor.u32 v49, v35;
	v35 =	vadd.f32 v32, v37;
	[tilespmem:v28+s21+$0x0] =	vst.idx.msk $0xffff, v2  }
0x1de: {  	v61 =	vadd.f32 v4, v24;
	[tilespmem:v6+s21+$0x0] =	vst.idx.msk $0xffff, v3  }
0x1df: {  	[tilespmem:v8+s21+$0x0] =	vst.idx.msk $0xffff, v35  }
0x1e0: {  	[tilespmem:v9+s21+$0x0] =	vst.idx.msk $0xffff, v61  }
0x1e1: {  	v28 =	vld [tilespmem:$0x1FFC0];
	_ =	sdelay $0x2  }
0x1e2: {  	v2 =	vld.idx.msk [tilespmem:v5+s17+$0x0], $0xffff  }
0x1e3: {  	v3 =	vld.idx.msk [tilespmem:v7+s17+$0x0], $0xffff  }
0x1e4: {  	v63 =	vld.idx.msk [tilespmem:v10+s17+$0x0], $0xffff;
	v62 =	vor.u32 v28, v42  }
0x1e5: {  	v6 =	vor.u32 v28, v41  }
0x1e6: {  	v8 =	vor.u32 v28, v45  }
0x1e7: {  	v2 =	vadd.f32 v2, v38  }
0x1e8: {  	v3 =	vadd.f32 v3, v36  }
0x1e9: {  	v20 =	vadd.f32 v63, v37;
	[tilespmem:v62+s21+$0x0] =	vst.idx.msk $0xffff, v2  }
0x1ea: {  	v4 =	vor.u32 v34, v29;
	v5 =	vld.idx.msk [tilespmem:v11+s17+$0x0], $0xffff;
	[tilespmem:v6+s21+$0x0] =	vst.idx.msk $0xffff, v3  }
0x1eb: {  	v7 =	vor.u32 v49, v29;
	[tilespmem:v8+s21+$0x0] =	vst.idx.msk $0xffff, v20  }
0x1ec: {  	v9 =	vor.u32 v46, v29;
	v11 =	vor.u32 v27, v29;
	v10 =	vor.u32 v28, v40;
	v29 =	vld [tilespmem:$0x1FFD0];
	_ =	sdelay $0x2  }
0x1ed: {  	v21 =	vadd.f32 v5, v24;
	v2 =	vld.idx.msk [tilespmem:v4+s17+$0x0], $0xffff  }
0x1ee: {  	v3 =	vld.idx.msk [tilespmem:v7+s17+$0x0], $0xffff  }
0x1ef: {  	[tilespmem:v10+s21+$0x0] =	vst.idx.msk $0xffff, v21;
	v35 =	vld.idx.msk [tilespmem:v9+s17+$0x0], $0xffff;
	v32 =	vor.u32 v29, v42  }
0x1f0: {  	v4 =	vld.idx.msk [tilespmem:v11+s17+$0x0], $0xffff;
	v5 =	vor.u32 v29, v41  }
0x1f1: {  	v8 =	vor.u32 v29, v45  }
0x1f2: {  	v9 =	vor.u32 v29, v40;
	v2 =	vadd.f32 v2, v38  }
0x1f3: {  	v3 =	vadd.f32 v3, v36  }
0x1f4: {  	v61 =	vadd.f32 v35, v37;
	[tilespmem:v32+s21+$0x0] =	vst.idx.msk $0xffff, v2  }
0x1f5: {  	v62 =	vadd.f32 v4, v24;
	[tilespmem:v5+s21+$0x0] =	vst.idx.msk $0xffff, v3  }
0x1f6: {  	v6 =	vor.u32 v34, v26;
	v7 =	vor.u32 v49, v26;
	[tilespmem:v8+s21+$0x0] =	vst.idx.msk $0xffff, v61  }
0x1f7: {  	v10 =	vor.u32 v46, v26;
	v11 =	vor.u32 v27, v26;
	v26 =	vld [tilespmem:$0x1FFE0];
	[tilespmem:v9+s21+$0x0] =	vst.idx.msk $0xffff, v62  }
0x1f8: {  	v13 =	vld [tilespmem:$0x1FFF0];
	_ =	sdelay $0x2  }
0x1f9: {  	v2 =	vld.idx.msk [tilespmem:v6+s17+$0x0], $0xffff  }
0x1fa: {  	v3 =	vld.idx.msk [tilespmem:v7+s17+$0x0], $0xffff  }
0x1fb: {  	v63 =	vor.u32 v26, v30;
	v30 =	vld.idx.msk [tilespmem:v10+s17+$0x0], $0xffff;
	v4 =	vor.u32 v13, v42  }
0x1fc: {  	v7 =	vld.idx.msk [tilespmem:v11+s17+$0x0], $0xffff;
	v6 =	vor.u32 v13, v41  }
0x1fd: {  	v9 =	vadd.f32 v59, v18;
	v11 =	vor.u32 v13, v45  }
0x1fe: {  	[tilespmem:v57+s21+$0x0] =	vst.idx.msk $0xffff, v60;
	v2 =	vadd.f32 v2, v38;
	v14 =	vmov v13;
	v13 =	vor.u32 v13, v40  }
0x1ff: {  	[tilespmem:v48+s21+$0x0] =	vst.idx.msk $0xffff, v9;
	v3 =	vadd.f32 v3, v36  }
0x200: {  	v1 =	vadd.f32 v30, v37;
	[tilespmem:v4+s21+$0x0] =	vst.idx.msk $0xffff, v2  }
0x201: {  	v4 =	vadd.f32 v7, v24;
	[tilespmem:v6+s21+$0x0] =	vst.idx.msk $0xffff, v3  }
0x202: {  	v5 =	vor.u32 v34, v22;
	v6 =	vadd.f32 v54, v19;
	[tilespmem:v11+s21+$0x0] =	vst.idx.msk $0xffff, v1  }
0x203: {  	v12 =	vld.idx.msk [tilespmem:v58+s17+$0x0], $0xffff;
	v10 =	vor.u32 v49, v22;
	[tilespmem:v13+s21+$0x0] =	vst.idx.msk $0xffff, v4  }
0x204: {  	v21 =	vor.u32 v46, v22;
	v8 =	vld.idx.msk [tilespmem:v55+s17+$0x0], $0xffff;
	[tilespmem:v63+s21+$0x0] =	vst.idx.msk $0xffff, v6  }
0x205: {  	v9 =	vor.u32 v27, v22;
	v20 =	vld [tilespmem:$0x1FF10]  }
0x206: {  	v32 =	vor.u32 v26, v39  }
0x207: {  	v5 =	vld.idx.msk [tilespmem:v5+s17+$0x0], $0xffff  }
0x208: {  	v35 =	vor.u32 v26, v25;
	v39 =	vld.idx.msk [tilespmem:v10+s17+$0x0], $0xffff  }
0x209: {  	v7 =	vadd.f32 v8, v16;
	v8 =	vadd.f32 v12, v17;
	v4 =	vld.idx.msk [tilespmem:v21+s17+$0x0], $0xffff  }
0x20a: {  	v33 =	vor.u32 v53, v33;
	v6 =	vor.u32 v26, v41;
	v9 =	vld.idx.msk [tilespmem:v9+s17+$0x0], $0xffff;
	v48 =	vor.u32 v34, v20  }
0x20b: {  	v10 =	vld.idx.msk [tilespmem:v52+s17+$0x0], $0xffff;
	v11 =	vor.u32 v26, v45;
	[tilespmem:v32+s21+$0x0] =	vst.idx.msk $0xffff, v8;
	v8 =	vor.u32 v49, v20  }
0x20c: {  	v54 =	vor.u32 v26, v40;
	v12 =	vld.idx.msk [tilespmem:v56+s17+$0x0], $0xffff;
	v5 =	vadd.f32 v5, v38;
	v13 =	vor.u32 v46, v20  }
0x20d: {  	[tilespmem:v35+s21+$0x0] =	vst.idx.msk $0xffff, v7;
	v55 =	vld.idx.msk [tilespmem:v44+s17+$0x0], $0xffff;
	v1 =	vadd.f32 v39, v36;
	v7 =	vor.u32 v27, v20  }
0x20e: {  	v56 =	vld.idx.msk [tilespmem:v47+s17+$0x0], $0xffff;
	v4 =	vadd.f32 v4, v37;
	[tilespmem:v43+s21+$0x0] =	vst.idx.msk $0xffff, v5  }
0x20f: {  	v5 =	vadd.f32 v9, v24;
	[tilespmem:v6+s21+$0x0] =	vst.idx.msk $0xffff, v1;
	v0 =	vld.idx.msk [tilespmem:v48+s17+$0x0], $0xffff  }
0x210: {  	v57 =	vadd.f32 v10, v18;
	[tilespmem:v11+s21+$0x0] =	vst.idx.msk $0xffff, v4;
	v6 =	vld.idx.msk [tilespmem:v8+s17+$0x0], $0xffff  }
0x211: {  	v4 =	vadd.f32 v12, v19;
	[tilespmem:v54+s21+$0x0] =	vst.idx.msk $0xffff, v5;
	v8 =	vor.u32 v53, v42;
	v5 =	vld.idx.msk [tilespmem:v13+s17+$0x0], $0xffff  }
0x212: {  	v59 =	vor.u32 v53, v41;
	[tilespmem:v33+s21+$0x0] =	vst.idx.msk $0xffff, v57;
	v58 =	vadd.f32 v55, v17;
	v60 =	vld.idx.msk [tilespmem:v7+s17+$0x0], $0xffff  }
0x213: {  	[tilespmem:v50+s21+$0x0] =	vst.idx.msk $0xffff, v4;
	v4 =	vadd.f32 v56, v16;
	v7 =	vor.u32 v53, v45  }
0x214: {  	v61 =	vor.u32 v53, v40;
	[tilespmem:v51+s21+$0x0] =	vst.idx.msk $0xffff, v58;
	v0 =	vadd.f32 v0, v38  }
0x215: {  	[tilespmem:v31+s21+$0x0] =	vst.idx.msk $0xffff, v4;
	v4 =	vadd.f32 v6, v36  }
.Ltmp4:
0x216: {  	s0 =	sshll.u32 s28, $0x12;
	v62 =	vadd.f32 v5, v37;
	[tilespmem:v8+s21+$0x0] =	vst.idx.msk $0xffff, v0;
	(pc) =	sbr.rel @p1 .LBB2_8-.Ltmp4, $4  }
0x217: {  	s0 =	sor.u32 s5, s0;
	v63 =	vadd.f32 v60, v24;
	[tilespmem:v59+s21+$0x0] =	vst.idx.msk $0xffff, v4  }
0x218: {  	s0 =	sshrl.u32 s0, $0x3;
	[tilespmem:v7+s21+$0x0] =	vst.idx.msk $0xffff, v62  }
0x219: {  	s0 =	sadd.s32 s2, s0;
	[tilespmem:v61+s21+$0x0] =	vst.idx.msk $0xffff, v63  }
0x21a: {  	v10 =	vmovc v26;
	v6 =	vmov v23;
	v7 =	vmov v28;
	v8 =	vmov v29;
	[hbm4b:s0+s9] =	stream.strided.scatter [tilespmem:s21], [sflag:$0x4], $0x2000, s10, s9, $0x38;
	[tilespmem:$0x15700] =	vst v63  }
0x21b: {  	v0 =	vld [tilespmem:s26+$0x180];
	_ =	sdelay $0x4  }
0x21c: {  	v0 =	vshrl.u32 v0, $0x1  }
0x21d: {  	[tilespmem:$0x9680] =	vst v0  }
0x21e: {  	v0 =	vld [tilespmem:s26+$0x190];
	_ =	sdelay $0x4  }
0x21f: {  	v0 =	vshrl.u32 v0, $0x1  }
0x220: {  	[tilespmem:$0x9690] =	vst v0  }
0x221: {  	v0 =	vld [tilespmem:s26+$0x1A0];
	_ =	sdelay $0x4  }
0x222: {  	v0 =	vshrl.u32 v0, $0x1  }
0x223: {  	[tilespmem:$0x96A0] =	vst v0  }
0x224: {  	v0 =	vld [tilespmem:s26+$0x1B0];
	_ =	sdelay $0x4  }
0x225: {  	v0 =	vshrl.u32 v0, $0x1  }
0x226: {  	[tilespmem:$0x96B0] =	vst v0  }
0x227: {  	v0 =	vld [tilespmem:s26+$0x1C0];
	_ =	sdelay $0x4  }
0x228: {  	v0 =	vshrl.u32 v0, $0x1  }
0x229: {  	[tilespmem:$0x96C0] =	vst v0  }
0x22a: {  	v0 =	vld [tilespmem:s26+$0x1D0];
	_ =	sdelay $0x4  }
0x22b: {  	v0 =	vshrl.u32 v0, $0x1  }
0x22c: {  	[tilespmem:$0x96D0] =	vst v0  }
0x22d: {  	v0 =	vld [tilespmem:s26+$0x1E0];
	_ =	sdelay $0x4  }
0x22e: {  	v0 =	vshrl.u32 v0, $0x1  }
0x22f: {  	[tilespmem:$0x96E0] =	vst v0  }
0x230: {  	v0 =	vld [tilespmem:s26+$0x1F0];
	_ =	sdelay $0x2  }
.Ltmp5:
0x231: {  	_ = 	snop;
	(pc) =	sbr.rel .LBB2_2-.Ltmp5, $4  }
0x232: {  	_ = 	snop  }
0x233: {  	v0 =	vshrl.u32 v0, $0x1  }
0x234: {  	s25 =	sadd.s32 $0x1, s25;
	[tilespmem:$0x96F0] =	vst v0  }
0x235: {  	v13 =	vlaneseq.u32;
	v11 =	vld [tilespmem:$0x1FF90];
	v12 =	vmov v15;
	v9 =	vmov v14;
	[tilespmem:s17], [sflag:$0x2] =	stream.indirect.gather [hbm4b:s6+s13], $0x80, s16, s13, $0xb8  }
.LBB2_9:
0x236: {  	_ =	sfence.sel $0x180000  }
0x237: {  	[bflag:$0x0] =	sbarrier.arrive $0xFFFF  }
0x238: {  	_ =	strace $0x9000004A  }
0x239: {  	s0 =	stileid.u32;
	[bflag:$0x2] =	sbarrier.arrive $0xFFFF  }
0x23a: {  	p0 =	sne.s32 s0, $0x0;
	s0 =	rddreg [dreg:$0x4]  }
0x23b: {  	s0 =	sadd.s32 @!p0 $0x100000, s0  }
0x23c: {  	[sflag:s0] =	ssyncadd.tile.s32 @!p0 $0x1;
	_ =	shalt  }
.Lfunc_end2:
_tile_overlayer_lowered:
.L_overlay_start_2:
0x23d: {  	(tag) =	ssettag $0x2  }
0x23e: {  	s0 =	rddreg [dreg:$0x0];
	s2 =	stileid.u32  }
0x23f: {  	s1 =	rddreg [dreg:$0x1];
	p0 =	sne.s32 s2, $0x0  }
0x240: {  	s3 =	rddreg [dreg:$0x2];
	[bflag:$0x3] =	sbarrier.arrive $0xFFFF;
	s2 =	simm.s32 @!p0 $0x1C05  }
0x241: {  	[timem:s3], [sflag:s2] =	dma.local @!p0 [hbm:s0], s1  }
0x242: {  	s0 =	simm.s32 @!p0 $0x5  }
0x243: {  	_ =	swait.ge @!p0 [sflag:s0], s1  }
0x244: {  	s1 =	ssub.s32 @!p0 $0x0, s1;
	[sflag:s0] =	ssyncset.done @!p0 $0x0  }
0x245: {  	[sflag:s0] =	ssyncadd.s32 @!p0 s1  }
0x246: {  	[bflag:$0x3] =	sbarrier.arrive $0xFFFF  }
0x247: {  	_ =	shalt  }

</sc_bundles>
